<compile_context>
chip_gen: v7x
topology: tpu7x:2x2x1
jax: 0.10.2.dev20260603
libtpu: 0.0.44.dev20260713+nightly
codegen_flags: <defaults>
</compile_context>

<pallas_src>
import functools

import jax
import jax.numpy as jnp
from jax import lax
from jax.experimental import pallas as pl
from jax.experimental.pallas import tpu as pltpu
from jax.experimental.pallas import tpu_sc as plsc

NC, NS = 2, 16
NW = NC * NS
ROWS_PER_CHUNK = 8
NBUF = 2
PD = 128
L = 16


def kernel(x, W):
    G0, G1, G2 = x.shape
    B = x.size
    V, D = W.shape
    xf = x.reshape(B)
    U = jnp.pad(W, ((0, 0), (0, PD - D)))

    img_elems = G1 * G2
    CHUNK = ROWS_PER_CHUNK * G2
    b_per_w = B // NW
    n_iter = b_per_w // CHUNK
    chunks_per_img = img_elems // CHUNK
    imgs_per_w = G0 // NW

    mesh = plsc.VectorSubcoreMesh(core_axis_name="c", subcore_axis_name="s")

    @functools.partial(
        pl.kernel,
        out_type=jax.ShapeDtypeStruct((G0, G1, G2, D), jnp.float32),
        mesh=mesh,
        scratch_types=[
            pltpu.VMEM((V, PD), jnp.float32),
            pltpu.VMEM((NBUF, CHUNK), jnp.int32),
            pltpu.VMEM((NBUF, CHUNK, D), jnp.float32),
            pltpu.SemaphoreType.DMA,
            pltpu.SemaphoreType.DMA,
            pltpu.SemaphoreType.DMA,
            pltpu.SemaphoreType.DMA,
            pltpu.SemaphoreType.DMA,
        ],
        compiler_params=pltpu.CompilerParams(use_tc_tiling_on_sc=True),
    )
    def emb(x_hbm, u_hbm, out_hbm, u_v, idx_v, rows_v, tsem,
            isem0, isem1, osem0, osem1):
        sid = lax.axis_index("s")
        wid = sid * NC + lax.axis_index("c")
        base = wid * b_per_w
        img_base = wid * imgs_per_w
        isems = (isem0, isem1)
        osems = (osem0, osem1)

        pltpu.make_async_copy(u_hbm, u_v, tsem).start()
        pltpu.make_async_copy(u_hbm, u_v, tsem).wait()

        def idx_in(it, b):
            off = pl.multiple_of(base + it * CHUNK, CHUNK)
            return pltpu.make_async_copy(
                x_hbm.at[pl.ds(off, CHUNK)], idx_v.at[b], isems[b])

        def rows_out(it, b):
            img = img_base + it // chunks_per_img
            r0 = (it % chunks_per_img) * ROWS_PER_CHUNK
            return [
                pltpu.make_async_copy(
                    rows_v.at[b].at[pl.ds(g * G2, G2)],
                    out_hbm.at[img, r0 + g],
                    osems[b])
                for g in range(ROWS_PER_CHUNK)
            ]

        for b in range(NBUF):
            idx_in(b, b).start()

        def expand(b):
            @plsc.parallel_loop(0, CHUNK // L, unroll=4)
            def grp(g):
                xv = idx_v[b, pl.ds(g * L, L)]
                for ro in range(L):
                    xi = xv[ro]
                    r = g * L + ro
                    vals = [u_v[xi, pl.ds(k * L, L)] for k in range(D // L)]
                    for k in range(D // L):
                        rows_v[b, r, pl.ds(k * L, L)] = vals[k]

        def half(it, b):
            @pl.when(it >= NBUF)
            def _():
                for c in rows_out(it - NBUF, b):
                    c.wait()
            idx_in(it, b).wait()
            expand(b)
            for c in rows_out(it, b):
                c.start()
            @pl.when(it + NBUF < n_iter)
            def _():
                idx_in(it + NBUF, b).start()

        def body(i2, _):
            it = i2 * NBUF
            for b in range(NBUF):
                half(it + b, b)
            return ()

        lax.fori_loop(0, n_iter // NBUF, body, ())
        for b in range(NBUF):
            for c in rows_out(n_iter - NBUF + b, b):
                c.wait()

    return emb(xf, U)

# --- scband reference (transcript-rebuilt; emitter-appended) ---
"""Pipeline reference for scband-color-embedding-48636209659933 (READ-ONLY COPY).

The authoritative reference and input builder live on the scoring server;
editing this copy changes nothing except your own understanding.
"""

import jax, jax.numpy as jnp
import numpy as np


def setup_inputs(seed: int = 0) -> dict:
    key = jax.random.key(seed)
    kx, kw = jax.random.split(key)
    x = jax.random.randint(kx, (2048, 32, 32), 0, 10, dtype=jnp.int32)
    W = jax.random.normal(kw, (10, 64), dtype=jnp.float32) * 0.02
    W = W.at[0].set(0.0)  # color 0 initialized to zero vector, per _init_embeddings
    return {"x": x, "W": W}


def reference(x, W):
    # ColorEmbedding.forward: self.color_embed(x.long()) -> [B, H, W, embed_dim]
    return jnp.take(W, x, axis=0)

if __name__ == "__main__":
    import jax
    _d = setup_inputs()
    print(jax.jit(kernel)(*tuple(_d.values())))

</pallas_src>

<mosaic_0001>
#map = affine_map<(d0, d1) -> (0)>
#map1 = affine_map<(d0, d1) -> (0, 0)>
#map2 = affine_map<(d0, d1) -> (0, 0, 0, 0)>
module attributes {stable_mosaic.version = 14 : i64} {
  func.func @emb(%arg0: i32, %arg1: i32, %arg2: memref<2097152xi32, #tpu.memory_space<hbm>>, %arg3: memref<10x128xf32, #tpu.memory_space<hbm>>, %arg4: memref<2048x32x32x64xf32, #tpu.memory_space<hbm>>, %arg5: memref<10x128xf32, #tpu.memory_space<vmem>>, %arg6: memref<2x256xi32, #tpu.memory_space<vmem>>, %arg7: memref<2x256x64xf32, #tpu.memory_space<vmem>>, %arg8: memref<!tpu.dma_semaphore, #tpu.memory_space<semaphore_mem>>, %arg9: memref<!tpu.dma_semaphore, #tpu.memory_space<semaphore_mem>>, %arg10: memref<!tpu.dma_semaphore, #tpu.memory_space<semaphore_mem>>, %arg11: memref<!tpu.dma_semaphore, #tpu.memory_space<semaphore_mem>>, %arg12: memref<!tpu.dma_semaphore, #tpu.memory_space<semaphore_mem>>) attributes {dimension_semantics = [#tpu.dimension_semantics<core_parallel>, #tpu.dimension_semantics<subcore_parallel>], iteration_bounds = array<i64: 2, 16>, scalar_prefetch = 0 : i64, scratch_operands = 8 : i64, tpu.core_type = #tpu.core_type<sc_vector_subcore>, window_params = [{transform_indices = #map}, {transform_indices = #map1}, {transform_indices = #map2}]} {
    %mul3A = arith.constant 2 : i32
    %mul3A_0 = arith.muli %arg1, %mul3A : i32
    %add3A = arith.addi %mul3A_0, %arg0 : i32
    %mul3A_1 = arith.constant 65536 : i32
    %mul3A_2 = arith.muli %add3A, %mul3A_1 : i32
    %mul3A_3 = arith.constant 64 : i32
    %mul3A_4 = arith.muli %add3A, %mul3A_3 : i32
    tpu.enqueue_dma source(%arg3 : memref<10x128xf32, #tpu.memory_space<hbm>>) target(%arg5 : memref<10x128xf32, #tpu.memory_space<vmem>>) target_semaphore(%arg8 : memref<!tpu.dma_semaphore, #tpu.memory_space<semaphore_mem>>)
    tpu.wait_dma2 semaphore(%arg8 : memref<!tpu.dma_semaphore, #tpu.memory_space<semaphore_mem>>) src(%arg3 : memref<10x128xf32, #tpu.memory_space<hbm>>) dst(%arg5 : memref<10x128xf32, #tpu.memory_space<vmem>>)
    %add3A_5 = arith.constant 0 : i32
    %add3A_6 = arith.addi %mul3A_2, %add3A_5 : i32
    %multiple_of3A = tpu.assume_multiple %add3A_6, 256 : i32
    %dma_start3A = arith.constant 0 : i32
    %dma_start3A_7 = arith.constant 0 : i32
    %dma_start3A_8 = tpu.memref_slice %arg6[%dma_start3A, %dma_start3A_7] : memref<2x256xi32, #tpu.memory_space<vmem>> -> memref<1x256xi32, #tpu.memory_space<vmem>>
    %dma_start3A_9 = tpu.memref_squeeze %dma_start3A_8 : memref<1x256xi32, #tpu.memory_space<vmem>> -> memref<256xi32, #tpu.memory_space<vmem>>
    %dma_start3A_10 = tpu.memref_slice %arg2[%multiple_of3A] : memref<2097152xi32, #tpu.memory_space<hbm>> -> memref<256xi32, #tpu.memory_space<hbm>>
    %dma_start3A_11 = arith.constant 0 : i32
    %dma_start3A_12 = tpu.memref_slice %arg6[%dma_start3A, %dma_start3A_11] : memref<2x256xi32, #tpu.memory_space<vmem>> -> memref<1x256xi32, #tpu.memory_space<vmem>>
    %dma_start3A_13 = tpu.memref_squeeze %dma_start3A_12 : memref<1x256xi32, #tpu.memory_space<vmem>> -> memref<256xi32, #tpu.memory_space<vmem>>
    %dma_start3A_14 = tpu.memref_slice %arg2[%multiple_of3A] : memref<2097152xi32, #tpu.memory_space<hbm>> -> memref<256xi32, #tpu.memory_space<hbm>>
    tpu.enqueue_dma source(%dma_start3A_14 : memref<256xi32, #tpu.memory_space<hbm>>) target(%dma_start3A_13 : memref<256xi32, #tpu.memory_space<vmem>>) target_semaphore(%arg9 : memref<!tpu.dma_semaphore, #tpu.memory_space<semaphore_mem>>)
    %add3A_15 = arith.constant 256 : i32
    %add3A_16 = arith.addi %mul3A_2, %add3A_15 : i32
    %multiple_of3A_17 = tpu.assume_multiple %add3A_16, 256 : i32
    %dma_start3A_18 = arith.constant 1 : i32
    %dma_start3A_19 = arith.constant 0 : i32
    %dma_start3A_20 = tpu.memref_slice %arg6[%dma_start3A_18, %dma_start3A_19] : memref<2x256xi32, #tpu.memory_space<vmem>> -> memref<1x256xi32, #tpu.memory_space<vmem>>
    %dma_start3A_21 = tpu.memref_squeeze %dma_start3A_20 : memref<1x256xi32, #tpu.memory_space<vmem>> -> memref<256xi32, #tpu.memory_space<vmem>>
    %dma_start3A_22 = tpu.memref_slice %arg2[%multiple_of3A_17] : memref<2097152xi32, #tpu.memory_space<hbm>> -> memref<256xi32, #tpu.memory_space<hbm>>
    %dma_start3A_23 = arith.constant 0 : i32
    %dma_start3A_24 = tpu.memref_slice %arg6[%dma_start3A_18, %dma_start3A_23] : memref<2x256xi32, #tpu.memory_space<vmem>> -> memref<1x256xi32, #tpu.memory_space<vmem>>
    %dma_start3A_25 = tpu.memref_squeeze %dma_start3A_24 : memref<1x256xi32, #tpu.memory_space<vmem>> -> memref<256xi32, #tpu.memory_space<vmem>>
    %dma_start3A_26 = tpu.memref_slice %arg2[%multiple_of3A_17] : memref<2097152xi32, #tpu.memory_space<hbm>> -> memref<256xi32, #tpu.memory_space<hbm>>
    tpu.enqueue_dma source(%dma_start3A_26 : memref<256xi32, #tpu.memory_space<hbm>>) target(%dma_start3A_25 : memref<256xi32, #tpu.memory_space<vmem>>) target_semaphore(%arg10 : memref<!tpu.dma_semaphore, #tpu.memory_space<semaphore_mem>>)
    %scan3A = arith.constant 0 : i32
    %scan3A_27 = arith.constant 128 : i32
    %scan3A_28 = arith.addi %scan3A, %scan3A_27 : i32
    %scan3A_29 = arith.constant 1 : i32
    scf.for %scan3A_418 = %scan3A to %scan3A_28 step %scan3A_29  : i32 {
      %mul3A_419 = arith.constant 2 : i32
      %mul3A_420 = arith.muli %scan3A_418, %mul3A_419 : i32
      %add3A_421 = arith.constant 0 : i32
      %add3A_422 = arith.addi %mul3A_420, %add3A_421 : i32
      %ge3A = arith.constant 2 : i32
      %ge3A_423 = arith.cmpi sge, %add3A_422, %ge3A : i32
      %convert_element_type3A = arith.extui %ge3A_423 : i1 to i32
      %cond3A = arith.constant 0 : i32
      %cond3A_424 = arith.cmpi ne, %convert_element_type3A, %cond3A : i32
      scf.if %cond3A_424 {
        %sub3A_953 = arith.constant 2 : i32
        %sub3A_954 = arith.subi %add3A_422, %sub3A_953 : i32
        %jit3A_955 = arith.constant 4 : i32
        %div3A_956 = arith.divsi %sub3A_954, %jit3A_955 : i32
        %sign3A_957 = arith.constant 0 : i32
        %sign3A_958 = arith.cmpi sgt, %sub3A_954, %sign3A_957 : i32
        %sign3A_959 = arith.extui %sign3A_958 : i1 to i32
        %sign3A_960 = arith.constant 0 : i32
        %sign3A_961 = arith.cmpi slt, %sub3A_954, %sign3A_960 : i32
        %sign3A_962 = arith.extui %sign3A_961 : i1 to i32
        %sign3A_963 = arith.subi %sign3A_959, %sign3A_962 : i32
        %sign3A_964 = arith.constant 0 : i32
        %sign3A_965 = arith.cmpi sgt, %jit3A_955, %sign3A_964 : i32
        %sign3A_966 = arith.extui %sign3A_965 : i1 to i32
        %sign3A_967 = arith.constant 0 : i32
        %sign3A_968 = arith.cmpi slt, %jit3A_955, %sign3A_967 : i32
        %sign3A_969 = arith.extui %sign3A_968 : i1 to i32
        %sign3A_970 = arith.subi %sign3A_966, %sign3A_969 : i32
        %ne3A_971 = arith.cmpi ne, %sign3A_963, %sign3A_970 : i32
        %rem3A_972 = arith.remsi %sub3A_954, %jit3A_955 : i32
        %ne3A_973 = arith.constant 0 : i32
        %ne3A_974 = arith.cmpi ne, %rem3A_972, %ne3A_973 : i32
        %and3A_975 = arith.andi %ne3A_971, %ne3A_974 : i1
        %sub3A_976 = arith.constant 1 : i32
        %sub3A_977 = arith.subi %div3A_956, %sub3A_976 : i32
        %select_n3A_978 = arith.select %and3A_975, %sub3A_977, %div3A_956 : i32
        %add3A_979 = arith.addi %mul3A_4, %select_n3A_978 : i32
        %jit3A_980 = arith.constant 4 : i32
        %eq3A_981 = arith.constant 0 : i32
        %eq3A_982 = arith.cmpi eq, %jit3A_980, %eq3A_981 : i32
        %jit3A_983 = arith.constant 1 : i32
        %select_n3A_984 = arith.select %eq3A_982, %jit3A_983, %jit3A_980 : i32
        %rem3A_985 = arith.remsi %sub3A_954, %select_n3A_984 : i32
        %ne3A_986 = arith.constant 0 : i32
        %ne3A_987 = arith.cmpi ne, %rem3A_985, %ne3A_986 : i32
        %lt3A_988 = arith.constant 0 : i32
        %lt3A_989 = arith.cmpi slt, %rem3A_985, %lt3A_988 : i32
        %lt3A_990 = arith.constant 0 : i32
        %lt3A_991 = arith.cmpi slt, %select_n3A_984, %lt3A_990 : i32
        %ne3A_992 = arith.xori %lt3A_989, %lt3A_991 : i1
        %and3A_993 = arith.andi %ne3A_992, %ne3A_987 : i1
        %add3A_994 = arith.addi %rem3A_985, %select_n3A_984 : i32
        %select_n3A_995 = arith.select %and3A_993, %add3A_994, %rem3A_985 : i32
        %mul3A_996 = arith.constant 8 : i32
        %mul3A_997 = arith.muli %select_n3A_995, %mul3A_996 : i32
        %add3A_998 = arith.constant 0 : i32
        %add3A_999 = arith.addi %mul3A_997, %add3A_998 : i32
        %add3A_1000 = arith.constant 1 : i32
        %add3A_1001 = arith.addi %mul3A_997, %add3A_1000 : i32
        %add3A_1002 = arith.constant 2 : i32
        %add3A_1003 = arith.addi %mul3A_997, %add3A_1002 : i32
        %add3A_1004 = arith.constant 3 : i32
        %add3A_1005 = arith.addi %mul3A_997, %add3A_1004 : i32
        %add3A_1006 = arith.constant 4 : i32
        %add3A_1007 = arith.addi %mul3A_997, %add3A_1006 : i32
        %add3A_1008 = arith.constant 5 : i32
        %add3A_1009 = arith.addi %mul3A_997, %add3A_1008 : i32
        %add3A_1010 = arith.constant 6 : i32
        %add3A_1011 = arith.addi %mul3A_997, %add3A_1010 : i32
        %add3A_1012 = arith.constant 7 : i32
        %add3A_1013 = arith.addi %mul3A_997, %add3A_1012 : i32
        %dma_wait3A_1014 = arith.constant 0 : i32
        %dma_wait3A_1015 = arith.constant 0 : i32
        %dma_wait3A_1016 = arith.constant 0 : i32
        %dma_wait3A_1017 = tpu.memref_slice %arg7[%dma_wait3A_1014, %dma_wait3A_1015, %dma_wait3A_1016] : memref<2x256x64xf32, #tpu.memory_space<vmem>> -> memref<1x256x64xf32, #tpu.memory_space<vmem>>
        %dma_wait3A_1018 = tpu.memref_squeeze %dma_wait3A_1017 : memref<1x256x64xf32, #tpu.memory_space<vmem>> -> memref<256x64xf32, #tpu.memory_space<vmem>>
        %dma_wait3A_1019 = arith.constant 0 : i32
        %dma_wait3A_1020 = arith.constant 0 : i32
        %dma_wait3A_1021 = tpu.memref_slice %dma_wait3A_1018[%dma_wait3A_1019, %dma_wait3A_1020] : memref<256x64xf32, #tpu.memory_space<vmem>> -> memref<32x64xf32, #tpu.memory_space<vmem>>
        %dma_wait3A_1022 = arith.constant 0 : i32
        %dma_wait3A_1023 = arith.constant 0 : i32
        %dma_wait3A_1024 = tpu.memref_slice %arg4[%add3A_979, %add3A_999, %dma_wait3A_1022, %dma_wait3A_1023] : memref<2048x32x32x64xf32, #tpu.memory_space<hbm>> -> memref<1x1x32x64xf32, #tpu.memory_space<hbm>>
        %dma_wait3A_1025 = tpu.memref_squeeze %dma_wait3A_1024 : memref<1x1x32x64xf32, #tpu.memory_space<hbm>> -> memref<32x64xf32, #tpu.memory_space<hbm>>
        %dma_wait3A_1026 = arith.constant 0 : i32
        %dma_wait3A_1027 = arith.constant 0 : i32
        %dma_wait3A_1028 = tpu.memref_slice %arg4[%add3A_979, %add3A_999, %dma_wait3A_1026, %dma_wait3A_1027] : memref<2048x32x32x64xf32, #tpu.memory_space<hbm>> -> memref<1x1x32x64xf32, #tpu.memory_space<hbm>>
        %dma_wait3A_1029 = tpu.memref_squeeze %dma_wait3A_1028 : memref<1x1x32x64xf32, #tpu.memory_space<hbm>> -> memref<32x64xf32, #tpu.memory_space<hbm>>
        %dma_wait3A_1030 = arith.constant 0 : i32
        %dma_wait3A_1031 = arith.constant 0 : i32
        %dma_wait3A_1032 = tpu.memref_slice %arg7[%dma_wait3A_1014, %dma_wait3A_1030, %dma_wait3A_1031] : memref<2x256x64xf32, #tpu.memory_space<vmem>> -> memref<1x256x64xf32, #tpu.memory_space<vmem>>
        %dma_wait3A_1033 = tpu.memref_squeeze %dma_wait3A_1032 : memref<1x256x64xf32, #tpu.memory_space<vmem>> -> memref<256x64xf32, #tpu.memory_space<vmem>>
        %dma_wait3A_1034 = arith.constant 0 : i32
        %dma_wait3A_1035 = arith.constant 0 : i32
        %dma_wait3A_1036 = tpu.memref_slice %dma_wait3A_1033[%dma_wait3A_1034, %dma_wait3A_1035] : memref<256x64xf32, #tpu.memory_space<vmem>> -> memref<32x64xf32, #tpu.memory_space<vmem>>
        tpu.wait_dma2 semaphore(%arg11 : memref<!tpu.dma_semaphore, #tpu.memory_space<semaphore_mem>>) src(%dma_wait3A_1036 : memref<32x64xf32, #tpu.memory_space<vmem>>) dst(%dma_wait3A_1029 : memref<32x64xf32, #tpu.memory_space<hbm>>)
        %dma_wait3A_1037 = arith.constant 0 : i32
        %dma_wait3A_1038 = arith.constant 0 : i32
        %dma_wait3A_1039 = arith.constant 0 : i32
        %dma_wait3A_1040 = tpu.memref_slice %arg7[%dma_wait3A_1037, %dma_wait3A_1038, %dma_wait3A_1039] : memref<2x256x64xf32, #tpu.memory_space<vmem>> -> memref<1x256x64xf32, #tpu.memory_space<vmem>>
        %dma_wait3A_1041 = tpu.memref_squeeze %dma_wait3A_1040 : memref<1x256x64xf32, #tpu.memory_space<vmem>> -> memref<256x64xf32, #tpu.memory_space<vmem>>
        %dma_wait3A_1042 = arith.constant 32 : i32
        %dma_wait3A_1043 = arith.constant 0 : i32
        %dma_wait3A_1044 = tpu.memref_slice %dma_wait3A_1041[%dma_wait3A_1042, %dma_wait3A_1043] : memref<256x64xf32, #tpu.memory_space<vmem>> -> memref<32x64xf32, #tpu.memory_space<vmem>>
        %dma_wait3A_1045 = arith.constant 0 : i32
        %dma_wait3A_1046 = arith.constant 0 : i32
        %dma_wait3A_1047 = tpu.memref_slice %arg4[%add3A_979, %add3A_1001, %dma_wait3A_1045, %dma_wait3A_1046] : memref<2048x32x32x64xf32, #tpu.memory_space<hbm>> -> memref<1x1x32x64xf32, #tpu.memory_space<hbm>>
        %dma_wait3A_1048 = tpu.memref_squeeze %dma_wait3A_1047 : memref<1x1x32x64xf32, #tpu.memory_space<hbm>> -> memref<32x64xf32, #tpu.memory_space<hbm>>
        %dma_wait3A_1049 = arith.constant 0 : i32
        %dma_wait3A_1050 = arith.constant 0 : i32
        %dma_wait3A_1051 = tpu.memref_slice %arg4[%add3A_979, %add3A_1001, %dma_wait3A_1049, %dma_wait3A_1050] : memref<2048x32x32x64xf32, #tpu.memory_space<hbm>> -> memref<1x1x32x64xf32, #tpu.memory_space<hbm>>
        %dma_wait3A_1052 = tpu.memref_squeeze %dma_wait3A_1051 : memref<1x1x32x64xf32, #tpu.memory_space<hbm>> -> memref<32x64xf32, #tpu.memory_space<hbm>>
        %dma_wait3A_1053 = arith.constant 0 : i32
        %dma_wait3A_1054 = arith.constant 0 : i32
        %dma_wait3A_1055 = tpu.memref_slice %arg7[%dma_wait3A_1037, %dma_wait3A_1053, %dma_wait3A_1054] : memref<2x256x64xf32, #tpu.memory_space<vmem>> -> memref<1x256x64xf32, #tpu.memory_space<vmem>>
        %dma_wait3A_1056 = tpu.memref_squeeze %dma_wait3A_1055 : memref<1x256x64xf32, #tpu.memory_space<vmem>> -> memref<256x64xf32, #tpu.memory_space<vmem>>
        %dma_wait3A_1057 = arith.constant 32 : i32
        %dma_wait3A_1058 = arith.constant 0 : i32
        %dma_wait3A_1059 = tpu.memref_slice %dma_wait3A_1056[%dma_wait3A_1057, %dma_wait3A_1058] : memref<256x64xf32, #tpu.memory_space<vmem>> -> memref<32x64xf32, #tpu.memory_space<vmem>>
        tpu.wait_dma2 semaphore(%arg11 : memref<!tpu.dma_semaphore, #tpu.memory_space<semaphore_mem>>) src(%dma_wait3A_1059 : memref<32x64xf32, #tpu.memory_space<vmem>>) dst(%dma_wait3A_1052 : memref<32x64xf32, #tpu.memory_space<hbm>>)
        %dma_wait3A_1060 = arith.constant 0 : i32
        %dma_wait3A_1061 = arith.constant 0 : i32
        %dma_wait3A_1062 = arith.constant 0 : i32
        %dma_wait3A_1063 = tpu.memref_slice %arg7[%dma_wait3A_1060, %dma_wait3A_1061, %dma_wait3A_1062] : memref<2x256x64xf32, #tpu.memory_space<vmem>> -> memref<1x256x64xf32, #tpu.memory_space<vmem>>
        %dma_wait3A_1064 = tpu.memref_squeeze %dma_wait3A_1063 : memref<1x256x64xf32, #tpu.memory_space<vmem>> -> memref<256x64xf32, #tpu.memory_space<vmem>>
        %dma_wait3A_1065 = arith.constant 64 : i32
        %dma_wait3A_1066 = arith.constant 0 : i32
        %dma_wait3A_1067 = tpu.memref_slice %dma_wait3A_1064[%dma_wait3A_1065, %dma_wait3A_1066] : memref<256x64xf32, #tpu.memory_space<vmem>> -> memref<32x64xf32, #tpu.memory_space<vmem>>
        %dma_wait3A_1068 = arith.constant 0 : i32
        %dma_wait3A_1069 = arith.constant 0 : i32
        %dma_wait3A_1070 = tpu.memref_slice %arg4[%add3A_979, %add3A_1003, %dma_wait3A_1068, %dma_wait3A_1069] : memref<2048x32x32x64xf32, #tpu.memory_space<hbm>> -> memref<1x1x32x64xf32, #tpu.memory_space<hbm>>
        %dma_wait3A_1071 = tpu.memref_squeeze %dma_wait3A_1070 : memref<1x1x32x64xf32, #tpu.memory_space<hbm>> -> memref<32x64xf32, #tpu.memory_space<hbm>>
        %dma_wait3A_1072 = arith.constant 0 : i32
        %dma_wait3A_1073 = arith.constant 0 : i32
        %dma_wait3A_1074 = tpu.memref_slice %arg4[%add3A_979, %add3A_1003, %dma_wait3A_1072, %dma_wait3A_1073] : memref<2048x32x32x64xf32, #tpu.memory_space<hbm>> -> memref<1x1x32x64xf32, #tpu.memory_space<hbm>>
        %dma_wait3A_1075 = tpu.memref_squeeze %dma_wait3A_1074 : memref<1x1x32x64xf32, #tpu.memory_space<hbm>> -> memref<32x64xf32, #tpu.memory_space<hbm>>
        %dma_wait3A_1076 = arith.constant 0 : i32
        %dma_wait3A_1077 = arith.constant 0 : i32
        %dma_wait3A_1078 = tpu.memref_slice %arg7[%dma_wait3A_1060, %dma_wait3A_1076, %dma_wait3A_1077] : memref<2x256x64xf32, #tpu.memory_space<vmem>> -> memref<1x256x64xf32, #tpu.memory_space<vmem>>
        %dma_wait3A_1079 = tpu.memref_squeeze %dma_wait3A_1078 : memref<1x256x64xf32, #tpu.memory_space<vmem>> -> memref<256x64xf32, #tpu.memory_space<vmem>>
        %dma_wait3A_1080 = arith.constant 64 : i32
        %dma_wait3A_1081 = arith.constant 0 : i32
        %dma_wait3A_1082 = tpu.memref_slice %dma_wait3A_1079[%dma_wait3A_1080, %dma_wait3A_1081] : memref<256x64xf32, #tpu.memory_space<vmem>> -> memref<32x64xf32, #tpu.memory_space<vmem>>
        tpu.wait_dma2 semaphore(%arg11 : memref<!tpu.dma_semaphore, #tpu.memory_space<semaphore_mem>>) src(%dma_wait3A_1082 : memref<32x64xf32, #tpu.memory_space<vmem>>) dst(%dma_wait3A_1075 : memref<32x64xf32, #tpu.memory_space<hbm>>)
        %dma_wait3A_1083 = arith.constant 0 : i32
        %dma_wait3A_1084 = arith.constant 0 : i32
        %dma_wait3A_1085 = arith.constant 0 : i32
        %dma_wait3A_1086 = tpu.memref_slice %arg7[%dma_wait3A_1083, %dma_wait3A_1084, %dma_wait3A_1085] : memref<2x256x64xf32, #tpu.memory_space<vmem>> -> memref<1x256x64xf32, #tpu.memory_space<vmem>>
        %dma_wait3A_1087 = tpu.memref_squeeze %dma_wait3A_1086 : memref<1x256x64xf32, #tpu.memory_space<vmem>> -> memref<256x64xf32, #tpu.memory_space<vmem>>
        %dma_wait3A_1088 = arith.constant 96 : i32
        %dma_wait3A_1089 = arith.constant 0 : i32
        %dma_wait3A_1090 = tpu.memref_slice %dma_wait3A_1087[%dma_wait3A_1088, %dma_wait3A_1089] : memref<256x64xf32, #tpu.memory_space<vmem>> -> memref<32x64xf32, #tpu.memory_space<vmem>>
        %dma_wait3A_1091 = arith.constant 0 : i32
        %dma_wait3A_1092 = arith.constant 0 : i32
        %dma_wait3A_1093 = tpu.memref_slice %arg4[%add3A_979, %add3A_1005, %dma_wait3A_1091, %dma_wait3A_1092] : memref<2048x32x32x64xf32, #tpu.memory_space<hbm>> -> memref<1x1x32x64xf32, #tpu.memory_space<hbm>>
        %dma_wait3A_1094 = tpu.memref_squeeze %dma_wait3A_1093 : memref<1x1x32x64xf32, #tpu.memory_space<hbm>> -> memref<32x64xf32, #tpu.memory_space<hbm>>
        %dma_wait3A_1095 = arith.constant 0 : i32
        %dma_wait3A_1096 = arith.constant 0 : i32
        %dma_wait3A_1097 = tpu.memref_slice %arg4[%add3A_979, %add3A_1005, %dma_wait3A_1095, %dma_wait3A_1096] : memref<2048x32x32x64xf32, #tpu.memory_space<hbm>> -> memref<1x1x32x64xf32, #tpu.memory_space<hbm>>
        %dma_wait3A_1098 = tpu.memref_squeeze %dma_wait3A_1097 : memref<1x1x32x64xf32, #tpu.memory_space<hbm>> -> memref<32x64xf32, #tpu.memory_space<hbm>>
        %dma_wait3A_1099 = arith.constant 0 : i32
        %dma_wait3A_1100 = arith.constant 0 : i32
        %dma_wait3A_1101 = tpu.memref_slice %arg7[%dma_wait3A_1083, %dma_wait3A_1099, %dma_wait3A_1100] : memref<2x256x64xf32, #tpu.memory_space<vmem>> -> memref<1x256x64xf32, #tpu.memory_space<vmem>>
        %dma_wait3A_1102 = tpu.memref_squeeze %dma_wait3A_1101 : memref<1x256x64xf32, #tpu.memory_space<vmem>> -> memref<256x64xf32, #tpu.memory_space<vmem>>
        %dma_wait3A_1103 = arith.constant 96 : i32
        %dma_wait3A_1104 = arith.constant 0 : i32
        %dma_wait3A_1105 = tpu.memref_slice %dma_wait3A_1102[%dma_wait3A_1103, %dma_wait3A_1104] : memref<256x64xf32, #tpu.memory_space<vmem>> -> memref<32x64xf32, #tpu.memory_space<vmem>>
        tpu.wait_dma2 semaphore(%arg11 : memref<!tpu.dma_semaphore, #tpu.memory_space<semaphore_mem>>) src(%dma_wait3A_1105 : memref<32x64xf32, #tpu.memory_space<vmem>>) dst(%dma_wait3A_1098 : memref<32x64xf32, #tpu.memory_space<hbm>>)
        %dma_wait3A_1106 = arith.constant 0 : i32
        %dma_wait3A_1107 = arith.constant 0 : i32
        %dma_wait3A_1108 = arith.constant 0 : i32
        %dma_wait3A_1109 = tpu.memref_slice %arg7[%dma_wait3A_1106, %dma_wait3A_1107, %dma_wait3A_1108] : memref<2x256x64xf32, #tpu.memory_space<vmem>> -> memref<1x256x64xf32, #tpu.memory_space<vmem>>
        %dma_wait3A_1110 = tpu.memref_squeeze %dma_wait3A_1109 : memref<1x256x64xf32, #tpu.memory_space<vmem>> -> memref<256x64xf32, #tpu.memory_space<vmem>>
        %dma_wait3A_1111 = arith.constant 128 : i32
        %dma_wait3A_1112 = arith.constant 0 : i32
        %dma_wait3A_1113 = tpu.memref_slice %dma_wait3A_1110[%dma_wait3A_1111, %dma_wait3A_1112] : memref<256x64xf32, #tpu.memory_space<vmem>> -> memref<32x64xf32, #tpu.memory_space<vmem>>
        %dma_wait3A_1114 = arith.constant 0 : i32
        %dma_wait3A_1115 = arith.constant 0 : i32
        %dma_wait3A_1116 = tpu.memref_slice %arg4[%add3A_979, %add3A_1007, %dma_wait3A_1114, %dma_wait3A_1115] : memref<2048x32x32x64xf32, #tpu.memory_space<hbm>> -> memref<1x1x32x64xf32, #tpu.memory_space<hbm>>
        %dma_wait3A_1117 = tpu.memref_squeeze %dma_wait3A_1116 : memref<1x1x32x64xf32, #tpu.memory_space<hbm>> -> memref<32x64xf32, #tpu.memory_space<hbm>>
        %dma_wait3A_1118 = arith.constant 0 : i32
        %dma_wait3A_1119 = arith.constant 0 : i32
        %dma_wait3A_1120 = tpu.memref_slice %arg4[%add3A_979, %add3A_1007, %dma_wait3A_1118, %dma_wait3A_1119] : memref<2048x32x32x64xf32, #tpu.memory_space<hbm>> -> memref<1x1x32x64xf32, #tpu.memory_space<hbm>>
        %dma_wait3A_1121 = tpu.memref_squeeze %dma_wait3A_1120 : memref<1x1x32x64xf32, #tpu.memory_space<hbm>> -> memref<32x64xf32, #tpu.memory_space<hbm>>
        %dma_wait3A_1122 = arith.constant 0 : i32
        %dma_wait3A_1123 = arith.constant 0 : i32
        %dma_wait3A_1124 = tpu.memref_slice %arg7[%dma_wait3A_1106, %dma_wait3A_1122, %dma_wait3A_1123] : memref<2x256x64xf32, #tpu.memory_space<vmem>> -> memref<1x256x64xf32, #tpu.memory_space<vmem>>
        %dma_wait3A_1125 = tpu.memref_squeeze %dma_wait3A_1124 : memref<1x256x64xf32, #tpu.memory_space<vmem>> -> memref<256x64xf32, #tpu.memory_space<vmem>>
        %dma_wait3A_1126 = arith.constant 128 : i32
        %dma_wait3A_1127 = arith.constant 0 : i32
        %dma_wait3A_1128 = tpu.memref_slice %dma_wait3A_1125[%dma_wait3A_1126, %dma_wait3A_1127] : memref<256x64xf32, #tpu.memory_space<vmem>> -> memref<32x64xf32, #tpu.memory_space<vmem>>
        tpu.wait_dma2 semaphore(%arg11 : memref<!tpu.dma_semaphore, #tpu.memory_space<semaphore_mem>>) src(%dma_wait3A_1128 : memref<32x64xf32, #tpu.memory_space<vmem>>) dst(%dma_wait3A_1121 : memref<32x64xf32, #tpu.memory_space<hbm>>)
        %dma_wait3A_1129 = arith.constant 0 : i32
        %dma_wait3A_1130 = arith.constant 0 : i32
        %dma_wait3A_1131 = arith.constant 0 : i32
        %dma_wait3A_1132 = tpu.memref_slice %arg7[%dma_wait3A_1129, %dma_wait3A_1130, %dma_wait3A_1131] : memref<2x256x64xf32, #tpu.memory_space<vmem>> -> memref<1x256x64xf32, #tpu.memory_space<vmem>>
        %dma_wait3A_1133 = tpu.memref_squeeze %dma_wait3A_1132 : memref<1x256x64xf32, #tpu.memory_space<vmem>> -> memref<256x64xf32, #tpu.memory_space<vmem>>
        %dma_wait3A_1134 = arith.constant 160 : i32
        %dma_wait3A_1135 = arith.constant 0 : i32
        %dma_wait3A_1136 = tpu.memref_slice %dma_wait3A_1133[%dma_wait3A_1134, %dma_wait3A_1135] : memref<256x64xf32, #tpu.memory_space<vmem>> -> memref<32x64xf32, #tpu.memory_space<vmem>>
        %dma_wait3A_1137 = arith.constant 0 : i32
        %dma_wait3A_1138 = arith.constant 0 : i32
        %dma_wait3A_1139 = tpu.memref_slice %arg4[%add3A_979, %add3A_1009, %dma_wait3A_1137, %dma_wait3A_1138] : memref<2048x32x32x64xf32, #tpu.memory_space<hbm>> -> memref<1x1x32x64xf32, #tpu.memory_space<hbm>>
        %dma_wait3A_1140 = tpu.memref_squeeze %dma_wait3A_1139 : memref<1x1x32x64xf32, #tpu.memory_space<hbm>> -> memref<32x64xf32, #tpu.memory_space<hbm>>
        %dma_wait3A_1141 = arith.constant 0 : i32
        %dma_wait3A_1142 = arith.constant 0 : i32
        %dma_wait3A_1143 = tpu.memref_slice %arg4[%add3A_979, %add3A_1009, %dma_wait3A_1141, %dma_wait3A_1142] : memref<2048x32x32x64xf32, #tpu.memory_space<hbm>> -> memref<1x1x32x64xf32, #tpu.memory_space<hbm>>
        %dma_wait3A_1144 = tpu.memref_squeeze %dma_wait3A_1143 : memref<1x1x32x64xf32, #tpu.memory_space<hbm>> -> memref<32x64xf32, #tpu.memory_space<hbm>>
        %dma_wait3A_1145 = arith.constant 0 : i32
        %dma_wait3A_1146 = arith.constant 0 : i32
        %dma_wait3A_1147 = tpu.memref_slice %arg7[%dma_wait3A_1129, %dma_wait3A_1145, %dma_wait3A_1146] : memref<2x256x64xf32, #tpu.memory_space<vmem>> -> memref<1x256x64xf32, #tpu.memory_space<vmem>>
        %dma_wait3A_1148 = tpu.memref_squeeze %dma_wait3A_1147 : memref<1x256x64xf32, #tpu.memory_space<vmem>> -> memref<256x64xf32, #tpu.memory_space<vmem>>
        %dma_wait3A_1149 = arith.constant 160 : i32
        %dma_wait3A_1150 = arith.constant 0 : i32
        %dma_wait3A_1151 = tpu.memref_slice %dma_wait3A_1148[%dma_wait3A_1149, %dma_wait3A_1150] : memref<256x64xf32, #tpu.memory_space<vmem>> -> memref<32x64xf32, #tpu.memory_space<vmem>>
        tpu.wait_dma2 semaphore(%arg11 : memref<!tpu.dma_semaphore, #tpu.memory_space<semaphore_mem>>) src(%dma_wait3A_1151 : memref<32x64xf32, #tpu.memory_space<vmem>>) dst(%dma_wait3A_1144 : memref<32x64xf32, #tpu.memory_space<hbm>>)
        %dma_wait3A_1152 = arith.constant 0 : i32
        %dma_wait3A_1153 = arith.constant 0 : i32
        %dma_wait3A_1154 = arith.constant 0 : i32
        %dma_wait3A_1155 = tpu.memref_slice %arg7[%dma_wait3A_1152, %dma_wait3A_1153, %dma_wait3A_1154] : memref<2x256x64xf32, #tpu.memory_space<vmem>> -> memref<1x256x64xf32, #tpu.memory_space<vmem>>
        %dma_wait3A_1156 = tpu.memref_squeeze %dma_wait3A_1155 : memref<1x256x64xf32, #tpu.memory_space<vmem>> -> memref<256x64xf32, #tpu.memory_space<vmem>>
        %dma_wait3A_1157 = arith.constant 192 : i32
        %dma_wait3A_1158 = arith.constant 0 : i32
        %dma_wait3A_1159 = tpu.memref_slice %dma_wait3A_1156[%dma_wait3A_1157, %dma_wait3A_1158] : memref<256x64xf32, #tpu.memory_space<vmem>> -> memref<32x64xf32, #tpu.memory_space<vmem>>
        %dma_wait3A_1160 = arith.constant 0 : i32
        %dma_wait3A_1161 = arith.constant 0 : i32
        %dma_wait3A_1162 = tpu.memref_slice %arg4[%add3A_979, %add3A_1011, %dma_wait3A_1160, %dma_wait3A_1161] : memref<2048x32x32x64xf32, #tpu.memory_space<hbm>> -> memref<1x1x32x64xf32, #tpu.memory_space<hbm>>
        %dma_wait3A_1163 = tpu.memref_squeeze %dma_wait3A_1162 : memref<1x1x32x64xf32, #tpu.memory_space<hbm>> -> memref<32x64xf32, #tpu.memory_space<hbm>>
        %dma_wait3A_1164 = arith.constant 0 : i32
        %dma_wait3A_1165 = arith.constant 0 : i32
        %dma_wait3A_1166 = tpu.memref_slice %arg4[%add3A_979, %add3A_1011, %dma_wait3A_1164, %dma_wait3A_1165] : memref<2048x32x32x64xf32, #tpu.memory_space<hbm>> -> memref<1x1x32x64xf32, #tpu.memory_space<hbm>>
        %dma_wait3A_1167 = tpu.memref_squeeze %dma_wait3A_1166 : memref<1x1x32x64xf32, #tpu.memory_space<hbm>> -> memref<32x64xf32, #tpu.memory_space<hbm>>
        %dma_wait3A_1168 = arith.constant 0 : i32
        %dma_wait3A_1169 = arith.constant 0 : i32
        %dma_wait3A_1170 = tpu.memref_slice %arg7[%dma_wait3A_1152, %dma_wait3A_1168, %dma_wait3A_1169] : memref<2x256x64xf32, #tpu.memory_space<vmem>> -> memref<1x256x64xf32, #tpu.memory_space<vmem>>
        %dma_wait3A_1171 = tpu.memref_squeeze %dma_wait3A_1170 : memref<1x256x64xf32, #tpu.memory_space<vmem>> -> memref<256x64xf32, #tpu.memory_space<vmem>>
        %dma_wait3A_1172 = arith.constant 192 : i32
        %dma_wait3A_1173 = arith.constant 0 : i32
        %dma_wait3A_1174 = tpu.memref_slice %dma_wait3A_1171[%dma_wait3A_1172, %dma_wait3A_1173] : memref<256x64xf32, #tpu.memory_space<vmem>> -> memref<32x64xf32, #tpu.memory_space<vmem>>
        tpu.wait_dma2 semaphore(%arg11 : memref<!tpu.dma_semaphore, #tpu.memory_space<semaphore_mem>>) src(%dma_wait3A_1174 : memref<32x64xf32, #tpu.memory_space<vmem>>) dst(%dma_wait3A_1167 : memref<32x64xf32, #tpu.memory_space<hbm>>)
        %dma_wait3A_1175 = arith.constant 0 : i32
        %dma_wait3A_1176 = arith.constant 0 : i32
        %dma_wait3A_1177 = arith.constant 0 : i32
        %dma_wait3A_1178 = tpu.memref_slice %arg7[%dma_wait3A_1175, %dma_wait3A_1176, %dma_wait3A_1177] : memref<2x256x64xf32, #tpu.memory_space<vmem>> -> memref<1x256x64xf32, #tpu.memory_space<vmem>>
        %dma_wait3A_1179 = tpu.memref_squeeze %dma_wait3A_1178 : memref<1x256x64xf32, #tpu.memory_space<vmem>> -> memref<256x64xf32, #tpu.memory_space<vmem>>
        %dma_wait3A_1180 = arith.constant 224 : i32
        %dma_wait3A_1181 = arith.constant 0 : i32
        %dma_wait3A_1182 = tpu.memref_slice %dma_wait3A_1179[%dma_wait3A_1180, %dma_wait3A_1181] : memref<256x64xf32, #tpu.memory_space<vmem>> -> memref<32x64xf32, #tpu.memory_space<vmem>>
        %dma_wait3A_1183 = arith.constant 0 : i32
        %dma_wait3A_1184 = arith.constant 0 : i32
        %dma_wait3A_1185 = tpu.memref_slice %arg4[%add3A_979, %add3A_1013, %dma_wait3A_1183, %dma_wait3A_1184] : memref<2048x32x32x64xf32, #tpu.memory_space<hbm>> -> memref<1x1x32x64xf32, #tpu.memory_space<hbm>>
        %dma_wait3A_1186 = tpu.memref_squeeze %dma_wait3A_1185 : memref<1x1x32x64xf32, #tpu.memory_space<hbm>> -> memref<32x64xf32, #tpu.memory_space<hbm>>
        %dma_wait3A_1187 = arith.constant 0 : i32
        %dma_wait3A_1188 = arith.constant 0 : i32
        %dma_wait3A_1189 = tpu.memref_slice %arg4[%add3A_979, %add3A_1013, %dma_wait3A_1187, %dma_wait3A_1188] : memref<2048x32x32x64xf32, #tpu.memory_space<hbm>> -> memref<1x1x32x64xf32, #tpu.memory_space<hbm>>
        %dma_wait3A_1190 = tpu.memref_squeeze %dma_wait3A_1189 : memref<1x1x32x64xf32, #tpu.memory_space<hbm>> -> memref<32x64xf32, #tpu.memory_space<hbm>>
        %dma_wait3A_1191 = arith.constant 0 : i32
        %dma_wait3A_1192 = arith.constant 0 : i32
        %dma_wait3A_1193 = tpu.memref_slice %arg7[%dma_wait3A_1175, %dma_wait3A_1191, %dma_wait3A_1192] : memref<2x256x64xf32, #tpu.memory_space<vmem>> -> memref<1x256x64xf32, #tpu.memory_space<vmem>>
        %dma_wait3A_1194 = tpu.memref_squeeze %dma_wait3A_1193 : memref<1x256x64xf32, #tpu.memory_space<vmem>> -> memref<256x64xf32, #tpu.memory_space<vmem>>
        %dma_wait3A_1195 = arith.constant 224 : i32
        %dma_wait3A_1196 = arith.constant 0 : i32
        %dma_wait3A_1197 = tpu.memref_slice %dma_wait3A_1194[%dma_wait3A_1195, %dma_wait3A_1196] : memref<256x64xf32, #tpu.memory_space<vmem>> -> memref<32x64xf32, #tpu.memory_space<vmem>>
        tpu.wait_dma2 semaphore(%arg11 : memref<!tpu.dma_semaphore, #tpu.memory_space<semaphore_mem>>) src(%dma_wait3A_1197 : memref<32x64xf32, #tpu.memory_space<vmem>>) dst(%dma_wait3A_1190 : memref<32x64xf32, #tpu.memory_space<hbm>>)
      } else {
      }
      %mul3A_425 = arith.constant 256 : i32
      %mul3A_426 = arith.muli %add3A_422, %mul3A_425 : i32
      %add3A_427 = arith.addi %mul3A_2, %mul3A_426 : i32
      %multiple_of3A_428 = tpu.assume_multiple %add3A_427, 256 : i32
      %dma_wait3A_429 = arith.constant 0 : i32
      %dma_wait3A_430 = arith.constant 0 : i32
      %dma_wait3A_431 = tpu.memref_slice %arg6[%dma_wait3A_429, %dma_wait3A_430] : memref<2x256xi32, #tpu.memory_space<vmem>> -> memref<1x256xi32, #tpu.memory_space<vmem>>
      %dma_wait3A_432 = tpu.memref_squeeze %dma_wait3A_431 : memref<1x256xi32, #tpu.memory_space<vmem>> -> memref<256xi32, #tpu.memory_space<vmem>>
      %dma_wait3A_433 = tpu.memref_slice %arg2[%multiple_of3A_428] : memref<2097152xi32, #tpu.memory_space<hbm>> -> memref<256xi32, #tpu.memory_space<hbm>>
      %dma_wait3A_434 = arith.constant 0 : i32
      %dma_wait3A_435 = tpu.memref_slice %arg6[%dma_wait3A_429, %dma_wait3A_434] : memref<2x256xi32, #tpu.memory_space<vmem>> -> memref<1x256xi32, #tpu.memory_space<vmem>>
      %dma_wait3A_436 = tpu.memref_squeeze %dma_wait3A_435 : memref<1x256xi32, #tpu.memory_space<vmem>> -> memref<256xi32, #tpu.memory_space<vmem>>
      %dma_wait3A_437 = tpu.memref_slice %arg2[%multiple_of3A_428] : memref<2097152xi32, #tpu.memory_space<hbm>> -> memref<256xi32, #tpu.memory_space<hbm>>
      tpu.wait_dma2 semaphore(%arg9 : memref<!tpu.dma_semaphore, #tpu.memory_space<semaphore_mem>>) src(%dma_wait3A_437 : memref<256xi32, #tpu.memory_space<hbm>>) dst(%dma_wait3A_436 : memref<256xi32, #tpu.memory_space<vmem>>)
      %parallel_loop3A = arith.constant 0 : i32
      %parallel_loop3A_438 = arith.constant 16 : i32
      %parallel_loop3A_439 = arith.constant 1 : i32
      scf.for %parallel_loop3A_953 = %parallel_loop3A to %parallel_loop3A_438 step %parallel_loop3A_439  : i32 {
        %parallel_loop3A_954 = arith.constant 16 : i32
        %parallel_loop3A_955 = arith.muli %parallel_loop3A_953, %parallel_loop3A_954 : i32
        %parallel_loop3A_956 = arith.constant 0 : i32
        %parallel_loop3A_957 = arith.index_cast %parallel_loop3A_956 : i32 to index
        %parallel_loop3A_958 = arith.index_cast %parallel_loop3A_955 : i32 to index
        %parallel_loop3A_959 = tpu.vector_load %arg6[%parallel_loop3A_957, %parallel_loop3A_958] {strides = array<i32>} : memref<2x256xi32, #tpu.memory_space<vmem>>, vector<1x16xi32>,
        %parallel_loop3A_960 = vector.shape_cast %parallel_loop3A_959 : vector<1x16xi32> to vector<16xi32>
        %parallel_loop3A_961 = vector.extract_strided_slice %parallel_loop3A_960 {offsets = [0], sizes = [1], strides = [1]} : vector<16xi32> to vector<1xi32>
        %parallel_loop3A_962 = vector.extract %parallel_loop3A_961[0] : i32 from vector<1xi32>
        %parallel_loop3A_963 = arith.constant 16 : i32
        %parallel_loop3A_964 = arith.muli %parallel_loop3A_953, %parallel_loop3A_963 : i32
        %parallel_loop3A_965 = arith.constant 0 : i32
        %parallel_loop3A_966 = arith.addi %parallel_loop3A_964, %parallel_loop3A_965 : i32
        %parallel_loop3A_967 = arith.index_cast %parallel_loop3A_962 : i32 to index
        %parallel_loop3A_968 = arith.constant 0 : index
        %parallel_loop3A_969 = tpu.vector_load %arg5[%parallel_loop3A_967, %parallel_loop3A_968] {strides = array<i32>} : memref<10x128xf32, #tpu.memory_space<vmem>>, vector<1x16xf32>,
        %parallel_loop3A_970 = vector.shape_cast %parallel_loop3A_969 : vector<1x16xf32> to vector<16xf32>
        %parallel_loop3A_971 = arith.index_cast %parallel_loop3A_962 : i32 to index
        %parallel_loop3A_972 = arith.constant 16 : index
        %parallel_loop3A_973 = tpu.vector_load %arg5[%parallel_loop3A_971, %parallel_loop3A_972] {strides = array<i32>} : memref<10x128xf32, #tpu.memory_space<vmem>>, vector<1x16xf32>,
        %parallel_loop3A_974 = vector.shape_cast %parallel_loop3A_973 : vector<1x16xf32> to vector<16xf32>
        %parallel_loop3A_975 = arith.index_cast %parallel_loop3A_962 : i32 to index
        %parallel_loop3A_976 = arith.constant 32 : index
        %parallel_loop3A_977 = tpu.vector_load %arg5[%parallel_loop3A_975, %parallel_loop3A_976] {strides = array<i32>} : memref<10x128xf32, #tpu.memory_space<vmem>>, vector<1x16xf32>,
        %parallel_loop3A_978 = vector.shape_cast %parallel_loop3A_977 : vector<1x16xf32> to vector<16xf32>
        %parallel_loop3A_979 = arith.index_cast %parallel_loop3A_962 : i32 to index
        %parallel_loop3A_980 = arith.constant 48 : index
        %parallel_loop3A_981 = tpu.vector_load %arg5[%parallel_loop3A_979, %parallel_loop3A_980] {strides = array<i32>} : memref<10x128xf32, #tpu.memory_space<vmem>>, vector<1x16xf32>,
        %parallel_loop3A_982 = vector.shape_cast %parallel_loop3A_981 : vector<1x16xf32> to vector<16xf32>
        %parallel_loop3A_983 = arith.constant 0 : i32
        %parallel_loop3A_984 = arith.index_cast %parallel_loop3A_983 : i32 to index
        %parallel_loop3A_985 = arith.index_cast %parallel_loop3A_966 : i32 to index
        %parallel_loop3A_986 = arith.constant 0 : index
        %parallel_loop3A_987 = tpu.vector_load %arg7[%parallel_loop3A_984, %parallel_loop3A_985, %parallel_loop3A_986] {strides = array<i32>} : memref<2x256x64xf32, #tpu.memory_space<vmem>>, vector<1x1x16xf32>,
        %parallel_loop3A_988 = vector.shape_cast %parallel_loop3A_987 : vector<1x1x16xf32> to vector<16xf32>
        %parallel_loop3A_989 = vector.shape_cast %parallel_loop3A_970 : vector<16xf32> to vector<1x1x16xf32>
        tpu.vector_store %arg7[%parallel_loop3A_984, %parallel_loop3A_985, %parallel_loop3A_986], %parallel_loop3A_989 {strides = array<i32>} : memref<2x256x64xf32, #tpu.memory_space<vmem>>, vector<1x1x16xf32>,
        %parallel_loop3A_990 = arith.constant 0 : i32
        %parallel_loop3A_991 = arith.index_cast %parallel_loop3A_990 : i32 to index
        %parallel_loop3A_992 = arith.index_cast %parallel_loop3A_966 : i32 to index
        %parallel_loop3A_993 = arith.constant 16 : index
        %parallel_loop3A_994 = tpu.vector_load %arg7[%parallel_loop3A_991, %parallel_loop3A_992, %parallel_loop3A_993] {strides = array<i32>} : memref<2x256x64xf32, #tpu.memory_space<vmem>>, vector<1x1x16xf32>,
        %parallel_loop3A_995 = vector.shape_cast %parallel_loop3A_994 : vector<1x1x16xf32> to vector<16xf32>
        %parallel_loop3A_996 = vector.shape_cast %parallel_loop3A_974 : vector<16xf32> to vector<1x1x16xf32>
        tpu.vector_store %arg7[%parallel_loop3A_991, %parallel_loop3A_992, %parallel_loop3A_993], %parallel_loop3A_996 {strides = array<i32>} : memref<2x256x64xf32, #tpu.memory_space<vmem>>, vector<1x1x16xf32>,
        %parallel_loop3A_997 = arith.constant 0 : i32
        %parallel_loop3A_998 = arith.index_cast %parallel_loop3A_997 : i32 to index
        %parallel_loop3A_999 = arith.index_cast %parallel_loop3A_966 : i32 to index
        %parallel_loop3A_1000 = arith.constant 32 : index
        %parallel_loop3A_1001 = tpu.vector_load %arg7[%parallel_loop3A_998, %parallel_loop3A_999, %parallel_loop3A_1000] {strides = array<i32>} : memref<2x256x64xf32, #tpu.memory_space<vmem>>, vector<1x1x16xf32>,
        %parallel_loop3A_1002 = vector.shape_cast %parallel_loop3A_1001 : vector<1x1x16xf32> to vector<16xf32>
        %parallel_loop3A_1003 = vector.shape_cast %parallel_loop3A_978 : vector<16xf32> to vector<1x1x16xf32>
        tpu.vector_store %arg7[%parallel_loop3A_998, %parallel_loop3A_999, %parallel_loop3A_1000], %parallel_loop3A_1003 {strides = array<i32>} : memref<2x256x64xf32, #tpu.memory_space<vmem>>, vector<1x1x16xf32>,
        %parallel_loop3A_1004 = arith.constant 0 : i32
        %parallel_loop3A_1005 = arith.index_cast %parallel_loop3A_1004 : i32 to index
        %parallel_loop3A_1006 = arith.index_cast %parallel_loop3A_966 : i32 to index
        %parallel_loop3A_1007 = arith.constant 48 : index
        %parallel_loop3A_1008 = tpu.vector_load %arg7[%parallel_loop3A_1005, %parallel_loop3A_1006, %parallel_loop3A_1007] {strides = array<i32>} : memref<2x256x64xf32, #tpu.memory_space<vmem>>, vector<1x1x16xf32>,
        %parallel_loop3A_1009 = vector.shape_cast %parallel_loop3A_1008 : vector<1x1x16xf32> to vector<16xf32>
        %parallel_loop3A_1010 = vector.shape_cast %parallel_loop3A_982 : vector<16xf32> to vector<1x1x16xf32>
        tpu.vector_store %arg7[%parallel_loop3A_1005, %parallel_loop3A_1006, %parallel_loop3A_1007], %parallel_loop3A_1010 {strides = array<i32>} : memref<2x256x64xf32, #tpu.memory_space<vmem>>, vector<1x1x16xf32>,
        %parallel_loop3A_1011 = vector.extract_strided_slice %parallel_loop3A_960 {offsets = [1], sizes = [1], strides = [1]} : vector<16xi32> to vector<1xi32>
        %parallel_loop3A_1012 = vector.extract %parallel_loop3A_1011[0] : i32 from vector<1xi32>
        %parallel_loop3A_1013 = arith.constant 16 : i32
        %parallel_loop3A_1014 = arith.muli %parallel_loop3A_953, %parallel_loop3A_1013 : i32
        %parallel_loop3A_1015 = arith.constant 1 : i32
        %parallel_loop3A_1016 = arith.addi %parallel_loop3A_1014, %parallel_loop3A_1015 : i32
        %parallel_loop3A_1017 = arith.index_cast %parallel_loop3A_1012 : i32 to index
        %parallel_loop3A_1018 = arith.constant 0 : index
        %parallel_loop3A_1019 = tpu.vector_load %arg5[%parallel_loop3A_1017, %parallel_loop3A_1018] {strides = array<i32>} : memref<10x128xf32, #tpu.memory_space<vmem>>, vector<1x16xf32>,
        %parallel_loop3A_1020 = vector.shape_cast %parallel_loop3A_1019 : vector<1x16xf32> to vector<16xf32>
        %parallel_loop3A_1021 = arith.index_cast %parallel_loop3A_1012 : i32 to index
        %parallel_loop3A_1022 = arith.constant 16 : index
        %parallel_loop3A_1023 = tpu.vector_load %arg5[%parallel_loop3A_1021, %parallel_loop3A_1022] {strides = array<i32>} : memref<10x128xf32, #tpu.memory_space<vmem>>, vector<1x16xf32>,
        %parallel_loop3A_1024 = vector.shape_cast %parallel_loop3A_1023 : vector<1x16xf32> to vector<16xf32>
        %parallel_loop3A_1025 = arith.index_cast %parallel_loop3A_1012 : i32 to index
        %parallel_loop3A_1026 = arith.constant 32 : index
        %parallel_loop3A_1027 = tpu.vector_load %arg5[%parallel_loop3A_1025, %parallel_loop3A_1026] {strides = array<i32>} : memref<10x128xf32, #tpu.memory_space<vmem>>, vector<1x16xf32>,
        %parallel_loop3A_1028 = vector.shape_cast %parallel_loop3A_1027 : vector<1x16xf32> to vector<16xf32>
        %parallel_loop3A_1029 = arith.index_cast %parallel_loop3A_1012 : i32 to index
        %parallel_loop3A_1030 = arith.constant 48 : index
        %parallel_loop3A_1031 = tpu.vector_load %arg5[%parallel_loop3A_1029, %parallel_loop3A_1030] {strides = array<i32>} : memref<10x128xf32, #tpu.memory_space<vmem>>, vector<1x16xf32>,
        %parallel_loop3A_1032 = vector.shape_cast %parallel_loop3A_1031 : vector<1x16xf32> to vector<16xf32>
        %parallel_loop3A_1033 = arith.constant 0 : i32
        %parallel_loop3A_1034 = arith.index_cast %parallel_loop3A_1033 : i32 to index
        %parallel_loop3A_1035 = arith.index_cast %parallel_loop3A_1016 : i32 to index
        %parallel_loop3A_1036 = arith.constant 0 : index
        %parallel_loop3A_1037 = tpu.vector_load %arg7[%parallel_loop3A_1034, %parallel_loop3A_1035, %parallel_loop3A_1036] {strides = array<i32>} : memref<2x256x64xf32, #tpu.memory_space<vmem>>, vector<1x1x16xf32>,
        %parallel_loop3A_1038 = vector.shape_cast %parallel_loop3A_1037 : vector<1x1x16xf32> to vector<16xf32>
        %parallel_loop3A_1039 = vector.shape_cast %parallel_loop3A_1020 : vector<16xf32> to vector<1x1x16xf32>
        tpu.vector_store %arg7[%parallel_loop3A_1034, %parallel_loop3A_1035, %parallel_loop3A_1036], %parallel_loop3A_1039 {strides = array<i32>} : memref<2x256x64xf32, #tpu.memory_space<vmem>>, vector<1x1x16xf32>,
        %parallel_loop3A_1040 = arith.constant 0 : i32
        %parallel_loop3A_1041 = arith.index_cast %parallel_loop3A_1040 : i32 to index
        %parallel_loop3A_1042 = arith.index_cast %parallel_loop3A_1016 : i32 to index
        %parallel_loop3A_1043 = arith.constant 16 : index
        %parallel_loop3A_1044 = tpu.vector_load %arg7[%parallel_loop3A_1041, %parallel_loop3A_1042, %parallel_loop3A_1043] {strides = array<i32>} : memref<2x256x64xf32, #tpu.memory_space<vmem>>, vector<1x1x16xf32>,
        %parallel_loop3A_1045 = vector.shape_cast %parallel_loop3A_1044 : vector<1x1x16xf32> to vector<16xf32>
        %parallel_loop3A_1046 = vector.shape_cast %parallel_loop3A_1024 : vector<16xf32> to vector<1x1x16xf32>
        tpu.vector_store %arg7[%parallel_loop3A_1041, %parallel_loop3A_1042, %parallel_loop3A_1043], %parallel_loop3A_1046 {strides = array<i32>} : memref<2x256x64xf32, #tpu.memory_space<vmem>>, vector<1x1x16xf32>,
        %parallel_loop3A_1047 = arith.constant 0 : i32
        %parallel_loop3A_1048 = arith.index_cast %parallel_loop3A_1047 : i32 to index
        %parallel_loop3A_1049 = arith.index_cast %parallel_loop3A_1016 : i32 to index
        %parallel_loop3A_1050 = arith.constant 32 : index
        %parallel_loop3A_1051 = tpu.vector_load %arg7[%parallel_loop3A_1048, %parallel_loop3A_1049, %parallel_loop3A_1050] {strides = array<i32>} : memref<2x256x64xf32, #tpu.memory_space<vmem>>, vector<1x1x16xf32>,
        %parallel_loop3A_1052 = vector.shape_cast %parallel_loop3A_1051 : vector<1x1x16xf32> to vector<16xf32>
        %parallel_loop3A_1053 = vector.shape_cast %parallel_loop3A_1028 : vector<16xf32> to vector<1x1x16xf32>
        tpu.vector_store %arg7[%parallel_loop3A_1048, %parallel_loop3A_1049, %parallel_loop3A_1050], %parallel_loop3A_1053 {strides = array<i32>} : memref<2x256x64xf32, #tpu.memory_space<vmem>>, vector<1x1x16xf32>,
        %parallel_loop3A_1054 = arith.constant 0 : i32
        %parallel_loop3A_1055 = arith.index_cast %parallel_loop3A_1054 : i32 to index
        %parallel_loop3A_1056 = arith.index_cast %parallel_loop3A_1016 : i32 to index
        %parallel_loop3A_1057 = arith.constant 48 : index
        %parallel_loop3A_1058 = tpu.vector_load %arg7[%parallel_loop3A_1055, %parallel_loop3A_1056, %parallel_loop3A_1057] {strides = array<i32>} : memref<2x256x64xf32, #tpu.memory_space<vmem>>, vector<1x1x16xf32>,
        %parallel_loop3A_1059 = vector.shape_cast %parallel_loop3A_1058 : vector<1x1x16xf32> to vector<16xf32>
        %parallel_loop3A_1060 = vector.shape_cast %parallel_loop3A_1032 : vector<16xf32> to vector<1x1x16xf32>
        tpu.vector_store %arg7[%parallel_loop3A_1055, %parallel_loop3A_1056, %parallel_loop3A_1057], %parallel_loop3A_1060 {strides = array<i32>} : memref<2x256x64xf32, #tpu.memory_space<vmem>>, vector<1x1x16xf32>,
        %parallel_loop3A_1061 = vector.extract_strided_slice %parallel_loop3A_960 {offsets = [2], sizes = [1], strides = [1]} : vector<16xi32> to vector<1xi32>
        %parallel_loop3A_1062 = vector.extract %parallel_loop3A_1061[0] : i32 from vector<1xi32>
        %parallel_loop3A_1063 = arith.constant 16 : i32
        %parallel_loop3A_1064 = arith.muli %parallel_loop3A_953, %parallel_loop3A_1063 : i32
        %parallel_loop3A_1065 = arith.constant 2 : i32
        %parallel_loop3A_1066 = arith.addi %parallel_loop3A_1064, %parallel_loop3A_1065 : i32
        %parallel_loop3A_1067 = arith.index_cast %parallel_loop3A_1062 : i32 to index
        %parallel_loop3A_1068 = arith.constant 0 : index
        %parallel_loop3A_1069 = tpu.vector_load %arg5[%parallel_loop3A_1067, %parallel_loop3A_1068] {strides = array<i32>} : memref<10x128xf32, #tpu.memory_space<vmem>>, vector<1x16xf32>,
        %parallel_loop3A_1070 = vector.shape_cast %parallel_loop3A_1069 : vector<1x16xf32> to vector<16xf32>
        %parallel_loop3A_1071 = arith.index_cast %parallel_loop3A_1062 : i32 to index
        %parallel_loop3A_1072 = arith.constant 16 : index
        %parallel_loop3A_1073 = tpu.vector_load %arg5[%parallel_loop3A_1071, %parallel_loop3A_1072] {strides = array<i32>} : memref<10x128xf32, #tpu.memory_space<vmem>>, vector<1x16xf32>,
        %parallel_loop3A_1074 = vector.shape_cast %parallel_loop3A_1073 : vector<1x16xf32> to vector<16xf32>
        %parallel_loop3A_1075 = arith.index_cast %parallel_loop3A_1062 : i32 to index
        %parallel_loop3A_1076 = arith.constant 32 : index
        %parallel_loop3A_1077 = tpu.vector_load %arg5[%parallel_loop3A_1075, %parallel_loop3A_1076] {strides = array<i32>} : memref<10x128xf32, #tpu.memory_space<vmem>>, vector<1x16xf32>,
        %parallel_loop3A_1078 = vector.shape_cast %parallel_loop3A_1077 : vector<1x16xf32> to vector<16xf32>
        %parallel_loop3A_1079 = arith.index_cast %parallel_loop3A_1062 : i32 to index
        %parallel_loop3A_1080 = arith.constant 48 : index
        %parallel_loop3A_1081 = tpu.vector_load %arg5[%parallel_loop3A_1079, %parallel_loop3A_1080] {strides = array<i32>} : memref<10x128xf32, #tpu.memory_space<vmem>>, vector<1x16xf32>,
        %parallel_loop3A_1082 = vector.shape_cast %parallel_loop3A_1081 : vector<1x16xf32> to vector<16xf32>
        %parallel_loop3A_1083 = arith.constant 0 : i32
        %parallel_loop3A_1084 = arith.index_cast %parallel_loop3A_1083 : i32 to index
        %parallel_loop3A_1085 = arith.index_cast %parallel_loop3A_1066 : i32 to index
        %parallel_loop3A_1086 = arith.constant 0 : index
        %parallel_loop3A_1087 = tpu.vector_load %arg7[%parallel_loop3A_1084, %parallel_loop3A_1085, %parallel_loop3A_1086] {strides = array<i32>} : memref<2x256x64xf32, #tpu.memory_space<vmem>>, vector<1x1x16xf32>,
        %parallel_loop3A_1088 = vector.shape_cast %parallel_loop3A_1087 : vector<1x1x16xf32> to vector<16xf32>
        %parallel_loop3A_1089 = vector.shape_cast %parallel_loop3A_1070 : vector<16xf32> to vector<1x1x16xf32>
        tpu.vector_store %arg7[%parallel_loop3A_1084, %parallel_loop3A_1085, %parallel_loop3A_1086], %parallel_loop3A_1089 {strides = array<i32>} : memref<2x256x64xf32, #tpu.memory_space<vmem>>, vector<1x1x16xf32>,
        %parallel_loop3A_1090 = arith.constant 0 : i32
        %parallel_loop3A_1091 = arith.index_cast %parallel_loop3A_1090 : i32 to index
        %parallel_loop3A_1092 = arith.index_cast %parallel_loop3A_1066 : i32 to index
        %parallel_loop3A_1093 = arith.constant 16 : index
        %parallel_loop3A_1094 = tpu.vector_load %arg7[%parallel_loop3A_1091, %parallel_loop3A_1092, %parallel_loop3A_1093] {strides = array<i32>} : memref<2x256x64xf32, #tpu.memory_space<vmem>>, vector<1x1x16xf32>,
        %parallel_loop3A_1095 = vector.shape_cast %parallel_loop3A_1094 : vector<1x1x16xf32> to vector<16xf32>
        %parallel_loop3A_1096 = vector.shape_cast %parallel_loop3A_1074 : vector<16xf32> to vector<1x1x16xf32>
        tpu.vector_store %arg7[%parallel_loop3A_1091, %parallel_loop3A_1092, %parallel_loop3A_1093], %parallel_loop3A_1096 {strides = array<i32>} : memref<2x256x64xf32, #tpu.memory_space<vmem>>, vector<1x1x16xf32>,
        %parallel_loop3A_1097 = arith.constant 0 : i32
        %parallel_loop3A_1098 = arith.index_cast %parallel_loop3A_1097 : i32 to index
        %parallel_loop3A_1099 = arith.index_cast %parallel_loop3A_1066 : i32 to index
        %parallel_loop3A_1100 = arith.constant 32 : index
        %parallel_loop3A_1101 = tpu.vector_load %arg7[%parallel_loop3A_1098, %parallel_loop3A_1099, %parallel_loop3A_1100] {strides = array<i32>} : memref<2x256x64xf32, #tpu.memory_space<vmem>>, vector<1x1x16xf32>,
        %parallel_loop3A_1102 = vector.shape_cast %parallel_loop3A_1101 : vector<1x1x16xf32> to vector<16xf32>
        %parallel_loop3A_1103 = vector.shape_cast %parallel_loop3A_1078 : vector<16xf32> to vector<1x1x16xf32>
        tpu.vector_store %arg7[%parallel_loop3A_1098, %parallel_loop3A_1099, %parallel_loop3A_1100], %parallel_loop3A_1103 {strides = array<i32>} : memref<2x256x64xf32, #tpu.memory_space<vmem>>, vector<1x1x16xf32>,
        %parallel_loop3A_1104 = arith.constant 0 : i32
        %parallel_loop3A_1105 = arith.index_cast %parallel_loop3A_1104 : i32 to index
        %parallel_loop3A_1106 = arith.index_cast %parallel_loop3A_1066 : i32 to index
        %parallel_loop3A_1107 = arith.constant 48 : index
        %parallel_loop3A_1108 = tpu.vector_load %arg7[%parallel_loop3A_1105, %parallel_loop3A_1106, %parallel_loop3A_1107] {strides = array<i32>} : memref<2x256x64xf32, #tpu.memory_space<vmem>>, vector<1x1x16xf32>,
        %parallel_loop3A_1109 = vector.shape_cast %parallel_loop3A_1108 : vector<1x1x16xf32> to vector<16xf32>
        %parallel_loop3A_1110 = vector.shape_cast %parallel_loop3A_1082 : vector<16xf32> to vector<1x1x16xf32>
        tpu.vector_store %arg7[%parallel_loop3A_1105, %parallel_loop3A_1106, %parallel_loop3A_1107], %parallel_loop3A_1110 {strides = array<i32>} : memref<2x256x64xf32, #tpu.memory_space<vmem>>, vector<1x1x16xf32>,
        %parallel_loop3A_1111 = vector.extract_strided_slice %parallel_loop3A_960 {offsets = [3], sizes = [1], strides = [1]} : vector<16xi32> to vector<1xi32>
        %parallel_loop3A_1112 = vector.extract %parallel_loop3A_1111[0] : i32 from vector<1xi32>
        %parallel_loop3A_1113 = arith.constant 16 : i32
        %parallel_loop3A_1114 = arith.muli %parallel_loop3A_953, %parallel_loop3A_1113 : i32
        %parallel_loop3A_1115 = arith.constant 3 : i32
        %parallel_loop3A_1116 = arith.addi %parallel_loop3A_1114, %parallel_loop3A_1115 : i32
        %parallel_loop3A_1117 = arith.index_cast %parallel_loop3A_1112 : i32 to index
        %parallel_loop3A_1118 = arith.constant 0 : index
        %parallel_loop3A_1119 = tpu.vector_load %arg5[%parallel_loop3A_1117, %parallel_loop3A_1118] {strides = array<i32>} : memref<10x128xf32, #tpu.memory_space<vmem>>, vector<1x16xf32>,
        %parallel_loop3A_1120 = vector.shape_cast %parallel_loop3A_1119 : vector<1x16xf32> to vector<16xf32>
        %parallel_loop3A_1121 = arith.index_cast %parallel_loop3A_1112 : i32 to index
        %parallel_loop3A_1122 = arith.constant 16 : index
        %parallel_loop3A_1123 = tpu.vector_load %arg5[%parallel_loop3A_1121, %parallel_loop3A_1122] {strides = array<i32>} : memref<10x128xf32, #tpu.memory_space<vmem>>, vector<1x16xf32>,
        %parallel_loop3A_1124 = vector.shape_cast %parallel_loop3A_1123 : vector<1x16xf32> to vector<16xf32>
        %parallel_loop3A_1125 = arith.index_cast %parallel_loop3A_1112 : i32 to index
        %parallel_loop3A_1126 = arith.constant 32 : index
        %parallel_loop3A_1127 = tpu.vector_load %arg5[%parallel_loop3A_1125, %parallel_loop3A_1126] {strides = array<i32>} : memref<10x128xf32, #tpu.memory_space<vmem>>, vector<1x16xf32>,
        %parallel_loop3A_1128 = vector.shape_cast %parallel_loop3A_1127 : vector<1x16xf32> to vector<16xf32>
        %parallel_loop3A_1129 = arith.index_cast %parallel_loop3A_1112 : i32 to index
        %parallel_loop3A_1130 = arith.constant 48 : index
        %parallel_loop3A_1131 = tpu.vector_load %arg5[%parallel_loop3A_1129, %parallel_loop3A_1130] {strides = array<i32>} : memref<10x128xf32, #tpu.memory_space<vmem>>, vector<1x16xf32>,
        %parallel_loop3A_1132 = vector.shape_cast %parallel_loop3A_1131 : vector<1x16xf32> to vector<16xf32>
        %parallel_loop3A_1133 = arith.constant 0 : i32
        %parallel_loop3A_1134 = arith.index_cast %parallel_loop3A_1133 : i32 to index
        %parallel_loop3A_1135 = arith.index_cast %parallel_loop3A_1116 : i32 to index
        %parallel_loop3A_1136 = arith.constant 0 : index
        %parallel_loop3A_1137 = tpu.vector_load %arg7[%parallel_loop3A_1134, %parallel_loop3A_1135, %parallel_loop3A_1136] {strides = array<i32>} : memref<2x256x64xf32, #tpu.memory_space<vmem>>, vector<1x1x16xf32>,
        %parallel_loop3A_1138 = vector.shape_cast %parallel_loop3A_1137 : vector<1x1x16xf32> to vector<16xf32>
        %parallel_loop3A_1139 = vector.shape_cast %parallel_loop3A_1120 : vector<16xf32> to vector<1x1x16xf32>
        tpu.vector_store %arg7[%parallel_loop3A_1134, %parallel_loop3A_1135, %parallel_loop3A_1136], %parallel_loop3A_1139 {strides = array<i32>} : memref<2x256x64xf32, #tpu.memory_space<vmem>>, vector<1x1x16xf32>,
        %parallel_loop3A_1140 = arith.constant 0 : i32
        %parallel_loop3A_1141 = arith.index_cast %parallel_loop3A_1140 : i32 to index
        %parallel_loop3A_1142 = arith.index_cast %parallel_loop3A_1116 : i32 to index
        %parallel_loop3A_1143 = arith.constant 16 : index
        %parallel_loop3A_1144 = tpu.vector_load %arg7[%parallel_loop3A_1141, %parallel_loop3A_1142, %parallel_loop3A_1143] {strides = array<i32>} : memref<2x256x64xf32, #tpu.memory_space<vmem>>, vector<1x1x16xf32>,
        %parallel_loop3A_1145 = vector.shape_cast %parallel_loop3A_1144 : vector<1x1x16xf32> to vector<16xf32>
        %parallel_loop3A_1146 = vector.shape_cast %parallel_loop3A_1124 : vector<16xf32> to vector<1x1x16xf32>
        tpu.vector_store %arg7[%parallel_loop3A_1141, %parallel_loop3A_1142, %parallel_loop3A_1143], %parallel_loop3A_1146 {strides = array<i32>} : memref<2x256x64xf32, #tpu.memory_space<vmem>>, vector<1x1x16xf32>,
        %parallel_loop3A_1147 = arith.constant 0 : i32
        %parallel_loop3A_1148 = arith.index_cast %parallel_loop3A_1147 : i32 to index
        %parallel_loop3A_1149 = arith.index_cast %parallel_loop3A_1116 : i32 to index
        %parallel_loop3A_1150 = arith.constant 32 : index
        %parallel_loop3A_1151 = tpu.vector_load %arg7[%parallel_loop3A_1148, %parallel_loop3A_1149, %parallel_loop3A_1150] {strides = array<i32>} : memref<2x256x64xf32, #tpu.memory_space<vmem>>, vector<1x1x16xf32>,
        %parallel_loop3A_1152 = vector.shape_cast %parallel_loop3A_1151 : vector<1x1x16xf32> to vector<16xf32>
        %parallel_loop3A_1153 = vector.shape_cast %parallel_loop3A_1128 : vector<16xf32> to vector<1x1x16xf32>
        tpu.vector_store %arg7[%parallel_loop3A_1148, %parallel_loop3A_1149, %parallel_loop3A_1150], %parallel_loop3A_1153 {strides = array<i32>} : memref<2x256x64xf32, #tpu.memory_space<vmem>>, vector<1x1x16xf32>,
        %parallel_loop3A_1154 = arith.constant 0 : i32
        %parallel_loop3A_1155 = arith.index_cast %parallel_loop3A_1154 : i32 to index
        %parallel_loop3A_1156 = arith.index_cast %parallel_loop3A_1116 : i32 to index
        %parallel_loop3A_1157 = arith.constant 48 : index
        %parallel_loop3A_1158 = tpu.vector_load %arg7[%parallel_loop3A_1155, %parallel_loop3A_1156, %parallel_loop3A_1157] {strides = array<i32>} : memref<2x256x64xf32, #tpu.memory_space<vmem>>, vector<1x1x16xf32>,
        %parallel_loop3A_1159 = vector.shape_cast %parallel_loop3A_1158 : vector<1x1x16xf32> to vector<16xf32>
        %parallel_loop3A_1160 = vector.shape_cast %parallel_loop3A_1132 : vector<16xf32> to vector<1x1x16xf32>
        tpu.vector_store %arg7[%parallel_loop3A_1155, %parallel_loop3A_1156, %parallel_loop3A_1157], %parallel_loop3A_1160 {strides = array<i32>} : memref<2x256x64xf32, #tpu.memory_space<vmem>>, vector<1x1x16xf32>,
        %parallel_loop3A_1161 = vector.extract_strided_slice %parallel_loop3A_960 {offsets = [4], sizes = [1], strides = [1]} : vector<16xi32> to vector<1xi32>
        %parallel_loop3A_1162 = vector.extract %parallel_loop3A_1161[0] : i32 from vector<1xi32>
        %parallel_loop3A_1163 = arith.constant 16 : i32
        %parallel_loop3A_1164 = arith.muli %parallel_loop3A_953, %parallel_loop3A_1163 : i32
        %parallel_loop3A_1165 = arith.constant 4 : i32
        %parallel_loop3A_1166 = arith.addi %parallel_loop3A_1164, %parallel_loop3A_1165 : i32
        %parallel_loop3A_1167 = arith.index_cast %parallel_loop3A_1162 : i32 to index
        %parallel_loop3A_1168 = arith.constant 0 : index
        %parallel_loop3A_1169 = tpu.vector_load %arg5[%parallel_loop3A_1167, %parallel_loop3A_1168] {strides = array<i32>} : memref<10x128xf32, #tpu.memory_space<vmem>>, vector<1x16xf32>,
        %parallel_loop3A_1170 = vector.shape_cast %parallel_loop3A_1169 : vector<1x16xf32> to vector<16xf32>
        %parallel_loop3A_1171 = arith.index_cast %parallel_loop3A_1162 : i32 to index
        %parallel_loop3A_1172 = arith.constant 16 : index
        %parallel_loop3A_1173 = tpu.vector_load %arg5[%parallel_loop3A_1171, %parallel_loop3A_1172] {strides = array<i32>} : memref<10x128xf32, #tpu.memory_space<vmem>>, vector<1x16xf32>,
        %parallel_loop3A_1174 = vector.shape_cast %parallel_loop3A_1173 : vector<1x16xf32> to vector<16xf32>
        %parallel_loop3A_1175 = arith.index_cast %parallel_loop3A_1162 : i32 to index
        %parallel_loop3A_1176 = arith.constant 32 : index
        %parallel_loop3A_1177 = tpu.vector_load %arg5[%parallel_loop3A_1175, %parallel_loop3A_1176] {strides = array<i32>} : memref<10x128xf32, #tpu.memory_space<vmem>>, vector<1x16xf32>,
        %parallel_loop3A_1178 = vector.shape_cast %parallel_loop3A_1177 : vector<1x16xf32> to vector<16xf32>
        %parallel_loop3A_1179 = arith.index_cast %parallel_loop3A_1162 : i32 to index
        %parallel_loop3A_1180 = arith.constant 48 : index
        %parallel_loop3A_1181 = tpu.vector_load %arg5[%parallel_loop3A_1179, %parallel_loop3A_1180] {strides = array<i32>} : memref<10x128xf32, #tpu.memory_space<vmem>>, vector<1x16xf32>,
        %parallel_loop3A_1182 = vector.shape_cast %parallel_loop3A_1181 : vector<1x16xf32> to vector<16xf32>
        %parallel_loop3A_1183 = arith.constant 0 : i32
        %parallel_loop3A_1184 = arith.index_cast %parallel_loop3A_1183 : i32 to index
        %parallel_loop3A_1185 = arith.index_cast %parallel_loop3A_1166 : i32 to index
        %parallel_loop3A_1186 = arith.constant 0 : index
        %parallel_loop3A_1187 = tpu.vector_load %arg7[%parallel_loop3A_1184, %parallel_loop3A_1185, %parallel_loop3A_1186] {strides = array<i32>} : memref<2x256x64xf32, #tpu.memory_space<vmem>>, vector<1x1x16xf32>,
        %parallel_loop3A_1188 = vector.shape_cast %parallel_loop3A_1187 : vector<1x1x16xf32> to vector<16xf32>
        %parallel_loop3A_1189 = vector.shape_cast %parallel_loop3A_1170 : vector<16xf32> to vector<1x1x16xf32>
        tpu.vector_store %arg7[%parallel_loop3A_1184, %parallel_loop3A_1185, %parallel_loop3A_1186], %parallel_loop3A_1189 {strides = array<i32>} : memref<2x256x64xf32, #tpu.memory_space<vmem>>, vector<1x1x16xf32>,
        %parallel_loop3A_1190 = arith.constant 0 : i32
        %parallel_loop3A_1191 = arith.index_cast %parallel_loop3A_1190 : i32 to index
        %parallel_loop3A_1192 = arith.index_cast %parallel_loop3A_1166 : i32 to index
        %parallel_loop3A_1193 = arith.constant 16 : index
        %parallel_loop3A_1194 = tpu.vector_load %arg7[%parallel_loop3A_1191, %parallel_loop3A_1192, %parallel_loop3A_1193] {strides = array<i32>} : memref<2x256x64xf32, #tpu.memory_space<vmem>>, vector<1x1x16xf32>,
        %parallel_loop3A_1195 = vector.shape_cast %parallel_loop3A_1194 : vector<1x1x16xf32> to vector<16xf32>
        %parallel_loop3A_1196 = vector.shape_cast %parallel_loop3A_1174 : vector<16xf32> to vector<1x1x16xf32>
        tpu.vector_store %arg7[%parallel_loop3A_1191, %parallel_loop3A_1192, %parallel_loop3A_1193], %parallel_loop3A_1196 {strides = array<i32>} : memref<2x256x64xf32, #tpu.memory_space<vmem>>, vector<1x1x16xf32>,
        %parallel_loop3A_1197 = arith.constant 0 : i32
        %parallel_loop3A_1198 = arith.index_cast %parallel_loop3A_1197 : i32 to index
        %parallel_loop3A_1199 = arith.index_cast %parallel_loop3A_1166 : i32 to index
        %parallel_loop3A_1200 = arith.constant 32 : index
        %parallel_loop3A_1201 = tpu.vector_load %arg7[%parallel_loop3A_1198, %parallel_loop3A_1199, %parallel_loop3A_1200] {strides = array<i32>} : memref<2x256x64xf32, #tpu.memory_space<vmem>>, vector<1x1x16xf32>,
        %parallel_loop3A_1202 = vector.shape_cast %parallel_loop3A_1201 : vector<1x1x16xf32> to vector<16xf32>
        %parallel_loop3A_1203 = vector.shape_cast %parallel_loop3A_1178 : vector<16xf32> to vector<1x1x16xf32>
        tpu.vector_store %arg7[%parallel_loop3A_1198, %parallel_loop3A_1199, %parallel_loop3A_1200], %parallel_loop3A_1203 {strides = array<i32>} : memref<2x256x64xf32, #tpu.memory_space<vmem>>, vector<1x1x16xf32>,
        %parallel_loop3A_1204 = arith.constant 0 : i32
        %parallel_loop3A_1205 = arith.index_cast %parallel_loop3A_1204 : i32 to index
        %parallel_loop3A_1206 = arith.index_cast %parallel_loop3A_1166 : i32 to index
        %parallel_loop3A_1207 = arith.constant 48 : index
        %parallel_loop3A_1208 = tpu.vector_load %arg7[%parallel_loop3A_1205, %parallel_loop3A_1206, %parallel_loop3A_1207] {strides = array<i32>} : memref<2x256x64xf32, #tpu.memory_space<vmem>>, vector<1x1x16xf32>,
        %parallel_loop3A_1209 = vector.shape_cast %parallel_loop3A_1208 : vector<1x1x16xf32> to vector<16xf32>
        %parallel_loop3A_1210 = vector.shape_cast %parallel_loop3A_1182 : vector<16xf32> to vector<1x1x16xf32>
        tpu.vector_store %arg7[%parallel_loop3A_1205, %parallel_loop3A_1206, %parallel_loop3A_1207], %parallel_loop3A_1210 {strides = array<i32>} : memref<2x256x64xf32, #tpu.memory_space<vmem>>, vector<1x1x16xf32>,
        %parallel_loop3A_1211 = vector.extract_strided_slice %parallel_loop3A_960 {offsets = [5], sizes = [1], strides = [1]} : vector<16xi32> to vector<1xi32>
        %parallel_loop3A_1212 = vector.extract %parallel_loop3A_1211[0] : i32 from vector<1xi32>
        %parallel_loop3A_1213 = arith.constant 16 : i32
        %parallel_loop3A_1214 = arith.muli %parallel_loop3A_953, %parallel_loop3A_1213 : i32
        %parallel_loop3A_1215 = arith.constant 5 : i32
        %parallel_loop3A_1216 = arith.addi %parallel_loop3A_1214, %parallel_loop3A_1215 : i32
        %parallel_loop3A_1217 = arith.index_cast %parallel_loop3A_1212 : i32 to index
        %parallel_loop3A_1218 = arith.constant 0 : index
        %parallel_loop3A_1219 = tpu.vector_load %arg5[%parallel_loop3A_1217, %parallel_loop3A_1218] {strides = array<i32>} : memref<10x128xf32, #tpu.memory_space<vmem>>, vector<1x16xf32>,
        %parallel_loop3A_1220 = vector.shape_cast %parallel_loop3A_1219 : vector<1x16xf32> to vector<16xf32>
        %parallel_loop3A_1221 = arith.index_cast %parallel_loop3A_1212 : i32 to index
        %parallel_loop3A_1222 = arith.constant 16 : index
        %parallel_loop3A_1223 = tpu.vector_load %arg5[%parallel_loop3A_1221, %parallel_loop3A_1222] {strides = array<i32>} : memref<10x128xf32, #tpu.memory_space<vmem>>, vector<1x16xf32>,
        %parallel_loop3A_1224 = vector.shape_cast %parallel_loop3A_1223 : vector<1x16xf32> to vector<16xf32>
        %parallel_loop3A_1225 = arith.index_cast %parallel_loop3A_1212 : i32 to index
        %parallel_loop3A_1226 = arith.constant 32 : index
        %parallel_loop3A_1227 = tpu.vector_load %arg5[%parallel_loop3A_1225, %parallel_loop3A_1226] {strides = array<i32>} : memref<10x128xf32, #tpu.memory_space<vmem>>, vector<1x16xf32>,
        %parallel_loop3A_1228 = vector.shape_cast %parallel_loop3A_1227 : vector<1x16xf32> to vector<16xf32>
        %parallel_loop3A_1229 = arith.index_cast %parallel_loop3A_1212 : i32 to index
        %parallel_loop3A_1230 = arith.constant 48 : index
        %parallel_loop3A_1231 = tpu.vector_load %arg5[%parallel_loop3A_1229, %parallel_loop3A_1230] {strides = array<i32>} : memref<10x128xf32, #tpu.memory_space<vmem>>, vector<1x16xf32>,
        %parallel_loop3A_1232 = vector.shape_cast %parallel_loop3A_1231 : vector<1x16xf32> to vector<16xf32>
        %parallel_loop3A_1233 = arith.constant 0 : i32
        %parallel_loop3A_1234 = arith.index_cast %parallel_loop3A_1233 : i32 to index
        %parallel_loop3A_1235 = arith.index_cast %parallel_loop3A_1216 : i32 to index
        %parallel_loop3A_1236 = arith.constant 0 : index
        %parallel_loop3A_1237 = tpu.vector_load %arg7[%parallel_loop3A_1234, %parallel_loop3A_1235, %parallel_loop3A_1236] {strides = array<i32>} : memref<2x256x64xf32, #tpu.memory_space<vmem>>, vector<1x1x16xf32>,
        %parallel_loop3A_1238 = vector.shape_cast %parallel_loop3A_1237 : vector<1x1x16xf32> to vector<16xf32>
        %parallel_loop3A_1239 = vector.shape_cast %parallel_loop3A_1220 : vector<16xf32> to vector<1x1x16xf32>
        tpu.vector_store %arg7[%parallel_loop3A_1234, %parallel_loop3A_1235, %parallel_loop3A_1236], %parallel_loop3A_1239 {strides = array<i32>} : memref<2x256x64xf32, #tpu.memory_space<vmem>>, vector<1x1x16xf32>,
        %parallel_loop3A_1240 = arith.constant 0 : i32
        %parallel_loop3A_1241 = arith.index_cast %parallel_loop3A_1240 : i32 to index
        %parallel_loop3A_1242 = arith.index_cast %parallel_loop3A_1216 : i32 to index
        %parallel_loop3A_1243 = arith.constant 16 : index
        %parallel_loop3A_1244 = tpu.vector_load %arg7[%parallel_loop3A_1241, %parallel_loop3A_1242, %parallel_loop3A_1243] {strides = array<i32>} : memref<2x256x64xf32, #tpu.memory_space<vmem>>, vector<1x1x16xf32>,
        %parallel_loop3A_1245 = vector.shape_cast %parallel_loop3A_1244 : vector<1x1x16xf32> to vector<16xf32>
        %parallel_loop3A_1246 = vector.shape_cast %parallel_loop3A_1224 : vector<16xf32> to vector<1x1x16xf32>
        tpu.vector_store %arg7[%parallel_loop3A_1241, %parallel_loop3A_1242, %parallel_loop3A_1243], %parallel_loop3A_1246 {strides = array<i32>} : memref<2x256x64xf32, #tpu.memory_space<vmem>>, vector<1x1x16xf32>,
        %parallel_loop3A_1247 = arith.constant 0 : i32
        %parallel_loop3A_1248 = arith.index_cast %parallel_loop3A_1247 : i32 to index
        %parallel_loop3A_1249 = arith.index_cast %parallel_loop3A_1216 : i32 to index
        %parallel_loop3A_1250 = arith.constant 32 : index
        %parallel_loop3A_1251 = tpu.vector_load %arg7[%parallel_loop3A_1248, %parallel_loop3A_1249, %parallel_loop3A_1250] {strides = array<i32>} : memref<2x256x64xf32, #tpu.memory_space<vmem>>, vector<1x1x16xf32>,
        %parallel_loop3A_1252 = vector.shape_cast %parallel_loop3A_1251 : vector<1x1x16xf32> to vector<16xf32>
        %parallel_loop3A_1253 = vector.shape_cast %parallel_loop3A_1228 : vector<16xf32> to vector<1x1x16xf32>
        tpu.vector_store %arg7[%parallel_loop3A_1248, %parallel_loop3A_1249, %parallel_loop3A_1250], %parallel_loop3A_1253 {strides = array<i32>} : memref<2x256x64xf32, #tpu.memory_space<vmem>>, vector<1x1x16xf32>,
        %parallel_loop3A_1254 = arith.constant 0 : i32
        %parallel_loop3A_1255 = arith.index_cast %parallel_loop3A_1254 : i32 to index
        %parallel_loop3A_1256 = arith.index_cast %parallel_loop3A_1216 : i32 to index
        %parallel_loop3A_1257 = arith.constant 48 : index
        %parallel_loop3A_1258 = tpu.vector_load %arg7[%parallel_loop3A_1255, %parallel_loop3A_1256, %parallel_loop3A_1257] {strides = array<i32>} : memref<2x256x64xf32, #tpu.memory_space<vmem>>, vector<1x1x16xf32>,
        %parallel_loop3A_1259 = vector.shape_cast %parallel_loop3A_1258 : vector<1x1x16xf32> to vector<16xf32>
        %parallel_loop3A_1260 = vector.shape_cast %parallel_loop3A_1232 : vector<16xf32> to vector<1x1x16xf32>
        tpu.vector_store %arg7[%parallel_loop3A_1255, %parallel_loop3A_1256, %parallel_loop3A_1257], %parallel_loop3A_1260 {strides = array<i32>} : memref<2x256x64xf32, #tpu.memory_space<vmem>>, vector<1x1x16xf32>,
        %parallel_loop3A_1261 = vector.extract_strided_slice %parallel_loop3A_960 {offsets = [6], sizes = [1], strides = [1]} : vector<16xi32> to vector<1xi32>
        %parallel_loop3A_1262 = vector.extract %parallel_loop3A_1261[0] : i32 from vector<1xi32>
        %parallel_loop3A_1263 = arith.constant 16 : i32
        %parallel_loop3A_1264 = arith.muli %parallel_loop3A_953, %parallel_loop3A_1263 : i32
        %parallel_loop3A_1265 = arith.constant 6 : i32
        %parallel_loop3A_1266 = arith.addi %parallel_loop3A_1264, %parallel_loop3A_1265 : i32
        %parallel_loop3A_1267 = arith.index_cast %parallel_loop3A_1262 : i32 to index
        %parallel_loop3A_1268 = arith.constant 0 : index
        %parallel_loop3A_1269 = tpu.vector_load %arg5[%parallel_loop3A_1267, %parallel_loop3A_1268] {strides = array<i32>} : memref<10x128xf32, #tpu.memory_space<vmem>>, vector<1x16xf32>,
        %parallel_loop3A_1270 = vector.shape_cast %parallel_loop3A_1269 : vector<1x16xf32> to vector<16xf32>
        %parallel_loop3A_1271 = arith.index_cast %parallel_loop3A_1262 : i32 to index
        %parallel_loop3A_1272 = arith.constant 16 : index
        %parallel_loop3A_1273 = tpu.vector_load %arg5[%parallel_loop3A_1271, %parallel_loop3A_1272] {strides = array<i32>} : memref<10x128xf32, #tpu.memory_space<vmem>>, vector<1x16xf32>,
        %parallel_loop3A_1274 = vector.shape_cast %parallel_loop3A_1273 : vector<1x16xf32> to vector<16xf32>
        %parallel_loop3A_1275 = arith.index_cast %parallel_loop3A_1262 : i32 to index
        %parallel_loop3A_1276 = arith.constant 32 : index
        %parallel_loop3A_1277 = tpu.vector_load %arg5[%parallel_loop3A_1275, %parallel_loop3A_1276] {strides = array<i32>} : memref<10x128xf32, #tpu.memory_space<vmem>>, vector<1x16xf32>,
        %parallel_loop3A_1278 = vector.shape_cast %parallel_loop3A_1277 : vector<1x16xf32> to vector<16xf32>
        %parallel_loop3A_1279 = arith.index_cast %parallel_loop3A_1262 : i32 to index
        %parallel_loop3A_1280 = arith.constant 48 : index
        %parallel_loop3A_1281 = tpu.vector_load %arg5[%parallel_loop3A_1279, %parallel_loop3A_1280] {strides = array<i32>} : memref<10x128xf32, #tpu.memory_space<vmem>>, vector<1x16xf32>,
        %parallel_loop3A_1282 = vector.shape_cast %parallel_loop3A_1281 : vector<1x16xf32> to vector<16xf32>
        %parallel_loop3A_1283 = arith.constant 0 : i32
        %parallel_loop3A_1284 = arith.index_cast %parallel_loop3A_1283 : i32 to index
        %parallel_loop3A_1285 = arith.index_cast %parallel_loop3A_1266 : i32 to index
        %parallel_loop3A_1286 = arith.constant 0 : index
        %parallel_loop3A_1287 = tpu.vector_load %arg7[%parallel_loop3A_1284, %parallel_loop3A_1285, %parallel_loop3A_1286] {strides = array<i32>} : memref<2x256x64xf32, #tpu.memory_space<vmem>>, vector<1x1x16xf32>,
        %parallel_loop3A_1288 = vector.shape_cast %parallel_loop3A_1287 : vector<1x1x16xf32> to vector<16xf32>
        %parallel_loop3A_1289 = vector.shape_cast %parallel_loop3A_1270 : vector<16xf32> to vector<1x1x16xf32>
        tpu.vector_store %arg7[%parallel_loop3A_1284, %parallel_loop3A_1285, %parallel_loop3A_1286], %parallel_loop3A_1289 {strides = array<i32>} : memref<2x256x64xf32, #tpu.memory_space<vmem>>, vector<1x1x16xf32>,
        %parallel_loop3A_1290 = arith.constant 0 : i32
        %parallel_loop3A_1291 = arith.index_cast %parallel_loop3A_1290 : i32 to index
        %parallel_loop3A_1292 = arith.index_cast %parallel_loop3A_1266 : i32 to index
        %parallel_loop3A_1293 = arith.constant 16 : index
        %parallel_loop3A_1294 = tpu.vector_load %arg7[%parallel_loop3A_1291, %parallel_loop3A_1292, %parallel_loop3A_1293] {strides = array<i32>} : memref<2x256x64xf32, #tpu.memory_space<vmem>>, vector<1x1x16xf32>,
        %parallel_loop3A_1295 = vector.shape_cast %parallel_loop3A_1294 : vector<1x1x16xf32> to vector<16xf32>
        %parallel_loop3A_1296 = vector.shape_cast %parallel_loop3A_1274 : vector<16xf32> to vector<1x1x16xf32>
        tpu.vector_store %arg7[%parallel_loop3A_1291, %parallel_loop3A_1292, %parallel_loop3A_1293], %parallel_loop3A_1296 {strides = array<i32>} : memref<2x256x64xf32, #tpu.memory_space<vmem>>, vector<1x1x16xf32>,
        %parallel_loop3A_1297 = arith.constant 0 : i32
        %parallel_loop3A_1298 = arith.index_cast %parallel_loop3A_1297 : i32 to index
        %parallel_loop3A_1299 = arith.index_cast %parallel_loop3A_1266 : i32 to index
        %parallel_loop3A_1300 = arith.constant 32 : index
        %parallel_loop3A_1301 = tpu.vector_load %arg7[%parallel_loop3A_1298, %parallel_loop3A_1299, %parallel_loop3A_1300] {strides = array<i32>} : memref<2x256x64xf32, #tpu.memory_space<vmem>>, vector<1x1x16xf32>,
        %parallel_loop3A_1302 = vector.shape_cast %parallel_loop3A_1301 : vector<1x1x16xf32> to vector<16xf32>
        %parallel_loop3A_1303 = vector.shape_cast %parallel_loop3A_1278 : vector<16xf32> to vector<1x1x16xf32>
        tpu.vector_store %arg7[%parallel_loop3A_1298, %parallel_loop3A_1299, %parallel_loop3A_1300], %parallel_loop3A_1303 {strides = array<i32>} : memref<2x256x64xf32, #tpu.memory_space<vmem>>, vector<1x1x16xf32>,
        %parallel_loop3A_1304 = arith.constant 0 : i32
        %parallel_loop3A_1305 = arith.index_cast %parallel_loop3A_1304 : i32 to index
        %parallel_loop3A_1306 = arith.index_cast %parallel_loop3A_1266 : i32 to index
        %parallel_loop3A_1307 = arith.constant 48 : index
        %parallel_loop3A_1308 = tpu.vector_load %arg7[%parallel_loop3A_1305, %parallel_loop3A_1306, %parallel_loop3A_1307] {strides = array<i32>} : memref<2x256x64xf32, #tpu.memory_space<vmem>>, vector<1x1x16xf32>,
        %parallel_loop3A_1309 = vector.shape_cast %parallel_loop3A_1308 : vector<1x1x16xf32> to vector<16xf32>
        %parallel_loop3A_1310 = vector.shape_cast %parallel_loop3A_1282 : vector<16xf32> to vector<1x1x16xf32>
        tpu.vector_store %arg7[%parallel_loop3A_1305, %parallel_loop3A_1306, %parallel_loop3A_1307], %parallel_loop3A_1310 {strides = array<i32>} : memref<2x256x64xf32, #tpu.memory_space<vmem>>, vector<1x1x16xf32>,
        %parallel_loop3A_1311 = vector.extract_strided_slice %parallel_loop3A_960 {offsets = [7], sizes = [1], strides = [1]} : vector<16xi32> to vector<1xi32>
        %parallel_loop3A_1312 = vector.extract %parallel_loop3A_1311[0] : i32 from vector<1xi32>
        %parallel_loop3A_1313 = arith.constant 16 : i32
        %parallel_loop3A_1314 = arith.muli %parallel_loop3A_953, %parallel_loop3A_1313 : i32
        %parallel_loop3A_1315 = arith.constant 7 : i32
        %parallel_loop3A_1316 = arith.addi %parallel_loop3A_1314, %parallel_loop3A_1315 : i32
        %parallel_loop3A_1317 = arith.index_cast %parallel_loop3A_1312 : i32 to index
        %parallel_loop3A_1318 = arith.constant 0 : index
        %parallel_loop3A_1319 = tpu.vector_load %arg5[%parallel_loop3A_1317, %parallel_loop3A_1318] {strides = array<i32>} : memref<10x128xf32, #tpu.memory_space<vmem>>, vector<1x16xf32>,
        %parallel_loop3A_1320 = vector.shape_cast %parallel_loop3A_1319 : vector<1x16xf32> to vector<16xf32>
        %parallel_loop3A_1321 = arith.index_cast %parallel_loop3A_1312 : i32 to index
        %parallel_loop3A_1322 = arith.constant 16 : index
        %parallel_loop3A_1323 = tpu.vector_load %arg5[%parallel_loop3A_1321, %parallel_loop3A_1322] {strides = array<i32>} : memref<10x128xf32, #tpu.memory_space<vmem>>, vector<1x16xf32>,
        %parallel_loop3A_1324 = vector.shape_cast %parallel_loop3A_1323 : vector<1x16xf32> to vector<16xf32>
        %parallel_loop3A_1325 = arith.index_cast %parallel_loop3A_1312 : i32 to index
        %parallel_loop3A_1326 = arith.constant 32 : index
        %parallel_loop3A_1327 = tpu.vector_load %arg5[%parallel_loop3A_1325, %parallel_loop3A_1326] {strides = array<i32>} : memref<10x128xf32, #tpu.memory_space<vmem>>, vector<1x16xf32>,
        %parallel_loop3A_1328 = vector.shape_cast %parallel_loop3A_1327 : vector<1x16xf32> to vector<16xf32>
        %parallel_loop3A_1329 = arith.index_cast %parallel_loop3A_1312 : i32 to index
        %parallel_loop3A_1330 = arith.constant 48 : index
        %parallel_loop3A_1331 = tpu.vector_load %arg5[%parallel_loop3A_1329, %parallel_loop3A_1330] {strides = array<i32>} : memref<10x128xf32, #tpu.memory_space<vmem>>, vector<1x16xf32>,
        %parallel_loop3A_1332 = vector.shape_cast %parallel_loop3A_1331 : vector<1x16xf32> to vector<16xf32>
        %parallel_loop3A_1333 = arith.constant 0 : i32
        %parallel_loop3A_1334 = arith.index_cast %parallel_loop3A_1333 : i32 to index
        %parallel_loop3A_1335 = arith.index_cast %parallel_loop3A_1316 : i32 to index
        %parallel_loop3A_1336 = arith.constant 0 : index
        %parallel_loop3A_1337 = tpu.vector_load %arg7[%parallel_loop3A_1334, %parallel_loop3A_1335, %parallel_loop3A_1336] {strides = array<i32>} : memref<2x256x64xf32, #tpu.memory_space<vmem>>, vector<1x1x16xf32>,
        %parallel_loop3A_1338 = vector.shape_cast %parallel_loop3A_1337 : vector<1x1x16xf32> to vector<16xf32>
        %parallel_loop3A_1339 = vector.shape_cast %parallel_loop3A_1320 : vector<16xf32> to vector<1x1x16xf32>
        tpu.vector_store %arg7[%parallel_loop3A_1334, %parallel_loop3A_1335, %parallel_loop3A_1336], %parallel_loop3A_1339 {strides = array<i32>} : memref<2x256x64xf32, #tpu.memory_space<vmem>>, vector<1x1x16xf32>,
        %parallel_loop3A_1340 = arith.constant 0 : i32
        %parallel_loop3A_1341 = arith.index_cast %parallel_loop3A_1340 : i32 to index
        %parallel_loop3A_1342 = arith.index_cast %parallel_loop3A_1316 : i32 to index
        %parallel_loop3A_1343 = arith.constant 16 : index
        %parallel_loop3A_1344 = tpu.vector_load %arg7[%parallel_loop3A_1341, %parallel_loop3A_1342, %parallel_loop3A_1343] {strides = array<i32>} : memref<2x256x64xf32, #tpu.memory_space<vmem>>, vector<1x1x16xf32>,
        %parallel_loop3A_1345 = vector.shape_cast %parallel_loop3A_1344 : vector<1x1x16xf32> to vector<16xf32>
        %parallel_loop3A_1346 = vector.shape_cast %parallel_loop3A_1324 : vector<16xf32> to vector<1x1x16xf32>
        tpu.vector_store %arg7[%parallel_loop3A_1341, %parallel_loop3A_1342, %parallel_loop3A_1343], %parallel_loop3A_1346 {strides = array<i32>} : memref<2x256x64xf32, #tpu.memory_space<vmem>>, vector<1x1x16xf32>,
        %parallel_loop3A_1347 = arith.constant 0 : i32
        %parallel_loop3A_1348 = arith.index_cast %parallel_loop3A_1347 : i32 to index
        %parallel_loop3A_1349 = arith.index_cast %parallel_loop3A_1316 : i32 to index
        %parallel_loop3A_1350 = arith.constant 32 : index
        %parallel_loop3A_1351 = tpu.vector_load %arg7[%parallel_loop3A_1348, %parallel_loop3A_1349, %parallel_loop3A_1350] {strides = array<i32>} : memref<2x256x64xf32, #tpu.memory_space<vmem>>, vector<1x1x16xf32>,
        %parallel_loop3A_1352 = vector.shape_cast %parallel_loop3A_1351 : vector<1x1x16xf32> to vector<16xf32>
        %parallel_loop3A_1353 = vector.shape_cast %parallel_loop3A_1328 : vector<16xf32> to vector<1x1x16xf32>
        tpu.vector_store %arg7[%parallel_loop3A_1348, %parallel_loop3A_1349, %parallel_loop3A_1350], %parallel_loop3A_1353 {strides = array<i32>} : memref<2x256x64xf32, #tpu.memory_space<vmem>>, vector<1x1x16xf32>,
        %parallel_loop3A_1354 = arith.constant 0 : i32
        %parallel_loop3A_1355 = arith.index_cast %parallel_loop3A_1354 : i32 to index
        %parallel_loop3A_1356 = arith.index_cast %parallel_loop3A_1316 : i32 to index
        %parallel_loop3A_1357 = arith.constant 48 : index
        %parallel_loop3A_1358 = tpu.vector_load %arg7[%parallel_loop3A_1355, %parallel_loop3A_1356, %parallel_loop3A_1357] {strides = array<i32>} : memref<2x256x64xf32, #tpu.memory_space<vmem>>, vector<1x1x16xf32>,
        %parallel_loop3A_1359 = vector.shape_cast %parallel_loop3A_1358 : vector<1x1x16xf32> to vector<16xf32>
        %parallel_loop3A_1360 = vector.shape_cast %parallel_loop3A_1332 : vector<16xf32> to vector<1x1x16xf32>
        tpu.vector_store %arg7[%parallel_loop3A_1355, %parallel_loop3A_1356, %parallel_loop3A_1357], %parallel_loop3A_1360 {strides = array<i32>} : memref<2x256x64xf32, #tpu.memory_space<vmem>>, vector<1x1x16xf32>,
        %parallel_loop3A_1361 = vector.extract_strided_slice %parallel_loop3A_960 {offsets = [8], sizes = [1], strides = [1]} : vector<16xi32> to vector<1xi32>
        %parallel_loop3A_1362 = vector.extract %parallel_loop3A_1361[0] : i32 from vector<1xi32>
        %parallel_loop3A_1363 = arith.constant 16 : i32
        %parallel_loop3A_1364 = arith.muli %parallel_loop3A_953, %parallel_loop3A_1363 : i32
        %parallel_loop3A_1365 = arith.constant 8 : i32
        %parallel_loop3A_1366 = arith.addi %parallel_loop3A_1364, %parallel_loop3A_1365 : i32
        %parallel_loop3A_1367 = arith.index_cast %parallel_loop3A_1362 : i32 to index
        %parallel_loop3A_1368 = arith.constant 0 : index
        %parallel_loop3A_1369 = tpu.vector_load %arg5[%parallel_loop3A_1367, %parallel_loop3A_1368] {strides = array<i32>} : memref<10x128xf32, #tpu.memory_space<vmem>>, vector<1x16xf32>,
        %parallel_loop3A_1370 = vector.shape_cast %parallel_loop3A_1369 : vector<1x16xf32> to vector<16xf32>
        %parallel_loop3A_1371 = arith.index_cast %parallel_loop3A_1362 : i32 to index
        %parallel_loop3A_1372 = arith.constant 16 : index
        %parallel_loop3A_1373 = tpu.vector_load %arg5[%parallel_loop3A_1371, %parallel_loop3A_1372] {strides = array<i32>} : memref<10x128xf32, #tpu.memory_space<vmem>>, vector<1x16xf32>,
        %parallel_loop3A_1374 = vector.shape_cast %parallel_loop3A_1373 : vector<1x16xf32> to vector<16xf32>
        %parallel_loop3A_1375 = arith.index_cast %parallel_loop3A_1362 : i32 to index
        %parallel_loop3A_1376 = arith.constant 32 : index
        %parallel_loop3A_1377 = tpu.vector_load %arg5[%parallel_loop3A_1375, %parallel_loop3A_1376] {strides = array<i32>} : memref<10x128xf32, #tpu.memory_space<vmem>>, vector<1x16xf32>,
        %parallel_loop3A_1378 = vector.shape_cast %parallel_loop3A_1377 : vector<1x16xf32> to vector<16xf32>
        %parallel_loop3A_1379 = arith.index_cast %parallel_loop3A_1362 : i32 to index
        %parallel_loop3A_1380 = arith.constant 48 : index
        %parallel_loop3A_1381 = tpu.vector_load %arg5[%parallel_loop3A_1379, %parallel_loop3A_1380] {strides = array<i32>} : memref<10x128xf32, #tpu.memory_space<vmem>>, vector<1x16xf32>,
        %parallel_loop3A_1382 = vector.shape_cast %parallel_loop3A_1381 : vector<1x16xf32> to vector<16xf32>
        %parallel_loop3A_1383 = arith.constant 0 : i32
        %parallel_loop3A_1384 = arith.index_cast %parallel_loop3A_1383 : i32 to index
        %parallel_loop3A_1385 = arith.index_cast %parallel_loop3A_1366 : i32 to index
        %parallel_loop3A_1386 = arith.constant 0 : index
        %parallel_loop3A_1387 = tpu.vector_load %arg7[%parallel_loop3A_1384, %parallel_loop3A_1385, %parallel_loop3A_1386] {strides = array<i32>} : memref<2x256x64xf32, #tpu.memory_space<vmem>>, vector<1x1x16xf32>,
        %parallel_loop3A_1388 = vector.shape_cast %parallel_loop3A_1387 : vector<1x1x16xf32> to vector<16xf32>
        %parallel_loop3A_1389 = vector.shape_cast %parallel_loop3A_1370 : vector<16xf32> to vector<1x1x16xf32>
        tpu.vector_store %arg7[%parallel_loop3A_1384, %parallel_loop3A_1385, %parallel_loop3A_1386], %parallel_loop3A_1389 {strides = array<i32>} : memref<2x256x64xf32, #tpu.memory_space<vmem>>, vector<1x1x16xf32>,
        %parallel_loop3A_1390 = arith.constant 0 : i32
        %parallel_loop3A_1391 = arith.index_cast %parallel_loop3A_1390 : i32 to index
        %parallel_loop3A_1392 = arith.index_cast %parallel_loop3A_1366 : i32 to index
        %parallel_loop3A_1393 = arith.constant 16 : index
        %parallel_loop3A_1394 = tpu.vector_load %arg7[%parallel_loop3A_1391, %parallel_loop3A_1392, %parallel_loop3A_1393] {strides = array<i32>} : memref<2x256x64xf32, #tpu.memory_space<vmem>>, vector<1x1x16xf32>,
        %parallel_loop3A_1395 = vector.shape_cast %parallel_loop3A_1394 : vector<1x1x16xf32> to vector<16xf32>
        %parallel_loop3A_1396 = vector.shape_cast %parallel_loop3A_1374 : vector<16xf32> to vector<1x1x16xf32>
        tpu.vector_store %arg7[%parallel_loop3A_1391, %parallel_loop3A_1392, %parallel_loop3A_1393], %parallel_loop3A_1396 {strides = array<i32>} : memref<2x256x64xf32, #tpu.memory_space<vmem>>, vector<1x1x16xf32>,
        %parallel_loop3A_1397 = arith.constant 0 : i32
        %parallel_loop3A_1398 = arith.index_cast %parallel_loop3A_1397 : i32 to index
        %parallel_loop3A_1399 = arith.index_cast %parallel_loop3A_1366 : i32 to index
        %parallel_loop3A_1400 = arith.constant 32 : index
        %parallel_loop3A_1401 = tpu.vector_load %arg7[%parallel_loop3A_1398, %parallel_loop3A_1399, %parallel_loop3A_1400] {strides = array<i32>} : memref<2x256x64xf32, #tpu.memory_space<vmem>>, vector<1x1x16xf32>,
        %parallel_loop3A_1402 = vector.shape_cast %parallel_loop3A_1401 : vector<1x1x16xf32> to vector<16xf32>
        %parallel_loop3A_1403 = vector.shape_cast %parallel_loop3A_1378 : vector<16xf32> to vector<1x1x16xf32>
        tpu.vector_store %arg7[%parallel_loop3A_1398, %parallel_loop3A_1399, %parallel_loop3A_1400], %parallel_loop3A_1403 {strides = array<i32>} : memref<2x256x64xf32, #tpu.memory_space<vmem>>, vector<1x1x16xf32>,
        %parallel_loop3A_1404 = arith.constant 0 : i32
        %parallel_loop3A_1405 = arith.index_cast %parallel_loop3A_1404 : i32 to index
        %parallel_loop3A_1406 = arith.index_cast %parallel_loop3A_1366 : i32 to index
        %parallel_loop3A_1407 = arith.constant 48 : index
        %parallel_loop3A_1408 = tpu.vector_load %arg7[%parallel_loop3A_1405, %parallel_loop3A_1406, %parallel_loop3A_1407] {strides = array<i32>} : memref<2x256x64xf32, #tpu.memory_space<vmem>>, vector<1x1x16xf32>,
        %parallel_loop3A_1409 = vector.shape_cast %parallel_loop3A_1408 : vector<1x1x16xf32> to vector<16xf32>
        %parallel_loop3A_1410 = vector.shape_cast %parallel_loop3A_1382 : vector<16xf32> to vector<1x1x16xf32>
        tpu.vector_store %arg7[%parallel_loop3A_1405, %parallel_loop3A_1406, %parallel_loop3A_1407], %parallel_loop3A_1410 {strides = array<i32>} : memref<2x256x64xf32, #tpu.memory_space<vmem>>, vector<1x1x16xf32>,
        %parallel_loop3A_1411 = vector.extract_strided_slice %parallel_loop3A_960 {offsets = [9], sizes = [1], strides = [1]} : vector<16xi32> to vector<1xi32>
        %parallel_loop3A_1412 = vector.extract %parallel_loop3A_1411[0] : i32 from vector<1xi32>
        %parallel_loop3A_1413 = arith.constant 16 : i32
        %parallel_loop3A_1414 = arith.muli %parallel_loop3A_953, %parallel_loop3A_1413 : i32
        %parallel_loop3A_1415 = arith.constant 9 : i32
        %parallel_loop3A_1416 = arith.addi %parallel_loop3A_1414, %parallel_loop3A_1415 : i32
        %parallel_loop3A_1417 = arith.index_cast %parallel_loop3A_1412 : i32 to index
        %parallel_loop3A_1418 = arith.constant 0 : index
        %parallel_loop3A_1419 = tpu.vector_load %arg5[%parallel_loop3A_1417, %parallel_loop3A_1418] {strides = array<i32>} : memref<10x128xf32, #tpu.memory_space<vmem>>, vector<1x16xf32>,
        %parallel_loop3A_1420 = vector.shape_cast %parallel_loop3A_1419 : vector<1x16xf32> to vector<16xf32>
        %parallel_loop3A_1421 = arith.index_cast %parallel_loop3A_1412 : i32 to index
        %parallel_loop3A_1422 = arith.constant 16 : index
        %parallel_loop3A_1423 = tpu.vector_load %arg5[%parallel_loop3A_1421, %parallel_loop3A_1422] {strides = array<i32>} : memref<10x128xf32, #tpu.memory_space<vmem>>, vector<1x16xf32>,
        %parallel_loop3A_1424 = vector.shape_cast %parallel_loop3A_1423 : vector<1x16xf32> to vector<16xf32>
        %parallel_loop3A_1425 = arith.index_cast %parallel_loop3A_1412 : i32 to index
        %parallel_loop3A_1426 = arith.constant 32 : index
        %parallel_loop3A_1427 = tpu.vector_load %arg5[%parallel_loop3A_1425, %parallel_loop3A_1426] {strides = array<i32>} : memref<10x128xf32, #tpu.memory_space<vmem>>, vector<1x16xf32>,
        %parallel_loop3A_1428 = vector.shape_cast %parallel_loop3A_1427 : vector<1x16xf32> to vector<16xf32>
        %parallel_loop3A_1429 = arith.index_cast %parallel_loop3A_1412 : i32 to index
        %parallel_loop3A_1430 = arith.constant 48 : index
        %parallel_loop3A_1431 = tpu.vector_load %arg5[%parallel_loop3A_1429, %parallel_loop3A_1430] {strides = array<i32>} : memref<10x128xf32, #tpu.memory_space<vmem>>, vector<1x16xf32>,
        %parallel_loop3A_1432 = vector.shape_cast %parallel_loop3A_1431 : vector<1x16xf32> to vector<16xf32>
        %parallel_loop3A_1433 = arith.constant 0 : i32
        %parallel_loop3A_1434 = arith.index_cast %parallel_loop3A_1433 : i32 to index
        %parallel_loop3A_1435 = arith.index_cast %parallel_loop3A_1416 : i32 to index
        %parallel_loop3A_1436 = arith.constant 0 : index
        %parallel_loop3A_1437 = tpu.vector_load %arg7[%parallel_loop3A_1434, %parallel_loop3A_1435, %parallel_loop3A_1436] {strides = array<i32>} : memref<2x256x64xf32, #tpu.memory_space<vmem>>, vector<1x1x16xf32>,
        %parallel_loop3A_1438 = vector.shape_cast %parallel_loop3A_1437 : vector<1x1x16xf32> to vector<16xf32>
        %parallel_loop3A_1439 = vector.shape_cast %parallel_loop3A_1420 : vector<16xf32> to vector<1x1x16xf32>
        tpu.vector_store %arg7[%parallel_loop3A_1434, %parallel_loop3A_1435, %parallel_loop3A_1436], %parallel_loop3A_1439 {strides = array<i32>} : memref<2x256x64xf32, #tpu.memory_space<vmem>>, vector<1x1x16xf32>,
        %parallel_loop3A_1440 = arith.constant 0 : i32
        %parallel_loop3A_1441 = arith.index_cast %parallel_loop3A_1440 : i32 to index
        %parallel_loop3A_1442 = arith.index_cast %parallel_loop3A_1416 : i32 to index
        %parallel_loop3A_1443 = arith.constant 16 : index
        %parallel_loop3A_1444 = tpu.vector_load %arg7[%parallel_loop3A_1441, %parallel_loop3A_1442, %parallel_loop3A_1443] {strides = array<i32>} : memref<2x256x64xf32, #tpu.memory_space<vmem>>, vector<1x1x16xf32>,
        %parallel_loop3A_1445 = vector.shape_cast %parallel_loop3A_1444 : vector<1x1x16xf32> to vector<16xf32>
        %parallel_loop3A_1446 = vector.shape_cast %parallel_loop3A_1424 : vector<16xf32> to vector<1x1x16xf32>
        tpu.vector_store %arg7[%parallel_loop3A_1441, %parallel_loop3A_1442, %parallel_loop3A_1443], %parallel_loop3A_1446 {strides = array<i32>} : memref<2x256x64xf32, #tpu.memory_space<vmem>>, vector<1x1x16xf32>,
        %parallel_loop3A_1447 = arith.constant 0 : i32
        %parallel_loop3A_1448 = arith.index_cast %parallel_loop3A_1447 : i32 to index
        %parallel_loop3A_1449 = arith.index_cast %parallel_loop3A_1416 : i32 to index
        %parallel_loop3A_1450 = arith.constant 32 : index
        %parallel_loop3A_1451 = tpu.vector_load %arg7[%parallel_loop3A_1448, %parallel_loop3A_1449, %parallel_loop3A_1450] {strides = array<i32>} : memref<2x256x64xf32, #tpu.memory_space<vmem>>, vector<1x1x16xf32>,
        %parallel_loop3A_1452 = vector.shape_cast %parallel_loop3A_1451 : vector<1x1x16xf32> to vector<16xf32>
        %parallel_loop3A_1453 = vector.shape_cast %parallel_loop3A_1428 : vector<16xf32> to vector<1x1x16xf32>
        tpu.vector_store %arg7[%parallel_loop3A_1448, %parallel_loop3A_1449, %parallel_loop3A_1450], %parallel_loop3A_1453 {strides = array<i32>} : memref<2x256x64xf32, #tpu.memory_space<vmem>>, vector<1x1x16xf32>,
        %parallel_loop3A_1454 = arith.constant 0 : i32
        %parallel_loop3A_1455 = arith.index_cast %parallel_loop3A_1454 : i32 to index
        %parallel_loop3A_1456 = arith.index_cast %parallel_loop3A_1416 : i32 to index
        %parallel_loop3A_1457 = arith.constant 48 : index
        %parallel_loop3A_1458 = tpu.vector_load %arg7[%parallel_loop3A_1455, %parallel_loop3A_1456, %parallel_loop3A_1457] {strides = array<i32>} : memref<2x256x64xf32, #tpu.memory_space<vmem>>, vector<1x1x16xf32>,
        %parallel_loop3A_1459 = vector.shape_cast %parallel_loop3A_1458 : vector<1x1x16xf32> to vector<16xf32>
        %parallel_loop3A_1460 = vector.shape_cast %parallel_loop3A_1432 : vector<16xf32> to vector<1x1x16xf32>
        tpu.vector_store %arg7[%parallel_loop3A_1455, %parallel_loop3A_1456, %parallel_loop3A_1457], %parallel_loop3A_1460 {strides = array<i32>} : memref<2x256x64xf32, #tpu.memory_space<vmem>>, vector<1x1x16xf32>,
        %parallel_loop3A_1461 = vector.extract_strided_slice %parallel_loop3A_960 {offsets = [10], sizes = [1], strides = [1]} : vector<16xi32> to vector<1xi32>
        %parallel_loop3A_1462 = vector.extract %parallel_loop3A_1461[0] : i32 from vector<1xi32>
        %parallel_loop3A_1463 = arith.constant 16 : i32
        %parallel_loop3A_1464 = arith.muli %parallel_loop3A_953, %parallel_loop3A_1463 : i32
        %parallel_loop3A_1465 = arith.constant 10 : i32
        %parallel_loop3A_1466 = arith.addi %parallel_loop3A_1464, %parallel_loop3A_1465 : i32
        %parallel_loop3A_1467 = arith.index_cast %parallel_loop3A_1462 : i32 to index
        %parallel_loop3A_1468 = arith.constant 0 : index
        %parallel_loop3A_1469 = tpu.vector_load %arg5[%parallel_loop3A_1467, %parallel_loop3A_1468] {strides = array<i32>} : memref<10x128xf32, #tpu.memory_space<vmem>>, vector<1x16xf32>,
        %parallel_loop3A_1470 = vector.shape_cast %parallel_loop3A_1469 : vector<1x16xf32> to vector<16xf32>
        %parallel_loop3A_1471 = arith.index_cast %parallel_loop3A_1462 : i32 to index
        %parallel_loop3A_1472 = arith.constant 16 : index
        %parallel_loop3A_1473 = tpu.vector_load %arg5[%parallel_loop3A_1471, %parallel_loop3A_1472] {strides = array<i32>} : memref<10x128xf32, #tpu.memory_space<vmem>>, vector<1x16xf32>,
        %parallel_loop3A_1474 = vector.shape_cast %parallel_loop3A_1473 : vector<1x16xf32> to vector<16xf32>
        %parallel_loop3A_1475 = arith.index_cast %parallel_loop3A_1462 : i32 to index
        %parallel_loop3A_1476 = arith.constant 32 : index
        %parallel_loop3A_1477 = tpu.vector_load %arg5[%parallel_loop3A_1475, %parallel_loop3A_1476] {strides = array<i32>} : memref<10x128xf32, #tpu.memory_space<vmem>>, vector<1x16xf32>,
        %parallel_loop3A_1478 = vector.shape_cast %parallel_loop3A_1477 : vector<1x16xf32> to vector<16xf32>
        %parallel_loop3A_1479 = arith.index_cast %parallel_loop3A_1462 : i32 to index
        %parallel_loop3A_1480 = arith.constant 48 : index
        %parallel_loop3A_1481 = tpu.vector_load %arg5[%parallel_loop3A_1479, %parallel_loop3A_1480] {strides = array<i32>} : memref<10x128xf32, #tpu.memory_space<vmem>>, vector<1x16xf32>,
        %parallel_loop3A_1482 = vector.shape_cast %parallel_loop3A_1481 : vector<1x16xf32> to vector<16xf32>
        %parallel_loop3A_1483 = arith.constant 0 : i32
        %parallel_loop3A_1484 = arith.index_cast %parallel_loop3A_1483 : i32 to index
        %parallel_loop3A_1485 = arith.index_cast %parallel_loop3A_1466 : i32 to index
        %parallel_loop3A_1486 = arith.constant 0 : index
        %parallel_loop3A_1487 = tpu.vector_load %arg7[%parallel_loop3A_1484, %parallel_loop3A_1485, %parallel_loop3A_1486] {strides = array<i32>} : memref<2x256x64xf32, #tpu.memory_space<vmem>>, vector<1x1x16xf32>,
        %parallel_loop3A_1488 = vector.shape_cast %parallel_loop3A_1487 : vector<1x1x16xf32> to vector<16xf32>
        %parallel_loop3A_1489 = vector.shape_cast %parallel_loop3A_1470 : vector<16xf32> to vector<1x1x16xf32>
        tpu.vector_store %arg7[%parallel_loop3A_1484, %parallel_loop3A_1485, %parallel_loop3A_1486], %parallel_loop3A_1489 {strides = array<i32>} : memref<2x256x64xf32, #tpu.memory_space<vmem>>, vector<1x1x16xf32>,
        %parallel_loop3A_1490 = arith.constant 0 : i32
        %parallel_loop3A_1491 = arith.index_cast %parallel_loop3A_1490 : i32 to index
        %parallel_loop3A_1492 = arith.index_cast %parallel_loop3A_1466 : i32 to index
        %parallel_loop3A_1493 = arith.constant 16 : index
        %parallel_loop3A_1494 = tpu.vector_load %arg7[%parallel_loop3A_1491, %parallel_loop3A_1492, %parallel_loop3A_1493] {strides = array<i32>} : memref<2x256x64xf32, #tpu.memory_space<vmem>>, vector<1x1x16xf32>,
        %parallel_loop3A_1495 = vector.shape_cast %parallel_loop3A_1494 : vector<1x1x16xf32> to vector<16xf32>
        %parallel_loop3A_1496 = vector.shape_cast %parallel_loop3A_1474 : vector<16xf32> to vector<1x1x16xf32>
        tpu.vector_store %arg7[%parallel_loop3A_1491, %parallel_loop3A_1492, %parallel_loop3A_1493], %parallel_loop3A_1496 {strides = array<i32>} : memref<2x256x64xf32, #tpu.memory_space<vmem>>, vector<1x1x16xf32>,
        %parallel_loop3A_1497 = arith.constant 0 : i32
        %parallel_loop3A_1498 = arith.index_cast %parallel_loop3A_1497 : i32 to index
        %parallel_loop3A_1499 = arith.index_cast %parallel_loop3A_1466 : i32 to index
        %parallel_loop3A_1500 = arith.constant 32 : index
        %parallel_loop3A_1501 = tpu.vector_load %arg7[%parallel_loop3A_1498, %parallel_loop3A_1499, %parallel_loop3A_1500] {strides = array<i32>} : memref<2x256x64xf32, #tpu.memory_space<vmem>>, vector<1x1x16xf32>,
        %parallel_loop3A_1502 = vector.shape_cast %parallel_loop3A_1501 : vector<1x1x16xf32> to vector<16xf32>
        %parallel_loop3A_1503 = vector.shape_cast %parallel_loop3A_1478 : vector<16xf32> to vector<1x1x16xf32>
        tpu.vector_store %arg7[%parallel_loop3A_1498, %parallel_loop3A_1499, %parallel_loop3A_1500], %parallel_loop3A_1503 {strides = array<i32>} : memref<2x256x64xf32, #tpu.memory_space<vmem>>, vector<1x1x16xf32>,
        %parallel_loop3A_1504 = arith.constant 0 : i32
        %parallel_loop3A_1505 = arith.index_cast %parallel_loop3A_1504 : i32 to index
        %parallel_loop3A_1506 = arith.index_cast %parallel_loop3A_1466 : i32 to index
        %parallel_loop3A_1507 = arith.constant 48 : index
        %parallel_loop3A_1508 = tpu.vector_load %arg7[%parallel_loop3A_1505, %parallel_loop3A_1506, %parallel_loop3A_1507] {strides = array<i32>} : memref<2x256x64xf32, #tpu.memory_space<vmem>>, vector<1x1x16xf32>,
        %parallel_loop3A_1509 = vector.shape_cast %parallel_loop3A_1508 : vector<1x1x16xf32> to vector<16xf32>
        %parallel_loop3A_1510 = vector.shape_cast %parallel_loop3A_1482 : vector<16xf32> to vector<1x1x16xf32>
        tpu.vector_store %arg7[%parallel_loop3A_1505, %parallel_loop3A_1506, %parallel_loop3A_1507], %parallel_loop3A_1510 {strides = array<i32>} : memref<2x256x64xf32, #tpu.memory_space<vmem>>, vector<1x1x16xf32>,
        %parallel_loop3A_1511 = vector.extract_strided_slice %parallel_loop3A_960 {offsets = [11], sizes = [1], strides = [1]} : vector<16xi32> to vector<1xi32>
        %parallel_loop3A_1512 = vector.extract %parallel_loop3A_1511[0] : i32 from vector<1xi32>
        %parallel_loop3A_1513 = arith.constant 16 : i32
        %parallel_loop3A_1514 = arith.muli %parallel_loop3A_953, %parallel_loop3A_1513 : i32
        %parallel_loop3A_1515 = arith.constant 11 : i32
        %parallel_loop3A_1516 = arith.addi %parallel_loop3A_1514, %parallel_loop3A_1515 : i32
        %parallel_loop3A_1517 = arith.index_cast %parallel_loop3A_1512 : i32 to index
        %parallel_loop3A_1518 = arith.constant 0 : index
        %parallel_loop3A_1519 = tpu.vector_load %arg5[%parallel_loop3A_1517, %parallel_loop3A_1518] {strides = array<i32>} : memref<10x128xf32, #tpu.memory_space<vmem>>, vector<1x16xf32>,
        %parallel_loop3A_1520 = vector.shape_cast %parallel_loop3A_1519 : vector<1x16xf32> to vector<16xf32>
        %parallel_loop3A_1521 = arith.index_cast %parallel_loop3A_1512 : i32 to index
        %parallel_loop3A_1522 = arith.constant 16 : index
        %parallel_loop3A_1523 = tpu.vector_load %arg5[%parallel_loop3A_1521, %parallel_loop3A_1522] {strides = array<i32>} : memref<10x128xf32, #tpu.memory_space<vmem>>, vector<1x16xf32>,
        %parallel_loop3A_1524 = vector.shape_cast %parallel_loop3A_1523 : vector<1x16xf32> to vector<16xf32>
        %parallel_loop3A_1525 = arith.index_cast %parallel_loop3A_1512 : i32 to index
        %parallel_loop3A_1526 = arith.constant 32 : index
        %parallel_loop3A_1527 = tpu.vector_load %arg5[%parallel_loop3A_1525, %parallel_loop3A_1526] {strides = array<i32>} : memref<10x128xf32, #tpu.memory_space<vmem>>, vector<1x16xf32>,
        %parallel_loop3A_1528 = vector.shape_cast %parallel_loop3A_1527 : vector<1x16xf32> to vector<16xf32>
        %parallel_loop3A_1529 = arith.index_cast %parallel_loop3A_1512 : i32 to index
        %parallel_loop3A_1530 = arith.constant 48 : index
        %parallel_loop3A_1531 = tpu.vector_load %arg5[%parallel_loop3A_1529, %parallel_loop3A_1530] {strides = array<i32>} : memref<10x128xf32, #tpu.memory_space<vmem>>, vector<1x16xf32>,
        %parallel_loop3A_1532 = vector.shape_cast %parallel_loop3A_1531 : vector<1x16xf32> to vector<16xf32>
        %parallel_loop3A_1533 = arith.constant 0 : i32
        %parallel_loop3A_1534 = arith.index_cast %parallel_loop3A_1533 : i32 to index
        %parallel_loop3A_1535 = arith.index_cast %parallel_loop3A_1516 : i32 to index
        %parallel_loop3A_1536 = arith.constant 0 : index
        %parallel_loop3A_1537 = tpu.vector_load %arg7[%parallel_loop3A_1534, %parallel_loop3A_1535, %parallel_loop3A_1536] {strides = array<i32>} : memref<2x256x64xf32, #tpu.memory_space<vmem>>, vector<1x1x16xf32>,
        %parallel_loop3A_1538 = vector.shape_cast %parallel_loop3A_1537 : vector<1x1x16xf32> to vector<16xf32>
        %parallel_loop3A_1539 = vector.shape_cast %parallel_loop3A_1520 : vector<16xf32> to vector<1x1x16xf32>
        tpu.vector_store %arg7[%parallel_loop3A_1534, %parallel_loop3A_1535, %parallel_loop3A_1536], %parallel_loop3A_1539 {strides = array<i32>} : memref<2x256x64xf32, #tpu.memory_space<vmem>>, vector<1x1x16xf32>,
        %parallel_loop3A_1540 = arith.constant 0 : i32
        %parallel_loop3A_1541 = arith.index_cast %parallel_loop3A_1540 : i32 to index
        %parallel_loop3A_1542 = arith.index_cast %parallel_loop3A_1516 : i32 to index
        %parallel_loop3A_1543 = arith.constant 16 : index
        %parallel_loop3A_1544 = tpu.vector_load %arg7[%parallel_loop3A_1541, %parallel_loop3A_1542, %parallel_loop3A_1543] {strides = array<i32>} : memref<2x256x64xf32, #tpu.memory_space<vmem>>, vector<1x1x16xf32>,
        %parallel_loop3A_1545 = vector.shape_cast %parallel_loop3A_1544 : vector<1x1x16xf32> to vector<16xf32>
        %parallel_loop3A_1546 = vector.shape_cast %parallel_loop3A_1524 : vector<16xf32> to vector<1x1x16xf32>
        tpu.vector_store %arg7[%parallel_loop3A_1541, %parallel_loop3A_1542, %parallel_loop3A_1543], %parallel_loop3A_1546 {strides = array<i32>} : memref<2x256x64xf32, #tpu.memory_space<vmem>>, vector<1x1x16xf32>,
        %parallel_loop3A_1547 = arith.constant 0 : i32
        %parallel_loop3A_1548 = arith.index_cast %parallel_loop3A_1547 : i32 to index
        %parallel_loop3A_1549 = arith.index_cast %parallel_loop3A_1516 : i32 to index
        %parallel_loop3A_1550 = arith.constant 32 : index
        %parallel_loop3A_1551 = tpu.vector_load %arg7[%parallel_loop3A_1548, %parallel_loop3A_1549, %parallel_loop3A_1550] {strides = array<i32>} : memref<2x256x64xf32, #tpu.memory_space<vmem>>, vector<1x1x16xf32>,
        %parallel_loop3A_1552 = vector.shape_cast %parallel_loop3A_1551 : vector<1x1x16xf32> to vector<16xf32>
        %parallel_loop3A_1553 = vector.shape_cast %parallel_loop3A_1528 : vector<16xf32> to vector<1x1x16xf32>
        tpu.vector_store %arg7[%parallel_loop3A_1548, %parallel_loop3A_1549, %parallel_loop3A_1550], %parallel_loop3A_1553 {strides = array<i32>} : memref<2x256x64xf32, #tpu.memory_space<vmem>>, vector<1x1x16xf32>,
        %parallel_loop3A_1554 = arith.constant 0 : i32
        %parallel_loop3A_1555 = arith.index_cast %parallel_loop3A_1554 : i32 to index
        %parallel_loop3A_1556 = arith.index_cast %parallel_loop3A_1516 : i32 to index
        %parallel_loop3A_1557 = arith.constant 48 : index
        %parallel_loop3A_1558 = tpu.vector_load %arg7[%parallel_loop3A_1555, %parallel_loop3A_1556, %parallel_loop3A_1557] {strides = array<i32>} : memref<2x256x64xf32, #tpu.memory_space<vmem>>, vector<1x1x16xf32>,
        %parallel_loop3A_1559 = vector.shape_cast %parallel_loop3A_1558 : vector<1x1x16xf32> to vector<16xf32>
        %parallel_loop3A_1560 = vector.shape_cast %parallel_loop3A_1532 : vector<16xf32> to vector<1x1x16xf32>
        tpu.vector_store %arg7[%parallel_loop3A_1555, %parallel_loop3A_1556, %parallel_loop3A_1557], %parallel_loop3A_1560 {strides = array<i32>} : memref<2x256x64xf32, #tpu.memory_space<vmem>>, vector<1x1x16xf32>,
        %parallel_loop3A_1561 = vector.extract_strided_slice %parallel_loop3A_960 {offsets = [12], sizes = [1], strides = [1]} : vector<16xi32> to vector<1xi32>
        %parallel_loop3A_1562 = vector.extract %parallel_loop3A_1561[0] : i32 from vector<1xi32>
        %parallel_loop3A_1563 = arith.constant 16 : i32
        %parallel_loop3A_1564 = arith.muli %parallel_loop3A_953, %parallel_loop3A_1563 : i32
        %parallel_loop3A_1565 = arith.constant 12 : i32
        %parallel_loop3A_1566 = arith.addi %parallel_loop3A_1564, %parallel_loop3A_1565 : i32
        %parallel_loop3A_1567 = arith.index_cast %parallel_loop3A_1562 : i32 to index
        %parallel_loop3A_1568 = arith.constant 0 : index
        %parallel_loop3A_1569 = tpu.vector_load %arg5[%parallel_loop3A_1567, %parallel_loop3A_1568] {strides = array<i32>} : memref<10x128xf32, #tpu.memory_space<vmem>>, vector<1x16xf32>,
        %parallel_loop3A_1570 = vector.shape_cast %parallel_loop3A_1569 : vector<1x16xf32> to vector<16xf32>
        %parallel_loop3A_1571 = arith.index_cast %parallel_loop3A_1562 : i32 to index
        %parallel_loop3A_1572 = arith.constant 16 : index
        %parallel_loop3A_1573 = tpu.vector_load %arg5[%parallel_loop3A_1571, %parallel_loop3A_1572] {strides = array<i32>} : memref<10x128xf32, #tpu.memory_space<vmem>>, vector<1x16xf32>,
        %parallel_loop3A_1574 = vector.shape_cast %parallel_loop3A_1573 : vector<1x16xf32> to vector<16xf32>
        %parallel_loop3A_1575 = arith.index_cast %parallel_loop3A_1562 : i32 to index
        %parallel_loop3A_1576 = arith.constant 32 : index
        %parallel_loop3A_1577 = tpu.vector_load %arg5[%parallel_loop3A_1575, %parallel_loop3A_1576] {strides = array<i32>} : memref<10x128xf32, #tpu.memory_space<vmem>>, vector<1x16xf32>,
        %parallel_loop3A_1578 = vector.shape_cast %parallel_loop3A_1577 : vector<1x16xf32> to vector<16xf32>
        %parallel_loop3A_1579 = arith.index_cast %parallel_loop3A_1562 : i32 to index
        %parallel_loop3A_1580 = arith.constant 48 : index
        %parallel_loop3A_1581 = tpu.vector_load %arg5[%parallel_loop3A_1579, %parallel_loop3A_1580] {strides = array<i32>} : memref<10x128xf32, #tpu.memory_space<vmem>>, vector<1x16xf32>,
        %parallel_loop3A_1582 = vector.shape_cast %parallel_loop3A_1581 : vector<1x16xf32> to vector<16xf32>
        %parallel_loop3A_1583 = arith.constant 0 : i32
        %parallel_loop3A_1584 = arith.index_cast %parallel_loop3A_1583 : i32 to index
        %parallel_loop3A_1585 = arith.index_cast %parallel_loop3A_1566 : i32 to index
        %parallel_loop3A_1586 = arith.constant 0 : index
        %parallel_loop3A_1587 = tpu.vector_load %arg7[%parallel_loop3A_1584, %parallel_loop3A_1585, %parallel_loop3A_1586] {strides = array<i32>} : memref<2x256x64xf32, #tpu.memory_space<vmem>>, vector<1x1x16xf32>,
        %parallel_loop3A_1588 = vector.shape_cast %parallel_loop3A_1587 : vector<1x1x16xf32> to vector<16xf32>
        %parallel_loop3A_1589 = vector.shape_cast %parallel_loop3A_1570 : vector<16xf32> to vector<1x1x16xf32>
        tpu.vector_store %arg7[%parallel_loop3A_1584, %parallel_loop3A_1585, %parallel_loop3A_1586], %parallel_loop3A_1589 {strides = array<i32>} : memref<2x256x64xf32, #tpu.memory_space<vmem>>, vector<1x1x16xf32>,
        %parallel_loop3A_1590 = arith.constant 0 : i32
        %parallel_loop3A_1591 = arith.index_cast %parallel_loop3A_1590 : i32 to index
        %parallel_loop3A_1592 = arith.index_cast %parallel_loop3A_1566 : i32 to index
        %parallel_loop3A_1593 = arith.constant 16 : index
        %parallel_loop3A_1594 = tpu.vector_load %arg7[%parallel_loop3A_1591, %parallel_loop3A_1592, %parallel_loop3A_1593] {strides = array<i32>} : memref<2x256x64xf32, #tpu.memory_space<vmem>>, vector<1x1x16xf32>,
        %parallel_loop3A_1595 = vector.shape_cast %parallel_loop3A_1594 : vector<1x1x16xf32> to vector<16xf32>
        %parallel_loop3A_1596 = vector.shape_cast %parallel_loop3A_1574 : vector<16xf32> to vector<1x1x16xf32>
        tpu.vector_store %arg7[%parallel_loop3A_1591, %parallel_loop3A_1592, %parallel_loop3A_1593], %parallel_loop3A_1596 {strides = array<i32>} : memref<2x256x64xf32, #tpu.memory_space<vmem>>, vector<1x1x16xf32>,
        %parallel_loop3A_1597 = arith.constant 0 : i32
        %parallel_loop3A_1598 = arith.index_cast %parallel_loop3A_1597 : i32 to index
        %parallel_loop3A_1599 = arith.index_cast %parallel_loop3A_1566 : i32 to index
        %parallel_loop3A_1600 = arith.constant 32 : index
        %parallel_loop3A_1601 = tpu.vector_load %arg7[%parallel_loop3A_1598, %parallel_loop3A_1599, %parallel_loop3A_1600] {strides = array<i32>} : memref<2x256x64xf32, #tpu.memory_space<vmem>>, vector<1x1x16xf32>,
        %parallel_loop3A_1602 = vector.shape_cast %parallel_loop3A_1601 : vector<1x1x16xf32> to vector<16xf32>
        %parallel_loop3A_1603 = vector.shape_cast %parallel_loop3A_1578 : vector<16xf32> to vector<1x1x16xf32>
        tpu.vector_store %arg7[%parallel_loop3A_1598, %parallel_loop3A_1599, %parallel_loop3A_1600], %parallel_loop3A_1603 {strides = array<i32>} : memref<2x256x64xf32, #tpu.memory_space<vmem>>, vector<1x1x16xf32>,
        %parallel_loop3A_1604 = arith.constant 0 : i32
        %parallel_loop3A_1605 = arith.index_cast %parallel_loop3A_1604 : i32 to index
        %parallel_loop3A_1606 = arith.index_cast %parallel_loop3A_1566 : i32 to index
        %parallel_loop3A_1607 = arith.constant 48 : index
        %parallel_loop3A_1608 = tpu.vector_load %arg7[%parallel_loop3A_1605, %parallel_loop3A_1606, %parallel_loop3A_1607] {strides = array<i32>} : memref<2x256x64xf32, #tpu.memory_space<vmem>>, vector<1x1x16xf32>,
        %parallel_loop3A_1609 = vector.shape_cast %parallel_loop3A_1608 : vector<1x1x16xf32> to vector<16xf32>
        %parallel_loop3A_1610 = vector.shape_cast %parallel_loop3A_1582 : vector<16xf32> to vector<1x1x16xf32>
        tpu.vector_store %arg7[%parallel_loop3A_1605, %parallel_loop3A_1606, %parallel_loop3A_1607], %parallel_loop3A_1610 {strides = array<i32>} : memref<2x256x64xf32, #tpu.memory_space<vmem>>, vector<1x1x16xf32>,
        %parallel_loop3A_1611 = vector.extract_strided_slice %parallel_loop3A_960 {offsets = [13], sizes = [1], strides = [1]} : vector<16xi32> to vector<1xi32>
        %parallel_loop3A_1612 = vector.extract %parallel_loop3A_1611[0] : i32 from vector<1xi32>
        %parallel_loop3A_1613 = arith.constant 16 : i32
        %parallel_loop3A_1614 = arith.muli %parallel_loop3A_953, %parallel_loop3A_1613 : i32
        %parallel_loop3A_1615 = arith.constant 13 : i32
        %parallel_loop3A_1616 = arith.addi %parallel_loop3A_1614, %parallel_loop3A_1615 : i32
        %parallel_loop3A_1617 = arith.index_cast %parallel_loop3A_1612 : i32 to index
        %parallel_loop3A_1618 = arith.constant 0 : index
        %parallel_loop3A_1619 = tpu.vector_load %arg5[%parallel_loop3A_1617, %parallel_loop3A_1618] {strides = array<i32>} : memref<10x128xf32, #tpu.memory_space<vmem>>, vector<1x16xf32>,
        %parallel_loop3A_1620 = vector.shape_cast %parallel_loop3A_1619 : vector<1x16xf32> to vector<16xf32>
        %parallel_loop3A_1621 = arith.index_cast %parallel_loop3A_1612 : i32 to index
        %parallel_loop3A_1622 = arith.constant 16 : index
        %parallel_loop3A_1623 = tpu.vector_load %arg5[%parallel_loop3A_1621, %parallel_loop3A_1622] {strides = array<i32>} : memref<10x128xf32, #tpu.memory_space<vmem>>, vector<1x16xf32>,
        %parallel_loop3A_1624 = vector.shape_cast %parallel_loop3A_1623 : vector<1x16xf32> to vector<16xf32>
        %parallel_loop3A_1625 = arith.index_cast %parallel_loop3A_1612 : i32 to index
        %parallel_loop3A_1626 = arith.constant 32 : index
        %parallel_loop3A_1627 = tpu.vector_load %arg5[%parallel_loop3A_1625, %parallel_loop3A_1626] {strides = array<i32>} : memref<10x128xf32, #tpu.memory_space<vmem>>, vector<1x16xf32>,
        %parallel_loop3A_1628 = vector.shape_cast %parallel_loop3A_1627 : vector<1x16xf32> to vector<16xf32>
        %parallel_loop3A_1629 = arith.index_cast %parallel_loop3A_1612 : i32 to index
        %parallel_loop3A_1630 = arith.constant 48 : index
        %parallel_loop3A_1631 = tpu.vector_load %arg5[%parallel_loop3A_1629, %parallel_loop3A_1630] {strides = array<i32>} : memref<10x128xf32, #tpu.memory_space<vmem>>, vector<1x16xf32>,
        %parallel_loop3A_1632 = vector.shape_cast %parallel_loop3A_1631 : vector<1x16xf32> to vector<16xf32>
        %parallel_loop3A_1633 = arith.constant 0 : i32
        %parallel_loop3A_1634 = arith.index_cast %parallel_loop3A_1633 : i32 to index
        %parallel_loop3A_1635 = arith.index_cast %parallel_loop3A_1616 : i32 to index
        %parallel_loop3A_1636 = arith.constant 0 : index
        %parallel_loop3A_1637 = tpu.vector_load %arg7[%parallel_loop3A_1634, %parallel_loop3A_1635, %parallel_loop3A_1636] {strides = array<i32>} : memref<2x256x64xf32, #tpu.memory_space<vmem>>, vector<1x1x16xf32>,
        %parallel_loop3A_1638 = vector.shape_cast %parallel_loop3A_1637 : vector<1x1x16xf32> to vector<16xf32>
        %parallel_loop3A_1639 = vector.shape_cast %parallel_loop3A_1620 : vector<16xf32> to vector<1x1x16xf32>
        tpu.vector_store %arg7[%parallel_loop3A_1634, %parallel_loop3A_1635, %parallel_loop3A_1636], %parallel_loop3A_1639 {strides = array<i32>} : memref<2x256x64xf32, #tpu.memory_space<vmem>>, vector<1x1x16xf32>,
        %parallel_loop3A_1640 = arith.constant 0 : i32
        %parallel_loop3A_1641 = arith.index_cast %parallel_loop3A_1640 : i32 to index
        %parallel_loop3A_1642 = arith.index_cast %parallel_loop3A_1616 : i32 to index
        %parallel_loop3A_1643 = arith.constant 16 : index
        %parallel_loop3A_1644 = tpu.vector_load %arg7[%parallel_loop3A_1641, %parallel_loop3A_1642, %parallel_loop3A_1643] {strides = array<i32>} : memref<2x256x64xf32, #tpu.memory_space<vmem>>, vector<1x1x16xf32>,
        %parallel_loop3A_1645 = vector.shape_cast %parallel_loop3A_1644 : vector<1x1x16xf32> to vector<16xf32>
        %parallel_loop3A_1646 = vector.shape_cast %parallel_loop3A_1624 : vector<16xf32> to vector<1x1x16xf32>
        tpu.vector_store %arg7[%parallel_loop3A_1641, %parallel_loop3A_1642, %parallel_loop3A_1643], %parallel_loop3A_1646 {strides = array<i32>} : memref<2x256x64xf32, #tpu.memory_space<vmem>>, vector<1x1x16xf32>,
        %parallel_loop3A_1647 = arith.constant 0 : i32
        %parallel_loop3A_1648 = arith.index_cast %parallel_loop3A_1647 : i32 to index
        %parallel_loop3A_1649 = arith.index_cast %parallel_loop3A_1616 : i32 to index
        %parallel_loop3A_1650 = arith.constant 32 : index
        %parallel_loop3A_1651 = tpu.vector_load %arg7[%parallel_loop3A_1648, %parallel_loop3A_1649, %parallel_loop3A_1650] {strides = array<i32>} : memref<2x256x64xf32, #tpu.memory_space<vmem>>, vector<1x1x16xf32>,
        %parallel_loop3A_1652 = vector.shape_cast %parallel_loop3A_1651 : vector<1x1x16xf32> to vector<16xf32>
        %parallel_loop3A_1653 = vector.shape_cast %parallel_loop3A_1628 : vector<16xf32> to vector<1x1x16xf32>
        tpu.vector_store %arg7[%parallel_loop3A_1648, %parallel_loop3A_1649, %parallel_loop3A_1650], %parallel_loop3A_1653 {strides = array<i32>} : memref<2x256x64xf32, #tpu.memory_space<vmem>>, vector<1x1x16xf32>,
        %parallel_loop3A_1654 = arith.constant 0 : i32
        %parallel_loop3A_1655 = arith.index_cast %parallel_loop3A_1654 : i32 to index
        %parallel_loop3A_1656 = arith.index_cast %parallel_loop3A_1616 : i32 to index
        %parallel_loop3A_1657 = arith.constant 48 : index
        %parallel_loop3A_1658 = tpu.vector_load %arg7[%parallel_loop3A_1655, %parallel_loop3A_1656, %parallel_loop3A_1657] {strides = array<i32>} : memref<2x256x64xf32, #tpu.memory_space<vmem>>, vector<1x1x16xf32>,
        %parallel_loop3A_1659 = vector.shape_cast %parallel_loop3A_1658 : vector<1x1x16xf32> to vector<16xf32>
        %parallel_loop3A_1660 = vector.shape_cast %parallel_loop3A_1632 : vector<16xf32> to vector<1x1x16xf32>
        tpu.vector_store %arg7[%parallel_loop3A_1655, %parallel_loop3A_1656, %parallel_loop3A_1657], %parallel_loop3A_1660 {strides = array<i32>} : memref<2x256x64xf32, #tpu.memory_space<vmem>>, vector<1x1x16xf32>,
        %parallel_loop3A_1661 = vector.extract_strided_slice %parallel_loop3A_960 {offsets = [14], sizes = [1], strides = [1]} : vector<16xi32> to vector<1xi32>
        %parallel_loop3A_1662 = vector.extract %parallel_loop3A_1661[0] : i32 from vector<1xi32>
        %parallel_loop3A_1663 = arith.constant 16 : i32
        %parallel_loop3A_1664 = arith.muli %parallel_loop3A_953, %parallel_loop3A_1663 : i32
        %parallel_loop3A_1665 = arith.constant 14 : i32
        %parallel_loop3A_1666 = arith.addi %parallel_loop3A_1664, %parallel_loop3A_1665 : i32
        %parallel_loop3A_1667 = arith.index_cast %parallel_loop3A_1662 : i32 to index
        %parallel_loop3A_1668 = arith.constant 0 : index
        %parallel_loop3A_1669 = tpu.vector_load %arg5[%parallel_loop3A_1667, %parallel_loop3A_1668] {strides = array<i32>} : memref<10x128xf32, #tpu.memory_space<vmem>>, vector<1x16xf32>,
        %parallel_loop3A_1670 = vector.shape_cast %parallel_loop3A_1669 : vector<1x16xf32> to vector<16xf32>
        %parallel_loop3A_1671 = arith.index_cast %parallel_loop3A_1662 : i32 to index
        %parallel_loop3A_1672 = arith.constant 16 : index
        %parallel_loop3A_1673 = tpu.vector_load %arg5[%parallel_loop3A_1671, %parallel_loop3A_1672] {strides = array<i32>} : memref<10x128xf32, #tpu.memory_space<vmem>>, vector<1x16xf32>,
        %parallel_loop3A_1674 = vector.shape_cast %parallel_loop3A_1673 : vector<1x16xf32> to vector<16xf32>
        %parallel_loop3A_1675 = arith.index_cast %parallel_loop3A_1662 : i32 to index
        %parallel_loop3A_1676 = arith.constant 32 : index
        %parallel_loop3A_1677 = tpu.vector_load %arg5[%parallel_loop3A_1675, %parallel_loop3A_1676] {strides = array<i32>} : memref<10x128xf32, #tpu.memory_space<vmem>>, vector<1x16xf32>,
        %parallel_loop3A_1678 = vector.shape_cast %parallel_loop3A_1677 : vector<1x16xf32> to vector<16xf32>
        %parallel_loop3A_1679 = arith.index_cast %parallel_loop3A_1662 : i32 to index
        %parallel_loop3A_1680 = arith.constant 48 : index
        %parallel_loop3A_1681 = tpu.vector_load %arg5[%parallel_loop3A_1679, %parallel_loop3A_1680] {strides = array<i32>} : memref<10x128xf32, #tpu.memory_space<vmem>>, vector<1x16xf32>,
        %parallel_loop3A_1682 = vector.shape_cast %parallel_loop3A_1681 : vector<1x16xf32> to vector<16xf32>
        %parallel_loop3A_1683 = arith.constant 0 : i32
        %parallel_loop3A_1684 = arith.index_cast %parallel_loop3A_1683 : i32 to index
        %parallel_loop3A_1685 = arith.index_cast %parallel_loop3A_1666 : i32 to index
        %parallel_loop3A_1686 = arith.constant 0 : index
        %parallel_loop3A_1687 = tpu.vector_load %arg7[%parallel_loop3A_1684, %parallel_loop3A_1685, %parallel_loop3A_1686] {strides = array<i32>} : memref<2x256x64xf32, #tpu.memory_space<vmem>>, vector<1x1x16xf32>,
        %parallel_loop3A_1688 = vector.shape_cast %parallel_loop3A_1687 : vector<1x1x16xf32> to vector<16xf32>
        %parallel_loop3A_1689 = vector.shape_cast %parallel_loop3A_1670 : vector<16xf32> to vector<1x1x16xf32>
        tpu.vector_store %arg7[%parallel_loop3A_1684, %parallel_loop3A_1685, %parallel_loop3A_1686], %parallel_loop3A_1689 {strides = array<i32>} : memref<2x256x64xf32, #tpu.memory_space<vmem>>, vector<1x1x16xf32>,
        %parallel_loop3A_1690 = arith.constant 0 : i32
        %parallel_loop3A_1691 = arith.index_cast %parallel_loop3A_1690 : i32 to index
        %parallel_loop3A_1692 = arith.index_cast %parallel_loop3A_1666 : i32 to index
        %parallel_loop3A_1693 = arith.constant 16 : index
        %parallel_loop3A_1694 = tpu.vector_load %arg7[%parallel_loop3A_1691, %parallel_loop3A_1692, %parallel_loop3A_1693] {strides = array<i32>} : memref<2x256x64xf32, #tpu.memory_space<vmem>>, vector<1x1x16xf32>,
        %parallel_loop3A_1695 = vector.shape_cast %parallel_loop3A_1694 : vector<1x1x16xf32> to vector<16xf32>
        %parallel_loop3A_1696 = vector.shape_cast %parallel_loop3A_1674 : vector<16xf32> to vector<1x1x16xf32>
        tpu.vector_store %arg7[%parallel_loop3A_1691, %parallel_loop3A_1692, %parallel_loop3A_1693], %parallel_loop3A_1696 {strides = array<i32>} : memref<2x256x64xf32, #tpu.memory_space<vmem>>, vector<1x1x16xf32>,
        %parallel_loop3A_1697 = arith.constant 0 : i32
        %parallel_loop3A_1698 = arith.index_cast %parallel_loop3A_1697 : i32 to index
        %parallel_loop3A_1699 = arith.index_cast %parallel_loop3A_1666 : i32 to index
        %parallel_loop3A_1700 = arith.constant 32 : index
        %parallel_loop3A_1701 = tpu.vector_load %arg7[%parallel_loop3A_1698, %parallel_loop3A_1699, %parallel_loop3A_1700] {strides = array<i32>} : memref<2x256x64xf32, #tpu.memory_space<vmem>>, vector<1x1x16xf32>,
        %parallel_loop3A_1702 = vector.shape_cast %parallel_loop3A_1701 : vector<1x1x16xf32> to vector<16xf32>
        %parallel_loop3A_1703 = vector.shape_cast %parallel_loop3A_1678 : vector<16xf32> to vector<1x1x16xf32>
        tpu.vector_store %arg7[%parallel_loop3A_1698, %parallel_loop3A_1699, %parallel_loop3A_1700], %parallel_loop3A_1703 {strides = array<i32>} : memref<2x256x64xf32, #tpu.memory_space<vmem>>, vector<1x1x16xf32>,
        %parallel_loop3A_1704 = arith.constant 0 : i32
        %parallel_loop3A_1705 = arith.index_cast %parallel_loop3A_1704 : i32 to index
        %parallel_loop3A_1706 = arith.index_cast %parallel_loop3A_1666 : i32 to index
        %parallel_loop3A_1707 = arith.constant 48 : index
        %parallel_loop3A_1708 = tpu.vector_load %arg7[%parallel_loop3A_1705, %parallel_loop3A_1706, %parallel_loop3A_1707] {strides = array<i32>} : memref<2x256x64xf32, #tpu.memory_space<vmem>>, vector<1x1x16xf32>,
        %parallel_loop3A_1709 = vector.shape_cast %parallel_loop3A_1708 : vector<1x1x16xf32> to vector<16xf32>
        %parallel_loop3A_1710 = vector.shape_cast %parallel_loop3A_1682 : vector<16xf32> to vector<1x1x16xf32>
        tpu.vector_store %arg7[%parallel_loop3A_1705, %parallel_loop3A_1706, %parallel_loop3A_1707], %parallel_loop3A_1710 {strides = array<i32>} : memref<2x256x64xf32, #tpu.memory_space<vmem>>, vector<1x1x16xf32>,
        %parallel_loop3A_1711 = vector.extract_strided_slice %parallel_loop3A_960 {offsets = [15], sizes = [1], strides = [1]} : vector<16xi32> to vector<1xi32>
        %parallel_loop3A_1712 = vector.extract %parallel_loop3A_1711[0] : i32 from vector<1xi32>
        %parallel_loop3A_1713 = arith.constant 16 : i32
        %parallel_loop3A_1714 = arith.muli %parallel_loop3A_953, %parallel_loop3A_1713 : i32
        %parallel_loop3A_1715 = arith.constant 15 : i32
        %parallel_loop3A_1716 = arith.addi %parallel_loop3A_1714, %parallel_loop3A_1715 : i32
        %parallel_loop3A_1717 = arith.index_cast %parallel_loop3A_1712 : i32 to index
        %parallel_loop3A_1718 = arith.constant 0 : index
        %parallel_loop3A_1719 = tpu.vector_load %arg5[%parallel_loop3A_1717, %parallel_loop3A_1718] {strides = array<i32>} : memref<10x128xf32, #tpu.memory_space<vmem>>, vector<1x16xf32>,
        %parallel_loop3A_1720 = vector.shape_cast %parallel_loop3A_1719 : vector<1x16xf32> to vector<16xf32>
        %parallel_loop3A_1721 = arith.index_cast %parallel_loop3A_1712 : i32 to index
        %parallel_loop3A_1722 = arith.constant 16 : index
        %parallel_loop3A_1723 = tpu.vector_load %arg5[%parallel_loop3A_1721, %parallel_loop3A_1722] {strides = array<i32>} : memref<10x128xf32, #tpu.memory_space<vmem>>, vector<1x16xf32>,
        %parallel_loop3A_1724 = vector.shape_cast %parallel_loop3A_1723 : vector<1x16xf32> to vector<16xf32>
        %parallel_loop3A_1725 = arith.index_cast %parallel_loop3A_1712 : i32 to index
        %parallel_loop3A_1726 = arith.constant 32 : index
        %parallel_loop3A_1727 = tpu.vector_load %arg5[%parallel_loop3A_1725, %parallel_loop3A_1726] {strides = array<i32>} : memref<10x128xf32, #tpu.memory_space<vmem>>, vector<1x16xf32>,
        %parallel_loop3A_1728 = vector.shape_cast %parallel_loop3A_1727 : vector<1x16xf32> to vector<16xf32>
        %parallel_loop3A_1729 = arith.index_cast %parallel_loop3A_1712 : i32 to index
        %parallel_loop3A_1730 = arith.constant 48 : index
        %parallel_loop3A_1731 = tpu.vector_load %arg5[%parallel_loop3A_1729, %parallel_loop3A_1730] {strides = array<i32>} : memref<10x128xf32, #tpu.memory_space<vmem>>, vector<1x16xf32>,
        %parallel_loop3A_1732 = vector.shape_cast %parallel_loop3A_1731 : vector<1x16xf32> to vector<16xf32>
        %parallel_loop3A_1733 = arith.constant 0 : i32
        %parallel_loop3A_1734 = arith.index_cast %parallel_loop3A_1733 : i32 to index
        %parallel_loop3A_1735 = arith.index_cast %parallel_loop3A_1716 : i32 to index
        %parallel_loop3A_1736 = arith.constant 0 : index
        %parallel_loop3A_1737 = tpu.vector_load %arg7[%parallel_loop3A_1734, %parallel_loop3A_1735, %parallel_loop3A_1736] {strides = array<i32>} : memref<2x256x64xf32, #tpu.memory_space<vmem>>, vector<1x1x16xf32>,
        %parallel_loop3A_1738 = vector.shape_cast %parallel_loop3A_1737 : vector<1x1x16xf32> to vector<16xf32>
        %parallel_loop3A_1739 = vector.shape_cast %parallel_loop3A_1720 : vector<16xf32> to vector<1x1x16xf32>
        tpu.vector_store %arg7[%parallel_loop3A_1734, %parallel_loop3A_1735, %parallel_loop3A_1736], %parallel_loop3A_1739 {strides = array<i32>} : memref<2x256x64xf32, #tpu.memory_space<vmem>>, vector<1x1x16xf32>,
        %parallel_loop3A_1740 = arith.constant 0 : i32
        %parallel_loop3A_1741 = arith.index_cast %parallel_loop3A_1740 : i32 to index
        %parallel_loop3A_1742 = arith.index_cast %parallel_loop3A_1716 : i32 to index
        %parallel_loop3A_1743 = arith.constant 16 : index
        %parallel_loop3A_1744 = tpu.vector_load %arg7[%parallel_loop3A_1741, %parallel_loop3A_1742, %parallel_loop3A_1743] {strides = array<i32>} : memref<2x256x64xf32, #tpu.memory_space<vmem>>, vector<1x1x16xf32>,
        %parallel_loop3A_1745 = vector.shape_cast %parallel_loop3A_1744 : vector<1x1x16xf32> to vector<16xf32>
        %parallel_loop3A_1746 = vector.shape_cast %parallel_loop3A_1724 : vector<16xf32> to vector<1x1x16xf32>
        tpu.vector_store %arg7[%parallel_loop3A_1741, %parallel_loop3A_1742, %parallel_loop3A_1743], %parallel_loop3A_1746 {strides = array<i32>} : memref<2x256x64xf32, #tpu.memory_space<vmem>>, vector<1x1x16xf32>,
        %parallel_loop3A_1747 = arith.constant 0 : i32
        %parallel_loop3A_1748 = arith.index_cast %parallel_loop3A_1747 : i32 to index
        %parallel_loop3A_1749 = arith.index_cast %parallel_loop3A_1716 : i32 to index
        %parallel_loop3A_1750 = arith.constant 32 : index
        %parallel_loop3A_1751 = tpu.vector_load %arg7[%parallel_loop3A_1748, %parallel_loop3A_1749, %parallel_loop3A_1750] {strides = array<i32>} : memref<2x256x64xf32, #tpu.memory_space<vmem>>, vector<1x1x16xf32>,
        %parallel_loop3A_1752 = vector.shape_cast %parallel_loop3A_1751 : vector<1x1x16xf32> to vector<16xf32>
        %parallel_loop3A_1753 = vector.shape_cast %parallel_loop3A_1728 : vector<16xf32> to vector<1x1x16xf32>
        tpu.vector_store %arg7[%parallel_loop3A_1748, %parallel_loop3A_1749, %parallel_loop3A_1750], %parallel_loop3A_1753 {strides = array<i32>} : memref<2x256x64xf32, #tpu.memory_space<vmem>>, vector<1x1x16xf32>,
        %parallel_loop3A_1754 = arith.constant 0 : i32
        %parallel_loop3A_1755 = arith.index_cast %parallel_loop3A_1754 : i32 to index
        %parallel_loop3A_1756 = arith.index_cast %parallel_loop3A_1716 : i32 to index
        %parallel_loop3A_1757 = arith.constant 48 : index
        %parallel_loop3A_1758 = tpu.vector_load %arg7[%parallel_loop3A_1755, %parallel_loop3A_1756, %parallel_loop3A_1757] {strides = array<i32>} : memref<2x256x64xf32, #tpu.memory_space<vmem>>, vector<1x1x16xf32>,
        %parallel_loop3A_1759 = vector.shape_cast %parallel_loop3A_1758 : vector<1x1x16xf32> to vector<16xf32>
        %parallel_loop3A_1760 = vector.shape_cast %parallel_loop3A_1732 : vector<16xf32> to vector<1x1x16xf32>
        tpu.vector_store %arg7[%parallel_loop3A_1755, %parallel_loop3A_1756, %parallel_loop3A_1757], %parallel_loop3A_1760 {strides = array<i32>} : memref<2x256x64xf32, #tpu.memory_space<vmem>>, vector<1x1x16xf32>,
      } {sc.loop_unroll_factor = 4 : i64, sc.parallel_access}
      %jit3A = arith.constant 4 : i32
      %div3A = arith.divsi %add3A_422, %jit3A : i32
      %sign3A = arith.constant 0 : i32
      %sign3A_440 = arith.cmpi sgt, %add3A_422, %sign3A : i32
      %sign3A_441 = arith.extui %sign3A_440 : i1 to i32
      %sign3A_442 = arith.constant 0 : i32
      %sign3A_443 = arith.cmpi slt, %add3A_422, %sign3A_442 : i32
      %sign3A_444 = arith.extui %sign3A_443 : i1 to i32
      %sign3A_445 = arith.subi %sign3A_441, %sign3A_444 : i32
      %sign3A_446 = arith.constant 0 : i32
      %sign3A_447 = arith.cmpi sgt, %jit3A, %sign3A_446 : i32
      %sign3A_448 = arith.extui %sign3A_447 : i1 to i32
      %sign3A_449 = arith.constant 0 : i32
      %sign3A_450 = arith.cmpi slt, %jit3A, %sign3A_449 : i32
      %sign3A_451 = arith.extui %sign3A_450 : i1 to i32
      %sign3A_452 = arith.subi %sign3A_448, %sign3A_451 : i32
      %ne3A = arith.cmpi ne, %sign3A_445, %sign3A_452 : i32
      %rem3A = arith.remsi %add3A_422, %jit3A : i32
      %ne3A_453 = arith.constant 0 : i32
      %ne3A_454 = arith.cmpi ne, %rem3A, %ne3A_453 : i32
      %and3A = arith.andi %ne3A, %ne3A_454 : i1
      %sub3A = arith.constant 1 : i32
      %sub3A_455 = arith.subi %div3A, %sub3A : i32
      %select_n3A = arith.select %and3A, %sub3A_455, %div3A : i32
      %add3A_456 = arith.addi %mul3A_4, %select_n3A : i32
      %jit3A_457 = arith.constant 4 : i32
      %eq3A = arith.constant 0 : i32
      %eq3A_458 = arith.cmpi eq, %jit3A_457, %eq3A : i32
      %jit3A_459 = arith.constant 1 : i32
      %select_n3A_460 = arith.select %eq3A_458, %jit3A_459, %jit3A_457 : i32
      %rem3A_461 = arith.remsi %add3A_422, %select_n3A_460 : i32
      %ne3A_462 = arith.constant 0 : i32
      %ne3A_463 = arith.cmpi ne, %rem3A_461, %ne3A_462 : i32
      %lt3A = arith.constant 0 : i32
      %lt3A_464 = arith.cmpi slt, %rem3A_461, %lt3A : i32
      %lt3A_465 = arith.constant 0 : i32
      %lt3A_466 = arith.cmpi slt, %select_n3A_460, %lt3A_465 : i32
      %ne3A_467 = arith.xori %lt3A_464, %lt3A_466 : i1
      %and3A_468 = arith.andi %ne3A_467, %ne3A_463 : i1
      %add3A_469 = arith.addi %rem3A_461, %select_n3A_460 : i32
      %select_n3A_470 = arith.select %and3A_468, %add3A_469, %rem3A_461 : i32
      %mul3A_471 = arith.constant 8 : i32
      %mul3A_472 = arith.muli %select_n3A_470, %mul3A_471 : i32
      %add3A_473 = arith.constant 0 : i32
      %add3A_474 = arith.addi %mul3A_472, %add3A_473 : i32
      %add3A_475 = arith.constant 1 : i32
      %add3A_476 = arith.addi %mul3A_472, %add3A_475 : i32
      %add3A_477 = arith.constant 2 : i32
      %add3A_478 = arith.addi %mul3A_472, %add3A_477 : i32
      %add3A_479 = arith.constant 3 : i32
      %add3A_480 = arith.addi %mul3A_472, %add3A_479 : i32
      %add3A_481 = arith.constant 4 : i32
      %add3A_482 = arith.addi %mul3A_472, %add3A_481 : i32
      %add3A_483 = arith.constant 5 : i32
      %add3A_484 = arith.addi %mul3A_472, %add3A_483 : i32
      %add3A_485 = arith.constant 6 : i32
      %add3A_486 = arith.addi %mul3A_472, %add3A_485 : i32
      %add3A_487 = arith.constant 7 : i32
      %add3A_488 = arith.addi %mul3A_472, %add3A_487 : i32
      %dma_start3A_489 = arith.constant 0 : i32
      %dma_start3A_490 = arith.constant 0 : i32
      %dma_start3A_491 = arith.constant 0 : i32
      %dma_start3A_492 = tpu.memref_slice %arg7[%dma_start3A_489, %dma_start3A_490, %dma_start3A_491] : memref<2x256x64xf32, #tpu.memory_space<vmem>> -> memref<1x256x64xf32, #tpu.memory_space<vmem>>
      %dma_start3A_493 = tpu.memref_squeeze %dma_start3A_492 : memref<1x256x64xf32, #tpu.memory_space<vmem>> -> memref<256x64xf32, #tpu.memory_space<vmem>>
      %dma_start3A_494 = arith.constant 0 : i32
      %dma_start3A_495 = arith.constant 0 : i32
      %dma_start3A_496 = tpu.memref_slice %dma_start3A_493[%dma_start3A_494, %dma_start3A_495] : memref<256x64xf32, #tpu.memory_space<vmem>> -> memref<32x64xf32, #tpu.memory_space<vmem>>
      %dma_start3A_497 = arith.constant 0 : i32
      %dma_start3A_498 = arith.constant 0 : i32
      %dma_start3A_499 = tpu.memref_slice %arg4[%add3A_456, %add3A_474, %dma_start3A_497, %dma_start3A_498] : memref<2048x32x32x64xf32, #tpu.memory_space<hbm>> -> memref<1x1x32x64xf32, #tpu.memory_space<hbm>>
      %dma_start3A_500 = tpu.memref_squeeze %dma_start3A_499 : memref<1x1x32x64xf32, #tpu.memory_space<hbm>> -> memref<32x64xf32, #tpu.memory_space<hbm>>
      %dma_start3A_501 = arith.constant 0 : i32
      %dma_start3A_502 = arith.constant 0 : i32
      %dma_start3A_503 = tpu.memref_slice %arg4[%add3A_456, %add3A_474, %dma_start3A_501, %dma_start3A_502] : memref<2048x32x32x64xf32, #tpu.memory_space<hbm>> -> memref<1x1x32x64xf32, #tpu.memory_space<hbm>>
      %dma_start3A_504 = tpu.memref_squeeze %dma_start3A_503 : memref<1x1x32x64xf32, #tpu.memory_space<hbm>> -> memref<32x64xf32, #tpu.memory_space<hbm>>
      %dma_start3A_505 = arith.constant 0 : i32
      %dma_start3A_506 = arith.constant 0 : i32
      %dma_start3A_507 = tpu.memref_slice %arg7[%dma_start3A_489, %dma_start3A_505, %dma_start3A_506] : memref<2x256x64xf32, #tpu.memory_space<vmem>> -> memref<1x256x64xf32, #tpu.memory_space<vmem>>
      %dma_start3A_508 = tpu.memref_squeeze %dma_start3A_507 : memref<1x256x64xf32, #tpu.memory_space<vmem>> -> memref<256x64xf32, #tpu.memory_space<vmem>>
      %dma_start3A_509 = arith.constant 0 : i32
      %dma_start3A_510 = arith.constant 0 : i32
      %dma_start3A_511 = tpu.memref_slice %dma_start3A_508[%dma_start3A_509, %dma_start3A_510] : memref<256x64xf32, #tpu.memory_space<vmem>> -> memref<32x64xf32, #tpu.memory_space<vmem>>
      tpu.enqueue_dma source(%dma_start3A_511 : memref<32x64xf32, #tpu.memory_space<vmem>>) target(%dma_start3A_504 : memref<32x64xf32, #tpu.memory_space<hbm>>) target_semaphore(%arg11 : memref<!tpu.dma_semaphore, #tpu.memory_space<semaphore_mem>>)
      %dma_start3A_512 = arith.constant 0 : i32
      %dma_start3A_513 = arith.constant 0 : i32
      %dma_start3A_514 = arith.constant 0 : i32
      %dma_start3A_515 = tpu.memref_slice %arg7[%dma_start3A_512, %dma_start3A_513, %dma_start3A_514] : memref<2x256x64xf32, #tpu.memory_space<vmem>> -> memref<1x256x64xf32, #tpu.memory_space<vmem>>
      %dma_start3A_516 = tpu.memref_squeeze %dma_start3A_515 : memref<1x256x64xf32, #tpu.memory_space<vmem>> -> memref<256x64xf32, #tpu.memory_space<vmem>>
      %dma_start3A_517 = arith.constant 32 : i32
      %dma_start3A_518 = arith.constant 0 : i32
      %dma_start3A_519 = tpu.memref_slice %dma_start3A_516[%dma_start3A_517, %dma_start3A_518] : memref<256x64xf32, #tpu.memory_space<vmem>> -> memref<32x64xf32, #tpu.memory_space<vmem>>
      %dma_start3A_520 = arith.constant 0 : i32
      %dma_start3A_521 = arith.constant 0 : i32
      %dma_start3A_522 = tpu.memref_slice %arg4[%add3A_456, %add3A_476, %dma_start3A_520, %dma_start3A_521] : memref<2048x32x32x64xf32, #tpu.memory_space<hbm>> -> memref<1x1x32x64xf32, #tpu.memory_space<hbm>>
      %dma_start3A_523 = tpu.memref_squeeze %dma_start3A_522 : memref<1x1x32x64xf32, #tpu.memory_space<hbm>> -> memref<32x64xf32, #tpu.memory_space<hbm>>
      %dma_start3A_524 = arith.constant 0 : i32
      %dma_start3A_525 = arith.constant 0 : i32
      %dma_start3A_526 = tpu.memref_slice %arg4[%add3A_456, %add3A_476, %dma_start3A_524, %dma_start3A_525] : memref<2048x32x32x64xf32, #tpu.memory_space<hbm>> -> memref<1x1x32x64xf32, #tpu.memory_space<hbm>>
      %dma_start3A_527 = tpu.memref_squeeze %dma_start3A_526 : memref<1x1x32x64xf32, #tpu.memory_space<hbm>> -> memref<32x64xf32, #tpu.memory_space<hbm>>
      %dma_start3A_528 = arith.constant 0 : i32
      %dma_start3A_529 = arith.constant 0 : i32
      %dma_start3A_530 = tpu.memref_slice %arg7[%dma_start3A_512, %dma_start3A_528, %dma_start3A_529] : memref<2x256x64xf32, #tpu.memory_space<vmem>> -> memref<1x256x64xf32, #tpu.memory_space<vmem>>
      %dma_start3A_531 = tpu.memref_squeeze %dma_start3A_530 : memref<1x256x64xf32, #tpu.memory_space<vmem>> -> memref<256x64xf32, #tpu.memory_space<vmem>>
      %dma_start3A_532 = arith.constant 32 : i32
      %dma_start3A_533 = arith.constant 0 : i32
      %dma_start3A_534 = tpu.memref_slice %dma_start3A_531[%dma_start3A_532, %dma_start3A_533] : memref<256x64xf32, #tpu.memory_space<vmem>> -> memref<32x64xf32, #tpu.memory_space<vmem>>
      tpu.enqueue_dma source(%dma_start3A_534 : memref<32x64xf32, #tpu.memory_space<vmem>>) target(%dma_start3A_527 : memref<32x64xf32, #tpu.memory_space<hbm>>) target_semaphore(%arg11 : memref<!tpu.dma_semaphore, #tpu.memory_space<semaphore_mem>>)
      %dma_start3A_535 = arith.constant 0 : i32
      %dma_start3A_536 = arith.constant 0 : i32
      %dma_start3A_537 = arith.constant 0 : i32
      %dma_start3A_538 = tpu.memref_slice %arg7[%dma_start3A_535, %dma_start3A_536, %dma_start3A_537] : memref<2x256x64xf32, #tpu.memory_space<vmem>> -> memref<1x256x64xf32, #tpu.memory_space<vmem>>
      %dma_start3A_539 = tpu.memref_squeeze %dma_start3A_538 : memref<1x256x64xf32, #tpu.memory_space<vmem>> -> memref<256x64xf32, #tpu.memory_space<vmem>>
      %dma_start3A_540 = arith.constant 64 : i32
      %dma_start3A_541 = arith.constant 0 : i32
      %dma_start3A_542 = tpu.memref_slice %dma_start3A_539[%dma_start3A_540, %dma_start3A_541] : memref<256x64xf32, #tpu.memory_space<vmem>> -> memref<32x64xf32, #tpu.memory_space<vmem>>
      %dma_start3A_543 = arith.constant 0 : i32
      %dma_start3A_544 = arith.constant 0 : i32
      %dma_start3A_545 = tpu.memref_slice %arg4[%add3A_456, %add3A_478, %dma_start3A_543, %dma_start3A_544] : memref<2048x32x32x64xf32, #tpu.memory_space<hbm>> -> memref<1x1x32x64xf32, #tpu.memory_space<hbm>>
      %dma_start3A_546 = tpu.memref_squeeze %dma_start3A_545 : memref<1x1x32x64xf32, #tpu.memory_space<hbm>> -> memref<32x64xf32, #tpu.memory_space<hbm>>
      %dma_start3A_547 = arith.constant 0 : i32
      %dma_start3A_548 = arith.constant 0 : i32
      %dma_start3A_549 = tpu.memref_slice %arg4[%add3A_456, %add3A_478, %dma_start3A_547, %dma_start3A_548] : memref<2048x32x32x64xf32, #tpu.memory_space<hbm>> -> memref<1x1x32x64xf32, #tpu.memory_space<hbm>>
      %dma_start3A_550 = tpu.memref_squeeze %dma_start3A_549 : memref<1x1x32x64xf32, #tpu.memory_space<hbm>> -> memref<32x64xf32, #tpu.memory_space<hbm>>
      %dma_start3A_551 = arith.constant 0 : i32
      %dma_start3A_552 = arith.constant 0 : i32
      %dma_start3A_553 = tpu.memref_slice %arg7[%dma_start3A_535, %dma_start3A_551, %dma_start3A_552] : memref<2x256x64xf32, #tpu.memory_space<vmem>> -> memref<1x256x64xf32, #tpu.memory_space<vmem>>
      %dma_start3A_554 = tpu.memref_squeeze %dma_start3A_553 : memref<1x256x64xf32, #tpu.memory_space<vmem>> -> memref<256x64xf32, #tpu.memory_space<vmem>>
      %dma_start3A_555 = arith.constant 64 : i32
      %dma_start3A_556 = arith.constant 0 : i32
      %dma_start3A_557 = tpu.memref_slice %dma_start3A_554[%dma_start3A_555, %dma_start3A_556] : memref<256x64xf32, #tpu.memory_space<vmem>> -> memref<32x64xf32, #tpu.memory_space<vmem>>
      tpu.enqueue_dma source(%dma_start3A_557 : memref<32x64xf32, #tpu.memory_space<vmem>>) target(%dma_start3A_550 : memref<32x64xf32, #tpu.memory_space<hbm>>) target_semaphore(%arg11 : memref<!tpu.dma_semaphore, #tpu.memory_space<semaphore_mem>>)
      %dma_start3A_558 = arith.constant 0 : i32
      %dma_start3A_559 = arith.constant 0 : i32
      %dma_start3A_560 = arith.constant 0 : i32
      %dma_start3A_561 = tpu.memref_slice %arg7[%dma_start3A_558, %dma_start3A_559, %dma_start3A_560] : memref<2x256x64xf32, #tpu.memory_space<vmem>> -> memref<1x256x64xf32, #tpu.memory_space<vmem>>
      %dma_start3A_562 = tpu.memref_squeeze %dma_start3A_561 : memref<1x256x64xf32, #tpu.memory_space<vmem>> -> memref<256x64xf32, #tpu.memory_space<vmem>>
      %dma_start3A_563 = arith.constant 96 : i32
      %dma_start3A_564 = arith.constant 0 : i32
      %dma_start3A_565 = tpu.memref_slice %dma_start3A_562[%dma_start3A_563, %dma_start3A_564] : memref<256x64xf32, #tpu.memory_space<vmem>> -> memref<32x64xf32, #tpu.memory_space<vmem>>
      %dma_start3A_566 = arith.constant 0 : i32
      %dma_start3A_567 = arith.constant 0 : i32
      %dma_start3A_568 = tpu.memref_slice %arg4[%add3A_456, %add3A_480, %dma_start3A_566, %dma_start3A_567] : memref<2048x32x32x64xf32, #tpu.memory_space<hbm>> -> memref<1x1x32x64xf32, #tpu.memory_space<hbm>>
      %dma_start3A_569 = tpu.memref_squeeze %dma_start3A_568 : memref<1x1x32x64xf32, #tpu.memory_space<hbm>> -> memref<32x64xf32, #tpu.memory_space<hbm>>
      %dma_start3A_570 = arith.constant 0 : i32
      %dma_start3A_571 = arith.constant 0 : i32
      %dma_start3A_572 = tpu.memref_slice %arg4[%add3A_456, %add3A_480, %dma_start3A_570, %dma_start3A_571] : memref<2048x32x32x64xf32, #tpu.memory_space<hbm>> -> memref<1x1x32x64xf32, #tpu.memory_space<hbm>>
      %dma_start3A_573 = tpu.memref_squeeze %dma_start3A_572 : memref<1x1x32x64xf32, #tpu.memory_space<hbm>> -> memref<32x64xf32, #tpu.memory_space<hbm>>
      %dma_start3A_574 = arith.constant 0 : i32
      %dma_start3A_575 = arith.constant 0 : i32
      %dma_start3A_576 = tpu.memref_slice %arg7[%dma_start3A_558, %dma_start3A_574, %dma_start3A_575] : memref<2x256x64xf32, #tpu.memory_space<vmem>> -> memref<1x256x64xf32, #tpu.memory_space<vmem>>
      %dma_start3A_577 = tpu.memref_squeeze %dma_start3A_576 : memref<1x256x64xf32, #tpu.memory_space<vmem>> -> memref<256x64xf32, #tpu.memory_space<vmem>>
      %dma_start3A_578 = arith.constant 96 : i32
      %dma_start3A_579 = arith.constant 0 : i32
      %dma_start3A_580 = tpu.memref_slice %dma_start3A_577[%dma_start3A_578, %dma_start3A_579] : memref<256x64xf32, #tpu.memory_space<vmem>> -> memref<32x64xf32, #tpu.memory_space<vmem>>
      tpu.enqueue_dma source(%dma_start3A_580 : memref<32x64xf32, #tpu.memory_space<vmem>>) target(%dma_start3A_573 : memref<32x64xf32, #tpu.memory_space<hbm>>) target_semaphore(%arg11 : memref<!tpu.dma_semaphore, #tpu.memory_space<semaphore_mem>>)
      %dma_start3A_581 = arith.constant 0 : i32
      %dma_start3A_582 = arith.constant 0 : i32
      %dma_start3A_583 = arith.constant 0 : i32
      %dma_start3A_584 = tpu.memref_slice %arg7[%dma_start3A_581, %dma_start3A_582, %dma_start3A_583] : memref<2x256x64xf32, #tpu.memory_space<vmem>> -> memref<1x256x64xf32, #tpu.memory_space<vmem>>
      %dma_start3A_585 = tpu.memref_squeeze %dma_start3A_584 : memref<1x256x64xf32, #tpu.memory_space<vmem>> -> memref<256x64xf32, #tpu.memory_space<vmem>>
      %dma_start3A_586 = arith.constant 128 : i32
      %dma_start3A_587 = arith.constant 0 : i32
      %dma_start3A_588 = tpu.memref_slice %dma_start3A_585[%dma_start3A_586, %dma_start3A_587] : memref<256x64xf32, #tpu.memory_space<vmem>> -> memref<32x64xf32, #tpu.memory_space<vmem>>
      %dma_start3A_589 = arith.constant 0 : i32
      %dma_start3A_590 = arith.constant 0 : i32
      %dma_start3A_591 = tpu.memref_slice %arg4[%add3A_456, %add3A_482, %dma_start3A_589, %dma_start3A_590] : memref<2048x32x32x64xf32, #tpu.memory_space<hbm>> -> memref<1x1x32x64xf32, #tpu.memory_space<hbm>>
      %dma_start3A_592 = tpu.memref_squeeze %dma_start3A_591 : memref<1x1x32x64xf32, #tpu.memory_space<hbm>> -> memref<32x64xf32, #tpu.memory_space<hbm>>
      %dma_start3A_593 = arith.constant 0 : i32
      %dma_start3A_594 = arith.constant 0 : i32
      %dma_start3A_595 = tpu.memref_slice %arg4[%add3A_456, %add3A_482, %dma_start3A_593, %dma_start3A_594] : memref<2048x32x32x64xf32, #tpu.memory_space<hbm>> -> memref<1x1x32x64xf32, #tpu.memory_space<hbm>>
      %dma_start3A_596 = tpu.memref_squeeze %dma_start3A_595 : memref<1x1x32x64xf32, #tpu.memory_space<hbm>> -> memref<32x64xf32, #tpu.memory_space<hbm>>
      %dma_start3A_597 = arith.constant 0 : i32
      %dma_start3A_598 = arith.constant 0 : i32
      %dma_start3A_599 = tpu.memref_slice %arg7[%dma_start3A_581, %dma_start3A_597, %dma_start3A_598] : memref<2x256x64xf32, #tpu.memory_space<vmem>> -> memref<1x256x64xf32, #tpu.memory_space<vmem>>
      %dma_start3A_600 = tpu.memref_squeeze %dma_start3A_599 : memref<1x256x64xf32, #tpu.memory_space<vmem>> -> memref<256x64xf32, #tpu.memory_space<vmem>>
      %dma_start3A_601 = arith.constant 128 : i32
      %dma_start3A_602 = arith.constant 0 : i32
      %dma_start3A_603 = tpu.memref_slice %dma_start3A_600[%dma_start3A_601, %dma_start3A_602] : memref<256x64xf32, #tpu.memory_space<vmem>> -> memref<32x64xf32, #tpu.memory_space<vmem>>
      tpu.enqueue_dma source(%dma_start3A_603 : memref<32x64xf32, #tpu.memory_space<vmem>>) target(%dma_start3A_596 : memref<32x64xf32, #tpu.memory_space<hbm>>) target_semaphore(%arg11 : memref<!tpu.dma_semaphore, #tpu.memory_space<semaphore_mem>>)
      %dma_start3A_604 = arith.constant 0 : i32
      %dma_start3A_605 = arith.constant 0 : i32
      %dma_start3A_606 = arith.constant 0 : i32
      %dma_start3A_607 = tpu.memref_slice %arg7[%dma_start3A_604, %dma_start3A_605, %dma_start3A_606] : memref<2x256x64xf32, #tpu.memory_space<vmem>> -> memref<1x256x64xf32, #tpu.memory_space<vmem>>
      %dma_start3A_608 = tpu.memref_squeeze %dma_start3A_607 : memref<1x256x64xf32, #tpu.memory_space<vmem>> -> memref<256x64xf32, #tpu.memory_space<vmem>>
      %dma_start3A_609 = arith.constant 160 : i32
      %dma_start3A_610 = arith.constant 0 : i32
      %dma_start3A_611 = tpu.memref_slice %dma_start3A_608[%dma_start3A_609, %dma_start3A_610] : memref<256x64xf32, #tpu.memory_space<vmem>> -> memref<32x64xf32, #tpu.memory_space<vmem>>
      %dma_start3A_612 = arith.constant 0 : i32
      %dma_start3A_613 = arith.constant 0 : i32
      %dma_start3A_614 = tpu.memref_slice %arg4[%add3A_456, %add3A_484, %dma_start3A_612, %dma_start3A_613] : memref<2048x32x32x64xf32, #tpu.memory_space<hbm>> -> memref<1x1x32x64xf32, #tpu.memory_space<hbm>>
      %dma_start3A_615 = tpu.memref_squeeze %dma_start3A_614 : memref<1x1x32x64xf32, #tpu.memory_space<hbm>> -> memref<32x64xf32, #tpu.memory_space<hbm>>
      %dma_start3A_616 = arith.constant 0 : i32
      %dma_start3A_617 = arith.constant 0 : i32
      %dma_start3A_618 = tpu.memref_slice %arg4[%add3A_456, %add3A_484, %dma_start3A_616, %dma_start3A_617] : memref<2048x32x32x64xf32, #tpu.memory_space<hbm>> -> memref<1x1x32x64xf32, #tpu.memory_space<hbm>>
      %dma_start3A_619 = tpu.memref_squeeze %dma_start3A_618 : memref<1x1x32x64xf32, #tpu.memory_space<hbm>> -> memref<32x64xf32, #tpu.memory_space<hbm>>
      %dma_start3A_620 = arith.constant 0 : i32
      %dma_start3A_621 = arith.constant 0 : i32
      %dma_start3A_622 = tpu.memref_slice %arg7[%dma_start3A_604, %dma_start3A_620, %dma_start3A_621] : memref<2x256x64xf32, #tpu.memory_space<vmem>> -> memref<1x256x64xf32, #tpu.memory_space<vmem>>
      %dma_start3A_623 = tpu.memref_squeeze %dma_start3A_622 : memref<1x256x64xf32, #tpu.memory_space<vmem>> -> memref<256x64xf32, #tpu.memory_space<vmem>>
      %dma_start3A_624 = arith.constant 160 : i32
      %dma_start3A_625 = arith.constant 0 : i32
      %dma_start3A_626 = tpu.memref_slice %dma_start3A_623[%dma_start3A_624, %dma_start3A_625] : memref<256x64xf32, #tpu.memory_space<vmem>> -> memref<32x64xf32, #tpu.memory_space<vmem>>
      tpu.enqueue_dma source(%dma_start3A_626 : memref<32x64xf32, #tpu.memory_space<vmem>>) target(%dma_start3A_619 : memref<32x64xf32, #tpu.memory_space<hbm>>) target_semaphore(%arg11 : memref<!tpu.dma_semaphore, #tpu.memory_space<semaphore_mem>>)
      %dma_start3A_627 = arith.constant 0 : i32
      %dma_start3A_628 = arith.constant 0 : i32
      %dma_start3A_629 = arith.constant 0 : i32
      %dma_start3A_630 = tpu.memref_slice %arg7[%dma_start3A_627, %dma_start3A_628, %dma_start3A_629] : memref<2x256x64xf32, #tpu.memory_space<vmem>> -> memref<1x256x64xf32, #tpu.memory_space<vmem>>
      %dma_start3A_631 = tpu.memref_squeeze %dma_start3A_630 : memref<1x256x64xf32, #tpu.memory_space<vmem>> -> memref<256x64xf32, #tpu.memory_space<vmem>>
      %dma_start3A_632 = arith.constant 192 : i32
      %dma_start3A_633 = arith.constant 0 : i32
      %dma_start3A_634 = tpu.memref_slice %dma_start3A_631[%dma_start3A_632, %dma_start3A_633] : memref<256x64xf32, #tpu.memory_space<vmem>> -> memref<32x64xf32, #tpu.memory_space<vmem>>
      %dma_start3A_635 = arith.constant 0 : i32
      %dma_start3A_636 = arith.constant 0 : i32
      %dma_start3A_637 = tpu.memref_slice %arg4[%add3A_456, %add3A_486, %dma_start3A_635, %dma_start3A_636] : memref<2048x32x32x64xf32, #tpu.memory_space<hbm>> -> memref<1x1x32x64xf32, #tpu.memory_space<hbm>>
      %dma_start3A_638 = tpu.memref_squeeze %dma_start3A_637 : memref<1x1x32x64xf32, #tpu.memory_space<hbm>> -> memref<32x64xf32, #tpu.memory_space<hbm>>
      %dma_start3A_639 = arith.constant 0 : i32
      %dma_start3A_640 = arith.constant 0 : i32
      %dma_start3A_641 = tpu.memref_slice %arg4[%add3A_456, %add3A_486, %dma_start3A_639, %dma_start3A_640] : memref<2048x32x32x64xf32, #tpu.memory_space<hbm>> -> memref<1x1x32x64xf32, #tpu.memory_space<hbm>>
      %dma_start3A_642 = tpu.memref_squeeze %dma_start3A_641 : memref<1x1x32x64xf32, #tpu.memory_space<hbm>> -> memref<32x64xf32, #tpu.memory_space<hbm>>
      %dma_start3A_643 = arith.constant 0 : i32
      %dma_start3A_644 = arith.constant 0 : i32
      %dma_start3A_645 = tpu.memref_slice %arg7[%dma_start3A_627, %dma_start3A_643, %dma_start3A_644] : memref<2x256x64xf32, #tpu.memory_space<vmem>> -> memref<1x256x64xf32, #tpu.memory_space<vmem>>
      %dma_start3A_646 = tpu.memref_squeeze %dma_start3A_645 : memref<1x256x64xf32, #tpu.memory_space<vmem>> -> memref<256x64xf32, #tpu.memory_space<vmem>>
      %dma_start3A_647 = arith.constant 192 : i32
      %dma_start3A_648 = arith.constant 0 : i32
      %dma_start3A_649 = tpu.memref_slice %dma_start3A_646[%dma_start3A_647, %dma_start3A_648] : memref<256x64xf32, #tpu.memory_space<vmem>> -> memref<32x64xf32, #tpu.memory_space<vmem>>
      tpu.enqueue_dma source(%dma_start3A_649 : memref<32x64xf32, #tpu.memory_space<vmem>>) target(%dma_start3A_642 : memref<32x64xf32, #tpu.memory_space<hbm>>) target_semaphore(%arg11 : memref<!tpu.dma_semaphore, #tpu.memory_space<semaphore_mem>>)
      %dma_start3A_650 = arith.constant 0 : i32
      %dma_start3A_651 = arith.constant 0 : i32
      %dma_start3A_652 = arith.constant 0 : i32
      %dma_start3A_653 = tpu.memref_slice %arg7[%dma_start3A_650, %dma_start3A_651, %dma_start3A_652] : memref<2x256x64xf32, #tpu.memory_space<vmem>> -> memref<1x256x64xf32, #tpu.memory_space<vmem>>
      %dma_start3A_654 = tpu.memref_squeeze %dma_start3A_653 : memref<1x256x64xf32, #tpu.memory_space<vmem>> -> memref<256x64xf32, #tpu.memory_space<vmem>>
      %dma_start3A_655 = arith.constant 224 : i32
      %dma_start3A_656 = arith.constant 0 : i32
      %dma_start3A_657 = tpu.memref_slice %dma_start3A_654[%dma_start3A_655, %dma_start3A_656] : memref<256x64xf32, #tpu.memory_space<vmem>> -> memref<32x64xf32, #tpu.memory_space<vmem>>
      %dma_start3A_658 = arith.constant 0 : i32
      %dma_start3A_659 = arith.constant 0 : i32
      %dma_start3A_660 = tpu.memref_slice %arg4[%add3A_456, %add3A_488, %dma_start3A_658, %dma_start3A_659] : memref<2048x32x32x64xf32, #tpu.memory_space<hbm>> -> memref<1x1x32x64xf32, #tpu.memory_space<hbm>>
      %dma_start3A_661 = tpu.memref_squeeze %dma_start3A_660 : memref<1x1x32x64xf32, #tpu.memory_space<hbm>> -> memref<32x64xf32, #tpu.memory_space<hbm>>
      %dma_start3A_662 = arith.constant 0 : i32
      %dma_start3A_663 = arith.constant 0 : i32
      %dma_start3A_664 = tpu.memref_slice %arg4[%add3A_456, %add3A_488, %dma_start3A_662, %dma_start3A_663] : memref<2048x32x32x64xf32, #tpu.memory_space<hbm>> -> memref<1x1x32x64xf32, #tpu.memory_space<hbm>>
      %dma_start3A_665 = tpu.memref_squeeze %dma_start3A_664 : memref<1x1x32x64xf32, #tpu.memory_space<hbm>> -> memref<32x64xf32, #tpu.memory_space<hbm>>
      %dma_start3A_666 = arith.constant 0 : i32
      %dma_start3A_667 = arith.constant 0 : i32
      %dma_start3A_668 = tpu.memref_slice %arg7[%dma_start3A_650, %dma_start3A_666, %dma_start3A_667] : memref<2x256x64xf32, #tpu.memory_space<vmem>> -> memref<1x256x64xf32, #tpu.memory_space<vmem>>
      %dma_start3A_669 = tpu.memref_squeeze %dma_start3A_668 : memref<1x256x64xf32, #tpu.memory_space<vmem>> -> memref<256x64xf32, #tpu.memory_space<vmem>>
      %dma_start3A_670 = arith.constant 224 : i32
      %dma_start3A_671 = arith.constant 0 : i32
      %dma_start3A_672 = tpu.memref_slice %dma_start3A_669[%dma_start3A_670, %dma_start3A_671] : memref<256x64xf32, #tpu.memory_space<vmem>> -> memref<32x64xf32, #tpu.memory_space<vmem>>
      tpu.enqueue_dma source(%dma_start3A_672 : memref<32x64xf32, #tpu.memory_space<vmem>>) target(%dma_start3A_665 : memref<32x64xf32, #tpu.memory_space<hbm>>) target_semaphore(%arg11 : memref<!tpu.dma_semaphore, #tpu.memory_space<semaphore_mem>>)
      %add3A_673 = arith.constant 2 : i32
      %add3A_674 = arith.addi %add3A_422, %add3A_673 : i32
      %lt3A_675 = arith.constant 256 : i32
      %lt3A_676 = arith.cmpi slt, %add3A_674, %lt3A_675 : i32
      %convert_element_type3A_677 = arith.extui %lt3A_676 : i1 to i32
      %cond3A_678 = arith.constant 0 : i32
      %cond3A_679 = arith.cmpi ne, %convert_element_type3A_677, %cond3A_678 : i32
      scf.if %cond3A_679 {
        %add3A_953 = arith.constant 2 : i32
        %add3A_954 = arith.addi %add3A_422, %add3A_953 : i32
        %mul3A_955 = arith.constant 256 : i32
        %mul3A_956 = arith.muli %add3A_954, %mul3A_955 : i32
        %add3A_957 = arith.addi %mul3A_2, %mul3A_956 : i32
        %multiple_of3A_958 = tpu.assume_multiple %add3A_957, 256 : i32
        %dma_start3A_959 = arith.constant 0 : i32
        %dma_start3A_960 = arith.constant 0 : i32
        %dma_start3A_961 = tpu.memref_slice %arg6[%dma_start3A_959, %dma_start3A_960] : memref<2x256xi32, #tpu.memory_space<vmem>> -> memref<1x256xi32, #tpu.memory_space<vmem>>
        %dma_start3A_962 = tpu.memref_squeeze %dma_start3A_961 : memref<1x256xi32, #tpu.memory_space<vmem>> -> memref<256xi32, #tpu.memory_space<vmem>>
        %dma_start3A_963 = tpu.memref_slice %arg2[%multiple_of3A_958] : memref<2097152xi32, #tpu.memory_space<hbm>> -> memref<256xi32, #tpu.memory_space<hbm>>
        %dma_start3A_964 = arith.constant 0 : i32
        %dma_start3A_965 = tpu.memref_slice %arg6[%dma_start3A_959, %dma_start3A_964] : memref<2x256xi32, #tpu.memory_space<vmem>> -> memref<1x256xi32, #tpu.memory_space<vmem>>
        %dma_start3A_966 = tpu.memref_squeeze %dma_start3A_965 : memref<1x256xi32, #tpu.memory_space<vmem>> -> memref<256xi32, #tpu.memory_space<vmem>>
        %dma_start3A_967 = tpu.memref_slice %arg2[%multiple_of3A_958] : memref<2097152xi32, #tpu.memory_space<hbm>> -> memref<256xi32, #tpu.memory_space<hbm>>
        tpu.enqueue_dma source(%dma_start3A_967 : memref<256xi32, #tpu.memory_space<hbm>>) target(%dma_start3A_966 : memref<256xi32, #tpu.memory_space<vmem>>) target_semaphore(%arg9 : memref<!tpu.dma_semaphore, #tpu.memory_space<semaphore_mem>>)
      } else {
      }
      %add3A_680 = arith.constant 1 : i32
      %add3A_681 = arith.addi %mul3A_420, %add3A_680 : i32
      %ge3A_682 = arith.constant 2 : i32
      %ge3A_683 = arith.cmpi sge, %add3A_681, %ge3A_682 : i32
      %convert_element_type3A_684 = arith.extui %ge3A_683 : i1 to i32
      %cond3A_685 = arith.constant 0 : i32
      %cond3A_686 = arith.cmpi ne, %convert_element_type3A_684, %cond3A_685 : i32
      scf.if %cond3A_686 {
        %sub3A_953 = arith.constant 2 : i32
        %sub3A_954 = arith.subi %add3A_681, %sub3A_953 : i32
        %jit3A_955 = arith.constant 4 : i32
        %div3A_956 = arith.divsi %sub3A_954, %jit3A_955 : i32
        %sign3A_957 = arith.constant 0 : i32
        %sign3A_958 = arith.cmpi sgt, %sub3A_954, %sign3A_957 : i32
        %sign3A_959 = arith.extui %sign3A_958 : i1 to i32
        %sign3A_960 = arith.constant 0 : i32
        %sign3A_961 = arith.cmpi slt, %sub3A_954, %sign3A_960 : i32
        %sign3A_962 = arith.extui %sign3A_961 : i1 to i32
        %sign3A_963 = arith.subi %sign3A_959, %sign3A_962 : i32
        %sign3A_964 = arith.constant 0 : i32
        %sign3A_965 = arith.cmpi sgt, %jit3A_955, %sign3A_964 : i32
        %sign3A_966 = arith.extui %sign3A_965 : i1 to i32
        %sign3A_967 = arith.constant 0 : i32
        %sign3A_968 = arith.cmpi slt, %jit3A_955, %sign3A_967 : i32
        %sign3A_969 = arith.extui %sign3A_968 : i1 to i32
        %sign3A_970 = arith.subi %sign3A_966, %sign3A_969 : i32
        %ne3A_971 = arith.cmpi ne, %sign3A_963, %sign3A_970 : i32
        %rem3A_972 = arith.remsi %sub3A_954, %jit3A_955 : i32
        %ne3A_973 = arith.constant 0 : i32
        %ne3A_974 = arith.cmpi ne, %rem3A_972, %ne3A_973 : i32
        %and3A_975 = arith.andi %ne3A_971, %ne3A_974 : i1
        %sub3A_976 = arith.constant 1 : i32
        %sub3A_977 = arith.subi %div3A_956, %sub3A_976 : i32
        %select_n3A_978 = arith.select %and3A_975, %sub3A_977, %div3A_956 : i32
        %add3A_979 = arith.addi %mul3A_4, %select_n3A_978 : i32
        %jit3A_980 = arith.constant 4 : i32
        %eq3A_981 = arith.constant 0 : i32
        %eq3A_982 = arith.cmpi eq, %jit3A_980, %eq3A_981 : i32
        %jit3A_983 = arith.constant 1 : i32
        %select_n3A_984 = arith.select %eq3A_982, %jit3A_983, %jit3A_980 : i32
        %rem3A_985 = arith.remsi %sub3A_954, %select_n3A_984 : i32
        %ne3A_986 = arith.constant 0 : i32
        %ne3A_987 = arith.cmpi ne, %rem3A_985, %ne3A_986 : i32
        %lt3A_988 = arith.constant 0 : i32
        %lt3A_989 = arith.cmpi slt, %rem3A_985, %lt3A_988 : i32
        %lt3A_990 = arith.constant 0 : i32
        %lt3A_991 = arith.cmpi slt, %select_n3A_984, %lt3A_990 : i32
        %ne3A_992 = arith.xori %lt3A_989, %lt3A_991 : i1
        %and3A_993 = arith.andi %ne3A_992, %ne3A_987 : i1
        %add3A_994 = arith.addi %rem3A_985, %select_n3A_984 : i32
        %select_n3A_995 = arith.select %and3A_993, %add3A_994, %rem3A_985 : i32
        %mul3A_996 = arith.constant 8 : i32
        %mul3A_997 = arith.muli %select_n3A_995, %mul3A_996 : i32
        %add3A_998 = arith.constant 0 : i32
        %add3A_999 = arith.addi %mul3A_997, %add3A_998 : i32
        %add3A_1000 = arith.constant 1 : i32
        %add3A_1001 = arith.addi %mul3A_997, %add3A_1000 : i32
        %add3A_1002 = arith.constant 2 : i32
        %add3A_1003 = arith.addi %mul3A_997, %add3A_1002 : i32
        %add3A_1004 = arith.constant 3 : i32
        %add3A_1005 = arith.addi %mul3A_997, %add3A_1004 : i32
        %add3A_1006 = arith.constant 4 : i32
        %add3A_1007 = arith.addi %mul3A_997, %add3A_1006 : i32
        %add3A_1008 = arith.constant 5 : i32
        %add3A_1009 = arith.addi %mul3A_997, %add3A_1008 : i32
        %add3A_1010 = arith.constant 6 : i32
        %add3A_1011 = arith.addi %mul3A_997, %add3A_1010 : i32
        %add3A_1012 = arith.constant 7 : i32
        %add3A_1013 = arith.addi %mul3A_997, %add3A_1012 : i32
        %dma_wait3A_1014 = arith.constant 1 : i32
        %dma_wait3A_1015 = arith.constant 0 : i32
        %dma_wait3A_1016 = arith.constant 0 : i32
        %dma_wait3A_1017 = tpu.memref_slice %arg7[%dma_wait3A_1014, %dma_wait3A_1015, %dma_wait3A_1016] : memref<2x256x64xf32, #tpu.memory_space<vmem>> -> memref<1x256x64xf32, #tpu.memory_space<vmem>>
        %dma_wait3A_1018 = tpu.memref_squeeze %dma_wait3A_1017 : memref<1x256x64xf32, #tpu.memory_space<vmem>> -> memref<256x64xf32, #tpu.memory_space<vmem>>
        %dma_wait3A_1019 = arith.constant 0 : i32
        %dma_wait3A_1020 = arith.constant 0 : i32
        %dma_wait3A_1021 = tpu.memref_slice %dma_wait3A_1018[%dma_wait3A_1019, %dma_wait3A_1020] : memref<256x64xf32, #tpu.memory_space<vmem>> -> memref<32x64xf32, #tpu.memory_space<vmem>>
        %dma_wait3A_1022 = arith.constant 0 : i32
        %dma_wait3A_1023 = arith.constant 0 : i32
        %dma_wait3A_1024 = tpu.memref_slice %arg4[%add3A_979, %add3A_999, %dma_wait3A_1022, %dma_wait3A_1023] : memref<2048x32x32x64xf32, #tpu.memory_space<hbm>> -> memref<1x1x32x64xf32, #tpu.memory_space<hbm>>
        %dma_wait3A_1025 = tpu.memref_squeeze %dma_wait3A_1024 : memref<1x1x32x64xf32, #tpu.memory_space<hbm>> -> memref<32x64xf32, #tpu.memory_space<hbm>>
        %dma_wait3A_1026 = arith.constant 0 : i32
        %dma_wait3A_1027 = arith.constant 0 : i32
        %dma_wait3A_1028 = tpu.memref_slice %arg4[%add3A_979, %add3A_999, %dma_wait3A_1026, %dma_wait3A_1027] : memref<2048x32x32x64xf32, #tpu.memory_space<hbm>> -> memref<1x1x32x64xf32, #tpu.memory_space<hbm>>
        %dma_wait3A_1029 = tpu.memref_squeeze %dma_wait3A_1028 : memref<1x1x32x64xf32, #tpu.memory_space<hbm>> -> memref<32x64xf32, #tpu.memory_space<hbm>>
        %dma_wait3A_1030 = arith.constant 0 : i32
        %dma_wait3A_1031 = arith.constant 0 : i32
        %dma_wait3A_1032 = tpu.memref_slice %arg7[%dma_wait3A_1014, %dma_wait3A_1030, %dma_wait3A_1031] : memref<2x256x64xf32, #tpu.memory_space<vmem>> -> memref<1x256x64xf32, #tpu.memory_space<vmem>>
        %dma_wait3A_1033 = tpu.memref_squeeze %dma_wait3A_1032 : memref<1x256x64xf32, #tpu.memory_space<vmem>> -> memref<256x64xf32, #tpu.memory_space<vmem>>
        %dma_wait3A_1034 = arith.constant 0 : i32
        %dma_wait3A_1035 = arith.constant 0 : i32
        %dma_wait3A_1036 = tpu.memref_slice %dma_wait3A_1033[%dma_wait3A_1034, %dma_wait3A_1035] : memref<256x64xf32, #tpu.memory_space<vmem>> -> memref<32x64xf32, #tpu.memory_space<vmem>>
        tpu.wait_dma2 semaphore(%arg12 : memref<!tpu.dma_semaphore, #tpu.memory_space<semaphore_mem>>) src(%dma_wait3A_1036 : memref<32x64xf32, #tpu.memory_space<vmem>>) dst(%dma_wait3A_1029 : memref<32x64xf32, #tpu.memory_space<hbm>>)
        %dma_wait3A_1037 = arith.constant 1 : i32
        %dma_wait3A_1038 = arith.constant 0 : i32
        %dma_wait3A_1039 = arith.constant 0 : i32
        %dma_wait3A_1040 = tpu.memref_slice %arg7[%dma_wait3A_1037, %dma_wait3A_1038, %dma_wait3A_1039] : memref<2x256x64xf32, #tpu.memory_space<vmem>> -> memref<1x256x64xf32, #tpu.memory_space<vmem>>
        %dma_wait3A_1041 = tpu.memref_squeeze %dma_wait3A_1040 : memref<1x256x64xf32, #tpu.memory_space<vmem>> -> memref<256x64xf32, #tpu.memory_space<vmem>>
        %dma_wait3A_1042 = arith.constant 32 : i32
        %dma_wait3A_1043 = arith.constant 0 : i32
        %dma_wait3A_1044 = tpu.memref_slice %dma_wait3A_1041[%dma_wait3A_1042, %dma_wait3A_1043] : memref<256x64xf32, #tpu.memory_space<vmem>> -> memref<32x64xf32, #tpu.memory_space<vmem>>
        %dma_wait3A_1045 = arith.constant 0 : i32
        %dma_wait3A_1046 = arith.constant 0 : i32
        %dma_wait3A_1047 = tpu.memref_slice %arg4[%add3A_979, %add3A_1001, %dma_wait3A_1045, %dma_wait3A_1046] : memref<2048x32x32x64xf32, #tpu.memory_space<hbm>> -> memref<1x1x32x64xf32, #tpu.memory_space<hbm>>
        %dma_wait3A_1048 = tpu.memref_squeeze %dma_wait3A_1047 : memref<1x1x32x64xf32, #tpu.memory_space<hbm>> -> memref<32x64xf32, #tpu.memory_space<hbm>>
        %dma_wait3A_1049 = arith.constant 0 : i32
        %dma_wait3A_1050 = arith.constant 0 : i32
        %dma_wait3A_1051 = tpu.memref_slice %arg4[%add3A_979, %add3A_1001, %dma_wait3A_1049, %dma_wait3A_1050] : memref<2048x32x32x64xf32, #tpu.memory_space<hbm>> -> memref<1x1x32x64xf32, #tpu.memory_space<hbm>>
        %dma_wait3A_1052 = tpu.memref_squeeze %dma_wait3A_1051 : memref<1x1x32x64xf32, #tpu.memory_space<hbm>> -> memref<32x64xf32, #tpu.memory_space<hbm>>
        %dma_wait3A_1053 = arith.constant 0 : i32
        %dma_wait3A_1054 = arith.constant 0 : i32
        %dma_wait3A_1055 = tpu.memref_slice %arg7[%dma_wait3A_1037, %dma_wait3A_1053, %dma_wait3A_1054] : memref<2x256x64xf32, #tpu.memory_space<vmem>> -> memref<1x256x64xf32, #tpu.memory_space<vmem>>
        %dma_wait3A_1056 = tpu.memref_squeeze %dma_wait3A_1055 : memref<1x256x64xf32, #tpu.memory_space<vmem>> -> memref<256x64xf32, #tpu.memory_space<vmem>>
        %dma_wait3A_1057 = arith.constant 32 : i32
        %dma_wait3A_1058 = arith.constant 0 : i32
        %dma_wait3A_1059 = tpu.memref_slice %dma_wait3A_1056[%dma_wait3A_1057, %dma_wait3A_1058] : memref<256x64xf32, #tpu.memory_space<vmem>> -> memref<32x64xf32, #tpu.memory_space<vmem>>
        tpu.wait_dma2 semaphore(%arg12 : memref<!tpu.dma_semaphore, #tpu.memory_space<semaphore_mem>>) src(%dma_wait3A_1059 : memref<32x64xf32, #tpu.memory_space<vmem>>) dst(%dma_wait3A_1052 : memref<32x64xf32, #tpu.memory_space<hbm>>)
        %dma_wait3A_1060 = arith.constant 1 : i32
        %dma_wait3A_1061 = arith.constant 0 : i32
        %dma_wait3A_1062 = arith.constant 0 : i32
        %dma_wait3A_1063 = tpu.memref_slice %arg7[%dma_wait3A_1060, %dma_wait3A_1061, %dma_wait3A_1062] : memref<2x256x64xf32, #tpu.memory_space<vmem>> -> memref<1x256x64xf32, #tpu.memory_space<vmem>>
        %dma_wait3A_1064 = tpu.memref_squeeze %dma_wait3A_1063 : memref<1x256x64xf32, #tpu.memory_space<vmem>> -> memref<256x64xf32, #tpu.memory_space<vmem>>
        %dma_wait3A_1065 = arith.constant 64 : i32
        %dma_wait3A_1066 = arith.constant 0 : i32
        %dma_wait3A_1067 = tpu.memref_slice %dma_wait3A_1064[%dma_wait3A_1065, %dma_wait3A_1066] : memref<256x64xf32, #tpu.memory_space<vmem>> -> memref<32x64xf32, #tpu.memory_space<vmem>>
        %dma_wait3A_1068 = arith.constant 0 : i32
        %dma_wait3A_1069 = arith.constant 0 : i32
        %dma_wait3A_1070 = tpu.memref_slice %arg4[%add3A_979, %add3A_1003, %dma_wait3A_1068, %dma_wait3A_1069] : memref<2048x32x32x64xf32, #tpu.memory_space<hbm>> -> memref<1x1x32x64xf32, #tpu.memory_space<hbm>>
        %dma_wait3A_1071 = tpu.memref_squeeze %dma_wait3A_1070 : memref<1x1x32x64xf32, #tpu.memory_space<hbm>> -> memref<32x64xf32, #tpu.memory_space<hbm>>
        %dma_wait3A_1072 = arith.constant 0 : i32
        %dma_wait3A_1073 = arith.constant 0 : i32
        %dma_wait3A_1074 = tpu.memref_slice %arg4[%add3A_979, %add3A_1003, %dma_wait3A_1072, %dma_wait3A_1073] : memref<2048x32x32x64xf32, #tpu.memory_space<hbm>> -> memref<1x1x32x64xf32, #tpu.memory_space<hbm>>
        %dma_wait3A_1075 = tpu.memref_squeeze %dma_wait3A_1074 : memref<1x1x32x64xf32, #tpu.memory_space<hbm>> -> memref<32x64xf32, #tpu.memory_space<hbm>>
        %dma_wait3A_1076 = arith.constant 0 : i32
        %dma_wait3A_1077 = arith.constant 0 : i32
        %dma_wait3A_1078 = tpu.memref_slice %arg7[%dma_wait3A_1060, %dma_wait3A_1076, %dma_wait3A_1077] : memref<2x256x64xf32, #tpu.memory_space<vmem>> -> memref<1x256x64xf32, #tpu.memory_space<vmem>>
        %dma_wait3A_1079 = tpu.memref_squeeze %dma_wait3A_1078 : memref<1x256x64xf32, #tpu.memory_space<vmem>> -> memref<256x64xf32, #tpu.memory_space<vmem>>
        %dma_wait3A_1080 = arith.constant 64 : i32
        %dma_wait3A_1081 = arith.constant 0 : i32
        %dma_wait3A_1082 = tpu.memref_slice %dma_wait3A_1079[%dma_wait3A_1080, %dma_wait3A_1081] : memref<256x64xf32, #tpu.memory_space<vmem>> -> memref<32x64xf32, #tpu.memory_space<vmem>>
        tpu.wait_dma2 semaphore(%arg12 : memref<!tpu.dma_semaphore, #tpu.memory_space<semaphore_mem>>) src(%dma_wait3A_1082 : memref<32x64xf32, #tpu.memory_space<vmem>>) dst(%dma_wait3A_1075 : memref<32x64xf32, #tpu.memory_space<hbm>>)
        %dma_wait3A_1083 = arith.constant 1 : i32
        %dma_wait3A_1084 = arith.constant 0 : i32
        %dma_wait3A_1085 = arith.constant 0 : i32
        %dma_wait3A_1086 = tpu.memref_slice %arg7[%dma_wait3A_1083, %dma_wait3A_1084, %dma_wait3A_1085] : memref<2x256x64xf32, #tpu.memory_space<vmem>> -> memref<1x256x64xf32, #tpu.memory_space<vmem>>
        %dma_wait3A_1087 = tpu.memref_squeeze %dma_wait3A_1086 : memref<1x256x64xf32, #tpu.memory_space<vmem>> -> memref<256x64xf32, #tpu.memory_space<vmem>>
        %dma_wait3A_1088 = arith.constant 96 : i32
        %dma_wait3A_1089 = arith.constant 0 : i32
        %dma_wait3A_1090 = tpu.memref_slice %dma_wait3A_1087[%dma_wait3A_1088, %dma_wait3A_1089] : memref<256x64xf32, #tpu.memory_space<vmem>> -> memref<32x64xf32, #tpu.memory_space<vmem>>
        %dma_wait3A_1091 = arith.constant 0 : i32
        %dma_wait3A_1092 = arith.constant 0 : i32
        %dma_wait3A_1093 = tpu.memref_slice %arg4[%add3A_979, %add3A_1005, %dma_wait3A_1091, %dma_wait3A_1092] : memref<2048x32x32x64xf32, #tpu.memory_space<hbm>> -> memref<1x1x32x64xf32, #tpu.memory_space<hbm>>
        %dma_wait3A_1094 = tpu.memref_squeeze %dma_wait3A_1093 : memref<1x1x32x64xf32, #tpu.memory_space<hbm>> -> memref<32x64xf32, #tpu.memory_space<hbm>>
        %dma_wait3A_1095 = arith.constant 0 : i32
        %dma_wait3A_1096 = arith.constant 0 : i32
        %dma_wait3A_1097 = tpu.memref_slice %arg4[%add3A_979, %add3A_1005, %dma_wait3A_1095, %dma_wait3A_1096] : memref<2048x32x32x64xf32, #tpu.memory_space<hbm>> -> memref<1x1x32x64xf32, #tpu.memory_space<hbm>>
        %dma_wait3A_1098 = tpu.memref_squeeze %dma_wait3A_1097 : memref<1x1x32x64xf32, #tpu.memory_space<hbm>> -> memref<32x64xf32, #tpu.memory_space<hbm>>
        %dma_wait3A_1099 = arith.constant 0 : i32
        %dma_wait3A_1100 = arith.constant 0 : i32
        %dma_wait3A_1101 = tpu.memref_slice %arg7[%dma_wait3A_1083, %dma_wait3A_1099, %dma_wait3A_1100] : memref<2x256x64xf32, #tpu.memory_space<vmem>> -> memref<1x256x64xf32, #tpu.memory_space<vmem>>
        %dma_wait3A_1102 = tpu.memref_squeeze %dma_wait3A_1101 : memref<1x256x64xf32, #tpu.memory_space<vmem>> -> memref<256x64xf32, #tpu.memory_space<vmem>>
        %dma_wait3A_1103 = arith.constant 96 : i32
        %dma_wait3A_1104 = arith.constant 0 : i32
        %dma_wait3A_1105 = tpu.memref_slice %dma_wait3A_1102[%dma_wait3A_1103, %dma_wait3A_1104] : memref<256x64xf32, #tpu.memory_space<vmem>> -> memref<32x64xf32, #tpu.memory_space<vmem>>
        tpu.wait_dma2 semaphore(%arg12 : memref<!tpu.dma_semaphore, #tpu.memory_space<semaphore_mem>>) src(%dma_wait3A_1105 : memref<32x64xf32, #tpu.memory_space<vmem>>) dst(%dma_wait3A_1098 : memref<32x64xf32, #tpu.memory_space<hbm>>)
        %dma_wait3A_1106 = arith.constant 1 : i32
        %dma_wait3A_1107 = arith.constant 0 : i32
        %dma_wait3A_1108 = arith.constant 0 : i32
        %dma_wait3A_1109 = tpu.memref_slice %arg7[%dma_wait3A_1106, %dma_wait3A_1107, %dma_wait3A_1108] : memref<2x256x64xf32, #tpu.memory_space<vmem>> -> memref<1x256x64xf32, #tpu.memory_space<vmem>>
        %dma_wait3A_1110 = tpu.memref_squeeze %dma_wait3A_1109 : memref<1x256x64xf32, #tpu.memory_space<vmem>> -> memref<256x64xf32, #tpu.memory_space<vmem>>
        %dma_wait3A_1111 = arith.constant 128 : i32
        %dma_wait3A_1112 = arith.constant 0 : i32
        %dma_wait3A_1113 = tpu.memref_slice %dma_wait3A_1110[%dma_wait3A_1111, %dma_wait3A_1112] : memref<256x64xf32, #tpu.memory_space<vmem>> -> memref<32x64xf32, #tpu.memory_space<vmem>>
        %dma_wait3A_1114 = arith.constant 0 : i32
        %dma_wait3A_1115 = arith.constant 0 : i32
        %dma_wait3A_1116 = tpu.memref_slice %arg4[%add3A_979, %add3A_1007, %dma_wait3A_1114, %dma_wait3A_1115] : memref<2048x32x32x64xf32, #tpu.memory_space<hbm>> -> memref<1x1x32x64xf32, #tpu.memory_space<hbm>>
        %dma_wait3A_1117 = tpu.memref_squeeze %dma_wait3A_1116 : memref<1x1x32x64xf32, #tpu.memory_space<hbm>> -> memref<32x64xf32, #tpu.memory_space<hbm>>
        %dma_wait3A_1118 = arith.constant 0 : i32
        %dma_wait3A_1119 = arith.constant 0 : i32
        %dma_wait3A_1120 = tpu.memref_slice %arg4[%add3A_979, %add3A_1007, %dma_wait3A_1118, %dma_wait3A_1119] : memref<2048x32x32x64xf32, #tpu.memory_space<hbm>> -> memref<1x1x32x64xf32, #tpu.memory_space<hbm>>
        %dma_wait3A_1121 = tpu.memref_squeeze %dma_wait3A_1120 : memref<1x1x32x64xf32, #tpu.memory_space<hbm>> -> memref<32x64xf32, #tpu.memory_space<hbm>>
        %dma_wait3A_1122 = arith.constant 0 : i32
        %dma_wait3A_1123 = arith.constant 0 : i32
        %dma_wait3A_1124 = tpu.memref_slice %arg7[%dma_wait3A_1106, %dma_wait3A_1122, %dma_wait3A_1123] : memref<2x256x64xf32, #tpu.memory_space<vmem>> -> memref<1x256x64xf32, #tpu.memory_space<vmem>>
        %dma_wait3A_1125 = tpu.memref_squeeze %dma_wait3A_1124 : memref<1x256x64xf32, #tpu.memory_space<vmem>> -> memref<256x64xf32, #tpu.memory_space<vmem>>
        %dma_wait3A_1126 = arith.constant 128 : i32
        %dma_wait3A_1127 = arith.constant 0 : i32
        %dma_wait3A_1128 = tpu.memref_slice %dma_wait3A_1125[%dma_wait3A_1126, %dma_wait3A_1127] : memref<256x64xf32, #tpu.memory_space<vmem>> -> memref<32x64xf32, #tpu.memory_space<vmem>>
        tpu.wait_dma2 semaphore(%arg12 : memref<!tpu.dma_semaphore, #tpu.memory_space<semaphore_mem>>) src(%dma_wait3A_1128 : memref<32x64xf32, #tpu.memory_space<vmem>>) dst(%dma_wait3A_1121 : memref<32x64xf32, #tpu.memory_space<hbm>>)
        %dma_wait3A_1129 = arith.constant 1 : i32
        %dma_wait3A_1130 = arith.constant 0 : i32
        %dma_wait3A_1131 = arith.constant 0 : i32
        %dma_wait3A_1132 = tpu.memref_slice %arg7[%dma_wait3A_1129, %dma_wait3A_1130, %dma_wait3A_1131] : memref<2x256x64xf32, #tpu.memory_space<vmem>> -> memref<1x256x64xf32, #tpu.memory_space<vmem>>
        %dma_wait3A_1133 = tpu.memref_squeeze %dma_wait3A_1132 : memref<1x256x64xf32, #tpu.memory_space<vmem>> -> memref<256x64xf32, #tpu.memory_space<vmem>>
        %dma_wait3A_1134 = arith.constant 160 : i32
        %dma_wait3A_1135 = arith.constant 0 : i32
        %dma_wait3A_1136 = tpu.memref_slice %dma_wait3A_1133[%dma_wait3A_1134, %dma_wait3A_1135] : memref<256x64xf32, #tpu.memory_space<vmem>> -> memref<32x64xf32, #tpu.memory_space<vmem>>
        %dma_wait3A_1137 = arith.constant 0 : i32
        %dma_wait3A_1138 = arith.constant 0 : i32
        %dma_wait3A_1139 = tpu.memref_slice %arg4[%add3A_979, %add3A_1009, %dma_wait3A_1137, %dma_wait3A_1138] : memref<2048x32x32x64xf32, #tpu.memory_space<hbm>> -> memref<1x1x32x64xf32, #tpu.memory_space<hbm>>
        %dma_wait3A_1140 = tpu.memref_squeeze %dma_wait3A_1139 : memref<1x1x32x64xf32, #tpu.memory_space<hbm>> -> memref<32x64xf32, #tpu.memory_space<hbm>>
        %dma_wait3A_1141 = arith.constant 0 : i32
        %dma_wait3A_1142 = arith.constant 0 : i32
        %dma_wait3A_1143 = tpu.memref_slice %arg4[%add3A_979, %add3A_1009, %dma_wait3A_1141, %dma_wait3A_1142] : memref<2048x32x32x64xf32, #tpu.memory_space<hbm>> -> memref<1x1x32x64xf32, #tpu.memory_space<hbm>>
        %dma_wait3A_1144 = tpu.memref_squeeze %dma_wait3A_1143 : memref<1x1x32x64xf32, #tpu.memory_space<hbm>> -> memref<32x64xf32, #tpu.memory_space<hbm>>
        %dma_wait3A_1145 = arith.constant 0 : i32
        %dma_wait3A_1146 = arith.constant 0 : i32
        %dma_wait3A_1147 = tpu.memref_slice %arg7[%dma_wait3A_1129, %dma_wait3A_1145, %dma_wait3A_1146] : memref<2x256x64xf32, #tpu.memory_space<vmem>> -> memref<1x256x64xf32, #tpu.memory_space<vmem>>
        %dma_wait3A_1148 = tpu.memref_squeeze %dma_wait3A_1147 : memref<1x256x64xf32, #tpu.memory_space<vmem>> -> memref<256x64xf32, #tpu.memory_space<vmem>>
        %dma_wait3A_1149 = arith.constant 160 : i32
        %dma_wait3A_1150 = arith.constant 0 : i32
        %dma_wait3A_1151 = tpu.memref_slice %dma_wait3A_1148[%dma_wait3A_1149, %dma_wait3A_1150] : memref<256x64xf32, #tpu.memory_space<vmem>> -> memref<32x64xf32, #tpu.memory_space<vmem>>
        tpu.wait_dma2 semaphore(%arg12 : memref<!tpu.dma_semaphore, #tpu.memory_space<semaphore_mem>>) src(%dma_wait3A_1151 : memref<32x64xf32, #tpu.memory_space<vmem>>) dst(%dma_wait3A_1144 : memref<32x64xf32, #tpu.memory_space<hbm>>)
        %dma_wait3A_1152 = arith.constant 1 : i32
        %dma_wait3A_1153 = arith.constant 0 : i32
        %dma_wait3A_1154 = arith.constant 0 : i32
        %dma_wait3A_1155 = tpu.memref_slice %arg7[%dma_wait3A_1152, %dma_wait3A_1153, %dma_wait3A_1154] : memref<2x256x64xf32, #tpu.memory_space<vmem>> -> memref<1x256x64xf32, #tpu.memory_space<vmem>>
        %dma_wait3A_1156 = tpu.memref_squeeze %dma_wait3A_1155 : memref<1x256x64xf32, #tpu.memory_space<vmem>> -> memref<256x64xf32, #tpu.memory_space<vmem>>
        %dma_wait3A_1157 = arith.constant 192 : i32
        %dma_wait3A_1158 = arith.constant 0 : i32
        %dma_wait3A_1159 = tpu.memref_slice %dma_wait3A_1156[%dma_wait3A_1157, %dma_wait3A_1158] : memref<256x64xf32, #tpu.memory_space<vmem>> -> memref<32x64xf32, #tpu.memory_space<vmem>>
        %dma_wait3A_1160 = arith.constant 0 : i32
        %dma_wait3A_1161 = arith.constant 0 : i32
        %dma_wait3A_1162 = tpu.memref_slice %arg4[%add3A_979, %add3A_1011, %dma_wait3A_1160, %dma_wait3A_1161] : memref<2048x32x32x64xf32, #tpu.memory_space<hbm>> -> memref<1x1x32x64xf32, #tpu.memory_space<hbm>>
        %dma_wait3A_1163 = tpu.memref_squeeze %dma_wait3A_1162 : memref<1x1x32x64xf32, #tpu.memory_space<hbm>> -> memref<32x64xf32, #tpu.memory_space<hbm>>
        %dma_wait3A_1164 = arith.constant 0 : i32
        %dma_wait3A_1165 = arith.constant 0 : i32
        %dma_wait3A_1166 = tpu.memref_slice %arg4[%add3A_979, %add3A_1011, %dma_wait3A_1164, %dma_wait3A_1165] : memref<2048x32x32x64xf32, #tpu.memory_space<hbm>> -> memref<1x1x32x64xf32, #tpu.memory_space<hbm>>
        %dma_wait3A_1167 = tpu.memref_squeeze %dma_wait3A_1166 : memref<1x1x32x64xf32, #tpu.memory_space<hbm>> -> memref<32x64xf32, #tpu.memory_space<hbm>>
        %dma_wait3A_1168 = arith.constant 0 : i32
        %dma_wait3A_1169 = arith.constant 0 : i32
        %dma_wait3A_1170 = tpu.memref_slice %arg7[%dma_wait3A_1152, %dma_wait3A_1168, %dma_wait3A_1169] : memref<2x256x64xf32, #tpu.memory_space<vmem>> -> memref<1x256x64xf32, #tpu.memory_space<vmem>>
        %dma_wait3A_1171 = tpu.memref_squeeze %dma_wait3A_1170 : memref<1x256x64xf32, #tpu.memory_space<vmem>> -> memref<256x64xf32, #tpu.memory_space<vmem>>
        %dma_wait3A_1172 = arith.constant 192 : i32
        %dma_wait3A_1173 = arith.constant 0 : i32
        %dma_wait3A_1174 = tpu.memref_slice %dma_wait3A_1171[%dma_wait3A_1172, %dma_wait3A_1173] : memref<256x64xf32, #tpu.memory_space<vmem>> -> memref<32x64xf32, #tpu.memory_space<vmem>>
        tpu.wait_dma2 semaphore(%arg12 : memref<!tpu.dma_semaphore, #tpu.memory_space<semaphore_mem>>) src(%dma_wait3A_1174 : memref<32x64xf32, #tpu.memory_space<vmem>>) dst(%dma_wait3A_1167 : memref<32x64xf32, #tpu.memory_space<hbm>>)
        %dma_wait3A_1175 = arith.constant 1 : i32
        %dma_wait3A_1176 = arith.constant 0 : i32
        %dma_wait3A_1177 = arith.constant 0 : i32
        %dma_wait3A_1178 = tpu.memref_slice %arg7[%dma_wait3A_1175, %dma_wait3A_1176, %dma_wait3A_1177] : memref<2x256x64xf32, #tpu.memory_space<vmem>> -> memref<1x256x64xf32, #tpu.memory_space<vmem>>
        %dma_wait3A_1179 = tpu.memref_squeeze %dma_wait3A_1178 : memref<1x256x64xf32, #tpu.memory_space<vmem>> -> memref<256x64xf32, #tpu.memory_space<vmem>>
        %dma_wait3A_1180 = arith.constant 224 : i32
        %dma_wait3A_1181 = arith.constant 0 : i32
        %dma_wait3A_1182 = tpu.memref_slice %dma_wait3A_1179[%dma_wait3A_1180, %dma_wait3A_1181] : memref<256x64xf32, #tpu.memory_space<vmem>> -> memref<32x64xf32, #tpu.memory_space<vmem>>
        %dma_wait3A_1183 = arith.constant 0 : i32
        %dma_wait3A_1184 = arith.constant 0 : i32
        %dma_wait3A_1185 = tpu.memref_slice %arg4[%add3A_979, %add3A_1013, %dma_wait3A_1183, %dma_wait3A_1184] : memref<2048x32x32x64xf32, #tpu.memory_space<hbm>> -> memref<1x1x32x64xf32, #tpu.memory_space<hbm>>
        %dma_wait3A_1186 = tpu.memref_squeeze %dma_wait3A_1185 : memref<1x1x32x64xf32, #tpu.memory_space<hbm>> -> memref<32x64xf32, #tpu.memory_space<hbm>>
        %dma_wait3A_1187 = arith.constant 0 : i32
        %dma_wait3A_1188 = arith.constant 0 : i32
        %dma_wait3A_1189 = tpu.memref_slice %arg4[%add3A_979, %add3A_1013, %dma_wait3A_1187, %dma_wait3A_1188] : memref<2048x32x32x64xf32, #tpu.memory_space<hbm>> -> memref<1x1x32x64xf32, #tpu.memory_space<hbm>>
        %dma_wait3A_1190 = tpu.memref_squeeze %dma_wait3A_1189 : memref<1x1x32x64xf32, #tpu.memory_space<hbm>> -> memref<32x64xf32, #tpu.memory_space<hbm>>
        %dma_wait3A_1191 = arith.constant 0 : i32
        %dma_wait3A_1192 = arith.constant 0 : i32
        %dma_wait3A_1193 = tpu.memref_slice %arg7[%dma_wait3A_1175, %dma_wait3A_1191, %dma_wait3A_1192] : memref<2x256x64xf32, #tpu.memory_space<vmem>> -> memref<1x256x64xf32, #tpu.memory_space<vmem>>
        %dma_wait3A_1194 = tpu.memref_squeeze %dma_wait3A_1193 : memref<1x256x64xf32, #tpu.memory_space<vmem>> -> memref<256x64xf32, #tpu.memory_space<vmem>>
        %dma_wait3A_1195 = arith.constant 224 : i32
        %dma_wait3A_1196 = arith.constant 0 : i32
        %dma_wait3A_1197 = tpu.memref_slice %dma_wait3A_1194[%dma_wait3A_1195, %dma_wait3A_1196] : memref<256x64xf32, #tpu.memory_space<vmem>> -> memref<32x64xf32, #tpu.memory_space<vmem>>
        tpu.wait_dma2 semaphore(%arg12 : memref<!tpu.dma_semaphore, #tpu.memory_space<semaphore_mem>>) src(%dma_wait3A_1197 : memref<32x64xf32, #tpu.memory_space<vmem>>) dst(%dma_wait3A_1190 : memref<32x64xf32, #tpu.memory_space<hbm>>)
      } else {
      }
      %mul3A_687 = arith.constant 256 : i32
      %mul3A_688 = arith.muli %add3A_681, %mul3A_687 : i32
      %add3A_689 = arith.addi %mul3A_2, %mul3A_688 : i32
      %multiple_of3A_690 = tpu.assume_multiple %add3A_689, 256 : i32
      %dma_wait3A_691 = arith.constant 1 : i32
      %dma_wait3A_692 = arith.constant 0 : i32
      %dma_wait3A_693 = tpu.memref_slice %arg6[%dma_wait3A_691, %dma_wait3A_692] : memref<2x256xi32, #tpu.memory_space<vmem>> -> memref<1x256xi32, #tpu.memory_space<vmem>>
      %dma_wait3A_694 = tpu.memref_squeeze %dma_wait3A_693 : memref<1x256xi32, #tpu.memory_space<vmem>> -> memref<256xi32, #tpu.memory_space<vmem>>
      %dma_wait3A_695 = tpu.memref_slice %arg2[%multiple_of3A_690] : memref<2097152xi32, #tpu.memory_space<hbm>> -> memref<256xi32, #tpu.memory_space<hbm>>
      %dma_wait3A_696 = arith.constant 0 : i32
      %dma_wait3A_697 = tpu.memref_slice %arg6[%dma_wait3A_691, %dma_wait3A_696] : memref<2x256xi32, #tpu.memory_space<vmem>> -> memref<1x256xi32, #tpu.memory_space<vmem>>
      %dma_wait3A_698 = tpu.memref_squeeze %dma_wait3A_697 : memref<1x256xi32, #tpu.memory_space<vmem>> -> memref<256xi32, #tpu.memory_space<vmem>>
      %dma_wait3A_699 = tpu.memref_slice %arg2[%multiple_of3A_690] : memref<2097152xi32, #tpu.memory_space<hbm>> -> memref<256xi32, #tpu.memory_space<hbm>>
      tpu.wait_dma2 semaphore(%arg10 : memref<!tpu.dma_semaphore, #tpu.memory_space<semaphore_mem>>) src(%dma_wait3A_699 : memref<256xi32, #tpu.memory_space<hbm>>) dst(%dma_wait3A_698 : memref<256xi32, #tpu.memory_space<vmem>>)
      %parallel_loop3A_700 = arith.constant 0 : i32
      %parallel_loop3A_701 = arith.constant 16 : i32
      %parallel_loop3A_702 = arith.constant 1 : i32
      scf.for %parallel_loop3A_953 = %parallel_loop3A_700 to %parallel_loop3A_701 step %parallel_loop3A_702  : i32 {
        %parallel_loop3A_954 = arith.constant 16 : i32
        %parallel_loop3A_955 = arith.muli %parallel_loop3A_953, %parallel_loop3A_954 : i32
        %parallel_loop3A_956 = arith.constant 1 : i32
        %parallel_loop3A_957 = arith.index_cast %parallel_loop3A_956 : i32 to index
        %parallel_loop3A_958 = arith.index_cast %parallel_loop3A_955 : i32 to index
        %parallel_loop3A_959 = tpu.vector_load %arg6[%parallel_loop3A_957, %parallel_loop3A_958] {strides = array<i32>} : memref<2x256xi32, #tpu.memory_space<vmem>>, vector<1x16xi32>,
        %parallel_loop3A_960 = vector.shape_cast %parallel_loop3A_959 : vector<1x16xi32> to vector<16xi32>
        %parallel_loop3A_961 = vector.extract_strided_slice %parallel_loop3A_960 {offsets = [0], sizes = [1], strides = [1]} : vector<16xi32> to vector<1xi32>
        %parallel_loop3A_962 = vector.extract %parallel_loop3A_961[0] : i32 from vector<1xi32>
        %parallel_loop3A_963 = arith.constant 16 : i32
        %parallel_loop3A_964 = arith.muli %parallel_loop3A_953, %parallel_loop3A_963 : i32
        %parallel_loop3A_965 = arith.constant 0 : i32
        %parallel_loop3A_966 = arith.addi %parallel_loop3A_964, %parallel_loop3A_965 : i32
        %parallel_loop3A_967 = arith.index_cast %parallel_loop3A_962 : i32 to index
        %parallel_loop3A_968 = arith.constant 0 : index
        %parallel_loop3A_969 = tpu.vector_load %arg5[%parallel_loop3A_967, %parallel_loop3A_968] {strides = array<i32>} : memref<10x128xf32, #tpu.memory_space<vmem>>, vector<1x16xf32>,
        %parallel_loop3A_970 = vector.shape_cast %parallel_loop3A_969 : vector<1x16xf32> to vector<16xf32>
        %parallel_loop3A_971 = arith.index_cast %parallel_loop3A_962 : i32 to index
        %parallel_loop3A_972 = arith.constant 16 : index
        %parallel_loop3A_973 = tpu.vector_load %arg5[%parallel_loop3A_971, %parallel_loop3A_972] {strides = array<i32>} : memref<10x128xf32, #tpu.memory_space<vmem>>, vector<1x16xf32>,
        %parallel_loop3A_974 = vector.shape_cast %parallel_loop3A_973 : vector<1x16xf32> to vector<16xf32>
        %parallel_loop3A_975 = arith.index_cast %parallel_loop3A_962 : i32 to index
        %parallel_loop3A_976 = arith.constant 32 : index
        %parallel_loop3A_977 = tpu.vector_load %arg5[%parallel_loop3A_975, %parallel_loop3A_976] {strides = array<i32>} : memref<10x128xf32, #tpu.memory_space<vmem>>, vector<1x16xf32>,
        %parallel_loop3A_978 = vector.shape_cast %parallel_loop3A_977 : vector<1x16xf32> to vector<16xf32>
        %parallel_loop3A_979 = arith.index_cast %parallel_loop3A_962 : i32 to index
        %parallel_loop3A_980 = arith.constant 48 : index
        %parallel_loop3A_981 = tpu.vector_load %arg5[%parallel_loop3A_979, %parallel_loop3A_980] {strides = array<i32>} : memref<10x128xf32, #tpu.memory_space<vmem>>, vector<1x16xf32>,
        %parallel_loop3A_982 = vector.shape_cast %parallel_loop3A_981 : vector<1x16xf32> to vector<16xf32>
        %parallel_loop3A_983 = arith.constant 1 : i32
        %parallel_loop3A_984 = arith.index_cast %parallel_loop3A_983 : i32 to index
        %parallel_loop3A_985 = arith.index_cast %parallel_loop3A_966 : i32 to index
        %parallel_loop3A_986 = arith.constant 0 : index
        %parallel_loop3A_987 = tpu.vector_load %arg7[%parallel_loop3A_984, %parallel_loop3A_985, %parallel_loop3A_986] {strides = array<i32>} : memref<2x256x64xf32, #tpu.memory_space<vmem>>, vector<1x1x16xf32>,
        %parallel_loop3A_988 = vector.shape_cast %parallel_loop3A_987 : vector<1x1x16xf32> to vector<16xf32>
        %parallel_loop3A_989 = vector.shape_cast %parallel_loop3A_970 : vector<16xf32> to vector<1x1x16xf32>
        tpu.vector_store %arg7[%parallel_loop3A_984, %parallel_loop3A_985, %parallel_loop3A_986], %parallel_loop3A_989 {strides = array<i32>} : memref<2x256x64xf32, #tpu.memory_space<vmem>>, vector<1x1x16xf32>,
        %parallel_loop3A_990 = arith.constant 1 : i32
        %parallel_loop3A_991 = arith.index_cast %parallel_loop3A_990 : i32 to index
        %parallel_loop3A_992 = arith.index_cast %parallel_loop3A_966 : i32 to index
        %parallel_loop3A_993 = arith.constant 16 : index
        %parallel_loop3A_994 = tpu.vector_load %arg7[%parallel_loop3A_991, %parallel_loop3A_992, %parallel_loop3A_993] {strides = array<i32>} : memref<2x256x64xf32, #tpu.memory_space<vmem>>, vector<1x1x16xf32>,
        %parallel_loop3A_995 = vector.shape_cast %parallel_loop3A_994 : vector<1x1x16xf32> to vector<16xf32>
        %parallel_loop3A_996 = vector.shape_cast %parallel_loop3A_974 : vector<16xf32> to vector<1x1x16xf32>
        tpu.vector_store %arg7[%parallel_loop3A_991, %parallel_loop3A_992, %parallel_loop3A_993], %parallel_loop3A_996 {strides = array<i32>} : memref<2x256x64xf32, #tpu.memory_space<vmem>>, vector<1x1x16xf32>,
        %parallel_loop3A_997 = arith.constant 1 : i32
        %parallel_loop3A_998 = arith.index_cast %parallel_loop3A_997 : i32 to index
        %parallel_loop3A_999 = arith.index_cast %parallel_loop3A_966 : i32 to index
        %parallel_loop3A_1000 = arith.constant 32 : index
        %parallel_loop3A_1001 = tpu.vector_load %arg7[%parallel_loop3A_998, %parallel_loop3A_999, %parallel_loop3A_1000] {strides = array<i32>} : memref<2x256x64xf32, #tpu.memory_space<vmem>>, vector<1x1x16xf32>,
        %parallel_loop3A_1002 = vector.shape_cast %parallel_loop3A_1001 : vector<1x1x16xf32> to vector<16xf32>
        %parallel_loop3A_1003 = vector.shape_cast %parallel_loop3A_978 : vector<16xf32> to vector<1x1x16xf32>
        tpu.vector_store %arg7[%parallel_loop3A_998, %parallel_loop3A_999, %parallel_loop3A_1000], %parallel_loop3A_1003 {strides = array<i32>} : memref<2x256x64xf32, #tpu.memory_space<vmem>>, vector<1x1x16xf32>,
        %parallel_loop3A_1004 = arith.constant 1 : i32
        %parallel_loop3A_1005 = arith.index_cast %parallel_loop3A_1004 : i32 to index
        %parallel_loop3A_1006 = arith.index_cast %parallel_loop3A_966 : i32 to index
        %parallel_loop3A_1007 = arith.constant 48 : index
        %parallel_loop3A_1008 = tpu.vector_load %arg7[%parallel_loop3A_1005, %parallel_loop3A_1006, %parallel_loop3A_1007] {strides = array<i32>} : memref<2x256x64xf32, #tpu.memory_space<vmem>>, vector<1x1x16xf32>,
        %parallel_loop3A_1009 = vector.shape_cast %parallel_loop3A_1008 : vector<1x1x16xf32> to vector<16xf32>
        %parallel_loop3A_1010 = vector.shape_cast %parallel_loop3A_982 : vector<16xf32> to vector<1x1x16xf32>
        tpu.vector_store %arg7[%parallel_loop3A_1005, %parallel_loop3A_1006, %parallel_loop3A_1007], %parallel_loop3A_1010 {strides = array<i32>} : memref<2x256x64xf32, #tpu.memory_space<vmem>>, vector<1x1x16xf32>,
        %parallel_loop3A_1011 = vector.extract_strided_slice %parallel_loop3A_960 {offsets = [1], sizes = [1], strides = [1]} : vector<16xi32> to vector<1xi32>
        %parallel_loop3A_1012 = vector.extract %parallel_loop3A_1011[0] : i32 from vector<1xi32>
        %parallel_loop3A_1013 = arith.constant 16 : i32
        %parallel_loop3A_1014 = arith.muli %parallel_loop3A_953, %parallel_loop3A_1013 : i32
        %parallel_loop3A_1015 = arith.constant 1 : i32
        %parallel_loop3A_1016 = arith.addi %parallel_loop3A_1014, %parallel_loop3A_1015 : i32
        %parallel_loop3A_1017 = arith.index_cast %parallel_loop3A_1012 : i32 to index
        %parallel_loop3A_1018 = arith.constant 0 : index
        %parallel_loop3A_1019 = tpu.vector_load %arg5[%parallel_loop3A_1017, %parallel_loop3A_1018] {strides = array<i32>} : memref<10x128xf32, #tpu.memory_space<vmem>>, vector<1x16xf32>,
        %parallel_loop3A_1020 = vector.shape_cast %parallel_loop3A_1019 : vector<1x16xf32> to vector<16xf32>
        %parallel_loop3A_1021 = arith.index_cast %parallel_loop3A_1012 : i32 to index
        %parallel_loop3A_1022 = arith.constant 16 : index
        %parallel_loop3A_1023 = tpu.vector_load %arg5[%parallel_loop3A_1021, %parallel_loop3A_1022] {strides = array<i32>} : memref<10x128xf32, #tpu.memory_space<vmem>>, vector<1x16xf32>,
        %parallel_loop3A_1024 = vector.shape_cast %parallel_loop3A_1023 : vector<1x16xf32> to vector<16xf32>
        %parallel_loop3A_1025 = arith.index_cast %parallel_loop3A_1012 : i32 to index
        %parallel_loop3A_1026 = arith.constant 32 : index
        %parallel_loop3A_1027 = tpu.vector_load %arg5[%parallel_loop3A_1025, %parallel_loop3A_1026] {strides = array<i32>} : memref<10x128xf32, #tpu.memory_space<vmem>>, vector<1x16xf32>,
        %parallel_loop3A_1028 = vector.shape_cast %parallel_loop3A_1027 : vector<1x16xf32> to vector<16xf32>
        %parallel_loop3A_1029 = arith.index_cast %parallel_loop3A_1012 : i32 to index
        %parallel_loop3A_1030 = arith.constant 48 : index
        %parallel_loop3A_1031 = tpu.vector_load %arg5[%parallel_loop3A_1029, %parallel_loop3A_1030] {strides = array<i32>} : memref<10x128xf32, #tpu.memory_space<vmem>>, vector<1x16xf32>,
        %parallel_loop3A_1032 = vector.shape_cast %parallel_loop3A_1031 : vector<1x16xf32> to vector<16xf32>
        %parallel_loop3A_1033 = arith.constant 1 : i32
        %parallel_loop3A_1034 = arith.index_cast %parallel_loop3A_1033 : i32 to index
        %parallel_loop3A_1035 = arith.index_cast %parallel_loop3A_1016 : i32 to index
        %parallel_loop3A_1036 = arith.constant 0 : index
        %parallel_loop3A_1037 = tpu.vector_load %arg7[%parallel_loop3A_1034, %parallel_loop3A_1035, %parallel_loop3A_1036] {strides = array<i32>} : memref<2x256x64xf32, #tpu.memory_space<vmem>>, vector<1x1x16xf32>,
        %parallel_loop3A_1038 = vector.shape_cast %parallel_loop3A_1037 : vector<1x1x16xf32> to vector<16xf32>
        %parallel_loop3A_1039 = vector.shape_cast %parallel_loop3A_1020 : vector<16xf32> to vector<1x1x16xf32>
        tpu.vector_store %arg7[%parallel_loop3A_1034, %parallel_loop3A_1035, %parallel_loop3A_1036], %parallel_loop3A_1039 {strides = array<i32>} : memref<2x256x64xf32, #tpu.memory_space<vmem>>, vector<1x1x16xf32>,
        %parallel_loop3A_1040 = arith.constant 1 : i32
        %parallel_loop3A_1041 = arith.index_cast %parallel_loop3A_1040 : i32 to index
        %parallel_loop3A_1042 = arith.index_cast %parallel_loop3A_1016 : i32 to index
        %parallel_loop3A_1043 = arith.constant 16 : index
        %parallel_loop3A_1044 = tpu.vector_load %arg7[%parallel_loop3A_1041, %parallel_loop3A_1042, %parallel_loop3A_1043] {strides = array<i32>} : memref<2x256x64xf32, #tpu.memory_space<vmem>>, vector<1x1x16xf32>,
        %parallel_loop3A_1045 = vector.shape_cast %parallel_loop3A_1044 : vector<1x1x16xf32> to vector<16xf32>
        %parallel_loop3A_1046 = vector.shape_cast %parallel_loop3A_1024 : vector<16xf32> to vector<1x1x16xf32>
        tpu.vector_store %arg7[%parallel_loop3A_1041, %parallel_loop3A_1042, %parallel_loop3A_1043], %parallel_loop3A_1046 {strides = array<i32>} : memref<2x256x64xf32, #tpu.memory_space<vmem>>, vector<1x1x16xf32>,
        %parallel_loop3A_1047 = arith.constant 1 : i32
        %parallel_loop3A_1048 = arith.index_cast %parallel_loop3A_1047 : i32 to index
        %parallel_loop3A_1049 = arith.index_cast %parallel_loop3A_1016 : i32 to index
        %parallel_loop3A_1050 = arith.constant 32 : index
        %parallel_loop3A_1051 = tpu.vector_load %arg7[%parallel_loop3A_1048, %parallel_loop3A_1049, %parallel_loop3A_1050] {strides = array<i32>} : memref<2x256x64xf32, #tpu.memory_space<vmem>>, vector<1x1x16xf32>,
        %parallel_loop3A_1052 = vector.shape_cast %parallel_loop3A_1051 : vector<1x1x16xf32> to vector<16xf32>
        %parallel_loop3A_1053 = vector.shape_cast %parallel_loop3A_1028 : vector<16xf32> to vector<1x1x16xf32>
        tpu.vector_store %arg7[%parallel_loop3A_1048, %parallel_loop3A_1049, %parallel_loop3A_1050], %parallel_loop3A_1053 {strides = array<i32>} : memref<2x256x64xf32, #tpu.memory_space<vmem>>, vector<1x1x16xf32>,
        %parallel_loop3A_1054 = arith.constant 1 : i32
        %parallel_loop3A_1055 = arith.index_cast %parallel_loop3A_1054 : i32 to index
        %parallel_loop3A_1056 = arith.index_cast %parallel_loop3A_1016 : i32 to index
        %parallel_loop3A_1057 = arith.constant 48 : index
        %parallel_loop3A_1058 = tpu.vector_load %arg7[%parallel_loop3A_1055, %parallel_loop3A_1056, %parallel_loop3A_1057] {strides = array<i32>} : memref<2x256x64xf32, #tpu.memory_space<vmem>>, vector<1x1x16xf32>,
        %parallel_loop3A_1059 = vector.shape_cast %parallel_loop3A_1058 : vector<1x1x16xf32> to vector<16xf32>
        %parallel_loop3A_1060 = vector.shape_cast %parallel_loop3A_1032 : vector<16xf32> to vector<1x1x16xf32>
        tpu.vector_store %arg7[%parallel_loop3A_1055, %parallel_loop3A_1056, %parallel_loop3A_1057], %parallel_loop3A_1060 {strides = array<i32>} : memref<2x256x64xf32, #tpu.memory_space<vmem>>, vector<1x1x16xf32>,
        %parallel_loop3A_1061 = vector.extract_strided_slice %parallel_loop3A_960 {offsets = [2], sizes = [1], strides = [1]} : vector<16xi32> to vector<1xi32>
        %parallel_loop3A_1062 = vector.extract %parallel_loop3A_1061[0] : i32 from vector<1xi32>
        %parallel_loop3A_1063 = arith.constant 16 : i32
        %parallel_loop3A_1064 = arith.muli %parallel_loop3A_953, %parallel_loop3A_1063 : i32
        %parallel_loop3A_1065 = arith.constant 2 : i32
        %parallel_loop3A_1066 = arith.addi %parallel_loop3A_1064, %parallel_loop3A_1065 : i32
        %parallel_loop3A_1067 = arith.index_cast %parallel_loop3A_1062 : i32 to index
        %parallel_loop3A_1068 = arith.constant 0 : index
        %parallel_loop3A_1069 = tpu.vector_load %arg5[%parallel_loop3A_1067, %parallel_loop3A_1068] {strides = array<i32>} : memref<10x128xf32, #tpu.memory_space<vmem>>, vector<1x16xf32>,
        %parallel_loop3A_1070 = vector.shape_cast %parallel_loop3A_1069 : vector<1x16xf32> to vector<16xf32>
        %parallel_loop3A_1071 = arith.index_cast %parallel_loop3A_1062 : i32 to index
        %parallel_loop3A_1072 = arith.constant 16 : index
        %parallel_loop3A_1073 = tpu.vector_load %arg5[%parallel_loop3A_1071, %parallel_loop3A_1072] {strides = array<i32>} : memref<10x128xf32, #tpu.memory_space<vmem>>, vector<1x16xf32>,
        %parallel_loop3A_1074 = vector.shape_cast %parallel_loop3A_1073 : vector<1x16xf32> to vector<16xf32>
        %parallel_loop3A_1075 = arith.index_cast %parallel_loop3A_1062 : i32 to index
        %parallel_loop3A_1076 = arith.constant 32 : index
        %parallel_loop3A_1077 = tpu.vector_load %arg5[%parallel_loop3A_1075, %parallel_loop3A_1076] {strides = array<i32>} : memref<10x128xf32, #tpu.memory_space<vmem>>, vector<1x16xf32>,
        %parallel_loop3A_1078 = vector.shape_cast %parallel_loop3A_1077 : vector<1x16xf32> to vector<16xf32>
        %parallel_loop3A_1079 = arith.index_cast %parallel_loop3A_1062 : i32 to index
        %parallel_loop3A_1080 = arith.constant 48 : index
        %parallel_loop3A_1081 = tpu.vector_load %arg5[%parallel_loop3A_1079, %parallel_loop3A_1080] {strides = array<i32>} : memref<10x128xf32, #tpu.memory_space<vmem>>, vector<1x16xf32>,
        %parallel_loop3A_1082 = vector.shape_cast %parallel_loop3A_1081 : vector<1x16xf32> to vector<16xf32>
        %parallel_loop3A_1083 = arith.constant 1 : i32
        %parallel_loop3A_1084 = arith.index_cast %parallel_loop3A_1083 : i32 to index
        %parallel_loop3A_1085 = arith.index_cast %parallel_loop3A_1066 : i32 to index
        %parallel_loop3A_1086 = arith.constant 0 : index
        %parallel_loop3A_1087 = tpu.vector_load %arg7[%parallel_loop3A_1084, %parallel_loop3A_1085, %parallel_loop3A_1086] {strides = array<i32>} : memref<2x256x64xf32, #tpu.memory_space<vmem>>, vector<1x1x16xf32>,
        %parallel_loop3A_1088 = vector.shape_cast %parallel_loop3A_1087 : vector<1x1x16xf32> to vector<16xf32>
        %parallel_loop3A_1089 = vector.shape_cast %parallel_loop3A_1070 : vector<16xf32> to vector<1x1x16xf32>
        tpu.vector_store %arg7[%parallel_loop3A_1084, %parallel_loop3A_1085, %parallel_loop3A_1086], %parallel_loop3A_1089 {strides = array<i32>} : memref<2x256x64xf32, #tpu.memory_space<vmem>>, vector<1x1x16xf32>,
        %parallel_loop3A_1090 = arith.constant 1 : i32
        %parallel_loop3A_1091 = arith.index_cast %parallel_loop3A_1090 : i32 to index
        %parallel_loop3A_1092 = arith.index_cast %parallel_loop3A_1066 : i32 to index
        %parallel_loop3A_1093 = arith.constant 16 : index
        %parallel_loop3A_1094 = tpu.vector_load %arg7[%parallel_loop3A_1091, %parallel_loop3A_1092, %parallel_loop3A_1093] {strides = array<i32>} : memref<2x256x64xf32, #tpu.memory_space<vmem>>, vector<1x1x16xf32>,
        %parallel_loop3A_1095 = vector.shape_cast %parallel_loop3A_1094 : vector<1x1x16xf32> to vector<16xf32>
        %parallel_loop3A_1096 = vector.shape_cast %parallel_loop3A_1074 : vector<16xf32> to vector<1x1x16xf32>
        tpu.vector_store %arg7[%parallel_loop3A_1091, %parallel_loop3A_1092, %parallel_loop3A_1093], %parallel_loop3A_1096 {strides = array<i32>} : memref<2x256x64xf32, #tpu.memory_space<vmem>>, vector<1x1x16xf32>,
        %parallel_loop3A_1097 = arith.constant 1 : i32
        %parallel_loop3A_1098 = arith.index_cast %parallel_loop3A_1097 : i32 to index
        %parallel_loop3A_1099 = arith.index_cast %parallel_loop3A_1066 : i32 to index
        %parallel_loop3A_1100 = arith.constant 32 : index
        %parallel_loop3A_1101 = tpu.vector_load %arg7[%parallel_loop3A_1098, %parallel_loop3A_1099, %parallel_loop3A_1100] {strides = array<i32>} : memref<2x256x64xf32, #tpu.memory_space<vmem>>, vector<1x1x16xf32>,
        %parallel_loop3A_1102 = vector.shape_cast %parallel_loop3A_1101 : vector<1x1x16xf32> to vector<16xf32>
        %parallel_loop3A_1103 = vector.shape_cast %parallel_loop3A_1078 : vector<16xf32> to vector<1x1x16xf32>
        tpu.vector_store %arg7[%parallel_loop3A_1098, %parallel_loop3A_1099, %parallel_loop3A_1100], %parallel_loop3A_1103 {strides = array<i32>} : memref<2x256x64xf32, #tpu.memory_space<vmem>>, vector<1x1x16xf32>,
        %parallel_loop3A_1104 = arith.constant 1 : i32
        %parallel_loop3A_1105 = arith.index_cast %parallel_loop3A_1104 : i32 to index
        %parallel_loop3A_1106 = arith.index_cast %parallel_loop3A_1066 : i32 to index
        %parallel_loop3A_1107 = arith.constant 48 : index
        %parallel_loop3A_1108 = tpu.vector_load %arg7[%parallel_loop3A_1105, %parallel_loop3A_1106, %parallel_loop3A_1107] {strides = array<i32>} : memref<2x256x64xf32, #tpu.memory_space<vmem>>, vector<1x1x16xf32>,
        %parallel_loop3A_1109 = vector.shape_cast %parallel_loop3A_1108 : vector<1x1x16xf32> to vector<16xf32>
        %parallel_loop3A_1110 = vector.shape_cast %parallel_loop3A_1082 : vector<16xf32> to vector<1x1x16xf32>
        tpu.vector_store %arg7[%parallel_loop3A_1105, %parallel_loop3A_1106, %parallel_loop3A_1107], %parallel_loop3A_1110 {strides = array<i32>} : memref<2x256x64xf32, #tpu.memory_space<vmem>>, vector<1x1x16xf32>,
        %parallel_loop3A_1111 = vector.extract_strided_slice %parallel_loop3A_960 {offsets = [3], sizes = [1], strides = [1]} : vector<16xi32> to vector<1xi32>
        %parallel_loop3A_1112 = vector.extract %parallel_loop3A_1111[0] : i32 from vector<1xi32>
        %parallel_loop3A_1113 = arith.constant 16 : i32
        %parallel_loop3A_1114 = arith.muli %parallel_loop3A_953, %parallel_loop3A_1113 : i32
        %parallel_loop3A_1115 = arith.constant 3 : i32
        %parallel_loop3A_1116 = arith.addi %parallel_loop3A_1114, %parallel_loop3A_1115 : i32
        %parallel_loop3A_1117 = arith.index_cast %parallel_loop3A_1112 : i32 to index
        %parallel_loop3A_1118 = arith.constant 0 : index
        %parallel_loop3A_1119 = tpu.vector_load %arg5[%parallel_loop3A_1117, %parallel_loop3A_1118] {strides = array<i32>} : memref<10x128xf32, #tpu.memory_space<vmem>>, vector<1x16xf32>,
        %parallel_loop3A_1120 = vector.shape_cast %parallel_loop3A_1119 : vector<1x16xf32> to vector<16xf32>
        %parallel_loop3A_1121 = arith.index_cast %parallel_loop3A_1112 : i32 to index
        %parallel_loop3A_1122 = arith.constant 16 : index
        %parallel_loop3A_1123 = tpu.vector_load %arg5[%parallel_loop3A_1121, %parallel_loop3A_1122] {strides = array<i32>} : memref<10x128xf32, #tpu.memory_space<vmem>>, vector<1x16xf32>,
        %parallel_loop3A_1124 = vector.shape_cast %parallel_loop3A_1123 : vector<1x16xf32> to vector<16xf32>
        %parallel_loop3A_1125 = arith.index_cast %parallel_loop3A_1112 : i32 to index
        %parallel_loop3A_1126 = arith.constant 32 : index
        %parallel_loop3A_1127 = tpu.vector_load %arg5[%parallel_loop3A_1125, %parallel_loop3A_1126] {strides = array<i32>} : memref<10x128xf32, #tpu.memory_space<vmem>>, vector<1x16xf32>,
        %parallel_loop3A_1128 = vector.shape_cast %parallel_loop3A_1127 : vector<1x16xf32> to vector<16xf32>
        %parallel_loop3A_1129 = arith.index_cast %parallel_loop3A_1112 : i32 to index
        %parallel_loop3A_1130 = arith.constant 48 : index
        %parallel_loop3A_1131 = tpu.vector_load %arg5[%parallel_loop3A_1129, %parallel_loop3A_1130] {strides = array<i32>} : memref<10x128xf32, #tpu.memory_space<vmem>>, vector<1x16xf32>,
        %parallel_loop3A_1132 = vector.shape_cast %parallel_loop3A_1131 : vector<1x16xf32> to vector<16xf32>
        %parallel_loop3A_1133 = arith.constant 1 : i32
        %parallel_loop3A_1134 = arith.index_cast %parallel_loop3A_1133 : i32 to index
        %parallel_loop3A_1135 = arith.index_cast %parallel_loop3A_1116 : i32 to index
        %parallel_loop3A_1136 = arith.constant 0 : index
        %parallel_loop3A_1137 = tpu.vector_load %arg7[%parallel_loop3A_1134, %parallel_loop3A_1135, %parallel_loop3A_1136] {strides = array<i32>} : memref<2x256x64xf32, #tpu.memory_space<vmem>>, vector<1x1x16xf32>,
        %parallel_loop3A_1138 = vector.shape_cast %parallel_loop3A_1137 : vector<1x1x16xf32> to vector<16xf32>
        %parallel_loop3A_1139 = vector.shape_cast %parallel_loop3A_1120 : vector<16xf32> to vector<1x1x16xf32>
        tpu.vector_store %arg7[%parallel_loop3A_1134, %parallel_loop3A_1135, %parallel_loop3A_1136], %parallel_loop3A_1139 {strides = array<i32>} : memref<2x256x64xf32, #tpu.memory_space<vmem>>, vector<1x1x16xf32>,
        %parallel_loop3A_1140 = arith.constant 1 : i32
        %parallel_loop3A_1141 = arith.index_cast %parallel_loop3A_1140 : i32 to index
        %parallel_loop3A_1142 = arith.index_cast %parallel_loop3A_1116 : i32 to index
        %parallel_loop3A_1143 = arith.constant 16 : index
        %parallel_loop3A_1144 = tpu.vector_load %arg7[%parallel_loop3A_1141, %parallel_loop3A_1142, %parallel_loop3A_1143] {strides = array<i32>} : memref<2x256x64xf32, #tpu.memory_space<vmem>>, vector<1x1x16xf32>,
        %parallel_loop3A_1145 = vector.shape_cast %parallel_loop3A_1144 : vector<1x1x16xf32> to vector<16xf32>
        %parallel_loop3A_1146 = vector.shape_cast %parallel_loop3A_1124 : vector<16xf32> to vector<1x1x16xf32>
        tpu.vector_store %arg7[%parallel_loop3A_1141, %parallel_loop3A_1142, %parallel_loop3A_1143], %parallel_loop3A_1146 {strides = array<i32>} : memref<2x256x64xf32, #tpu.memory_space<vmem>>, vector<1x1x16xf32>,
        %parallel_loop3A_1147 = arith.constant 1 : i32
        %parallel_loop3A_1148 = arith.index_cast %parallel_loop3A_1147 : i32 to index
        %parallel_loop3A_1149 = arith.index_cast %parallel_loop3A_1116 : i32 to index
        %parallel_loop3A_1150 = arith.constant 32 : index
        %parallel_loop3A_1151 = tpu.vector_load %arg7[%parallel_loop3A_1148, %parallel_loop3A_1149, %parallel_loop3A_1150] {strides = array<i32>} : memref<2x256x64xf32, #tpu.memory_space<vmem>>, vector<1x1x16xf32>,
        %parallel_loop3A_1152 = vector.shape_cast %parallel_loop3A_1151 : vector<1x1x16xf32> to vector<16xf32>
        %parallel_loop3A_1153 = vector.shape_cast %parallel_loop3A_1128 : vector<16xf32> to vector<1x1x16xf32>
        tpu.vector_store %arg7[%parallel_loop3A_1148, %parallel_loop3A_1149, %parallel_loop3A_1150], %parallel_loop3A_1153 {strides = array<i32>} : memref<2x256x64xf32, #tpu.memory_space<vmem>>, vector<1x1x16xf32>,
        %parallel_loop3A_1154 = arith.constant 1 : i32
        %parallel_loop3A_1155 = arith.index_cast %parallel_loop3A_1154 : i32 to index
        %parallel_loop3A_1156 = arith.index_cast %parallel_loop3A_1116 : i32 to index
        %parallel_loop3A_1157 = arith.constant 48 : index
        %parallel_loop3A_1158 = tpu.vector_load %arg7[%parallel_loop3A_1155, %parallel_loop3A_1156, %parallel_loop3A_1157] {strides = array<i32>} : memref<2x256x64xf32, #tpu.memory_space<vmem>>, vector<1x1x16xf32>,
        %parallel_loop3A_1159 = vector.shape_cast %parallel_loop3A_1158 : vector<1x1x16xf32> to vector<16xf32>
        %parallel_loop3A_1160 = vector.shape_cast %parallel_loop3A_1132 : vector<16xf32> to vector<1x1x16xf32>
        tpu.vector_store %arg7[%parallel_loop3A_1155, %parallel_loop3A_1156, %parallel_loop3A_1157], %parallel_loop3A_1160 {strides = array<i32>} : memref<2x256x64xf32, #tpu.memory_space<vmem>>, vector<1x1x16xf32>,
        %parallel_loop3A_1161 = vector.extract_strided_slice %parallel_loop3A_960 {offsets = [4], sizes = [1], strides = [1]} : vector<16xi32> to vector<1xi32>
        %parallel_loop3A_1162 = vector.extract %parallel_loop3A_1161[0] : i32 from vector<1xi32>
        %parallel_loop3A_1163 = arith.constant 16 : i32
        %parallel_loop3A_1164 = arith.muli %parallel_loop3A_953, %parallel_loop3A_1163 : i32
        %parallel_loop3A_1165 = arith.constant 4 : i32
        %parallel_loop3A_1166 = arith.addi %parallel_loop3A_1164, %parallel_loop3A_1165 : i32
        %parallel_loop3A_1167 = arith.index_cast %parallel_loop3A_1162 : i32 to index
        %parallel_loop3A_1168 = arith.constant 0 : index
        %parallel_loop3A_1169 = tpu.vector_load %arg5[%parallel_loop3A_1167, %parallel_loop3A_1168] {strides = array<i32>} : memref<10x128xf32, #tpu.memory_space<vmem>>, vector<1x16xf32>,
        %parallel_loop3A_1170 = vector.shape_cast %parallel_loop3A_1169 : vector<1x16xf32> to vector<16xf32>
        %parallel_loop3A_1171 = arith.index_cast %parallel_loop3A_1162 : i32 to index
        %parallel_loop3A_1172 = arith.constant 16 : index
        %parallel_loop3A_1173 = tpu.vector_load %arg5[%parallel_loop3A_1171, %parallel_loop3A_1172] {strides = array<i32>} : memref<10x128xf32, #tpu.memory_space<vmem>>, vector<1x16xf32>,
        %parallel_loop3A_1174 = vector.shape_cast %parallel_loop3A_1173 : vector<1x16xf32> to vector<16xf32>
        %parallel_loop3A_1175 = arith.index_cast %parallel_loop3A_1162 : i32 to index
        %parallel_loop3A_1176 = arith.constant 32 : index
        %parallel_loop3A_1177 = tpu.vector_load %arg5[%parallel_loop3A_1175, %parallel_loop3A_1176] {strides = array<i32>} : memref<10x128xf32, #tpu.memory_space<vmem>>, vector<1x16xf32>,
        %parallel_loop3A_1178 = vector.shape_cast %parallel_loop3A_1177 : vector<1x16xf32> to vector<16xf32>
        %parallel_loop3A_1179 = arith.index_cast %parallel_loop3A_1162 : i32 to index
        %parallel_loop3A_1180 = arith.constant 48 : index
        %parallel_loop3A_1181 = tpu.vector_load %arg5[%parallel_loop3A_1179, %parallel_loop3A_1180] {strides = array<i32>} : memref<10x128xf32, #tpu.memory_space<vmem>>, vector<1x16xf32>,
        %parallel_loop3A_1182 = vector.shape_cast %parallel_loop3A_1181 : vector<1x16xf32> to vector<16xf32>
        %parallel_loop3A_1183 = arith.constant 1 : i32
        %parallel_loop3A_1184 = arith.index_cast %parallel_loop3A_1183 : i32 to index
        %parallel_loop3A_1185 = arith.index_cast %parallel_loop3A_1166 : i32 to index
        %parallel_loop3A_1186 = arith.constant 0 : index
        %parallel_loop3A_1187 = tpu.vector_load %arg7[%parallel_loop3A_1184, %parallel_loop3A_1185, %parallel_loop3A_1186] {strides = array<i32>} : memref<2x256x64xf32, #tpu.memory_space<vmem>>, vector<1x1x16xf32>,
        %parallel_loop3A_1188 = vector.shape_cast %parallel_loop3A_1187 : vector<1x1x16xf32> to vector<16xf32>
        %parallel_loop3A_1189 = vector.shape_cast %parallel_loop3A_1170 : vector<16xf32> to vector<1x1x16xf32>
        tpu.vector_store %arg7[%parallel_loop3A_1184, %parallel_loop3A_1185, %parallel_loop3A_1186], %parallel_loop3A_1189 {strides = array<i32>} : memref<2x256x64xf32, #tpu.memory_space<vmem>>, vector<1x1x16xf32>,
        %parallel_loop3A_1190 = arith.constant 1 : i32
        %parallel_loop3A_1191 = arith.index_cast %parallel_loop3A_1190 : i32 to index
        %parallel_loop3A_1192 = arith.index_cast %parallel_loop3A_1166 : i32 to index
        %parallel_loop3A_1193 = arith.constant 16 : index
        %parallel_loop3A_1194 = tpu.vector_load %arg7[%parallel_loop3A_1191, %parallel_loop3A_1192, %parallel_loop3A_1193] {strides = array<i32>} : memref<2x256x64xf32, #tpu.memory_space<vmem>>, vector<1x1x16xf32>,
        %parallel_loop3A_1195 = vector.shape_cast %parallel_loop3A_1194 : vector<1x1x16xf32> to vector<16xf32>
        %parallel_loop3A_1196 = vector.shape_cast %parallel_loop3A_1174 : vector<16xf32> to vector<1x1x16xf32>
        tpu.vector_store %arg7[%parallel_loop3A_1191, %parallel_loop3A_1192, %parallel_loop3A_1193], %parallel_loop3A_1196 {strides = array<i32>} : memref<2x256x64xf32, #tpu.memory_space<vmem>>, vector<1x1x16xf32>,
        %parallel_loop3A_1197 = arith.constant 1 : i32
        %parallel_loop3A_1198 = arith.index_cast %parallel_loop3A_1197 : i32 to index
        %parallel_loop3A_1199 = arith.index_cast %parallel_loop3A_1166 : i32 to index
        %parallel_loop3A_1200 = arith.constant 32 : index
        %parallel_loop3A_1201 = tpu.vector_load %arg7[%parallel_loop3A_1198, %parallel_loop3A_1199, %parallel_loop3A_1200] {strides = array<i32>} : memref<2x256x64xf32, #tpu.memory_space<vmem>>, vector<1x1x16xf32>,
        %parallel_loop3A_1202 = vector.shape_cast %parallel_loop3A_1201 : vector<1x1x16xf32> to vector<16xf32>
        %parallel_loop3A_1203 = vector.shape_cast %parallel_loop3A_1178 : vector<16xf32> to vector<1x1x16xf32>
        tpu.vector_store %arg7[%parallel_loop3A_1198, %parallel_loop3A_1199, %parallel_loop3A_1200], %parallel_loop3A_1203 {strides = array<i32>} : memref<2x256x64xf32, #tpu.memory_space<vmem>>, vector<1x1x16xf32>,
        %parallel_loop3A_1204 = arith.constant 1 : i32
        %parallel_loop3A_1205 = arith.index_cast %parallel_loop3A_1204 : i32 to index
        %parallel_loop3A_1206 = arith.index_cast %parallel_loop3A_1166 : i32 to index
        %parallel_loop3A_1207 = arith.constant 48 : index
        %parallel_loop3A_1208 = tpu.vector_load %arg7[%parallel_loop3A_1205, %parallel_loop3A_1206, %parallel_loop3A_1207] {strides = array<i32>} : memref<2x256x64xf32, #tpu.memory_space<vmem>>, vector<1x1x16xf32>,
        %parallel_loop3A_1209 = vector.shape_cast %parallel_loop3A_1208 : vector<1x1x16xf32> to vector<16xf32>
        %parallel_loop3A_1210 = vector.shape_cast %parallel_loop3A_1182 : vector<16xf32> to vector<1x1x16xf32>
        tpu.vector_store %arg7[%parallel_loop3A_1205, %parallel_loop3A_1206, %parallel_loop3A_1207], %parallel_loop3A_1210 {strides = array<i32>} : memref<2x256x64xf32, #tpu.memory_space<vmem>>, vector<1x1x16xf32>,
        %parallel_loop3A_1211 = vector.extract_strided_slice %parallel_loop3A_960 {offsets = [5], sizes = [1], strides = [1]} : vector<16xi32> to vector<1xi32>
        %parallel_loop3A_1212 = vector.extract %parallel_loop3A_1211[0] : i32 from vector<1xi32>
        %parallel_loop3A_1213 = arith.constant 16 : i32
        %parallel_loop3A_1214 = arith.muli %parallel_loop3A_953, %parallel_loop3A_1213 : i32
        %parallel_loop3A_1215 = arith.constant 5 : i32
        %parallel_loop3A_1216 = arith.addi %parallel_loop3A_1214, %parallel_loop3A_1215 : i32
        %parallel_loop3A_1217 = arith.index_cast %parallel_loop3A_1212 : i32 to index
        %parallel_loop3A_1218 = arith.constant 0 : index
        %parallel_loop3A_1219 = tpu.vector_load %arg5[%parallel_loop3A_1217, %parallel_loop3A_1218] {strides = array<i32>} : memref<10x128xf32, #tpu.memory_space<vmem>>, vector<1x16xf32>,
        %parallel_loop3A_1220 = vector.shape_cast %parallel_loop3A_1219 : vector<1x16xf32> to vector<16xf32>
        %parallel_loop3A_1221 = arith.index_cast %parallel_loop3A_1212 : i32 to index
        %parallel_loop3A_1222 = arith.constant 16 : index
        %parallel_loop3A_1223 = tpu.vector_load %arg5[%parallel_loop3A_1221, %parallel_loop3A_1222] {strides = array<i32>} : memref<10x128xf32, #tpu.memory_space<vmem>>, vector<1x16xf32>,
        %parallel_loop3A_1224 = vector.shape_cast %parallel_loop3A_1223 : vector<1x16xf32> to vector<16xf32>
        %parallel_loop3A_1225 = arith.index_cast %parallel_loop3A_1212 : i32 to index
        %parallel_loop3A_1226 = arith.constant 32 : index
        %parallel_loop3A_1227 = tpu.vector_load %arg5[%parallel_loop3A_1225, %parallel_loop3A_1226] {strides = array<i32>} : memref<10x128xf32, #tpu.memory_space<vmem>>, vector<1x16xf32>,
        %parallel_loop3A_1228 = vector.shape_cast %parallel_loop3A_1227 : vector<1x16xf32> to vector<16xf32>
        %parallel_loop3A_1229 = arith.index_cast %parallel_loop3A_1212 : i32 to index
        %parallel_loop3A_1230 = arith.constant 48 : index
        %parallel_loop3A_1231 = tpu.vector_load %arg5[%parallel_loop3A_1229, %parallel_loop3A_1230] {strides = array<i32>} : memref<10x128xf32, #tpu.memory_space<vmem>>, vector<1x16xf32>,
        %parallel_loop3A_1232 = vector.shape_cast %parallel_loop3A_1231 : vector<1x16xf32> to vector<16xf32>
        %parallel_loop3A_1233 = arith.constant 1 : i32
        %parallel_loop3A_1234 = arith.index_cast %parallel_loop3A_1233 : i32 to index
        %parallel_loop3A_1235 = arith.index_cast %parallel_loop3A_1216 : i32 to index
        %parallel_loop3A_1236 = arith.constant 0 : index
        %parallel_loop3A_1237 = tpu.vector_load %arg7[%parallel_loop3A_1234, %parallel_loop3A_1235, %parallel_loop3A_1236] {strides = array<i32>} : memref<2x256x64xf32, #tpu.memory_space<vmem>>, vector<1x1x16xf32>,
        %parallel_loop3A_1238 = vector.shape_cast %parallel_loop3A_1237 : vector<1x1x16xf32> to vector<16xf32>
        %parallel_loop3A_1239 = vector.shape_cast %parallel_loop3A_1220 : vector<16xf32> to vector<1x1x16xf32>
        tpu.vector_store %arg7[%parallel_loop3A_1234, %parallel_loop3A_1235, %parallel_loop3A_1236], %parallel_loop3A_1239 {strides = array<i32>} : memref<2x256x64xf32, #tpu.memory_space<vmem>>, vector<1x1x16xf32>,
        %parallel_loop3A_1240 = arith.constant 1 : i32
        %parallel_loop3A_1241 = arith.index_cast %parallel_loop3A_1240 : i32 to index
        %parallel_loop3A_1242 = arith.index_cast %parallel_loop3A_1216 : i32 to index
        %parallel_loop3A_1243 = arith.constant 16 : index
        %parallel_loop3A_1244 = tpu.vector_load %arg7[%parallel_loop3A_1241, %parallel_loop3A_1242, %parallel_loop3A_1243] {strides = array<i32>} : memref<2x256x64xf32, #tpu.memory_space<vmem>>, vector<1x1x16xf32>,
        %parallel_loop3A_1245 = vector.shape_cast %parallel_loop3A_1244 : vector<1x1x16xf32> to vector<16xf32>
        %parallel_loop3A_1246 = vector.shape_cast %parallel_loop3A_1224 : vector<16xf32> to vector<1x1x16xf32>
        tpu.vector_store %arg7[%parallel_loop3A_1241, %parallel_loop3A_1242, %parallel_loop3A_1243], %parallel_loop3A_1246 {strides = array<i32>} : memref<2x256x64xf32, #tpu.memory_space<vmem>>, vector<1x1x16xf32>,
        %parallel_loop3A_1247 = arith.constant 1 : i32
        %parallel_loop3A_1248 = arith.index_cast %parallel_loop3A_1247 : i32 to index
        %parallel_loop3A_1249 = arith.index_cast %parallel_loop3A_1216 : i32 to index
        %parallel_loop3A_1250 = arith.constant 32 : index
        %parallel_loop3A_1251 = tpu.vector_load %arg7[%parallel_loop3A_1248, %parallel_loop3A_1249, %parallel_loop3A_1250] {strides = array<i32>} : memref<2x256x64xf32, #tpu.memory_space<vmem>>, vector<1x1x16xf32>,
        %parallel_loop3A_1252 = vector.shape_cast %parallel_loop3A_1251 : vector<1x1x16xf32> to vector<16xf32>
        %parallel_loop3A_1253 = vector.shape_cast %parallel_loop3A_1228 : vector<16xf32> to vector<1x1x16xf32>
        tpu.vector_store %arg7[%parallel_loop3A_1248, %parallel_loop3A_1249, %parallel_loop3A_1250], %parallel_loop3A_1253 {strides = array<i32>} : memref<2x256x64xf32, #tpu.memory_space<vmem>>, vector<1x1x16xf32>,
        %parallel_loop3A_1254 = arith.constant 1 : i32
        %parallel_loop3A_1255 = arith.index_cast %parallel_loop3A_1254 : i32 to index
        %parallel_loop3A_1256 = arith.index_cast %parallel_loop3A_1216 : i32 to index
        %parallel_loop3A_1257 = arith.constant 48 : index
        %parallel_loop3A_1258 = tpu.vector_load %arg7[%parallel_loop3A_1255, %parallel_loop3A_1256, %parallel_loop3A_1257] {strides = array<i32>} : memref<2x256x64xf32, #tpu.memory_space<vmem>>, vector<1x1x16xf32>,
        %parallel_loop3A_1259 = vector.shape_cast %parallel_loop3A_1258 : vector<1x1x16xf32> to vector<16xf32>
        %parallel_loop3A_1260 = vector.shape_cast %parallel_loop3A_1232 : vector<16xf32> to vector<1x1x16xf32>
        tpu.vector_store %arg7[%parallel_loop3A_1255, %parallel_loop3A_1256, %parallel_loop3A_1257], %parallel_loop3A_1260 {strides = array<i32>} : memref<2x256x64xf32, #tpu.memory_space<vmem>>, vector<1x1x16xf32>,
        %parallel_loop3A_1261 = vector.extract_strided_slice %parallel_loop3A_960 {offsets = [6], sizes = [1], strides = [1]} : vector<16xi32> to vector<1xi32>
        %parallel_loop3A_1262 = vector.extract %parallel_loop3A_1261[0] : i32 from vector<1xi32>
        %parallel_loop3A_1263 = arith.constant 16 : i32
        %parallel_loop3A_1264 = arith.muli %parallel_loop3A_953, %parallel_loop3A_1263 : i32
        %parallel_loop3A_1265 = arith.constant 6 : i32
        %parallel_loop3A_1266 = arith.addi %parallel_loop3A_1264, %parallel_loop3A_1265 : i32
        %parallel_loop3A_1267 = arith.index_cast %parallel_loop3A_1262 : i32 to index
        %parallel_loop3A_1268 = arith.constant 0 : index
        %parallel_loop3A_1269 = tpu.vector_load %arg5[%parallel_loop3A_1267, %parallel_loop3A_1268] {strides = array<i32>} : memref<10x128xf32, #tpu.memory_space<vmem>>, vector<1x16xf32>,
        %parallel_loop3A_1270 = vector.shape_cast %parallel_loop3A_1269 : vector<1x16xf32> to vector<16xf32>
        %parallel_loop3A_1271 = arith.index_cast %parallel_loop3A_1262 : i32 to index
        %parallel_loop3A_1272 = arith.constant 16 : index
        %parallel_loop3A_1273 = tpu.vector_load %arg5[%parallel_loop3A_1271, %parallel_loop3A_1272] {strides = array<i32>} : memref<10x128xf32, #tpu.memory_space<vmem>>, vector<1x16xf32>,
        %parallel_loop3A_1274 = vector.shape_cast %parallel_loop3A_1273 : vector<1x16xf32> to vector<16xf32>
        %parallel_loop3A_1275 = arith.index_cast %parallel_loop3A_1262 : i32 to index
        %parallel_loop3A_1276 = arith.constant 32 : index
        %parallel_loop3A_1277 = tpu.vector_load %arg5[%parallel_loop3A_1275, %parallel_loop3A_1276] {strides = array<i32>} : memref<10x128xf32, #tpu.memory_space<vmem>>, vector<1x16xf32>,
        %parallel_loop3A_1278 = vector.shape_cast %parallel_loop3A_1277 : vector<1x16xf32> to vector<16xf32>
        %parallel_loop3A_1279 = arith.index_cast %parallel_loop3A_1262 : i32 to index
        %parallel_loop3A_1280 = arith.constant 48 : index
        %parallel_loop3A_1281 = tpu.vector_load %arg5[%parallel_loop3A_1279, %parallel_loop3A_1280] {strides = array<i32>} : memref<10x128xf32, #tpu.memory_space<vmem>>, vector<1x16xf32>,
        %parallel_loop3A_1282 = vector.shape_cast %parallel_loop3A_1281 : vector<1x16xf32> to vector<16xf32>
        %parallel_loop3A_1283 = arith.constant 1 : i32
        %parallel_loop3A_1284 = arith.index_cast %parallel_loop3A_1283 : i32 to index
        %parallel_loop3A_1285 = arith.index_cast %parallel_loop3A_1266 : i32 to index
        %parallel_loop3A_1286 = arith.constant 0 : index
        %parallel_loop3A_1287 = tpu.vector_load %arg7[%parallel_loop3A_1284, %parallel_loop3A_1285, %parallel_loop3A_1286] {strides = array<i32>} : memref<2x256x64xf32, #tpu.memory_space<vmem>>, vector<1x1x16xf32>,
        %parallel_loop3A_1288 = vector.shape_cast %parallel_loop3A_1287 : vector<1x1x16xf32> to vector<16xf32>
        %parallel_loop3A_1289 = vector.shape_cast %parallel_loop3A_1270 : vector<16xf32> to vector<1x1x16xf32>
        tpu.vector_store %arg7[%parallel_loop3A_1284, %parallel_loop3A_1285, %parallel_loop3A_1286], %parallel_loop3A_1289 {strides = array<i32>} : memref<2x256x64xf32, #tpu.memory_space<vmem>>, vector<1x1x16xf32>,
        %parallel_loop3A_1290 = arith.constant 1 : i32
        %parallel_loop3A_1291 = arith.index_cast %parallel_loop3A_1290 : i32 to index
        %parallel_loop3A_1292 = arith.index_cast %parallel_loop3A_1266 : i32 to index
        %parallel_loop3A_1293 = arith.constant 16 : index
        %parallel_loop3A_1294 = tpu.vector_load %arg7[%parallel_loop3A_1291, %parallel_loop3A_1292, %parallel_loop3A_1293] {strides = array<i32>} : memref<2x256x64xf32, #tpu.memory_space<vmem>>, vector<1x1x16xf32>,
        %parallel_loop3A_1295 = vector.shape_cast %parallel_loop3A_1294 : vector<1x1x16xf32> to vector<16xf32>
        %parallel_loop3A_1296 = vector.shape_cast %parallel_loop3A_1274 : vector<16xf32> to vector<1x1x16xf32>
        tpu.vector_store %arg7[%parallel_loop3A_1291, %parallel_loop3A_1292, %parallel_loop3A_1293], %parallel_loop3A_1296 {strides = array<i32>} : memref<2x256x64xf32, #tpu.memory_space<vmem>>, vector<1x1x16xf32>,
        %parallel_loop3A_1297 = arith.constant 1 : i32
        %parallel_loop3A_1298 = arith.index_cast %parallel_loop3A_1297 : i32 to index
        %parallel_loop3A_1299 = arith.index_cast %parallel_loop3A_1266 : i32 to index
        %parallel_loop3A_1300 = arith.constant 32 : index
        %parallel_loop3A_1301 = tpu.vector_load %arg7[%parallel_loop3A_1298, %parallel_loop3A_1299, %parallel_loop3A_1300] {strides = array<i32>} : memref<2x256x64xf32, #tpu.memory_space<vmem>>, vector<1x1x16xf32>,
        %parallel_loop3A_1302 = vector.shape_cast %parallel_loop3A_1301 : vector<1x1x16xf32> to vector<16xf32>
        %parallel_loop3A_1303 = vector.shape_cast %parallel_loop3A_1278 : vector<16xf32> to vector<1x1x16xf32>
        tpu.vector_store %arg7[%parallel_loop3A_1298, %parallel_loop3A_1299, %parallel_loop3A_1300], %parallel_loop3A_1303 {strides = array<i32>} : memref<2x256x64xf32, #tpu.memory_space<vmem>>, vector<1x1x16xf32>,
        %parallel_loop3A_1304 = arith.constant 1 : i32
        %parallel_loop3A_1305 = arith.index_cast %parallel_loop3A_1304 : i32 to index
        %parallel_loop3A_1306 = arith.index_cast %parallel_loop3A_1266 : i32 to index
        %parallel_loop3A_1307 = arith.constant 48 : index
        %parallel_loop3A_1308 = tpu.vector_load %arg7[%parallel_loop3A_1305, %parallel_loop3A_1306, %parallel_loop3A_1307] {strides = array<i32>} : memref<2x256x64xf32, #tpu.memory_space<vmem>>, vector<1x1x16xf32>,
        %parallel_loop3A_1309 = vector.shape_cast %parallel_loop3A_1308 : vector<1x1x16xf32> to vector<16xf32>
        %parallel_loop3A_1310 = vector.shape_cast %parallel_loop3A_1282 : vector<16xf32> to vector<1x1x16xf32>
        tpu.vector_store %arg7[%parallel_loop3A_1305, %parallel_loop3A_1306, %parallel_loop3A_1307], %parallel_loop3A_1310 {strides = array<i32>} : memref<2x256x64xf32, #tpu.memory_space<vmem>>, vector<1x1x16xf32>,
        %parallel_loop3A_1311 = vector.extract_strided_slice %parallel_loop3A_960 {offsets = [7], sizes = [1], strides = [1]} : vector<16xi32> to vector<1xi32>
        %parallel_loop3A_1312 = vector.extract %parallel_loop3A_1311[0] : i32 from vector<1xi32>
        %parallel_loop3A_1313 = arith.constant 16 : i32
        %parallel_loop3A_1314 = arith.muli %parallel_loop3A_953, %parallel_loop3A_1313 : i32
        %parallel_loop3A_1315 = arith.constant 7 : i32
        %parallel_loop3A_1316 = arith.addi %parallel_loop3A_1314, %parallel_loop3A_1315 : i32
        %parallel_loop3A_1317 = arith.index_cast %parallel_loop3A_1312 : i32 to index
        %parallel_loop3A_1318 = arith.constant 0 : index
        %parallel_loop3A_1319 = tpu.vector_load %arg5[%parallel_loop3A_1317, %parallel_loop3A_1318] {strides = array<i32>} : memref<10x128xf32, #tpu.memory_space<vmem>>, vector<1x16xf32>,
        %parallel_loop3A_1320 = vector.shape_cast %parallel_loop3A_1319 : vector<1x16xf32> to vector<16xf32>
        %parallel_loop3A_1321 = arith.index_cast %parallel_loop3A_1312 : i32 to index
        %parallel_loop3A_1322 = arith.constant 16 : index
        %parallel_loop3A_1323 = tpu.vector_load %arg5[%parallel_loop3A_1321, %parallel_loop3A_1322] {strides = array<i32>} : memref<10x128xf32, #tpu.memory_space<vmem>>, vector<1x16xf32>,
        %parallel_loop3A_1324 = vector.shape_cast %parallel_loop3A_1323 : vector<1x16xf32> to vector<16xf32>
        %parallel_loop3A_1325 = arith.index_cast %parallel_loop3A_1312 : i32 to index
        %parallel_loop3A_1326 = arith.constant 32 : index
        %parallel_loop3A_1327 = tpu.vector_load %arg5[%parallel_loop3A_1325, %parallel_loop3A_1326] {strides = array<i32>} : memref<10x128xf32, #tpu.memory_space<vmem>>, vector<1x16xf32>,
        %parallel_loop3A_1328 = vector.shape_cast %parallel_loop3A_1327 : vector<1x16xf32> to vector<16xf32>
        %parallel_loop3A_1329 = arith.index_cast %parallel_loop3A_1312 : i32 to index
        %parallel_loop3A_1330 = arith.constant 48 : index
        %parallel_loop3A_1331 = tpu.vector_load %arg5[%parallel_loop3A_1329, %parallel_loop3A_1330] {strides = array<i32>} : memref<10x128xf32, #tpu.memory_space<vmem>>, vector<1x16xf32>,
        %parallel_loop3A_1332 = vector.shape_cast %parallel_loop3A_1331 : vector<1x16xf32> to vector<16xf32>
        %parallel_loop3A_1333 = arith.constant 1 : i32
        %parallel_loop3A_1334 = arith.index_cast %parallel_loop3A_1333 : i32 to index
        %parallel_loop3A_1335 = arith.index_cast %parallel_loop3A_1316 : i32 to index
        %parallel_loop3A_1336 = arith.constant 0 : index
        %parallel_loop3A_1337 = tpu.vector_load %arg7[%parallel_loop3A_1334, %parallel_loop3A_1335, %parallel_loop3A_1336] {strides = array<i32>} : memref<2x256x64xf32, #tpu.memory_space<vmem>>, vector<1x1x16xf32>,
        %parallel_loop3A_1338 = vector.shape_cast %parallel_loop3A_1337 : vector<1x1x16xf32> to vector<16xf32>
        %parallel_loop3A_1339 = vector.shape_cast %parallel_loop3A_1320 : vector<16xf32> to vector<1x1x16xf32>
        tpu.vector_store %arg7[%parallel_loop3A_1334, %parallel_loop3A_1335, %parallel_loop3A_1336], %parallel_loop3A_1339 {strides = array<i32>} : memref<2x256x64xf32, #tpu.memory_space<vmem>>, vector<1x1x16xf32>,
        %parallel_loop3A_1340 = arith.constant 1 : i32
        %parallel_loop3A_1341 = arith.index_cast %parallel_loop3A_1340 : i32 to index
        %parallel_loop3A_1342 = arith.index_cast %parallel_loop3A_1316 : i32 to index
        %parallel_loop3A_1343 = arith.constant 16 : index
        %parallel_loop3A_1344 = tpu.vector_load %arg7[%parallel_loop3A_1341, %parallel_loop3A_1342, %parallel_loop3A_1343] {strides = array<i32>} : memref<2x256x64xf32, #tpu.memory_space<vmem>>, vector<1x1x16xf32>,
        %parallel_loop3A_1345 = vector.shape_cast %parallel_loop3A_1344 : vector<1x1x16xf32> to vector<16xf32>
        %parallel_loop3A_1346 = vector.shape_cast %parallel_loop3A_1324 : vector<16xf32> to vector<1x1x16xf32>
        tpu.vector_store %arg7[%parallel_loop3A_1341, %parallel_loop3A_1342, %parallel_loop3A_1343], %parallel_loop3A_1346 {strides = array<i32>} : memref<2x256x64xf32, #tpu.memory_space<vmem>>, vector<1x1x16xf32>,
        %parallel_loop3A_1347 = arith.constant 1 : i32
        %parallel_loop3A_1348 = arith.index_cast %parallel_loop3A_1347 : i32 to index
        %parallel_loop3A_1349 = arith.index_cast %parallel_loop3A_1316 : i32 to index
        %parallel_loop3A_1350 = arith.constant 32 : index
        %parallel_loop3A_1351 = tpu.vector_load %arg7[%parallel_loop3A_1348, %parallel_loop3A_1349, %parallel_loop3A_1350] {strides = array<i32>} : memref<2x256x64xf32, #tpu.memory_space<vmem>>, vector<1x1x16xf32>,
        %parallel_loop3A_1352 = vector.shape_cast %parallel_loop3A_1351 : vector<1x1x16xf32> to vector<16xf32>
        %parallel_loop3A_1353 = vector.shape_cast %parallel_loop3A_1328 : vector<16xf32> to vector<1x1x16xf32>
        tpu.vector_store %arg7[%parallel_loop3A_1348, %parallel_loop3A_1349, %parallel_loop3A_1350], %parallel_loop3A_1353 {strides = array<i32>} : memref<2x256x64xf32, #tpu.memory_space<vmem>>, vector<1x1x16xf32>,
        %parallel_loop3A_1354 = arith.constant 1 : i32
        %parallel_loop3A_1355 = arith.index_cast %parallel_loop3A_1354 : i32 to index
        %parallel_loop3A_1356 = arith.index_cast %parallel_loop3A_1316 : i32 to index
        %parallel_loop3A_1357 = arith.constant 48 : index
        %parallel_loop3A_1358 = tpu.vector_load %arg7[%parallel_loop3A_1355, %parallel_loop3A_1356, %parallel_loop3A_1357] {strides = array<i32>} : memref<2x256x64xf32, #tpu.memory_space<vmem>>, vector<1x1x16xf32>,
        %parallel_loop3A_1359 = vector.shape_cast %parallel_loop3A_1358 : vector<1x1x16xf32> to vector<16xf32>
        %parallel_loop3A_1360 = vector.shape_cast %parallel_loop3A_1332 : vector<16xf32> to vector<1x1x16xf32>
        tpu.vector_store %arg7[%parallel_loop3A_1355, %parallel_loop3A_1356, %parallel_loop3A_1357], %parallel_loop3A_1360 {strides = array<i32>} : memref<2x256x64xf32, #tpu.memory_space<vmem>>, vector<1x1x16xf32>,
        %parallel_loop3A_1361 = vector.extract_strided_slice %parallel_loop3A_960 {offsets = [8], sizes = [1], strides = [1]} : vector<16xi32> to vector<1xi32>
        %parallel_loop3A_1362 = vector.extract %parallel_loop3A_1361[0] : i32 from vector<1xi32>
        %parallel_loop3A_1363 = arith.constant 16 : i32
        %parallel_loop3A_1364 = arith.muli %parallel_loop3A_953, %parallel_loop3A_1363 : i32
        %parallel_loop3A_1365 = arith.constant 8 : i32
        %parallel_loop3A_1366 = arith.addi %parallel_loop3A_1364, %parallel_loop3A_1365 : i32
        %parallel_loop3A_1367 = arith.index_cast %parallel_loop3A_1362 : i32 to index
        %parallel_loop3A_1368 = arith.constant 0 : index
        %parallel_loop3A_1369 = tpu.vector_load %arg5[%parallel_loop3A_1367, %parallel_loop3A_1368] {strides = array<i32>} : memref<10x128xf32, #tpu.memory_space<vmem>>, vector<1x16xf32>,
        %parallel_loop3A_1370 = vector.shape_cast %parallel_loop3A_1369 : vector<1x16xf32> to vector<16xf32>
        %parallel_loop3A_1371 = arith.index_cast %parallel_loop3A_1362 : i32 to index
        %parallel_loop3A_1372 = arith.constant 16 : index
        %parallel_loop3A_1373 = tpu.vector_load %arg5[%parallel_loop3A_1371, %parallel_loop3A_1372] {strides = array<i32>} : memref<10x128xf32, #tpu.memory_space<vmem>>, vector<1x16xf32>,
        %parallel_loop3A_1374 = vector.shape_cast %parallel_loop3A_1373 : vector<1x16xf32> to vector<16xf32>
        %parallel_loop3A_1375 = arith.index_cast %parallel_loop3A_1362 : i32 to index
        %parallel_loop3A_1376 = arith.constant 32 : index
        %parallel_loop3A_1377 = tpu.vector_load %arg5[%parallel_loop3A_1375, %parallel_loop3A_1376] {strides = array<i32>} : memref<10x128xf32, #tpu.memory_space<vmem>>, vector<1x16xf32>,
        %parallel_loop3A_1378 = vector.shape_cast %parallel_loop3A_1377 : vector<1x16xf32> to vector<16xf32>
        %parallel_loop3A_1379 = arith.index_cast %parallel_loop3A_1362 : i32 to index
        %parallel_loop3A_1380 = arith.constant 48 : index
        %parallel_loop3A_1381 = tpu.vector_load %arg5[%parallel_loop3A_1379, %parallel_loop3A_1380] {strides = array<i32>} : memref<10x128xf32, #tpu.memory_space<vmem>>, vector<1x16xf32>,
        %parallel_loop3A_1382 = vector.shape_cast %parallel_loop3A_1381 : vector<1x16xf32> to vector<16xf32>
        %parallel_loop3A_1383 = arith.constant 1 : i32
        %parallel_loop3A_1384 = arith.index_cast %parallel_loop3A_1383 : i32 to index
        %parallel_loop3A_1385 = arith.index_cast %parallel_loop3A_1366 : i32 to index
        %parallel_loop3A_1386 = arith.constant 0 : index
        %parallel_loop3A_1387 = tpu.vector_load %arg7[%parallel_loop3A_1384, %parallel_loop3A_1385, %parallel_loop3A_1386] {strides = array<i32>} : memref<2x256x64xf32, #tpu.memory_space<vmem>>, vector<1x1x16xf32>,
        %parallel_loop3A_1388 = vector.shape_cast %parallel_loop3A_1387 : vector<1x1x16xf32> to vector<16xf32>
        %parallel_loop3A_1389 = vector.shape_cast %parallel_loop3A_1370 : vector<16xf32> to vector<1x1x16xf32>
        tpu.vector_store %arg7[%parallel_loop3A_1384, %parallel_loop3A_1385, %parallel_loop3A_1386], %parallel_loop3A_1389 {strides = array<i32>} : memref<2x256x64xf32, #tpu.memory_space<vmem>>, vector<1x1x16xf32>,
        %parallel_loop3A_1390 = arith.constant 1 : i32
        %parallel_loop3A_1391 = arith.index_cast %parallel_loop3A_1390 : i32 to index
        %parallel_loop3A_1392 = arith.index_cast %parallel_loop3A_1366 : i32 to index
        %parallel_loop3A_1393 = arith.constant 16 : index
        %parallel_loop3A_1394 = tpu.vector_load %arg7[%parallel_loop3A_1391, %parallel_loop3A_1392, %parallel_loop3A_1393] {strides = array<i32>} : memref<2x256x64xf32, #tpu.memory_space<vmem>>, vector<1x1x16xf32>,
        %parallel_loop3A_1395 = vector.shape_cast %parallel_loop3A_1394 : vector<1x1x16xf32> to vector<16xf32>
        %parallel_loop3A_1396 = vector.shape_cast %parallel_loop3A_1374 : vector<16xf32> to vector<1x1x16xf32>
        tpu.vector_store %arg7[%parallel_loop3A_1391, %parallel_loop3A_1392, %parallel_loop3A_1393], %parallel_loop3A_1396 {strides = array<i32>} : memref<2x256x64xf32, #tpu.memory_space<vmem>>, vector<1x1x16xf32>,
        %parallel_loop3A_1397 = arith.constant 1 : i32
        %parallel_loop3A_1398 = arith.index_cast %parallel_loop3A_1397 : i32 to index
        %parallel_loop3A_1399 = arith.index_cast %parallel_loop3A_1366 : i32 to index
        %parallel_loop3A_1400 = arith.constant 32 : index
        %parallel_loop3A_1401 = tpu.vector_load %arg7[%parallel_loop3A_1398, %parallel_loop3A_1399, %parallel_loop3A_1400] {strides = array<i32>} : memref<2x256x64xf32, #tpu.memory_space<vmem>>, vector<1x1x16xf32>,
        %parallel_loop3A_1402 = vector.shape_cast %parallel_loop3A_1401 : vector<1x1x16xf32> to vector<16xf32>
        %parallel_loop3A_1403 = vector.shape_cast %parallel_loop3A_1378 : vector<16xf32> to vector<1x1x16xf32>
        tpu.vector_store %arg7[%parallel_loop3A_1398, %parallel_loop3A_1399, %parallel_loop3A_1400], %parallel_loop3A_1403 {strides = array<i32>} : memref<2x256x64xf32, #tpu.memory_space<vmem>>, vector<1x1x16xf32>,
        %parallel_loop3A_1404 = arith.constant 1 : i32
        %parallel_loop3A_1405 = arith.index_cast %parallel_loop3A_1404 : i32 to index
        %parallel_loop3A_1406 = arith.index_cast %parallel_loop3A_1366 : i32 to index
        %parallel_loop3A_1407 = arith.constant 48 : index
        %parallel_loop3A_1408 = tpu.vector_load %arg7[%parallel_loop3A_1405, %parallel_loop3A_1406, %parallel_loop3A_1407] {strides = array<i32>} : memref<2x256x64xf32, #tpu.memory_space<vmem>>, vector<1x1x16xf32>,
        %parallel_loop3A_1409 = vector.shape_cast %parallel_loop3A_1408 : vector<1x1x16xf32> to vector<16xf32>
        %parallel_loop3A_1410 = vector.shape_cast %parallel_loop3A_1382 : vector<16xf32> to vector<1x1x16xf32>
        tpu.vector_store %arg7[%parallel_loop3A_1405, %parallel_loop3A_1406, %parallel_loop3A_1407], %parallel_loop3A_1410 {strides = array<i32>} : memref<2x256x64xf32, #tpu.memory_space<vmem>>, vector<1x1x16xf32>,
        %parallel_loop3A_1411 = vector.extract_strided_slice %parallel_loop3A_960 {offsets = [9], sizes = [1], strides = [1]} : vector<16xi32> to vector<1xi32>
        %parallel_loop3A_1412 = vector.extract %parallel_loop3A_1411[0] : i32 from vector<1xi32>
        %parallel_loop3A_1413 = arith.constant 16 : i32
        %parallel_loop3A_1414 = arith.muli %parallel_loop3A_953, %parallel_loop3A_1413 : i32
        %parallel_loop3A_1415 = arith.constant 9 : i32
        %parallel_loop3A_1416 = arith.addi %parallel_loop3A_1414, %parallel_loop3A_1415 : i32
        %parallel_loop3A_1417 = arith.index_cast %parallel_loop3A_1412 : i32 to index
        %parallel_loop3A_1418 = arith.constant 0 : index
        %parallel_loop3A_1419 = tpu.vector_load %arg5[%parallel_loop3A_1417, %parallel_loop3A_1418] {strides = array<i32>} : memref<10x128xf32, #tpu.memory_space<vmem>>, vector<1x16xf32>,
        %parallel_loop3A_1420 = vector.shape_cast %parallel_loop3A_1419 : vector<1x16xf32> to vector<16xf32>
        %parallel_loop3A_1421 = arith.index_cast %parallel_loop3A_1412 : i32 to index
        %parallel_loop3A_1422 = arith.constant 16 : index
        %parallel_loop3A_1423 = tpu.vector_load %arg5[%parallel_loop3A_1421, %parallel_loop3A_1422] {strides = array<i32>} : memref<10x128xf32, #tpu.memory_space<vmem>>, vector<1x16xf32>,
        %parallel_loop3A_1424 = vector.shape_cast %parallel_loop3A_1423 : vector<1x16xf32> to vector<16xf32>
        %parallel_loop3A_1425 = arith.index_cast %parallel_loop3A_1412 : i32 to index
        %parallel_loop3A_1426 = arith.constant 32 : index
        %parallel_loop3A_1427 = tpu.vector_load %arg5[%parallel_loop3A_1425, %parallel_loop3A_1426] {strides = array<i32>} : memref<10x128xf32, #tpu.memory_space<vmem>>, vector<1x16xf32>,
        %parallel_loop3A_1428 = vector.shape_cast %parallel_loop3A_1427 : vector<1x16xf32> to vector<16xf32>
        %parallel_loop3A_1429 = arith.index_cast %parallel_loop3A_1412 : i32 to index
        %parallel_loop3A_1430 = arith.constant 48 : index
        %parallel_loop3A_1431 = tpu.vector_load %arg5[%parallel_loop3A_1429, %parallel_loop3A_1430] {strides = array<i32>} : memref<10x128xf32, #tpu.memory_space<vmem>>, vector<1x16xf32>,
        %parallel_loop3A_1432 = vector.shape_cast %parallel_loop3A_1431 : vector<1x16xf32> to vector<16xf32>
        %parallel_loop3A_1433 = arith.constant 1 : i32
        %parallel_loop3A_1434 = arith.index_cast %parallel_loop3A_1433 : i32 to index
        %parallel_loop3A_1435 = arith.index_cast %parallel_loop3A_1416 : i32 to index
        %parallel_loop3A_1436 = arith.constant 0 : index
        %parallel_loop3A_1437 = tpu.vector_load %arg7[%parallel_loop3A_1434, %parallel_loop3A_1435, %parallel_loop3A_1436] {strides = array<i32>} : memref<2x256x64xf32, #tpu.memory_space<vmem>>, vector<1x1x16xf32>,
        %parallel_loop3A_1438 = vector.shape_cast %parallel_loop3A_1437 : vector<1x1x16xf32> to vector<16xf32>
        %parallel_loop3A_1439 = vector.shape_cast %parallel_loop3A_1420 : vector<16xf32> to vector<1x1x16xf32>
        tpu.vector_store %arg7[%parallel_loop3A_1434, %parallel_loop3A_1435, %parallel_loop3A_1436], %parallel_loop3A_1439 {strides = array<i32>} : memref<2x256x64xf32, #tpu.memory_space<vmem>>, vector<1x1x16xf32>,
        %parallel_loop3A_1440 = arith.constant 1 : i32
        %parallel_loop3A_1441 = arith.index_cast %parallel_loop3A_1440 : i32 to index
        %parallel_loop3A_1442 = arith.index_cast %parallel_loop3A_1416 : i32 to index
        %parallel_loop3A_1443 = arith.constant 16 : index
        %parallel_loop3A_1444 = tpu.vector_load %arg7[%parallel_loop3A_1441, %parallel_loop3A_1442, %parallel_loop3A_1443] {strides = array<i32>} : memref<2x256x64xf32, #tpu.memory_space<vmem>>, vector<1x1x16xf32>,
        %parallel_loop3A_1445 = vector.shape_cast %parallel_loop3A_1444 : vector<1x1x16xf32> to vector<16xf32>
        %parallel_loop3A_1446 = vector.shape_cast %parallel_loop3A_1424 : vector<16xf32> to vector<1x1x16xf32>
        tpu.vector_store %arg7[%parallel_loop3A_1441, %parallel_loop3A_1442, %parallel_loop3A_1443], %parallel_loop3A_1446 {strides = array<i32>} : memref<2x256x64xf32, #tpu.memory_space<vmem>>, vector<1x1x16xf32>,
        %parallel_loop3A_1447 = arith.constant 1 : i32
        %parallel_loop3A_1448 = arith.index_cast %parallel_loop3A_1447 : i32 to index
        %parallel_loop3A_1449 = arith.index_cast %parallel_loop3A_1416 : i32 to index
        %parallel_loop3A_1450 = arith.constant 32 : index
        %parallel_loop3A_1451 = tpu.vector_load %arg7[%parallel_loop3A_1448, %parallel_loop3A_1449, %parallel_loop3A_1450] {strides = array<i32>} : memref<2x256x64xf32, #tpu.memory_space<vmem>>, vector<1x1x16xf32>,
        %parallel_loop3A_1452 = vector.shape_cast %parallel_loop3A_1451 : vector<1x1x16xf32> to vector<16xf32>
        %parallel_loop3A_1453 = vector.shape_cast %parallel_loop3A_1428 : vector<16xf32> to vector<1x1x16xf32>
        tpu.vector_store %arg7[%parallel_loop3A_1448, %parallel_loop3A_1449, %parallel_loop3A_1450], %parallel_loop3A_1453 {strides = array<i32>} : memref<2x256x64xf32, #tpu.memory_space<vmem>>, vector<1x1x16xf32>,
        %parallel_loop3A_1454 = arith.constant 1 : i32
        %parallel_loop3A_1455 = arith.index_cast %parallel_loop3A_1454 : i32 to index
        %parallel_loop3A_1456 = arith.index_cast %parallel_loop3A_1416 : i32 to index
        %parallel_loop3A_1457 = arith.constant 48 : index
        %parallel_loop3A_1458 = tpu.vector_load %arg7[%parallel_loop3A_1455, %parallel_loop3A_1456, %parallel_loop3A_1457] {strides = array<i32>} : memref<2x256x64xf32, #tpu.memory_space<vmem>>, vector<1x1x16xf32>,
        %parallel_loop3A_1459 = vector.shape_cast %parallel_loop3A_1458 : vector<1x1x16xf32> to vector<16xf32>
        %parallel_loop3A_1460 = vector.shape_cast %parallel_loop3A_1432 : vector<16xf32> to vector<1x1x16xf32>
        tpu.vector_store %arg7[%parallel_loop3A_1455, %parallel_loop3A_1456, %parallel_loop3A_1457], %parallel_loop3A_1460 {strides = array<i32>} : memref<2x256x64xf32, #tpu.memory_space<vmem>>, vector<1x1x16xf32>,
        %parallel_loop3A_1461 = vector.extract_strided_slice %parallel_loop3A_960 {offsets = [10], sizes = [1], strides = [1]} : vector<16xi32> to vector<1xi32>
        %parallel_loop3A_1462 = vector.extract %parallel_loop3A_1461[0] : i32 from vector<1xi32>
        %parallel_loop3A_1463 = arith.constant 16 : i32
        %parallel_loop3A_1464 = arith.muli %parallel_loop3A_953, %parallel_loop3A_1463 : i32
        %parallel_loop3A_1465 = arith.constant 10 : i32
        %parallel_loop3A_1466 = arith.addi %parallel_loop3A_1464, %parallel_loop3A_1465 : i32
        %parallel_loop3A_1467 = arith.index_cast %parallel_loop3A_1462 : i32 to index
        %parallel_loop3A_1468 = arith.constant 0 : index
        %parallel_loop3A_1469 = tpu.vector_load %arg5[%parallel_loop3A_1467, %parallel_loop3A_1468] {strides = array<i32>} : memref<10x128xf32, #tpu.memory_space<vmem>>, vector<1x16xf32>,
        %parallel_loop3A_1470 = vector.shape_cast %parallel_loop3A_1469 : vector<1x16xf32> to vector<16xf32>
        %parallel_loop3A_1471 = arith.index_cast %parallel_loop3A_1462 : i32 to index
        %parallel_loop3A_1472 = arith.constant 16 : index
        %parallel_loop3A_1473 = tpu.vector_load %arg5[%parallel_loop3A_1471, %parallel_loop3A_1472] {strides = array<i32>} : memref<10x128xf32, #tpu.memory_space<vmem>>, vector<1x16xf32>,
        %parallel_loop3A_1474 = vector.shape_cast %parallel_loop3A_1473 : vector<1x16xf32> to vector<16xf32>
        %parallel_loop3A_1475 = arith.index_cast %parallel_loop3A_1462 : i32 to index
        %parallel_loop3A_1476 = arith.constant 32 : index
        %parallel_loop3A_1477 = tpu.vector_load %arg5[%parallel_loop3A_1475, %parallel_loop3A_1476] {strides = array<i32>} : memref<10x128xf32, #tpu.memory_space<vmem>>, vector<1x16xf32>,
        %parallel_loop3A_1478 = vector.shape_cast %parallel_loop3A_1477 : vector<1x16xf32> to vector<16xf32>
        %parallel_loop3A_1479 = arith.index_cast %parallel_loop3A_1462 : i32 to index
        %parallel_loop3A_1480 = arith.constant 48 : index
        %parallel_loop3A_1481 = tpu.vector_load %arg5[%parallel_loop3A_1479, %parallel_loop3A_1480] {strides = array<i32>} : memref<10x128xf32, #tpu.memory_space<vmem>>, vector<1x16xf32>,
        %parallel_loop3A_1482 = vector.shape_cast %parallel_loop3A_1481 : vector<1x16xf32> to vector<16xf32>
        %parallel_loop3A_1483 = arith.constant 1 : i32
        %parallel_loop3A_1484 = arith.index_cast %parallel_loop3A_1483 : i32 to index
        %parallel_loop3A_1485 = arith.index_cast %parallel_loop3A_1466 : i32 to index
        %parallel_loop3A_1486 = arith.constant 0 : index
        %parallel_loop3A_1487 = tpu.vector_load %arg7[%parallel_loop3A_1484, %parallel_loop3A_1485, %parallel_loop3A_1486] {strides = array<i32>} : memref<2x256x64xf32, #tpu.memory_space<vmem>>, vector<1x1x16xf32>,
        %parallel_loop3A_1488 = vector.shape_cast %parallel_loop3A_1487 : vector<1x1x16xf32> to vector<16xf32>
        %parallel_loop3A_1489 = vector.shape_cast %parallel_loop3A_1470 : vector<16xf32> to vector<1x1x16xf32>
        tpu.vector_store %arg7[%parallel_loop3A_1484, %parallel_loop3A_1485, %parallel_loop3A_1486], %parallel_loop3A_1489 {strides = array<i32>} : memref<2x256x64xf32, #tpu.memory_space<vmem>>, vector<1x1x16xf32>,
        %parallel_loop3A_1490 = arith.constant 1 : i32
        %parallel_loop3A_1491 = arith.index_cast %parallel_loop3A_1490 : i32 to index
        %parallel_loop3A_1492 = arith.index_cast %parallel_loop3A_1466 : i32 to index
        %parallel_loop3A_1493 = arith.constant 16 : index
        %parallel_loop3A_1494 = tpu.vector_load %arg7[%parallel_loop3A_1491, %parallel_loop3A_1492, %parallel_loop3A_1493] {strides = array<i32>} : memref<2x256x64xf32, #tpu.memory_space<vmem>>, vector<1x1x16xf32>,
        %parallel_loop3A_1495 = vector.shape_cast %parallel_loop3A_1494 : vector<1x1x16xf32> to vector<16xf32>
        %parallel_loop3A_1496 = vector.shape_cast %parallel_loop3A_1474 : vector<16xf32> to vector<1x1x16xf32>
        tpu.vector_store %arg7[%parallel_loop3A_1491, %parallel_loop3A_1492, %parallel_loop3A_1493], %parallel_loop3A_1496 {strides = array<i32>} : memref<2x256x64xf32, #tpu.memory_space<vmem>>, vector<1x1x16xf32>,
        %parallel_loop3A_1497 = arith.constant 1 : i32
        %parallel_loop3A_1498 = arith.index_cast %parallel_loop3A_1497 : i32 to index
        %parallel_loop3A_1499 = arith.index_cast %parallel_loop3A_1466 : i32 to index
        %parallel_loop3A_1500 = arith.constant 32 : index
        %parallel_loop3A_1501 = tpu.vector_load %arg7[%parallel_loop3A_1498, %parallel_loop3A_1499, %parallel_loop3A_1500] {strides = array<i32>} : memref<2x256x64xf32, #tpu.memory_space<vmem>>, vector<1x1x16xf32>,
        %parallel_loop3A_1502 = vector.shape_cast %parallel_loop3A_1501 : vector<1x1x16xf32> to vector<16xf32>
        %parallel_loop3A_1503 = vector.shape_cast %parallel_loop3A_1478 : vector<16xf32> to vector<1x1x16xf32>
        tpu.vector_store %arg7[%parallel_loop3A_1498, %parallel_loop3A_1499, %parallel_loop3A_1500], %parallel_loop3A_1503 {strides = array<i32>} : memref<2x256x64xf32, #tpu.memory_space<vmem>>, vector<1x1x16xf32>,
        %parallel_loop3A_1504 = arith.constant 1 : i32
        %parallel_loop3A_1505 = arith.index_cast %parallel_loop3A_1504 : i32 to index
        %parallel_loop3A_1506 = arith.index_cast %parallel_loop3A_1466 : i32 to index
        %parallel_loop3A_1507 = arith.constant 48 : index
        %parallel_loop3A_1508 = tpu.vector_load %arg7[%parallel_loop3A_1505, %parallel_loop3A_1506, %parallel_loop3A_1507] {strides = array<i32>} : memref<2x256x64xf32, #tpu.memory_space<vmem>>, vector<1x1x16xf32>,
        %parallel_loop3A_1509 = vector.shape_cast %parallel_loop3A_1508 : vector<1x1x16xf32> to vector<16xf32>
        %parallel_loop3A_1510 = vector.shape_cast %parallel_loop3A_1482 : vector<16xf32> to vector<1x1x16xf32>
        tpu.vector_store %arg7[%parallel_loop3A_1505, %parallel_loop3A_1506, %parallel_loop3A_1507], %parallel_loop3A_1510 {strides = array<i32>} : memref<2x256x64xf32, #tpu.memory_space<vmem>>, vector<1x1x16xf32>,
        %parallel_loop3A_1511 = vector.extract_strided_slice %parallel_loop3A_960 {offsets = [11], sizes = [1], strides = [1]} : vector<16xi32> to vector<1xi32>
        %parallel_loop3A_1512 = vector.extract %parallel_loop3A_1511[0] : i32 from vector<1xi32>
        %parallel_loop3A_1513 = arith.constant 16 : i32
        %parallel_loop3A_1514 = arith.muli %parallel_loop3A_953, %parallel_loop3A_1513 : i32
        %parallel_loop3A_1515 = arith.constant 11 : i32
        %parallel_loop3A_1516 = arith.addi %parallel_loop3A_1514, %parallel_loop3A_1515 : i32
        %parallel_loop3A_1517 = arith.index_cast %parallel_loop3A_1512 : i32 to index
        %parallel_loop3A_1518 = arith.constant 0 : index
        %parallel_loop3A_1519 = tpu.vector_load %arg5[%parallel_loop3A_1517, %parallel_loop3A_1518] {strides = array<i32>} : memref<10x128xf32, #tpu.memory_space<vmem>>, vector<1x16xf32>,
        %parallel_loop3A_1520 = vector.shape_cast %parallel_loop3A_1519 : vector<1x16xf32> to vector<16xf32>
        %parallel_loop3A_1521 = arith.index_cast %parallel_loop3A_1512 : i32 to index
        %parallel_loop3A_1522 = arith.constant 16 : index
        %parallel_loop3A_1523 = tpu.vector_load %arg5[%parallel_loop3A_1521, %parallel_loop3A_1522] {strides = array<i32>} : memref<10x128xf32, #tpu.memory_space<vmem>>, vector<1x16xf32>,
        %parallel_loop3A_1524 = vector.shape_cast %parallel_loop3A_1523 : vector<1x16xf32> to vector<16xf32>
        %parallel_loop3A_1525 = arith.index_cast %parallel_loop3A_1512 : i32 to index
        %parallel_loop3A_1526 = arith.constant 32 : index
        %parallel_loop3A_1527 = tpu.vector_load %arg5[%parallel_loop3A_1525, %parallel_loop3A_1526] {strides = array<i32>} : memref<10x128xf32, #tpu.memory_space<vmem>>, vector<1x16xf32>,
        %parallel_loop3A_1528 = vector.shape_cast %parallel_loop3A_1527 : vector<1x16xf32> to vector<16xf32>
        %parallel_loop3A_1529 = arith.index_cast %parallel_loop3A_1512 : i32 to index
        %parallel_loop3A_1530 = arith.constant 48 : index
        %parallel_loop3A_1531 = tpu.vector_load %arg5[%parallel_loop3A_1529, %parallel_loop3A_1530] {strides = array<i32>} : memref<10x128xf32, #tpu.memory_space<vmem>>, vector<1x16xf32>,
        %parallel_loop3A_1532 = vector.shape_cast %parallel_loop3A_1531 : vector<1x16xf32> to vector<16xf32>
        %parallel_loop3A_1533 = arith.constant 1 : i32
        %parallel_loop3A_1534 = arith.index_cast %parallel_loop3A_1533 : i32 to index
        %parallel_loop3A_1535 = arith.index_cast %parallel_loop3A_1516 : i32 to index
        %parallel_loop3A_1536 = arith.constant 0 : index
        %parallel_loop3A_1537 = tpu.vector_load %arg7[%parallel_loop3A_1534, %parallel_loop3A_1535, %parallel_loop3A_1536] {strides = array<i32>} : memref<2x256x64xf32, #tpu.memory_space<vmem>>, vector<1x1x16xf32>,
        %parallel_loop3A_1538 = vector.shape_cast %parallel_loop3A_1537 : vector<1x1x16xf32> to vector<16xf32>
        %parallel_loop3A_1539 = vector.shape_cast %parallel_loop3A_1520 : vector<16xf32> to vector<1x1x16xf32>
        tpu.vector_store %arg7[%parallel_loop3A_1534, %parallel_loop3A_1535, %parallel_loop3A_1536], %parallel_loop3A_1539 {strides = array<i32>} : memref<2x256x64xf32, #tpu.memory_space<vmem>>, vector<1x1x16xf32>,
        %parallel_loop3A_1540 = arith.constant 1 : i32
        %parallel_loop3A_1541 = arith.index_cast %parallel_loop3A_1540 : i32 to index
        %parallel_loop3A_1542 = arith.index_cast %parallel_loop3A_1516 : i32 to index
        %parallel_loop3A_1543 = arith.constant 16 : index
        %parallel_loop3A_1544 = tpu.vector_load %arg7[%parallel_loop3A_1541, %parallel_loop3A_1542, %parallel_loop3A_1543] {strides = array<i32>} : memref<2x256x64xf32, #tpu.memory_space<vmem>>, vector<1x1x16xf32>,
        %parallel_loop3A_1545 = vector.shape_cast %parallel_loop3A_1544 : vector<1x1x16xf32> to vector<16xf32>
        %parallel_loop3A_1546 = vector.shape_cast %parallel_loop3A_1524 : vector<16xf32> to vector<1x1x16xf32>
        tpu.vector_store %arg7[%parallel_loop3A_1541, %parallel_loop3A_1542, %parallel_loop3A_1543], %parallel_loop3A_1546 {strides = array<i32>} : memref<2x256x64xf32, #tpu.memory_space<vmem>>, vector<1x1x16xf32>,
        %parallel_loop3A_1547 = arith.constant 1 : i32
        %parallel_loop3A_1548 = arith.index_cast %parallel_loop3A_1547 : i32 to index
        %parallel_loop3A_1549 = arith.index_cast %parallel_loop3A_1516 : i32 to index
        %parallel_loop3A_1550 = arith.constant 32 : index
        %parallel_loop3A_1551 = tpu.vector_load %arg7[%parallel_loop3A_1548, %parallel_loop3A_1549, %parallel_loop3A_1550] {strides = array<i32>} : memref<2x256x64xf32, #tpu.memory_space<vmem>>, vector<1x1x16xf32>,
        %parallel_loop3A_1552 = vector.shape_cast %parallel_loop3A_1551 : vector<1x1x16xf32> to vector<16xf32>
        %parallel_loop3A_1553 = vector.shape_cast %parallel_loop3A_1528 : vector<16xf32> to vector<1x1x16xf32>
        tpu.vector_store %arg7[%parallel_loop3A_1548, %parallel_loop3A_1549, %parallel_loop3A_1550], %parallel_loop3A_1553 {strides = array<i32>} : memref<2x256x64xf32, #tpu.memory_space<vmem>>, vector<1x1x16xf32>,
        %parallel_loop3A_1554 = arith.constant 1 : i32
        %parallel_loop3A_1555 = arith.index_cast %parallel_loop3A_1554 : i32 to index
        %parallel_loop3A_1556 = arith.index_cast %parallel_loop3A_1516 : i32 to index
        %parallel_loop3A_1557 = arith.constant 48 : index
        %parallel_loop3A_1558 = tpu.vector_load %arg7[%parallel_loop3A_1555, %parallel_loop3A_1556, %parallel_loop3A_1557] {strides = array<i32>} : memref<2x256x64xf32, #tpu.memory_space<vmem>>, vector<1x1x16xf32>,
        %parallel_loop3A_1559 = vector.shape_cast %parallel_loop3A_1558 : vector<1x1x16xf32> to vector<16xf32>
        %parallel_loop3A_1560 = vector.shape_cast %parallel_loop3A_1532 : vector<16xf32> to vector<1x1x16xf32>
        tpu.vector_store %arg7[%parallel_loop3A_1555, %parallel_loop3A_1556, %parallel_loop3A_1557], %parallel_loop3A_1560 {strides = array<i32>} : memref<2x256x64xf32, #tpu.memory_space<vmem>>, vector<1x1x16xf32>,
        %parallel_loop3A_1561 = vector.extract_strided_slice %parallel_loop3A_960 {offsets = [12], sizes = [1], strides = [1]} : vector<16xi32> to vector<1xi32>
        %parallel_loop3A_1562 = vector.extract %parallel_loop3A_1561[0] : i32 from vector<1xi32>
        %parallel_loop3A_1563 = arith.constant 16 : i32
        %parallel_loop3A_1564 = arith.muli %parallel_loop3A_953, %parallel_loop3A_1563 : i32
        %parallel_loop3A_1565 = arith.constant 12 : i32
        %parallel_loop3A_1566 = arith.addi %parallel_loop3A_1564, %parallel_loop3A_1565 : i32
        %parallel_loop3A_1567 = arith.index_cast %parallel_loop3A_1562 : i32 to index
        %parallel_loop3A_1568 = arith.constant 0 : index
        %parallel_loop3A_1569 = tpu.vector_load %arg5[%parallel_loop3A_1567, %parallel_loop3A_1568] {strides = array<i32>} : memref<10x128xf32, #tpu.memory_space<vmem>>, vector<1x16xf32>,
        %parallel_loop3A_1570 = vector.shape_cast %parallel_loop3A_1569 : vector<1x16xf32> to vector<16xf32>
        %parallel_loop3A_1571 = arith.index_cast %parallel_loop3A_1562 : i32 to index
        %parallel_loop3A_1572 = arith.constant 16 : index
        %parallel_loop3A_1573 = tpu.vector_load %arg5[%parallel_loop3A_1571, %parallel_loop3A_1572] {strides = array<i32>} : memref<10x128xf32, #tpu.memory_space<vmem>>, vector<1x16xf32>,
        %parallel_loop3A_1574 = vector.shape_cast %parallel_loop3A_1573 : vector<1x16xf32> to vector<16xf32>
        %parallel_loop3A_1575 = arith.index_cast %parallel_loop3A_1562 : i32 to index
        %parallel_loop3A_1576 = arith.constant 32 : index
        %parallel_loop3A_1577 = tpu.vector_load %arg5[%parallel_loop3A_1575, %parallel_loop3A_1576] {strides = array<i32>} : memref<10x128xf32, #tpu.memory_space<vmem>>, vector<1x16xf32>,
        %parallel_loop3A_1578 = vector.shape_cast %parallel_loop3A_1577 : vector<1x16xf32> to vector<16xf32>
        %parallel_loop3A_1579 = arith.index_cast %parallel_loop3A_1562 : i32 to index
        %parallel_loop3A_1580 = arith.constant 48 : index
        %parallel_loop3A_1581 = tpu.vector_load %arg5[%parallel_loop3A_1579, %parallel_loop3A_1580] {strides = array<i32>} : memref<10x128xf32, #tpu.memory_space<vmem>>, vector<1x16xf32>,
        %parallel_loop3A_1582 = vector.shape_cast %parallel_loop3A_1581 : vector<1x16xf32> to vector<16xf32>
        %parallel_loop3A_1583 = arith.constant 1 : i32
        %parallel_loop3A_1584 = arith.index_cast %parallel_loop3A_1583 : i32 to index
        %parallel_loop3A_1585 = arith.index_cast %parallel_loop3A_1566 : i32 to index
        %parallel_loop3A_1586 = arith.constant 0 : index
        %parallel_loop3A_1587 = tpu.vector_load %arg7[%parallel_loop3A_1584, %parallel_loop3A_1585, %parallel_loop3A_1586] {strides = array<i32>} : memref<2x256x64xf32, #tpu.memory_space<vmem>>, vector<1x1x16xf32>,
        %parallel_loop3A_1588 = vector.shape_cast %parallel_loop3A_1587 : vector<1x1x16xf32> to vector<16xf32>
        %parallel_loop3A_1589 = vector.shape_cast %parallel_loop3A_1570 : vector<16xf32> to vector<1x1x16xf32>
        tpu.vector_store %arg7[%parallel_loop3A_1584, %parallel_loop3A_1585, %parallel_loop3A_1586], %parallel_loop3A_1589 {strides = array<i32>} : memref<2x256x64xf32, #tpu.memory_space<vmem>>, vector<1x1x16xf32>,
        %parallel_loop3A_1590 = arith.constant 1 : i32
        %parallel_loop3A_1591 = arith.index_cast %parallel_loop3A_1590 : i32 to index
        %parallel_loop3A_1592 = arith.index_cast %parallel_loop3A_1566 : i32 to index
        %parallel_loop3A_1593 = arith.constant 16 : index
        %parallel_loop3A_1594 = tpu.vector_load %arg7[%parallel_loop3A_1591, %parallel_loop3A_1592, %parallel_loop3A_1593] {strides = array<i32>} : memref<2x256x64xf32, #tpu.memory_space<vmem>>, vector<1x1x16xf32>,
        %parallel_loop3A_1595 = vector.shape_cast %parallel_loop3A_1594 : vector<1x1x16xf32> to vector<16xf32>
        %parallel_loop3A_1596 = vector.shape_cast %parallel_loop3A_1574 : vector<16xf32> to vector<1x1x16xf32>
        tpu.vector_store %arg7[%parallel_loop3A_1591, %parallel_loop3A_1592, %parallel_loop3A_1593], %parallel_loop3A_1596 {strides = array<i32>} : memref<2x256x64xf32, #tpu.memory_space<vmem>>, vector<1x1x16xf32>,
        %parallel_loop3A_1597 = arith.constant 1 : i32
        %parallel_loop3A_1598 = arith.index_cast %parallel_loop3A_1597 : i32 to index
        %parallel_loop3A_1599 = arith.index_cast %parallel_loop3A_1566 : i32 to index
        %parallel_loop3A_1600 = arith.constant 32 : index
        %parallel_loop3A_1601 = tpu.vector_load %arg7[%parallel_loop3A_1598, %parallel_loop3A_1599, %parallel_loop3A_1600] {strides = array<i32>} : memref<2x256x64xf32, #tpu.memory_space<vmem>>, vector<1x1x16xf32>,
        %parallel_loop3A_1602 = vector.shape_cast %parallel_loop3A_1601 : vector<1x1x16xf32> to vector<16xf32>
        %parallel_loop3A_1603 = vector.shape_cast %parallel_loop3A_1578 : vector<16xf32> to vector<1x1x16xf32>
        tpu.vector_store %arg7[%parallel_loop3A_1598, %parallel_loop3A_1599, %parallel_loop3A_1600], %parallel_loop3A_1603 {strides = array<i32>} : memref<2x256x64xf32, #tpu.memory_space<vmem>>, vector<1x1x16xf32>,
        %parallel_loop3A_1604 = arith.constant 1 : i32
        %parallel_loop3A_1605 = arith.index_cast %parallel_loop3A_1604 : i32 to index
        %parallel_loop3A_1606 = arith.index_cast %parallel_loop3A_1566 : i32 to index
        %parallel_loop3A_1607 = arith.constant 48 : index
        %parallel_loop3A_1608 = tpu.vector_load %arg7[%parallel_loop3A_1605, %parallel_loop3A_1606, %parallel_loop3A_1607] {strides = array<i32>} : memref<2x256x64xf32, #tpu.memory_space<vmem>>, vector<1x1x16xf32>,
        %parallel_loop3A_1609 = vector.shape_cast %parallel_loop3A_1608 : vector<1x1x16xf32> to vector<16xf32>
        %parallel_loop3A_1610 = vector.shape_cast %parallel_loop3A_1582 : vector<16xf32> to vector<1x1x16xf32>
        tpu.vector_store %arg7[%parallel_loop3A_1605, %parallel_loop3A_1606, %parallel_loop3A_1607], %parallel_loop3A_1610 {strides = array<i32>} : memref<2x256x64xf32, #tpu.memory_space<vmem>>, vector<1x1x16xf32>,
        %parallel_loop3A_1611 = vector.extract_strided_slice %parallel_loop3A_960 {offsets = [13], sizes = [1], strides = [1]} : vector<16xi32> to vector<1xi32>
        %parallel_loop3A_1612 = vector.extract %parallel_loop3A_1611[0] : i32 from vector<1xi32>
        %parallel_loop3A_1613 = arith.constant 16 : i32
        %parallel_loop3A_1614 = arith.muli %parallel_loop3A_953, %parallel_loop3A_1613 : i32
        %parallel_loop3A_1615 = arith.constant 13 : i32
        %parallel_loop3A_1616 = arith.addi %parallel_loop3A_1614, %parallel_loop3A_1615 : i32
        %parallel_loop3A_1617 = arith.index_cast %parallel_loop3A_1612 : i32 to index
        %parallel_loop3A_1618 = arith.constant 0 : index
        %parallel_loop3A_1619 = tpu.vector_load %arg5[%parallel_loop3A_1617, %parallel_loop3A_1618] {strides = array<i32>} : memref<10x128xf32, #tpu.memory_space<vmem>>, vector<1x16xf32>,
        %parallel_loop3A_1620 = vector.shape_cast %parallel_loop3A_1619 : vector<1x16xf32> to vector<16xf32>
        %parallel_loop3A_1621 = arith.index_cast %parallel_loop3A_1612 : i32 to index
        %parallel_loop3A_1622 = arith.constant 16 : index
        %parallel_loop3A_1623 = tpu.vector_load %arg5[%parallel_loop3A_1621, %parallel_loop3A_1622] {strides = array<i32>} : memref<10x128xf32, #tpu.memory_space<vmem>>, vector<1x16xf32>,
        %parallel_loop3A_1624 = vector.shape_cast %parallel_loop3A_1623 : vector<1x16xf32> to vector<16xf32>
        %parallel_loop3A_1625 = arith.index_cast %parallel_loop3A_1612 : i32 to index
        %parallel_loop3A_1626 = arith.constant 32 : index
        %parallel_loop3A_1627 = tpu.vector_load %arg5[%parallel_loop3A_1625, %parallel_loop3A_1626] {strides = array<i32>} : memref<10x128xf32, #tpu.memory_space<vmem>>, vector<1x16xf32>,
        %parallel_loop3A_1628 = vector.shape_cast %parallel_loop3A_1627 : vector<1x16xf32> to vector<16xf32>
        %parallel_loop3A_1629 = arith.index_cast %parallel_loop3A_1612 : i32 to index
        %parallel_loop3A_1630 = arith.constant 48 : index
        %parallel_loop3A_1631 = tpu.vector_load %arg5[%parallel_loop3A_1629, %parallel_loop3A_1630] {strides = array<i32>} : memref<10x128xf32, #tpu.memory_space<vmem>>, vector<1x16xf32>,
        %parallel_loop3A_1632 = vector.shape_cast %parallel_loop3A_1631 : vector<1x16xf32> to vector<16xf32>
        %parallel_loop3A_1633 = arith.constant 1 : i32
        %parallel_loop3A_1634 = arith.index_cast %parallel_loop3A_1633 : i32 to index
        %parallel_loop3A_1635 = arith.index_cast %parallel_loop3A_1616 : i32 to index
        %parallel_loop3A_1636 = arith.constant 0 : index
        %parallel_loop3A_1637 = tpu.vector_load %arg7[%parallel_loop3A_1634, %parallel_loop3A_1635, %parallel_loop3A_1636] {strides = array<i32>} : memref<2x256x64xf32, #tpu.memory_space<vmem>>, vector<1x1x16xf32>,
        %parallel_loop3A_1638 = vector.shape_cast %parallel_loop3A_1637 : vector<1x1x16xf32> to vector<16xf32>
        %parallel_loop3A_1639 = vector.shape_cast %parallel_loop3A_1620 : vector<16xf32> to vector<1x1x16xf32>
        tpu.vector_store %arg7[%parallel_loop3A_1634, %parallel_loop3A_1635, %parallel_loop3A_1636], %parallel_loop3A_1639 {strides = array<i32>} : memref<2x256x64xf32, #tpu.memory_space<vmem>>, vector<1x1x16xf32>,
        %parallel_loop3A_1640 = arith.constant 1 : i32
        %parallel_loop3A_1641 = arith.index_cast %parallel_loop3A_1640 : i32 to index
        %parallel_loop3A_1642 = arith.index_cast %parallel_loop3A_1616 : i32 to index
        %parallel_loop3A_1643 = arith.constant 16 : index
        %parallel_loop3A_1644 = tpu.vector_load %arg7[%parallel_loop3A_1641, %parallel_loop3A_1642, %parallel_loop3A_1643] {strides = array<i32>} : memref<2x256x64xf32, #tpu.memory_space<vmem>>, vector<1x1x16xf32>,
        %parallel_loop3A_1645 = vector.shape_cast %parallel_loop3A_1644 : vector<1x1x16xf32> to vector<16xf32>
        %parallel_loop3A_1646 = vector.shape_cast %parallel_loop3A_1624 : vector<16xf32> to vector<1x1x16xf32>
        tpu.vector_store %arg7[%parallel_loop3A_1641, %parallel_loop3A_1642, %parallel_loop3A_1643], %parallel_loop3A_1646 {strides = array<i32>} : memref<2x256x64xf32, #tpu.memory_space<vmem>>, vector<1x1x16xf32>,
        %parallel_loop3A_1647 = arith.constant 1 : i32
        %parallel_loop3A_1648 = arith.index_cast %parallel_loop3A_1647 : i32 to index
        %parallel_loop3A_1649 = arith.index_cast %parallel_loop3A_1616 : i32 to index
        %parallel_loop3A_1650 = arith.constant 32 : index
        %parallel_loop3A_1651 = tpu.vector_load %arg7[%parallel_loop3A_1648, %parallel_loop3A_1649, %parallel_loop3A_1650] {strides = array<i32>} : memref<2x256x64xf32, #tpu.memory_space<vmem>>, vector<1x1x16xf32>,
        %parallel_loop3A_1652 = vector.shape_cast %parallel_loop3A_1651 : vector<1x1x16xf32> to vector<16xf32>
        %parallel_loop3A_1653 = vector.shape_cast %parallel_loop3A_1628 : vector<16xf32> to vector<1x1x16xf32>
        tpu.vector_store %arg7[%parallel_loop3A_1648, %parallel_loop3A_1649, %parallel_loop3A_1650], %parallel_loop3A_1653 {strides = array<i32>} : memref<2x256x64xf32, #tpu.memory_space<vmem>>, vector<1x1x16xf32>,
        %parallel_loop3A_1654 = arith.constant 1 : i32
        %parallel_loop3A_1655 = arith.index_cast %parallel_loop3A_1654 : i32 to index
        %parallel_loop3A_1656 = arith.index_cast %parallel_loop3A_1616 : i32 to index
        %parallel_loop3A_1657 = arith.constant 48 : index
        %parallel_loop3A_1658 = tpu.vector_load %arg7[%parallel_loop3A_1655, %parallel_loop3A_1656, %parallel_loop3A_1657] {strides = array<i32>} : memref<2x256x64xf32, #tpu.memory_space<vmem>>, vector<1x1x16xf32>,
        %parallel_loop3A_1659 = vector.shape_cast %parallel_loop3A_1658 : vector<1x1x16xf32> to vector<16xf32>
        %parallel_loop3A_1660 = vector.shape_cast %parallel_loop3A_1632 : vector<16xf32> to vector<1x1x16xf32>
        tpu.vector_store %arg7[%parallel_loop3A_1655, %parallel_loop3A_1656, %parallel_loop3A_1657], %parallel_loop3A_1660 {strides = array<i32>} : memref<2x256x64xf32, #tpu.memory_space<vmem>>, vector<1x1x16xf32>,
        %parallel_loop3A_1661 = vector.extract_strided_slice %parallel_loop3A_960 {offsets = [14], sizes = [1], strides = [1]} : vector<16xi32> to vector<1xi32>
        %parallel_loop3A_1662 = vector.extract %parallel_loop3A_1661[0] : i32 from vector<1xi32>
        %parallel_loop3A_1663 = arith.constant 16 : i32
        %parallel_loop3A_1664 = arith.muli %parallel_loop3A_953, %parallel_loop3A_1663 : i32
        %parallel_loop3A_1665 = arith.constant 14 : i32
        %parallel_loop3A_1666 = arith.addi %parallel_loop3A_1664, %parallel_loop3A_1665 : i32
        %parallel_loop3A_1667 = arith.index_cast %parallel_loop3A_1662 : i32 to index
        %parallel_loop3A_1668 = arith.constant 0 : index
        %parallel_loop3A_1669 = tpu.vector_load %arg5[%parallel_loop3A_1667, %parallel_loop3A_1668] {strides = array<i32>} : memref<10x128xf32, #tpu.memory_space<vmem>>, vector<1x16xf32>,
        %parallel_loop3A_1670 = vector.shape_cast %parallel_loop3A_1669 : vector<1x16xf32> to vector<16xf32>
        %parallel_loop3A_1671 = arith.index_cast %parallel_loop3A_1662 : i32 to index
        %parallel_loop3A_1672 = arith.constant 16 : index
        %parallel_loop3A_1673 = tpu.vector_load %arg5[%parallel_loop3A_1671, %parallel_loop3A_1672] {strides = array<i32>} : memref<10x128xf32, #tpu.memory_space<vmem>>, vector<1x16xf32>,
        %parallel_loop3A_1674 = vector.shape_cast %parallel_loop3A_1673 : vector<1x16xf32> to vector<16xf32>
        %parallel_loop3A_1675 = arith.index_cast %parallel_loop3A_1662 : i32 to index
        %parallel_loop3A_1676 = arith.constant 32 : index
        %parallel_loop3A_1677 = tpu.vector_load %arg5[%parallel_loop3A_1675, %parallel_loop3A_1676] {strides = array<i32>} : memref<10x128xf32, #tpu.memory_space<vmem>>, vector<1x16xf32>,
        %parallel_loop3A_1678 = vector.shape_cast %parallel_loop3A_1677 : vector<1x16xf32> to vector<16xf32>
        %parallel_loop3A_1679 = arith.index_cast %parallel_loop3A_1662 : i32 to index
        %parallel_loop3A_1680 = arith.constant 48 : index
        %parallel_loop3A_1681 = tpu.vector_load %arg5[%parallel_loop3A_1679, %parallel_loop3A_1680] {strides = array<i32>} : memref<10x128xf32, #tpu.memory_space<vmem>>, vector<1x16xf32>,
        %parallel_loop3A_1682 = vector.shape_cast %parallel_loop3A_1681 : vector<1x16xf32> to vector<16xf32>
        %parallel_loop3A_1683 = arith.constant 1 : i32
        %parallel_loop3A_1684 = arith.index_cast %parallel_loop3A_1683 : i32 to index
        %parallel_loop3A_1685 = arith.index_cast %parallel_loop3A_1666 : i32 to index
        %parallel_loop3A_1686 = arith.constant 0 : index
        %parallel_loop3A_1687 = tpu.vector_load %arg7[%parallel_loop3A_1684, %parallel_loop3A_1685, %parallel_loop3A_1686] {strides = array<i32>} : memref<2x256x64xf32, #tpu.memory_space<vmem>>, vector<1x1x16xf32>,
        %parallel_loop3A_1688 = vector.shape_cast %parallel_loop3A_1687 : vector<1x1x16xf32> to vector<16xf32>
        %parallel_loop3A_1689 = vector.shape_cast %parallel_loop3A_1670 : vector<16xf32> to vector<1x1x16xf32>
        tpu.vector_store %arg7[%parallel_loop3A_1684, %parallel_loop3A_1685, %parallel_loop3A_1686], %parallel_loop3A_1689 {strides = array<i32>} : memref<2x256x64xf32, #tpu.memory_space<vmem>>, vector<1x1x16xf32>,
        %parallel_loop3A_1690 = arith.constant 1 : i32
        %parallel_loop3A_1691 = arith.index_cast %parallel_loop3A_1690 : i32 to index
        %parallel_loop3A_1692 = arith.index_cast %parallel_loop3A_1666 : i32 to index
        %parallel_loop3A_1693 = arith.constant 16 : index
        %parallel_loop3A_1694 = tpu.vector_load %arg7[%parallel_loop3A_1691, %parallel_loop3A_1692, %parallel_loop3A_1693] {strides = array<i32>} : memref<2x256x64xf32, #tpu.memory_space<vmem>>, vector<1x1x16xf32>,
        %parallel_loop3A_1695 = vector.shape_cast %parallel_loop3A_1694 : vector<1x1x16xf32> to vector<16xf32>
        %parallel_loop3A_1696 = vector.shape_cast %parallel_loop3A_1674 : vector<16xf32> to vector<1x1x16xf32>
        tpu.vector_store %arg7[%parallel_loop3A_1691, %parallel_loop3A_1692, %parallel_loop3A_1693], %parallel_loop3A_1696 {strides = array<i32>} : memref<2x256x64xf32, #tpu.memory_space<vmem>>, vector<1x1x16xf32>,
        %parallel_loop3A_1697 = arith.constant 1 : i32
        %parallel_loop3A_1698 = arith.index_cast %parallel_loop3A_1697 : i32 to index
        %parallel_loop3A_1699 = arith.index_cast %parallel_loop3A_1666 : i32 to index
        %parallel_loop3A_1700 = arith.constant 32 : index
        %parallel_loop3A_1701 = tpu.vector_load %arg7[%parallel_loop3A_1698, %parallel_loop3A_1699, %parallel_loop3A_1700] {strides = array<i32>} : memref<2x256x64xf32, #tpu.memory_space<vmem>>, vector<1x1x16xf32>,
        %parallel_loop3A_1702 = vector.shape_cast %parallel_loop3A_1701 : vector<1x1x16xf32> to vector<16xf32>
        %parallel_loop3A_1703 = vector.shape_cast %parallel_loop3A_1678 : vector<16xf32> to vector<1x1x16xf32>
        tpu.vector_store %arg7[%parallel_loop3A_1698, %parallel_loop3A_1699, %parallel_loop3A_1700], %parallel_loop3A_1703 {strides = array<i32>} : memref<2x256x64xf32, #tpu.memory_space<vmem>>, vector<1x1x16xf32>,
        %parallel_loop3A_1704 = arith.constant 1 : i32
        %parallel_loop3A_1705 = arith.index_cast %parallel_loop3A_1704 : i32 to index
        %parallel_loop3A_1706 = arith.index_cast %parallel_loop3A_1666 : i32 to index
        %parallel_loop3A_1707 = arith.constant 48 : index
        %parallel_loop3A_1708 = tpu.vector_load %arg7[%parallel_loop3A_1705, %parallel_loop3A_1706, %parallel_loop3A_1707] {strides = array<i32>} : memref<2x256x64xf32, #tpu.memory_space<vmem>>, vector<1x1x16xf32>,
        %parallel_loop3A_1709 = vector.shape_cast %parallel_loop3A_1708 : vector<1x1x16xf32> to vector<16xf32>
        %parallel_loop3A_1710 = vector.shape_cast %parallel_loop3A_1682 : vector<16xf32> to vector<1x1x16xf32>
        tpu.vector_store %arg7[%parallel_loop3A_1705, %parallel_loop3A_1706, %parallel_loop3A_1707], %parallel_loop3A_1710 {strides = array<i32>} : memref<2x256x64xf32, #tpu.memory_space<vmem>>, vector<1x1x16xf32>,
        %parallel_loop3A_1711 = vector.extract_strided_slice %parallel_loop3A_960 {offsets = [15], sizes = [1], strides = [1]} : vector<16xi32> to vector<1xi32>
        %parallel_loop3A_1712 = vector.extract %parallel_loop3A_1711[0] : i32 from vector<1xi32>
        %parallel_loop3A_1713 = arith.constant 16 : i32
        %parallel_loop3A_1714 = arith.muli %parallel_loop3A_953, %parallel_loop3A_1713 : i32
        %parallel_loop3A_1715 = arith.constant 15 : i32
        %parallel_loop3A_1716 = arith.addi %parallel_loop3A_1714, %parallel_loop3A_1715 : i32
        %parallel_loop3A_1717 = arith.index_cast %parallel_loop3A_1712 : i32 to index
        %parallel_loop3A_1718 = arith.constant 0 : index
        %parallel_loop3A_1719 = tpu.vector_load %arg5[%parallel_loop3A_1717, %parallel_loop3A_1718] {strides = array<i32>} : memref<10x128xf32, #tpu.memory_space<vmem>>, vector<1x16xf32>,
        %parallel_loop3A_1720 = vector.shape_cast %parallel_loop3A_1719 : vector<1x16xf32> to vector<16xf32>
        %parallel_loop3A_1721 = arith.index_cast %parallel_loop3A_1712 : i32 to index
        %parallel_loop3A_1722 = arith.constant 16 : index
        %parallel_loop3A_1723 = tpu.vector_load %arg5[%parallel_loop3A_1721, %parallel_loop3A_1722] {strides = array<i32>} : memref<10x128xf32, #tpu.memory_space<vmem>>, vector<1x16xf32>,
        %parallel_loop3A_1724 = vector.shape_cast %parallel_loop3A_1723 : vector<1x16xf32> to vector<16xf32>
        %parallel_loop3A_1725 = arith.index_cast %parallel_loop3A_1712 : i32 to index
        %parallel_loop3A_1726 = arith.constant 32 : index
        %parallel_loop3A_1727 = tpu.vector_load %arg5[%parallel_loop3A_1725, %parallel_loop3A_1726] {strides = array<i32>} : memref<10x128xf32, #tpu.memory_space<vmem>>, vector<1x16xf32>,
        %parallel_loop3A_1728 = vector.shape_cast %parallel_loop3A_1727 : vector<1x16xf32> to vector<16xf32>
        %parallel_loop3A_1729 = arith.index_cast %parallel_loop3A_1712 : i32 to index
        %parallel_loop3A_1730 = arith.constant 48 : index
        %parallel_loop3A_1731 = tpu.vector_load %arg5[%parallel_loop3A_1729, %parallel_loop3A_1730] {strides = array<i32>} : memref<10x128xf32, #tpu.memory_space<vmem>>, vector<1x16xf32>,
        %parallel_loop3A_1732 = vector.shape_cast %parallel_loop3A_1731 : vector<1x16xf32> to vector<16xf32>
        %parallel_loop3A_1733 = arith.constant 1 : i32
        %parallel_loop3A_1734 = arith.index_cast %parallel_loop3A_1733 : i32 to index
        %parallel_loop3A_1735 = arith.index_cast %parallel_loop3A_1716 : i32 to index
        %parallel_loop3A_1736 = arith.constant 0 : index
        %parallel_loop3A_1737 = tpu.vector_load %arg7[%parallel_loop3A_1734, %parallel_loop3A_1735, %parallel_loop3A_1736] {strides = array<i32>} : memref<2x256x64xf32, #tpu.memory_space<vmem>>, vector<1x1x16xf32>,
        %parallel_loop3A_1738 = vector.shape_cast %parallel_loop3A_1737 : vector<1x1x16xf32> to vector<16xf32>
        %parallel_loop3A_1739 = vector.shape_cast %parallel_loop3A_1720 : vector<16xf32> to vector<1x1x16xf32>
        tpu.vector_store %arg7[%parallel_loop3A_1734, %parallel_loop3A_1735, %parallel_loop3A_1736], %parallel_loop3A_1739 {strides = array<i32>} : memref<2x256x64xf32, #tpu.memory_space<vmem>>, vector<1x1x16xf32>,
        %parallel_loop3A_1740 = arith.constant 1 : i32
        %parallel_loop3A_1741 = arith.index_cast %parallel_loop3A_1740 : i32 to index
        %parallel_loop3A_1742 = arith.index_cast %parallel_loop3A_1716 : i32 to index
        %parallel_loop3A_1743 = arith.constant 16 : index
        %parallel_loop3A_1744 = tpu.vector_load %arg7[%parallel_loop3A_1741, %parallel_loop3A_1742, %parallel_loop3A_1743] {strides = array<i32>} : memref<2x256x64xf32, #tpu.memory_space<vmem>>, vector<1x1x16xf32>,
        %parallel_loop3A_1745 = vector.shape_cast %parallel_loop3A_1744 : vector<1x1x16xf32> to vector<16xf32>
        %parallel_loop3A_1746 = vector.shape_cast %parallel_loop3A_1724 : vector<16xf32> to vector<1x1x16xf32>
        tpu.vector_store %arg7[%parallel_loop3A_1741, %parallel_loop3A_1742, %parallel_loop3A_1743], %parallel_loop3A_1746 {strides = array<i32>} : memref<2x256x64xf32, #tpu.memory_space<vmem>>, vector<1x1x16xf32>,
        %parallel_loop3A_1747 = arith.constant 1 : i32
        %parallel_loop3A_1748 = arith.index_cast %parallel_loop3A_1747 : i32 to index
        %parallel_loop3A_1749 = arith.index_cast %parallel_loop3A_1716 : i32 to index
        %parallel_loop3A_1750 = arith.constant 32 : index
        %parallel_loop3A_1751 = tpu.vector_load %arg7[%parallel_loop3A_1748, %parallel_loop3A_1749, %parallel_loop3A_1750] {strides = array<i32>} : memref<2x256x64xf32, #tpu.memory_space<vmem>>, vector<1x1x16xf32>,
        %parallel_loop3A_1752 = vector.shape_cast %parallel_loop3A_1751 : vector<1x1x16xf32> to vector<16xf32>
        %parallel_loop3A_1753 = vector.shape_cast %parallel_loop3A_1728 : vector<16xf32> to vector<1x1x16xf32>
        tpu.vector_store %arg7[%parallel_loop3A_1748, %parallel_loop3A_1749, %parallel_loop3A_1750], %parallel_loop3A_1753 {strides = array<i32>} : memref<2x256x64xf32, #tpu.memory_space<vmem>>, vector<1x1x16xf32>,
        %parallel_loop3A_1754 = arith.constant 1 : i32
        %parallel_loop3A_1755 = arith.index_cast %parallel_loop3A_1754 : i32 to index
        %parallel_loop3A_1756 = arith.index_cast %parallel_loop3A_1716 : i32 to index
        %parallel_loop3A_1757 = arith.constant 48 : index
        %parallel_loop3A_1758 = tpu.vector_load %arg7[%parallel_loop3A_1755, %parallel_loop3A_1756, %parallel_loop3A_1757] {strides = array<i32>} : memref<2x256x64xf32, #tpu.memory_space<vmem>>, vector<1x1x16xf32>,
        %parallel_loop3A_1759 = vector.shape_cast %parallel_loop3A_1758 : vector<1x1x16xf32> to vector<16xf32>
        %parallel_loop3A_1760 = vector.shape_cast %parallel_loop3A_1732 : vector<16xf32> to vector<1x1x16xf32>
        tpu.vector_store %arg7[%parallel_loop3A_1755, %parallel_loop3A_1756, %parallel_loop3A_1757], %parallel_loop3A_1760 {strides = array<i32>} : memref<2x256x64xf32, #tpu.memory_space<vmem>>, vector<1x1x16xf32>,
      } {sc.loop_unroll_factor = 4 : i64, sc.parallel_access}
      %jit3A_703 = arith.constant 4 : i32
      %div3A_704 = arith.divsi %add3A_681, %jit3A_703 : i32
      %sign3A_705 = arith.constant 0 : i32
      %sign3A_706 = arith.cmpi sgt, %add3A_681, %sign3A_705 : i32
      %sign3A_707 = arith.extui %sign3A_706 : i1 to i32
      %sign3A_708 = arith.constant 0 : i32
      %sign3A_709 = arith.cmpi slt, %add3A_681, %sign3A_708 : i32
      %sign3A_710 = arith.extui %sign3A_709 : i1 to i32
      %sign3A_711 = arith.subi %sign3A_707, %sign3A_710 : i32
      %sign3A_712 = arith.constant 0 : i32
      %sign3A_713 = arith.cmpi sgt, %jit3A_703, %sign3A_712 : i32
      %sign3A_714 = arith.extui %sign3A_713 : i1 to i32
      %sign3A_715 = arith.constant 0 : i32
      %sign3A_716 = arith.cmpi slt, %jit3A_703, %sign3A_715 : i32
      %sign3A_717 = arith.extui %sign3A_716 : i1 to i32
      %sign3A_718 = arith.subi %sign3A_714, %sign3A_717 : i32
      %ne3A_719 = arith.cmpi ne, %sign3A_711, %sign3A_718 : i32
      %rem3A_720 = arith.remsi %add3A_681, %jit3A_703 : i32
      %ne3A_721 = arith.constant 0 : i32
      %ne3A_722 = arith.cmpi ne, %rem3A_720, %ne3A_721 : i32
      %and3A_723 = arith.andi %ne3A_719, %ne3A_722 : i1
      %sub3A_724 = arith.constant 1 : i32
      %sub3A_725 = arith.subi %div3A_704, %sub3A_724 : i32
      %select_n3A_726 = arith.select %and3A_723, %sub3A_725, %div3A_704 : i32
      %add3A_727 = arith.addi %mul3A_4, %select_n3A_726 : i32
      %jit3A_728 = arith.constant 4 : i32
      %eq3A_729 = arith.constant 0 : i32
      %eq3A_730 = arith.cmpi eq, %jit3A_728, %eq3A_729 : i32
      %jit3A_731 = arith.constant 1 : i32
      %select_n3A_732 = arith.select %eq3A_730, %jit3A_731, %jit3A_728 : i32
      %rem3A_733 = arith.remsi %add3A_681, %select_n3A_732 : i32
      %ne3A_734 = arith.constant 0 : i32
      %ne3A_735 = arith.cmpi ne, %rem3A_733, %ne3A_734 : i32
      %lt3A_736 = arith.constant 0 : i32
      %lt3A_737 = arith.cmpi slt, %rem3A_733, %lt3A_736 : i32
      %lt3A_738 = arith.constant 0 : i32
      %lt3A_739 = arith.cmpi slt, %select_n3A_732, %lt3A_738 : i32
      %ne3A_740 = arith.xori %lt3A_737, %lt3A_739 : i1
      %and3A_741 = arith.andi %ne3A_740, %ne3A_735 : i1
      %add3A_742 = arith.addi %rem3A_733, %select_n3A_732 : i32
      %select_n3A_743 = arith.select %and3A_741, %add3A_742, %rem3A_733 : i32
      %mul3A_744 = arith.constant 8 : i32
      %mul3A_745 = arith.muli %select_n3A_743, %mul3A_744 : i32
      %add3A_746 = arith.constant 0 : i32
      %add3A_747 = arith.addi %mul3A_745, %add3A_746 : i32
      %add3A_748 = arith.constant 1 : i32
      %add3A_749 = arith.addi %mul3A_745, %add3A_748 : i32
      %add3A_750 = arith.constant 2 : i32
      %add3A_751 = arith.addi %mul3A_745, %add3A_750 : i32
      %add3A_752 = arith.constant 3 : i32
      %add3A_753 = arith.addi %mul3A_745, %add3A_752 : i32
      %add3A_754 = arith.constant 4 : i32
      %add3A_755 = arith.addi %mul3A_745, %add3A_754 : i32
      %add3A_756 = arith.constant 5 : i32
      %add3A_757 = arith.addi %mul3A_745, %add3A_756 : i32
      %add3A_758 = arith.constant 6 : i32
      %add3A_759 = arith.addi %mul3A_745, %add3A_758 : i32
      %add3A_760 = arith.constant 7 : i32
      %add3A_761 = arith.addi %mul3A_745, %add3A_760 : i32
      %dma_start3A_762 = arith.constant 1 : i32
      %dma_start3A_763 = arith.constant 0 : i32
      %dma_start3A_764 = arith.constant 0 : i32
      %dma_start3A_765 = tpu.memref_slice %arg7[%dma_start3A_762, %dma_start3A_763, %dma_start3A_764] : memref<2x256x64xf32, #tpu.memory_space<vmem>> -> memref<1x256x64xf32, #tpu.memory_space<vmem>>
      %dma_start3A_766 = tpu.memref_squeeze %dma_start3A_765 : memref<1x256x64xf32, #tpu.memory_space<vmem>> -> memref<256x64xf32, #tpu.memory_space<vmem>>
      %dma_start3A_767 = arith.constant 0 : i32
      %dma_start3A_768 = arith.constant 0 : i32
      %dma_start3A_769 = tpu.memref_slice %dma_start3A_766[%dma_start3A_767, %dma_start3A_768] : memref<256x64xf32, #tpu.memory_space<vmem>> -> memref<32x64xf32, #tpu.memory_space<vmem>>
      %dma_start3A_770 = arith.constant 0 : i32
      %dma_start3A_771 = arith.constant 0 : i32
      %dma_start3A_772 = tpu.memref_slice %arg4[%add3A_727, %add3A_747, %dma_start3A_770, %dma_start3A_771] : memref<2048x32x32x64xf32, #tpu.memory_space<hbm>> -> memref<1x1x32x64xf32, #tpu.memory_space<hbm>>
      %dma_start3A_773 = tpu.memref_squeeze %dma_start3A_772 : memref<1x1x32x64xf32, #tpu.memory_space<hbm>> -> memref<32x64xf32, #tpu.memory_space<hbm>>
      %dma_start3A_774 = arith.constant 0 : i32
      %dma_start3A_775 = arith.constant 0 : i32
      %dma_start3A_776 = tpu.memref_slice %arg4[%add3A_727, %add3A_747, %dma_start3A_774, %dma_start3A_775] : memref<2048x32x32x64xf32, #tpu.memory_space<hbm>> -> memref<1x1x32x64xf32, #tpu.memory_space<hbm>>
      %dma_start3A_777 = tpu.memref_squeeze %dma_start3A_776 : memref<1x1x32x64xf32, #tpu.memory_space<hbm>> -> memref<32x64xf32, #tpu.memory_space<hbm>>
      %dma_start3A_778 = arith.constant 0 : i32
      %dma_start3A_779 = arith.constant 0 : i32
      %dma_start3A_780 = tpu.memref_slice %arg7[%dma_start3A_762, %dma_start3A_778, %dma_start3A_779] : memref<2x256x64xf32, #tpu.memory_space<vmem>> -> memref<1x256x64xf32, #tpu.memory_space<vmem>>
      %dma_start3A_781 = tpu.memref_squeeze %dma_start3A_780 : memref<1x256x64xf32, #tpu.memory_space<vmem>> -> memref<256x64xf32, #tpu.memory_space<vmem>>
      %dma_start3A_782 = arith.constant 0 : i32
      %dma_start3A_783 = arith.constant 0 : i32
      %dma_start3A_784 = tpu.memref_slice %dma_start3A_781[%dma_start3A_782, %dma_start3A_783] : memref<256x64xf32, #tpu.memory_space<vmem>> -> memref<32x64xf32, #tpu.memory_space<vmem>>
      tpu.enqueue_dma source(%dma_start3A_784 : memref<32x64xf32, #tpu.memory_space<vmem>>) target(%dma_start3A_777 : memref<32x64xf32, #tpu.memory_space<hbm>>) target_semaphore(%arg12 : memref<!tpu.dma_semaphore, #tpu.memory_space<semaphore_mem>>)
      %dma_start3A_785 = arith.constant 1 : i32
      %dma_start3A_786 = arith.constant 0 : i32
      %dma_start3A_787 = arith.constant 0 : i32
      %dma_start3A_788 = tpu.memref_slice %arg7[%dma_start3A_785, %dma_start3A_786, %dma_start3A_787] : memref<2x256x64xf32, #tpu.memory_space<vmem>> -> memref<1x256x64xf32, #tpu.memory_space<vmem>>
      %dma_start3A_789 = tpu.memref_squeeze %dma_start3A_788 : memref<1x256x64xf32, #tpu.memory_space<vmem>> -> memref<256x64xf32, #tpu.memory_space<vmem>>
      %dma_start3A_790 = arith.constant 32 : i32
      %dma_start3A_791 = arith.constant 0 : i32
      %dma_start3A_792 = tpu.memref_slice %dma_start3A_789[%dma_start3A_790, %dma_start3A_791] : memref<256x64xf32, #tpu.memory_space<vmem>> -> memref<32x64xf32, #tpu.memory_space<vmem>>
      %dma_start3A_793 = arith.constant 0 : i32
      %dma_start3A_794 = arith.constant 0 : i32
      %dma_start3A_795 = tpu.memref_slice %arg4[%add3A_727, %add3A_749, %dma_start3A_793, %dma_start3A_794] : memref<2048x32x32x64xf32, #tpu.memory_space<hbm>> -> memref<1x1x32x64xf32, #tpu.memory_space<hbm>>
      %dma_start3A_796 = tpu.memref_squeeze %dma_start3A_795 : memref<1x1x32x64xf32, #tpu.memory_space<hbm>> -> memref<32x64xf32, #tpu.memory_space<hbm>>
      %dma_start3A_797 = arith.constant 0 : i32
      %dma_start3A_798 = arith.constant 0 : i32
      %dma_start3A_799 = tpu.memref_slice %arg4[%add3A_727, %add3A_749, %dma_start3A_797, %dma_start3A_798] : memref<2048x32x32x64xf32, #tpu.memory_space<hbm>> -> memref<1x1x32x64xf32, #tpu.memory_space<hbm>>
      %dma_start3A_800 = tpu.memref_squeeze %dma_start3A_799 : memref<1x1x32x64xf32, #tpu.memory_space<hbm>> -> memref<32x64xf32, #tpu.memory_space<hbm>>
      %dma_start3A_801 = arith.constant 0 : i32
      %dma_start3A_802 = arith.constant 0 : i32
      %dma_start3A_803 = tpu.memref_slice %arg7[%dma_start3A_785, %dma_start3A_801, %dma_start3A_802] : memref<2x256x64xf32, #tpu.memory_space<vmem>> -> memref<1x256x64xf32, #tpu.memory_space<vmem>>
      %dma_start3A_804 = tpu.memref_squeeze %dma_start3A_803 : memref<1x256x64xf32, #tpu.memory_space<vmem>> -> memref<256x64xf32, #tpu.memory_space<vmem>>
      %dma_start3A_805 = arith.constant 32 : i32
      %dma_start3A_806 = arith.constant 0 : i32
      %dma_start3A_807 = tpu.memref_slice %dma_start3A_804[%dma_start3A_805, %dma_start3A_806] : memref<256x64xf32, #tpu.memory_space<vmem>> -> memref<32x64xf32, #tpu.memory_space<vmem>>
      tpu.enqueue_dma source(%dma_start3A_807 : memref<32x64xf32, #tpu.memory_space<vmem>>) target(%dma_start3A_800 : memref<32x64xf32, #tpu.memory_space<hbm>>) target_semaphore(%arg12 : memref<!tpu.dma_semaphore, #tpu.memory_space<semaphore_mem>>)
      %dma_start3A_808 = arith.constant 1 : i32
      %dma_start3A_809 = arith.constant 0 : i32
      %dma_start3A_810 = arith.constant 0 : i32
      %dma_start3A_811 = tpu.memref_slice %arg7[%dma_start3A_808, %dma_start3A_809, %dma_start3A_810] : memref<2x256x64xf32, #tpu.memory_space<vmem>> -> memref<1x256x64xf32, #tpu.memory_space<vmem>>
      %dma_start3A_812 = tpu.memref_squeeze %dma_start3A_811 : memref<1x256x64xf32, #tpu.memory_space<vmem>> -> memref<256x64xf32, #tpu.memory_space<vmem>>
      %dma_start3A_813 = arith.constant 64 : i32
      %dma_start3A_814 = arith.constant 0 : i32
      %dma_start3A_815 = tpu.memref_slice %dma_start3A_812[%dma_start3A_813, %dma_start3A_814] : memref<256x64xf32, #tpu.memory_space<vmem>> -> memref<32x64xf32, #tpu.memory_space<vmem>>
      %dma_start3A_816 = arith.constant 0 : i32
      %dma_start3A_817 = arith.constant 0 : i32
      %dma_start3A_818 = tpu.memref_slice %arg4[%add3A_727, %add3A_751, %dma_start3A_816, %dma_start3A_817] : memref<2048x32x32x64xf32, #tpu.memory_space<hbm>> -> memref<1x1x32x64xf32, #tpu.memory_space<hbm>>
      %dma_start3A_819 = tpu.memref_squeeze %dma_start3A_818 : memref<1x1x32x64xf32, #tpu.memory_space<hbm>> -> memref<32x64xf32, #tpu.memory_space<hbm>>
      %dma_start3A_820 = arith.constant 0 : i32
      %dma_start3A_821 = arith.constant 0 : i32
      %dma_start3A_822 = tpu.memref_slice %arg4[%add3A_727, %add3A_751, %dma_start3A_820, %dma_start3A_821] : memref<2048x32x32x64xf32, #tpu.memory_space<hbm>> -> memref<1x1x32x64xf32, #tpu.memory_space<hbm>>
      %dma_start3A_823 = tpu.memref_squeeze %dma_start3A_822 : memref<1x1x32x64xf32, #tpu.memory_space<hbm>> -> memref<32x64xf32, #tpu.memory_space<hbm>>
      %dma_start3A_824 = arith.constant 0 : i32
      %dma_start3A_825 = arith.constant 0 : i32
      %dma_start3A_826 = tpu.memref_slice %arg7[%dma_start3A_808, %dma_start3A_824, %dma_start3A_825] : memref<2x256x64xf32, #tpu.memory_space<vmem>> -> memref<1x256x64xf32, #tpu.memory_space<vmem>>
      %dma_start3A_827 = tpu.memref_squeeze %dma_start3A_826 : memref<1x256x64xf32, #tpu.memory_space<vmem>> -> memref<256x64xf32, #tpu.memory_space<vmem>>
      %dma_start3A_828 = arith.constant 64 : i32
      %dma_start3A_829 = arith.constant 0 : i32
      %dma_start3A_830 = tpu.memref_slice %dma_start3A_827[%dma_start3A_828, %dma_start3A_829] : memref<256x64xf32, #tpu.memory_space<vmem>> -> memref<32x64xf32, #tpu.memory_space<vmem>>
      tpu.enqueue_dma source(%dma_start3A_830 : memref<32x64xf32, #tpu.memory_space<vmem>>) target(%dma_start3A_823 : memref<32x64xf32, #tpu.memory_space<hbm>>) target_semaphore(%arg12 : memref<!tpu.dma_semaphore, #tpu.memory_space<semaphore_mem>>)
      %dma_start3A_831 = arith.constant 1 : i32
      %dma_start3A_832 = arith.constant 0 : i32
      %dma_start3A_833 = arith.constant 0 : i32
      %dma_start3A_834 = tpu.memref_slice %arg7[%dma_start3A_831, %dma_start3A_832, %dma_start3A_833] : memref<2x256x64xf32, #tpu.memory_space<vmem>> -> memref<1x256x64xf32, #tpu.memory_space<vmem>>
      %dma_start3A_835 = tpu.memref_squeeze %dma_start3A_834 : memref<1x256x64xf32, #tpu.memory_space<vmem>> -> memref<256x64xf32, #tpu.memory_space<vmem>>
      %dma_start3A_836 = arith.constant 96 : i32
      %dma_start3A_837 = arith.constant 0 : i32
      %dma_start3A_838 = tpu.memref_slice %dma_start3A_835[%dma_start3A_836, %dma_start3A_837] : memref<256x64xf32, #tpu.memory_space<vmem>> -> memref<32x64xf32, #tpu.memory_space<vmem>>
      %dma_start3A_839 = arith.constant 0 : i32
      %dma_start3A_840 = arith.constant 0 : i32
      %dma_start3A_841 = tpu.memref_slice %arg4[%add3A_727, %add3A_753, %dma_start3A_839, %dma_start3A_840] : memref<2048x32x32x64xf32, #tpu.memory_space<hbm>> -> memref<1x1x32x64xf32, #tpu.memory_space<hbm>>
      %dma_start3A_842 = tpu.memref_squeeze %dma_start3A_841 : memref<1x1x32x64xf32, #tpu.memory_space<hbm>> -> memref<32x64xf32, #tpu.memory_space<hbm>>
      %dma_start3A_843 = arith.constant 0 : i32
      %dma_start3A_844 = arith.constant 0 : i32
      %dma_start3A_845 = tpu.memref_slice %arg4[%add3A_727, %add3A_753, %dma_start3A_843, %dma_start3A_844] : memref<2048x32x32x64xf32, #tpu.memory_space<hbm>> -> memref<1x1x32x64xf32, #tpu.memory_space<hbm>>
      %dma_start3A_846 = tpu.memref_squeeze %dma_start3A_845 : memref<1x1x32x64xf32, #tpu.memory_space<hbm>> -> memref<32x64xf32, #tpu.memory_space<hbm>>
      %dma_start3A_847 = arith.constant 0 : i32
      %dma_start3A_848 = arith.constant 0 : i32
      %dma_start3A_849 = tpu.memref_slice %arg7[%dma_start3A_831, %dma_start3A_847, %dma_start3A_848] : memref<2x256x64xf32, #tpu.memory_space<vmem>> -> memref<1x256x64xf32, #tpu.memory_space<vmem>>
      %dma_start3A_850 = tpu.memref_squeeze %dma_start3A_849 : memref<1x256x64xf32, #tpu.memory_space<vmem>> -> memref<256x64xf32, #tpu.memory_space<vmem>>
      %dma_start3A_851 = arith.constant 96 : i32
      %dma_start3A_852 = arith.constant 0 : i32
      %dma_start3A_853 = tpu.memref_slice %dma_start3A_850[%dma_start3A_851, %dma_start3A_852] : memref<256x64xf32, #tpu.memory_space<vmem>> -> memref<32x64xf32, #tpu.memory_space<vmem>>
      tpu.enqueue_dma source(%dma_start3A_853 : memref<32x64xf32, #tpu.memory_space<vmem>>) target(%dma_start3A_846 : memref<32x64xf32, #tpu.memory_space<hbm>>) target_semaphore(%arg12 : memref<!tpu.dma_semaphore, #tpu.memory_space<semaphore_mem>>)
      %dma_start3A_854 = arith.constant 1 : i32
      %dma_start3A_855 = arith.constant 0 : i32
      %dma_start3A_856 = arith.constant 0 : i32
      %dma_start3A_857 = tpu.memref_slice %arg7[%dma_start3A_854, %dma_start3A_855, %dma_start3A_856] : memref<2x256x64xf32, #tpu.memory_space<vmem>> -> memref<1x256x64xf32, #tpu.memory_space<vmem>>
      %dma_start3A_858 = tpu.memref_squeeze %dma_start3A_857 : memref<1x256x64xf32, #tpu.memory_space<vmem>> -> memref<256x64xf32, #tpu.memory_space<vmem>>
      %dma_start3A_859 = arith.constant 128 : i32
      %dma_start3A_860 = arith.constant 0 : i32
      %dma_start3A_861 = tpu.memref_slice %dma_start3A_858[%dma_start3A_859, %dma_start3A_860] : memref<256x64xf32, #tpu.memory_space<vmem>> -> memref<32x64xf32, #tpu.memory_space<vmem>>
      %dma_start3A_862 = arith.constant 0 : i32
      %dma_start3A_863 = arith.constant 0 : i32
      %dma_start3A_864 = tpu.memref_slice %arg4[%add3A_727, %add3A_755, %dma_start3A_862, %dma_start3A_863] : memref<2048x32x32x64xf32, #tpu.memory_space<hbm>> -> memref<1x1x32x64xf32, #tpu.memory_space<hbm>>
      %dma_start3A_865 = tpu.memref_squeeze %dma_start3A_864 : memref<1x1x32x64xf32, #tpu.memory_space<hbm>> -> memref<32x64xf32, #tpu.memory_space<hbm>>
      %dma_start3A_866 = arith.constant 0 : i32
      %dma_start3A_867 = arith.constant 0 : i32
      %dma_start3A_868 = tpu.memref_slice %arg4[%add3A_727, %add3A_755, %dma_start3A_866, %dma_start3A_867] : memref<2048x32x32x64xf32, #tpu.memory_space<hbm>> -> memref<1x1x32x64xf32, #tpu.memory_space<hbm>>
      %dma_start3A_869 = tpu.memref_squeeze %dma_start3A_868 : memref<1x1x32x64xf32, #tpu.memory_space<hbm>> -> memref<32x64xf32, #tpu.memory_space<hbm>>
      %dma_start3A_870 = arith.constant 0 : i32
      %dma_start3A_871 = arith.constant 0 : i32
      %dma_start3A_872 = tpu.memref_slice %arg7[%dma_start3A_854, %dma_start3A_870, %dma_start3A_871] : memref<2x256x64xf32, #tpu.memory_space<vmem>> -> memref<1x256x64xf32, #tpu.memory_space<vmem>>
      %dma_start3A_873 = tpu.memref_squeeze %dma_start3A_872 : memref<1x256x64xf32, #tpu.memory_space<vmem>> -> memref<256x64xf32, #tpu.memory_space<vmem>>
      %dma_start3A_874 = arith.constant 128 : i32
      %dma_start3A_875 = arith.constant 0 : i32
      %dma_start3A_876 = tpu.memref_slice %dma_start3A_873[%dma_start3A_874, %dma_start3A_875] : memref<256x64xf32, #tpu.memory_space<vmem>> -> memref<32x64xf32, #tpu.memory_space<vmem>>
      tpu.enqueue_dma source(%dma_start3A_876 : memref<32x64xf32, #tpu.memory_space<vmem>>) target(%dma_start3A_869 : memref<32x64xf32, #tpu.memory_space<hbm>>) target_semaphore(%arg12 : memref<!tpu.dma_semaphore, #tpu.memory_space<semaphore_mem>>)
      %dma_start3A_877 = arith.constant 1 : i32
      %dma_start3A_878 = arith.constant 0 : i32
      %dma_start3A_879 = arith.constant 0 : i32
      %dma_start3A_880 = tpu.memref_slice %arg7[%dma_start3A_877, %dma_start3A_878, %dma_start3A_879] : memref<2x256x64xf32, #tpu.memory_space<vmem>> -> memref<1x256x64xf32, #tpu.memory_space<vmem>>
      %dma_start3A_881 = tpu.memref_squeeze %dma_start3A_880 : memref<1x256x64xf32, #tpu.memory_space<vmem>> -> memref<256x64xf32, #tpu.memory_space<vmem>>
      %dma_start3A_882 = arith.constant 160 : i32
      %dma_start3A_883 = arith.constant 0 : i32
      %dma_start3A_884 = tpu.memref_slice %dma_start3A_881[%dma_start3A_882, %dma_start3A_883] : memref<256x64xf32, #tpu.memory_space<vmem>> -> memref<32x64xf32, #tpu.memory_space<vmem>>
      %dma_start3A_885 = arith.constant 0 : i32
      %dma_start3A_886 = arith.constant 0 : i32
      %dma_start3A_887 = tpu.memref_slice %arg4[%add3A_727, %add3A_757, %dma_start3A_885, %dma_start3A_886] : memref<2048x32x32x64xf32, #tpu.memory_space<hbm>> -> memref<1x1x32x64xf32, #tpu.memory_space<hbm>>
      %dma_start3A_888 = tpu.memref_squeeze %dma_start3A_887 : memref<1x1x32x64xf32, #tpu.memory_space<hbm>> -> memref<32x64xf32, #tpu.memory_space<hbm>>
      %dma_start3A_889 = arith.constant 0 : i32
      %dma_start3A_890 = arith.constant 0 : i32
      %dma_start3A_891 = tpu.memref_slice %arg4[%add3A_727, %add3A_757, %dma_start3A_889, %dma_start3A_890] : memref<2048x32x32x64xf32, #tpu.memory_space<hbm>> -> memref<1x1x32x64xf32, #tpu.memory_space<hbm>>
      %dma_start3A_892 = tpu.memref_squeeze %dma_start3A_891 : memref<1x1x32x64xf32, #tpu.memory_space<hbm>> -> memref<32x64xf32, #tpu.memory_space<hbm>>
      %dma_start3A_893 = arith.constant 0 : i32
      %dma_start3A_894 = arith.constant 0 : i32
      %dma_start3A_895 = tpu.memref_slice %arg7[%dma_start3A_877, %dma_start3A_893, %dma_start3A_894] : memref<2x256x64xf32, #tpu.memory_space<vmem>> -> memref<1x256x64xf32, #tpu.memory_space<vmem>>
      %dma_start3A_896 = tpu.memref_squeeze %dma_start3A_895 : memref<1x256x64xf32, #tpu.memory_space<vmem>> -> memref<256x64xf32, #tpu.memory_space<vmem>>
      %dma_start3A_897 = arith.constant 160 : i32
      %dma_start3A_898 = arith.constant 0 : i32
      %dma_start3A_899 = tpu.memref_slice %dma_start3A_896[%dma_start3A_897, %dma_start3A_898] : memref<256x64xf32, #tpu.memory_space<vmem>> -> memref<32x64xf32, #tpu.memory_space<vmem>>
      tpu.enqueue_dma source(%dma_start3A_899 : memref<32x64xf32, #tpu.memory_space<vmem>>) target(%dma_start3A_892 : memref<32x64xf32, #tpu.memory_space<hbm>>) target_semaphore(%arg12 : memref<!tpu.dma_semaphore, #tpu.memory_space<semaphore_mem>>)
      %dma_start3A_900 = arith.constant 1 : i32
      %dma_start3A_901 = arith.constant 0 : i32
      %dma_start3A_902 = arith.constant 0 : i32
      %dma_start3A_903 = tpu.memref_slice %arg7[%dma_start3A_900, %dma_start3A_901, %dma_start3A_902] : memref<2x256x64xf32, #tpu.memory_space<vmem>> -> memref<1x256x64xf32, #tpu.memory_space<vmem>>
      %dma_start3A_904 = tpu.memref_squeeze %dma_start3A_903 : memref<1x256x64xf32, #tpu.memory_space<vmem>> -> memref<256x64xf32, #tpu.memory_space<vmem>>
      %dma_start3A_905 = arith.constant 192 : i32
      %dma_start3A_906 = arith.constant 0 : i32
      %dma_start3A_907 = tpu.memref_slice %dma_start3A_904[%dma_start3A_905, %dma_start3A_906] : memref<256x64xf32, #tpu.memory_space<vmem>> -> memref<32x64xf32, #tpu.memory_space<vmem>>
      %dma_start3A_908 = arith.constant 0 : i32
      %dma_start3A_909 = arith.constant 0 : i32
      %dma_start3A_910 = tpu.memref_slice %arg4[%add3A_727, %add3A_759, %dma_start3A_908, %dma_start3A_909] : memref<2048x32x32x64xf32, #tpu.memory_space<hbm>> -> memref<1x1x32x64xf32, #tpu.memory_space<hbm>>
      %dma_start3A_911 = tpu.memref_squeeze %dma_start3A_910 : memref<1x1x32x64xf32, #tpu.memory_space<hbm>> -> memref<32x64xf32, #tpu.memory_space<hbm>>
      %dma_start3A_912 = arith.constant 0 : i32
      %dma_start3A_913 = arith.constant 0 : i32
      %dma_start3A_914 = tpu.memref_slice %arg4[%add3A_727, %add3A_759, %dma_start3A_912, %dma_start3A_913] : memref<2048x32x32x64xf32, #tpu.memory_space<hbm>> -> memref<1x1x32x64xf32, #tpu.memory_space<hbm>>
      %dma_start3A_915 = tpu.memref_squeeze %dma_start3A_914 : memref<1x1x32x64xf32, #tpu.memory_space<hbm>> -> memref<32x64xf32, #tpu.memory_space<hbm>>
      %dma_start3A_916 = arith.constant 0 : i32
      %dma_start3A_917 = arith.constant 0 : i32
      %dma_start3A_918 = tpu.memref_slice %arg7[%dma_start3A_900, %dma_start3A_916, %dma_start3A_917] : memref<2x256x64xf32, #tpu.memory_space<vmem>> -> memref<1x256x64xf32, #tpu.memory_space<vmem>>
      %dma_start3A_919 = tpu.memref_squeeze %dma_start3A_918 : memref<1x256x64xf32, #tpu.memory_space<vmem>> -> memref<256x64xf32, #tpu.memory_space<vmem>>
      %dma_start3A_920 = arith.constant 192 : i32
      %dma_start3A_921 = arith.constant 0 : i32
      %dma_start3A_922 = tpu.memref_slice %dma_start3A_919[%dma_start3A_920, %dma_start3A_921] : memref<256x64xf32, #tpu.memory_space<vmem>> -> memref<32x64xf32, #tpu.memory_space<vmem>>
      tpu.enqueue_dma source(%dma_start3A_922 : memref<32x64xf32, #tpu.memory_space<vmem>>) target(%dma_start3A_915 : memref<32x64xf32, #tpu.memory_space<hbm>>) target_semaphore(%arg12 : memref<!tpu.dma_semaphore, #tpu.memory_space<semaphore_mem>>)
      %dma_start3A_923 = arith.constant 1 : i32
      %dma_start3A_924 = arith.constant 0 : i32
      %dma_start3A_925 = arith.constant 0 : i32
      %dma_start3A_926 = tpu.memref_slice %arg7[%dma_start3A_923, %dma_start3A_924, %dma_start3A_925] : memref<2x256x64xf32, #tpu.memory_space<vmem>> -> memref<1x256x64xf32, #tpu.memory_space<vmem>>
      %dma_start3A_927 = tpu.memref_squeeze %dma_start3A_926 : memref<1x256x64xf32, #tpu.memory_space<vmem>> -> memref<256x64xf32, #tpu.memory_space<vmem>>
      %dma_start3A_928 = arith.constant 224 : i32
      %dma_start3A_929 = arith.constant 0 : i32
      %dma_start3A_930 = tpu.memref_slice %dma_start3A_927[%dma_start3A_928, %dma_start3A_929] : memref<256x64xf32, #tpu.memory_space<vmem>> -> memref<32x64xf32, #tpu.memory_space<vmem>>
      %dma_start3A_931 = arith.constant 0 : i32
      %dma_start3A_932 = arith.constant 0 : i32
      %dma_start3A_933 = tpu.memref_slice %arg4[%add3A_727, %add3A_761, %dma_start3A_931, %dma_start3A_932] : memref<2048x32x32x64xf32, #tpu.memory_space<hbm>> -> memref<1x1x32x64xf32, #tpu.memory_space<hbm>>
      %dma_start3A_934 = tpu.memref_squeeze %dma_start3A_933 : memref<1x1x32x64xf32, #tpu.memory_space<hbm>> -> memref<32x64xf32, #tpu.memory_space<hbm>>
      %dma_start3A_935 = arith.constant 0 : i32
      %dma_start3A_936 = arith.constant 0 : i32
      %dma_start3A_937 = tpu.memref_slice %arg4[%add3A_727, %add3A_761, %dma_start3A_935, %dma_start3A_936] : memref<2048x32x32x64xf32, #tpu.memory_space<hbm>> -> memref<1x1x32x64xf32, #tpu.memory_space<hbm>>
      %dma_start3A_938 = tpu.memref_squeeze %dma_start3A_937 : memref<1x1x32x64xf32, #tpu.memory_space<hbm>> -> memref<32x64xf32, #tpu.memory_space<hbm>>
      %dma_start3A_939 = arith.constant 0 : i32
      %dma_start3A_940 = arith.constant 0 : i32
      %dma_start3A_941 = tpu.memref_slice %arg7[%dma_start3A_923, %dma_start3A_939, %dma_start3A_940] : memref<2x256x64xf32, #tpu.memory_space<vmem>> -> memref<1x256x64xf32, #tpu.memory_space<vmem>>
      %dma_start3A_942 = tpu.memref_squeeze %dma_start3A_941 : memref<1x256x64xf32, #tpu.memory_space<vmem>> -> memref<256x64xf32, #tpu.memory_space<vmem>>
      %dma_start3A_943 = arith.constant 224 : i32
      %dma_start3A_944 = arith.constant 0 : i32
      %dma_start3A_945 = tpu.memref_slice %dma_start3A_942[%dma_start3A_943, %dma_start3A_944] : memref<256x64xf32, #tpu.memory_space<vmem>> -> memref<32x64xf32, #tpu.memory_space<vmem>>
      tpu.enqueue_dma source(%dma_start3A_945 : memref<32x64xf32, #tpu.memory_space<vmem>>) target(%dma_start3A_938 : memref<32x64xf32, #tpu.memory_space<hbm>>) target_semaphore(%arg12 : memref<!tpu.dma_semaphore, #tpu.memory_space<semaphore_mem>>)
      %add3A_946 = arith.constant 2 : i32
      %add3A_947 = arith.addi %add3A_681, %add3A_946 : i32
      %lt3A_948 = arith.constant 256 : i32
      %lt3A_949 = arith.cmpi slt, %add3A_947, %lt3A_948 : i32
      %convert_element_type3A_950 = arith.extui %lt3A_949 : i1 to i32
      %cond3A_951 = arith.constant 0 : i32
      %cond3A_952 = arith.cmpi ne, %convert_element_type3A_950, %cond3A_951 : i32
      scf.if %cond3A_952 {
        %add3A_953 = arith.constant 2 : i32
        %add3A_954 = arith.addi %add3A_681, %add3A_953 : i32
        %mul3A_955 = arith.constant 256 : i32
        %mul3A_956 = arith.muli %add3A_954, %mul3A_955 : i32
        %add3A_957 = arith.addi %mul3A_2, %mul3A_956 : i32
        %multiple_of3A_958 = tpu.assume_multiple %add3A_957, 256 : i32
        %dma_start3A_959 = arith.constant 1 : i32
        %dma_start3A_960 = arith.constant 0 : i32
        %dma_start3A_961 = tpu.memref_slice %arg6[%dma_start3A_959, %dma_start3A_960] : memref<2x256xi32, #tpu.memory_space<vmem>> -> memref<1x256xi32, #tpu.memory_space<vmem>>
        %dma_start3A_962 = tpu.memref_squeeze %dma_start3A_961 : memref<1x256xi32, #tpu.memory_space<vmem>> -> memref<256xi32, #tpu.memory_space<vmem>>
        %dma_start3A_963 = tpu.memref_slice %arg2[%multiple_of3A_958] : memref<2097152xi32, #tpu.memory_space<hbm>> -> memref<256xi32, #tpu.memory_space<hbm>>
        %dma_start3A_964 = arith.constant 0 : i32
        %dma_start3A_965 = tpu.memref_slice %arg6[%dma_start3A_959, %dma_start3A_964] : memref<2x256xi32, #tpu.memory_space<vmem>> -> memref<1x256xi32, #tpu.memory_space<vmem>>
        %dma_start3A_966 = tpu.memref_squeeze %dma_start3A_965 : memref<1x256xi32, #tpu.memory_space<vmem>> -> memref<256xi32, #tpu.memory_space<vmem>>
        %dma_start3A_967 = tpu.memref_slice %arg2[%multiple_of3A_958] : memref<2097152xi32, #tpu.memory_space<hbm>> -> memref<256xi32, #tpu.memory_space<hbm>>
        tpu.enqueue_dma source(%dma_start3A_967 : memref<256xi32, #tpu.memory_space<hbm>>) target(%dma_start3A_966 : memref<256xi32, #tpu.memory_space<vmem>>) target_semaphore(%arg10 : memref<!tpu.dma_semaphore, #tpu.memory_space<semaphore_mem>>)
      } else {
      }
    }
    %scan3A_30 = arith.constant 128 : i32
    %add3A_31 = arith.constant 63 : i32
    %add3A_32 = arith.addi %mul3A_4, %add3A_31 : i32
    %dma_wait3A = arith.constant 0 : i32
    %dma_wait3A_33 = arith.constant 16 : i32
    %dma_wait3A_34 = arith.constant 0 : i32
    %dma_wait3A_35 = arith.constant 0 : i32
    %dma_wait3A_36 = tpu.memref_slice %arg7[%dma_wait3A, %dma_wait3A_34, %dma_wait3A_35] : memref<2x256x64xf32, #tpu.memory_space<vmem>> -> memref<1x256x64xf32, #tpu.memory_space<vmem>>
    %dma_wait3A_37 = tpu.memref_squeeze %dma_wait3A_36 : memref<1x256x64xf32, #tpu.memory_space<vmem>> -> memref<256x64xf32, #tpu.memory_space<vmem>>
    %dma_wait3A_38 = arith.constant 0 : i32
    %dma_wait3A_39 = arith.constant 0 : i32
    %dma_wait3A_40 = tpu.memref_slice %dma_wait3A_37[%dma_wait3A_38, %dma_wait3A_39] : memref<256x64xf32, #tpu.memory_space<vmem>> -> memref<32x64xf32, #tpu.memory_space<vmem>>
    %dma_wait3A_41 = arith.constant 0 : i32
    %dma_wait3A_42 = arith.constant 0 : i32
    %dma_wait3A_43 = tpu.memref_slice %arg4[%add3A_32, %dma_wait3A_33, %dma_wait3A_41, %dma_wait3A_42] : memref<2048x32x32x64xf32, #tpu.memory_space<hbm>> -> memref<1x1x32x64xf32, #tpu.memory_space<hbm>>
    %dma_wait3A_44 = tpu.memref_squeeze %dma_wait3A_43 : memref<1x1x32x64xf32, #tpu.memory_space<hbm>> -> memref<32x64xf32, #tpu.memory_space<hbm>>
    %dma_wait3A_45 = arith.constant 0 : i32
    %dma_wait3A_46 = arith.constant 0 : i32
    %dma_wait3A_47 = tpu.memref_slice %arg4[%add3A_32, %dma_wait3A_33, %dma_wait3A_45, %dma_wait3A_46] : memref<2048x32x32x64xf32, #tpu.memory_space<hbm>> -> memref<1x1x32x64xf32, #tpu.memory_space<hbm>>
    %dma_wait3A_48 = tpu.memref_squeeze %dma_wait3A_47 : memref<1x1x32x64xf32, #tpu.memory_space<hbm>> -> memref<32x64xf32, #tpu.memory_space<hbm>>
    %dma_wait3A_49 = arith.constant 0 : i32
    %dma_wait3A_50 = arith.constant 0 : i32
    %dma_wait3A_51 = tpu.memref_slice %arg7[%dma_wait3A, %dma_wait3A_49, %dma_wait3A_50] : memref<2x256x64xf32, #tpu.memory_space<vmem>> -> memref<1x256x64xf32, #tpu.memory_space<vmem>>
    %dma_wait3A_52 = tpu.memref_squeeze %dma_wait3A_51 : memref<1x256x64xf32, #tpu.memory_space<vmem>> -> memref<256x64xf32, #tpu.memory_space<vmem>>
    %dma_wait3A_53 = arith.constant 0 : i32
    %dma_wait3A_54 = arith.constant 0 : i32
    %dma_wait3A_55 = tpu.memref_slice %dma_wait3A_52[%dma_wait3A_53, %dma_wait3A_54] : memref<256x64xf32, #tpu.memory_space<vmem>> -> memref<32x64xf32, #tpu.memory_space<vmem>>
    tpu.wait_dma2 semaphore(%arg11 : memref<!tpu.dma_semaphore, #tpu.memory_space<semaphore_mem>>) src(%dma_wait3A_55 : memref<32x64xf32, #tpu.memory_space<vmem>>) dst(%dma_wait3A_48 : memref<32x64xf32, #tpu.memory_space<hbm>>)
    %dma_wait3A_56 = arith.constant 0 : i32
    %dma_wait3A_57 = arith.constant 17 : i32
    %dma_wait3A_58 = arith.constant 0 : i32
    %dma_wait3A_59 = arith.constant 0 : i32
    %dma_wait3A_60 = tpu.memref_slice %arg7[%dma_wait3A_56, %dma_wait3A_58, %dma_wait3A_59] : memref<2x256x64xf32, #tpu.memory_space<vmem>> -> memref<1x256x64xf32, #tpu.memory_space<vmem>>
    %dma_wait3A_61 = tpu.memref_squeeze %dma_wait3A_60 : memref<1x256x64xf32, #tpu.memory_space<vmem>> -> memref<256x64xf32, #tpu.memory_space<vmem>>
    %dma_wait3A_62 = arith.constant 32 : i32
    %dma_wait3A_63 = arith.constant 0 : i32
    %dma_wait3A_64 = tpu.memref_slice %dma_wait3A_61[%dma_wait3A_62, %dma_wait3A_63] : memref<256x64xf32, #tpu.memory_space<vmem>> -> memref<32x64xf32, #tpu.memory_space<vmem>>
    %dma_wait3A_65 = arith.constant 0 : i32
    %dma_wait3A_66 = arith.constant 0 : i32
    %dma_wait3A_67 = tpu.memref_slice %arg4[%add3A_32, %dma_wait3A_57, %dma_wait3A_65, %dma_wait3A_66] : memref<2048x32x32x64xf32, #tpu.memory_space<hbm>> -> memref<1x1x32x64xf32, #tpu.memory_space<hbm>>
    %dma_wait3A_68 = tpu.memref_squeeze %dma_wait3A_67 : memref<1x1x32x64xf32, #tpu.memory_space<hbm>> -> memref<32x64xf32, #tpu.memory_space<hbm>>
    %dma_wait3A_69 = arith.constant 0 : i32
    %dma_wait3A_70 = arith.constant 0 : i32
    %dma_wait3A_71 = tpu.memref_slice %arg4[%add3A_32, %dma_wait3A_57, %dma_wait3A_69, %dma_wait3A_70] : memref<2048x32x32x64xf32, #tpu.memory_space<hbm>> -> memref<1x1x32x64xf32, #tpu.memory_space<hbm>>
    %dma_wait3A_72 = tpu.memref_squeeze %dma_wait3A_71 : memref<1x1x32x64xf32, #tpu.memory_space<hbm>> -> memref<32x64xf32, #tpu.memory_space<hbm>>
    %dma_wait3A_73 = arith.constant 0 : i32
    %dma_wait3A_74 = arith.constant 0 : i32
    %dma_wait3A_75 = tpu.memref_slice %arg7[%dma_wait3A_56, %dma_wait3A_73, %dma_wait3A_74] : memref<2x256x64xf32, #tpu.memory_space<vmem>> -> memref<1x256x64xf32, #tpu.memory_space<vmem>>
    %dma_wait3A_76 = tpu.memref_squeeze %dma_wait3A_75 : memref<1x256x64xf32, #tpu.memory_space<vmem>> -> memref<256x64xf32, #tpu.memory_space<vmem>>
    %dma_wait3A_77 = arith.constant 32 : i32
    %dma_wait3A_78 = arith.constant 0 : i32
    %dma_wait3A_79 = tpu.memref_slice %dma_wait3A_76[%dma_wait3A_77, %dma_wait3A_78] : memref<256x64xf32, #tpu.memory_space<vmem>> -> memref<32x64xf32, #tpu.memory_space<vmem>>
    tpu.wait_dma2 semaphore(%arg11 : memref<!tpu.dma_semaphore, #tpu.memory_space<semaphore_mem>>) src(%dma_wait3A_79 : memref<32x64xf32, #tpu.memory_space<vmem>>) dst(%dma_wait3A_72 : memref<32x64xf32, #tpu.memory_space<hbm>>)
    %dma_wait3A_80 = arith.constant 0 : i32
    %dma_wait3A_81 = arith.constant 18 : i32
    %dma_wait3A_82 = arith.constant 0 : i32
    %dma_wait3A_83 = arith.constant 0 : i32
    %dma_wait3A_84 = tpu.memref_slice %arg7[%dma_wait3A_80, %dma_wait3A_82, %dma_wait3A_83] : memref<2x256x64xf32, #tpu.memory_space<vmem>> -> memref<1x256x64xf32, #tpu.memory_space<vmem>>
    %dma_wait3A_85 = tpu.memref_squeeze %dma_wait3A_84 : memref<1x256x64xf32, #tpu.memory_space<vmem>> -> memref<256x64xf32, #tpu.memory_space<vmem>>
    %dma_wait3A_86 = arith.constant 64 : i32
    %dma_wait3A_87 = arith.constant 0 : i32
    %dma_wait3A_88 = tpu.memref_slice %dma_wait3A_85[%dma_wait3A_86, %dma_wait3A_87] : memref<256x64xf32, #tpu.memory_space<vmem>> -> memref<32x64xf32, #tpu.memory_space<vmem>>
    %dma_wait3A_89 = arith.constant 0 : i32
    %dma_wait3A_90 = arith.constant 0 : i32
    %dma_wait3A_91 = tpu.memref_slice %arg4[%add3A_32, %dma_wait3A_81, %dma_wait3A_89, %dma_wait3A_90] : memref<2048x32x32x64xf32, #tpu.memory_space<hbm>> -> memref<1x1x32x64xf32, #tpu.memory_space<hbm>>
    %dma_wait3A_92 = tpu.memref_squeeze %dma_wait3A_91 : memref<1x1x32x64xf32, #tpu.memory_space<hbm>> -> memref<32x64xf32, #tpu.memory_space<hbm>>
    %dma_wait3A_93 = arith.constant 0 : i32
    %dma_wait3A_94 = arith.constant 0 : i32
    %dma_wait3A_95 = tpu.memref_slice %arg4[%add3A_32, %dma_wait3A_81, %dma_wait3A_93, %dma_wait3A_94] : memref<2048x32x32x64xf32, #tpu.memory_space<hbm>> -> memref<1x1x32x64xf32, #tpu.memory_space<hbm>>
    %dma_wait3A_96 = tpu.memref_squeeze %dma_wait3A_95 : memref<1x1x32x64xf32, #tpu.memory_space<hbm>> -> memref<32x64xf32, #tpu.memory_space<hbm>>
    %dma_wait3A_97 = arith.constant 0 : i32
    %dma_wait3A_98 = arith.constant 0 : i32
    %dma_wait3A_99 = tpu.memref_slice %arg7[%dma_wait3A_80, %dma_wait3A_97, %dma_wait3A_98] : memref<2x256x64xf32, #tpu.memory_space<vmem>> -> memref<1x256x64xf32, #tpu.memory_space<vmem>>
    %dma_wait3A_100 = tpu.memref_squeeze %dma_wait3A_99 : memref<1x256x64xf32, #tpu.memory_space<vmem>> -> memref<256x64xf32, #tpu.memory_space<vmem>>
    %dma_wait3A_101 = arith.constant 64 : i32
    %dma_wait3A_102 = arith.constant 0 : i32
    %dma_wait3A_103 = tpu.memref_slice %dma_wait3A_100[%dma_wait3A_101, %dma_wait3A_102] : memref<256x64xf32, #tpu.memory_space<vmem>> -> memref<32x64xf32, #tpu.memory_space<vmem>>
    tpu.wait_dma2 semaphore(%arg11 : memref<!tpu.dma_semaphore, #tpu.memory_space<semaphore_mem>>) src(%dma_wait3A_103 : memref<32x64xf32, #tpu.memory_space<vmem>>) dst(%dma_wait3A_96 : memref<32x64xf32, #tpu.memory_space<hbm>>)
    %dma_wait3A_104 = arith.constant 0 : i32
    %dma_wait3A_105 = arith.constant 19 : i32
    %dma_wait3A_106 = arith.constant 0 : i32
    %dma_wait3A_107 = arith.constant 0 : i32
    %dma_wait3A_108 = tpu.memref_slice %arg7[%dma_wait3A_104, %dma_wait3A_106, %dma_wait3A_107] : memref<2x256x64xf32, #tpu.memory_space<vmem>> -> memref<1x256x64xf32, #tpu.memory_space<vmem>>
    %dma_wait3A_109 = tpu.memref_squeeze %dma_wait3A_108 : memref<1x256x64xf32, #tpu.memory_space<vmem>> -> memref<256x64xf32, #tpu.memory_space<vmem>>
    %dma_wait3A_110 = arith.constant 96 : i32
    %dma_wait3A_111 = arith.constant 0 : i32
    %dma_wait3A_112 = tpu.memref_slice %dma_wait3A_109[%dma_wait3A_110, %dma_wait3A_111] : memref<256x64xf32, #tpu.memory_space<vmem>> -> memref<32x64xf32, #tpu.memory_space<vmem>>
    %dma_wait3A_113 = arith.constant 0 : i32
    %dma_wait3A_114 = arith.constant 0 : i32
    %dma_wait3A_115 = tpu.memref_slice %arg4[%add3A_32, %dma_wait3A_105, %dma_wait3A_113, %dma_wait3A_114] : memref<2048x32x32x64xf32, #tpu.memory_space<hbm>> -> memref<1x1x32x64xf32, #tpu.memory_space<hbm>>
    %dma_wait3A_116 = tpu.memref_squeeze %dma_wait3A_115 : memref<1x1x32x64xf32, #tpu.memory_space<hbm>> -> memref<32x64xf32, #tpu.memory_space<hbm>>
    %dma_wait3A_117 = arith.constant 0 : i32
    %dma_wait3A_118 = arith.constant 0 : i32
    %dma_wait3A_119 = tpu.memref_slice %arg4[%add3A_32, %dma_wait3A_105, %dma_wait3A_117, %dma_wait3A_118] : memref<2048x32x32x64xf32, #tpu.memory_space<hbm>> -> memref<1x1x32x64xf32, #tpu.memory_space<hbm>>
    %dma_wait3A_120 = tpu.memref_squeeze %dma_wait3A_119 : memref<1x1x32x64xf32, #tpu.memory_space<hbm>> -> memref<32x64xf32, #tpu.memory_space<hbm>>
    %dma_wait3A_121 = arith.constant 0 : i32
    %dma_wait3A_122 = arith.constant 0 : i32
    %dma_wait3A_123 = tpu.memref_slice %arg7[%dma_wait3A_104, %dma_wait3A_121, %dma_wait3A_122] : memref<2x256x64xf32, #tpu.memory_space<vmem>> -> memref<1x256x64xf32, #tpu.memory_space<vmem>>
    %dma_wait3A_124 = tpu.memref_squeeze %dma_wait3A_123 : memref<1x256x64xf32, #tpu.memory_space<vmem>> -> memref<256x64xf32, #tpu.memory_space<vmem>>
    %dma_wait3A_125 = arith.constant 96 : i32
    %dma_wait3A_126 = arith.constant 0 : i32
    %dma_wait3A_127 = tpu.memref_slice %dma_wait3A_124[%dma_wait3A_125, %dma_wait3A_126] : memref<256x64xf32, #tpu.memory_space<vmem>> -> memref<32x64xf32, #tpu.memory_space<vmem>>
    tpu.wait_dma2 semaphore(%arg11 : memref<!tpu.dma_semaphore, #tpu.memory_space<semaphore_mem>>) src(%dma_wait3A_127 : memref<32x64xf32, #tpu.memory_space<vmem>>) dst(%dma_wait3A_120 : memref<32x64xf32, #tpu.memory_space<hbm>>)
    %dma_wait3A_128 = arith.constant 0 : i32
    %dma_wait3A_129 = arith.constant 20 : i32
    %dma_wait3A_130 = arith.constant 0 : i32
    %dma_wait3A_131 = arith.constant 0 : i32
    %dma_wait3A_132 = tpu.memref_slice %arg7[%dma_wait3A_128, %dma_wait3A_130, %dma_wait3A_131] : memref<2x256x64xf32, #tpu.memory_space<vmem>> -> memref<1x256x64xf32, #tpu.memory_space<vmem>>
    %dma_wait3A_133 = tpu.memref_squeeze %dma_wait3A_132 : memref<1x256x64xf32, #tpu.memory_space<vmem>> -> memref<256x64xf32, #tpu.memory_space<vmem>>
    %dma_wait3A_134 = arith.constant 128 : i32
    %dma_wait3A_135 = arith.constant 0 : i32
    %dma_wait3A_136 = tpu.memref_slice %dma_wait3A_133[%dma_wait3A_134, %dma_wait3A_135] : memref<256x64xf32, #tpu.memory_space<vmem>> -> memref<32x64xf32, #tpu.memory_space<vmem>>
    %dma_wait3A_137 = arith.constant 0 : i32
    %dma_wait3A_138 = arith.constant 0 : i32
    %dma_wait3A_139 = tpu.memref_slice %arg4[%add3A_32, %dma_wait3A_129, %dma_wait3A_137, %dma_wait3A_138] : memref<2048x32x32x64xf32, #tpu.memory_space<hbm>> -> memref<1x1x32x64xf32, #tpu.memory_space<hbm>>
    %dma_wait3A_140 = tpu.memref_squeeze %dma_wait3A_139 : memref<1x1x32x64xf32, #tpu.memory_space<hbm>> -> memref<32x64xf32, #tpu.memory_space<hbm>>
    %dma_wait3A_141 = arith.constant 0 : i32
    %dma_wait3A_142 = arith.constant 0 : i32
    %dma_wait3A_143 = tpu.memref_slice %arg4[%add3A_32, %dma_wait3A_129, %dma_wait3A_141, %dma_wait3A_142] : memref<2048x32x32x64xf32, #tpu.memory_space<hbm>> -> memref<1x1x32x64xf32, #tpu.memory_space<hbm>>
    %dma_wait3A_144 = tpu.memref_squeeze %dma_wait3A_143 : memref<1x1x32x64xf32, #tpu.memory_space<hbm>> -> memref<32x64xf32, #tpu.memory_space<hbm>>
    %dma_wait3A_145 = arith.constant 0 : i32
    %dma_wait3A_146 = arith.constant 0 : i32
    %dma_wait3A_147 = tpu.memref_slice %arg7[%dma_wait3A_128, %dma_wait3A_145, %dma_wait3A_146] : memref<2x256x64xf32, #tpu.memory_space<vmem>> -> memref<1x256x64xf32, #tpu.memory_space<vmem>>
    %dma_wait3A_148 = tpu.memref_squeeze %dma_wait3A_147 : memref<1x256x64xf32, #tpu.memory_space<vmem>> -> memref<256x64xf32, #tpu.memory_space<vmem>>
    %dma_wait3A_149 = arith.constant 128 : i32
    %dma_wait3A_150 = arith.constant 0 : i32
    %dma_wait3A_151 = tpu.memref_slice %dma_wait3A_148[%dma_wait3A_149, %dma_wait3A_150] : memref<256x64xf32, #tpu.memory_space<vmem>> -> memref<32x64xf32, #tpu.memory_space<vmem>>
    tpu.wait_dma2 semaphore(%arg11 : memref<!tpu.dma_semaphore, #tpu.memory_space<semaphore_mem>>) src(%dma_wait3A_151 : memref<32x64xf32, #tpu.memory_space<vmem>>) dst(%dma_wait3A_144 : memref<32x64xf32, #tpu.memory_space<hbm>>)
    %dma_wait3A_152 = arith.constant 0 : i32
    %dma_wait3A_153 = arith.constant 21 : i32
    %dma_wait3A_154 = arith.constant 0 : i32
    %dma_wait3A_155 = arith.constant 0 : i32
    %dma_wait3A_156 = tpu.memref_slice %arg7[%dma_wait3A_152, %dma_wait3A_154, %dma_wait3A_155] : memref<2x256x64xf32, #tpu.memory_space<vmem>> -> memref<1x256x64xf32, #tpu.memory_space<vmem>>
    %dma_wait3A_157 = tpu.memref_squeeze %dma_wait3A_156 : memref<1x256x64xf32, #tpu.memory_space<vmem>> -> memref<256x64xf32, #tpu.memory_space<vmem>>
    %dma_wait3A_158 = arith.constant 160 : i32
    %dma_wait3A_159 = arith.constant 0 : i32
    %dma_wait3A_160 = tpu.memref_slice %dma_wait3A_157[%dma_wait3A_158, %dma_wait3A_159] : memref<256x64xf32, #tpu.memory_space<vmem>> -> memref<32x64xf32, #tpu.memory_space<vmem>>
    %dma_wait3A_161 = arith.constant 0 : i32
    %dma_wait3A_162 = arith.constant 0 : i32
    %dma_wait3A_163 = tpu.memref_slice %arg4[%add3A_32, %dma_wait3A_153, %dma_wait3A_161, %dma_wait3A_162] : memref<2048x32x32x64xf32, #tpu.memory_space<hbm>> -> memref<1x1x32x64xf32, #tpu.memory_space<hbm>>
    %dma_wait3A_164 = tpu.memref_squeeze %dma_wait3A_163 : memref<1x1x32x64xf32, #tpu.memory_space<hbm>> -> memref<32x64xf32, #tpu.memory_space<hbm>>
    %dma_wait3A_165 = arith.constant 0 : i32
    %dma_wait3A_166 = arith.constant 0 : i32
    %dma_wait3A_167 = tpu.memref_slice %arg4[%add3A_32, %dma_wait3A_153, %dma_wait3A_165, %dma_wait3A_166] : memref<2048x32x32x64xf32, #tpu.memory_space<hbm>> -> memref<1x1x32x64xf32, #tpu.memory_space<hbm>>
    %dma_wait3A_168 = tpu.memref_squeeze %dma_wait3A_167 : memref<1x1x32x64xf32, #tpu.memory_space<hbm>> -> memref<32x64xf32, #tpu.memory_space<hbm>>
    %dma_wait3A_169 = arith.constant 0 : i32
    %dma_wait3A_170 = arith.constant 0 : i32
    %dma_wait3A_171 = tpu.memref_slice %arg7[%dma_wait3A_152, %dma_wait3A_169, %dma_wait3A_170] : memref<2x256x64xf32, #tpu.memory_space<vmem>> -> memref<1x256x64xf32, #tpu.memory_space<vmem>>
    %dma_wait3A_172 = tpu.memref_squeeze %dma_wait3A_171 : memref<1x256x64xf32, #tpu.memory_space<vmem>> -> memref<256x64xf32, #tpu.memory_space<vmem>>
    %dma_wait3A_173 = arith.constant 160 : i32
    %dma_wait3A_174 = arith.constant 0 : i32
    %dma_wait3A_175 = tpu.memref_slice %dma_wait3A_172[%dma_wait3A_173, %dma_wait3A_174] : memref<256x64xf32, #tpu.memory_space<vmem>> -> memref<32x64xf32, #tpu.memory_space<vmem>>
    tpu.wait_dma2 semaphore(%arg11 : memref<!tpu.dma_semaphore, #tpu.memory_space<semaphore_mem>>) src(%dma_wait3A_175 : memref<32x64xf32, #tpu.memory_space<vmem>>) dst(%dma_wait3A_168 : memref<32x64xf32, #tpu.memory_space<hbm>>)
    %dma_wait3A_176 = arith.constant 0 : i32
    %dma_wait3A_177 = arith.constant 22 : i32
    %dma_wait3A_178 = arith.constant 0 : i32
    %dma_wait3A_179 = arith.constant 0 : i32
    %dma_wait3A_180 = tpu.memref_slice %arg7[%dma_wait3A_176, %dma_wait3A_178, %dma_wait3A_179] : memref<2x256x64xf32, #tpu.memory_space<vmem>> -> memref<1x256x64xf32, #tpu.memory_space<vmem>>
    %dma_wait3A_181 = tpu.memref_squeeze %dma_wait3A_180 : memref<1x256x64xf32, #tpu.memory_space<vmem>> -> memref<256x64xf32, #tpu.memory_space<vmem>>
    %dma_wait3A_182 = arith.constant 192 : i32
    %dma_wait3A_183 = arith.constant 0 : i32
    %dma_wait3A_184 = tpu.memref_slice %dma_wait3A_181[%dma_wait3A_182, %dma_wait3A_183] : memref<256x64xf32, #tpu.memory_space<vmem>> -> memref<32x64xf32, #tpu.memory_space<vmem>>
    %dma_wait3A_185 = arith.constant 0 : i32
    %dma_wait3A_186 = arith.constant 0 : i32
    %dma_wait3A_187 = tpu.memref_slice %arg4[%add3A_32, %dma_wait3A_177, %dma_wait3A_185, %dma_wait3A_186] : memref<2048x32x32x64xf32, #tpu.memory_space<hbm>> -> memref<1x1x32x64xf32, #tpu.memory_space<hbm>>
    %dma_wait3A_188 = tpu.memref_squeeze %dma_wait3A_187 : memref<1x1x32x64xf32, #tpu.memory_space<hbm>> -> memref<32x64xf32, #tpu.memory_space<hbm>>
    %dma_wait3A_189 = arith.constant 0 : i32
    %dma_wait3A_190 = arith.constant 0 : i32
    %dma_wait3A_191 = tpu.memref_slice %arg4[%add3A_32, %dma_wait3A_177, %dma_wait3A_189, %dma_wait3A_190] : memref<2048x32x32x64xf32, #tpu.memory_space<hbm>> -> memref<1x1x32x64xf32, #tpu.memory_space<hbm>>
    %dma_wait3A_192 = tpu.memref_squeeze %dma_wait3A_191 : memref<1x1x32x64xf32, #tpu.memory_space<hbm>> -> memref<32x64xf32, #tpu.memory_space<hbm>>
    %dma_wait3A_193 = arith.constant 0 : i32
    %dma_wait3A_194 = arith.constant 0 : i32
    %dma_wait3A_195 = tpu.memref_slice %arg7[%dma_wait3A_176, %dma_wait3A_193, %dma_wait3A_194] : memref<2x256x64xf32, #tpu.memory_space<vmem>> -> memref<1x256x64xf32, #tpu.memory_space<vmem>>
    %dma_wait3A_196 = tpu.memref_squeeze %dma_wait3A_195 : memref<1x256x64xf32, #tpu.memory_space<vmem>> -> memref<256x64xf32, #tpu.memory_space<vmem>>
    %dma_wait3A_197 = arith.constant 192 : i32
    %dma_wait3A_198 = arith.constant 0 : i32
    %dma_wait3A_199 = tpu.memref_slice %dma_wait3A_196[%dma_wait3A_197, %dma_wait3A_198] : memref<256x64xf32, #tpu.memory_space<vmem>> -> memref<32x64xf32, #tpu.memory_space<vmem>>
    tpu.wait_dma2 semaphore(%arg11 : memref<!tpu.dma_semaphore, #tpu.memory_space<semaphore_mem>>) src(%dma_wait3A_199 : memref<32x64xf32, #tpu.memory_space<vmem>>) dst(%dma_wait3A_192 : memref<32x64xf32, #tpu.memory_space<hbm>>)
    %dma_wait3A_200 = arith.constant 0 : i32
    %dma_wait3A_201 = arith.constant 23 : i32
    %dma_wait3A_202 = arith.constant 0 : i32
    %dma_wait3A_203 = arith.constant 0 : i32
    %dma_wait3A_204 = tpu.memref_slice %arg7[%dma_wait3A_200, %dma_wait3A_202, %dma_wait3A_203] : memref<2x256x64xf32, #tpu.memory_space<vmem>> -> memref<1x256x64xf32, #tpu.memory_space<vmem>>
    %dma_wait3A_205 = tpu.memref_squeeze %dma_wait3A_204 : memref<1x256x64xf32, #tpu.memory_space<vmem>> -> memref<256x64xf32, #tpu.memory_space<vmem>>
    %dma_wait3A_206 = arith.constant 224 : i32
    %dma_wait3A_207 = arith.constant 0 : i32
    %dma_wait3A_208 = tpu.memref_slice %dma_wait3A_205[%dma_wait3A_206, %dma_wait3A_207] : memref<256x64xf32, #tpu.memory_space<vmem>> -> memref<32x64xf32, #tpu.memory_space<vmem>>
    %dma_wait3A_209 = arith.constant 0 : i32
    %dma_wait3A_210 = arith.constant 0 : i32
    %dma_wait3A_211 = tpu.memref_slice %arg4[%add3A_32, %dma_wait3A_201, %dma_wait3A_209, %dma_wait3A_210] : memref<2048x32x32x64xf32, #tpu.memory_space<hbm>> -> memref<1x1x32x64xf32, #tpu.memory_space<hbm>>
    %dma_wait3A_212 = tpu.memref_squeeze %dma_wait3A_211 : memref<1x1x32x64xf32, #tpu.memory_space<hbm>> -> memref<32x64xf32, #tpu.memory_space<hbm>>
    %dma_wait3A_213 = arith.constant 0 : i32
    %dma_wait3A_214 = arith.constant 0 : i32
    %dma_wait3A_215 = tpu.memref_slice %arg4[%add3A_32, %dma_wait3A_201, %dma_wait3A_213, %dma_wait3A_214] : memref<2048x32x32x64xf32, #tpu.memory_space<hbm>> -> memref<1x1x32x64xf32, #tpu.memory_space<hbm>>
    %dma_wait3A_216 = tpu.memref_squeeze %dma_wait3A_215 : memref<1x1x32x64xf32, #tpu.memory_space<hbm>> -> memref<32x64xf32, #tpu.memory_space<hbm>>
    %dma_wait3A_217 = arith.constant 0 : i32
    %dma_wait3A_218 = arith.constant 0 : i32
    %dma_wait3A_219 = tpu.memref_slice %arg7[%dma_wait3A_200, %dma_wait3A_217, %dma_wait3A_218] : memref<2x256x64xf32, #tpu.memory_space<vmem>> -> memref<1x256x64xf32, #tpu.memory_space<vmem>>
    %dma_wait3A_220 = tpu.memref_squeeze %dma_wait3A_219 : memref<1x256x64xf32, #tpu.memory_space<vmem>> -> memref<256x64xf32, #tpu.memory_space<vmem>>
    %dma_wait3A_221 = arith.constant 224 : i32
    %dma_wait3A_222 = arith.constant 0 : i32
    %dma_wait3A_223 = tpu.memref_slice %dma_wait3A_220[%dma_wait3A_221, %dma_wait3A_222] : memref<256x64xf32, #tpu.memory_space<vmem>> -> memref<32x64xf32, #tpu.memory_space<vmem>>
    tpu.wait_dma2 semaphore(%arg11 : memref<!tpu.dma_semaphore, #tpu.memory_space<semaphore_mem>>) src(%dma_wait3A_223 : memref<32x64xf32, #tpu.memory_space<vmem>>) dst(%dma_wait3A_216 : memref<32x64xf32, #tpu.memory_space<hbm>>)
    %add3A_224 = arith.constant 63 : i32
    %add3A_225 = arith.addi %mul3A_4, %add3A_224 : i32
    %dma_wait3A_226 = arith.constant 1 : i32
    %dma_wait3A_227 = arith.constant 24 : i32
    %dma_wait3A_228 = arith.constant 0 : i32
    %dma_wait3A_229 = arith.constant 0 : i32
    %dma_wait3A_230 = tpu.memref_slice %arg7[%dma_wait3A_226, %dma_wait3A_228, %dma_wait3A_229] : memref<2x256x64xf32, #tpu.memory_space<vmem>> -> memref<1x256x64xf32, #tpu.memory_space<vmem>>
    %dma_wait3A_231 = tpu.memref_squeeze %dma_wait3A_230 : memref<1x256x64xf32, #tpu.memory_space<vmem>> -> memref<256x64xf32, #tpu.memory_space<vmem>>
    %dma_wait3A_232 = arith.constant 0 : i32
    %dma_wait3A_233 = arith.constant 0 : i32
    %dma_wait3A_234 = tpu.memref_slice %dma_wait3A_231[%dma_wait3A_232, %dma_wait3A_233] : memref<256x64xf32, #tpu.memory_space<vmem>> -> memref<32x64xf32, #tpu.memory_space<vmem>>
    %dma_wait3A_235 = arith.constant 0 : i32
    %dma_wait3A_236 = arith.constant 0 : i32
    %dma_wait3A_237 = tpu.memref_slice %arg4[%add3A_225, %dma_wait3A_227, %dma_wait3A_235, %dma_wait3A_236] : memref<2048x32x32x64xf32, #tpu.memory_space<hbm>> -> memref<1x1x32x64xf32, #tpu.memory_space<hbm>>
    %dma_wait3A_238 = tpu.memref_squeeze %dma_wait3A_237 : memref<1x1x32x64xf32, #tpu.memory_space<hbm>> -> memref<32x64xf32, #tpu.memory_space<hbm>>
    %dma_wait3A_239 = arith.constant 0 : i32
    %dma_wait3A_240 = arith.constant 0 : i32
    %dma_wait3A_241 = tpu.memref_slice %arg4[%add3A_225, %dma_wait3A_227, %dma_wait3A_239, %dma_wait3A_240] : memref<2048x32x32x64xf32, #tpu.memory_space<hbm>> -> memref<1x1x32x64xf32, #tpu.memory_space<hbm>>
    %dma_wait3A_242 = tpu.memref_squeeze %dma_wait3A_241 : memref<1x1x32x64xf32, #tpu.memory_space<hbm>> -> memref<32x64xf32, #tpu.memory_space<hbm>>
    %dma_wait3A_243 = arith.constant 0 : i32
    %dma_wait3A_244 = arith.constant 0 : i32
    %dma_wait3A_245 = tpu.memref_slice %arg7[%dma_wait3A_226, %dma_wait3A_243, %dma_wait3A_244] : memref<2x256x64xf32, #tpu.memory_space<vmem>> -> memref<1x256x64xf32, #tpu.memory_space<vmem>>
    %dma_wait3A_246 = tpu.memref_squeeze %dma_wait3A_245 : memref<1x256x64xf32, #tpu.memory_space<vmem>> -> memref<256x64xf32, #tpu.memory_space<vmem>>
    %dma_wait3A_247 = arith.constant 0 : i32
    %dma_wait3A_248 = arith.constant 0 : i32
    %dma_wait3A_249 = tpu.memref_slice %dma_wait3A_246[%dma_wait3A_247, %dma_wait3A_248] : memref<256x64xf32, #tpu.memory_space<vmem>> -> memref<32x64xf32, #tpu.memory_space<vmem>>
    tpu.wait_dma2 semaphore(%arg12 : memref<!tpu.dma_semaphore, #tpu.memory_space<semaphore_mem>>) src(%dma_wait3A_249 : memref<32x64xf32, #tpu.memory_space<vmem>>) dst(%dma_wait3A_242 : memref<32x64xf32, #tpu.memory_space<hbm>>)
    %dma_wait3A_250 = arith.constant 1 : i32
    %dma_wait3A_251 = arith.constant 25 : i32
    %dma_wait3A_252 = arith.constant 0 : i32
    %dma_wait3A_253 = arith.constant 0 : i32
    %dma_wait3A_254 = tpu.memref_slice %arg7[%dma_wait3A_250, %dma_wait3A_252, %dma_wait3A_253] : memref<2x256x64xf32, #tpu.memory_space<vmem>> -> memref<1x256x64xf32, #tpu.memory_space<vmem>>
    %dma_wait3A_255 = tpu.memref_squeeze %dma_wait3A_254 : memref<1x256x64xf32, #tpu.memory_space<vmem>> -> memref<256x64xf32, #tpu.memory_space<vmem>>
    %dma_wait3A_256 = arith.constant 32 : i32
    %dma_wait3A_257 = arith.constant 0 : i32
    %dma_wait3A_258 = tpu.memref_slice %dma_wait3A_255[%dma_wait3A_256, %dma_wait3A_257] : memref<256x64xf32, #tpu.memory_space<vmem>> -> memref<32x64xf32, #tpu.memory_space<vmem>>
    %dma_wait3A_259 = arith.constant 0 : i32
    %dma_wait3A_260 = arith.constant 0 : i32
    %dma_wait3A_261 = tpu.memref_slice %arg4[%add3A_225, %dma_wait3A_251, %dma_wait3A_259, %dma_wait3A_260] : memref<2048x32x32x64xf32, #tpu.memory_space<hbm>> -> memref<1x1x32x64xf32, #tpu.memory_space<hbm>>
    %dma_wait3A_262 = tpu.memref_squeeze %dma_wait3A_261 : memref<1x1x32x64xf32, #tpu.memory_space<hbm>> -> memref<32x64xf32, #tpu.memory_space<hbm>>
    %dma_wait3A_263 = arith.constant 0 : i32
    %dma_wait3A_264 = arith.constant 0 : i32
    %dma_wait3A_265 = tpu.memref_slice %arg4[%add3A_225, %dma_wait3A_251, %dma_wait3A_263, %dma_wait3A_264] : memref<2048x32x32x64xf32, #tpu.memory_space<hbm>> -> memref<1x1x32x64xf32, #tpu.memory_space<hbm>>
    %dma_wait3A_266 = tpu.memref_squeeze %dma_wait3A_265 : memref<1x1x32x64xf32, #tpu.memory_space<hbm>> -> memref<32x64xf32, #tpu.memory_space<hbm>>
    %dma_wait3A_267 = arith.constant 0 : i32
    %dma_wait3A_268 = arith.constant 0 : i32
    %dma_wait3A_269 = tpu.memref_slice %arg7[%dma_wait3A_250, %dma_wait3A_267, %dma_wait3A_268] : memref<2x256x64xf32, #tpu.memory_space<vmem>> -> memref<1x256x64xf32, #tpu.memory_space<vmem>>
    %dma_wait3A_270 = tpu.memref_squeeze %dma_wait3A_269 : memref<1x256x64xf32, #tpu.memory_space<vmem>> -> memref<256x64xf32, #tpu.memory_space<vmem>>
    %dma_wait3A_271 = arith.constant 32 : i32
    %dma_wait3A_272 = arith.constant 0 : i32
    %dma_wait3A_273 = tpu.memref_slice %dma_wait3A_270[%dma_wait3A_271, %dma_wait3A_272] : memref<256x64xf32, #tpu.memory_space<vmem>> -> memref<32x64xf32, #tpu.memory_space<vmem>>
    tpu.wait_dma2 semaphore(%arg12 : memref<!tpu.dma_semaphore, #tpu.memory_space<semaphore_mem>>) src(%dma_wait3A_273 : memref<32x64xf32, #tpu.memory_space<vmem>>) dst(%dma_wait3A_266 : memref<32x64xf32, #tpu.memory_space<hbm>>)
    %dma_wait3A_274 = arith.constant 1 : i32
    %dma_wait3A_275 = arith.constant 26 : i32
    %dma_wait3A_276 = arith.constant 0 : i32
    %dma_wait3A_277 = arith.constant 0 : i32
    %dma_wait3A_278 = tpu.memref_slice %arg7[%dma_wait3A_274, %dma_wait3A_276, %dma_wait3A_277] : memref<2x256x64xf32, #tpu.memory_space<vmem>> -> memref<1x256x64xf32, #tpu.memory_space<vmem>>
    %dma_wait3A_279 = tpu.memref_squeeze %dma_wait3A_278 : memref<1x256x64xf32, #tpu.memory_space<vmem>> -> memref<256x64xf32, #tpu.memory_space<vmem>>
    %dma_wait3A_280 = arith.constant 64 : i32
    %dma_wait3A_281 = arith.constant 0 : i32
    %dma_wait3A_282 = tpu.memref_slice %dma_wait3A_279[%dma_wait3A_280, %dma_wait3A_281] : memref<256x64xf32, #tpu.memory_space<vmem>> -> memref<32x64xf32, #tpu.memory_space<vmem>>
    %dma_wait3A_283 = arith.constant 0 : i32
    %dma_wait3A_284 = arith.constant 0 : i32
    %dma_wait3A_285 = tpu.memref_slice %arg4[%add3A_225, %dma_wait3A_275, %dma_wait3A_283, %dma_wait3A_284] : memref<2048x32x32x64xf32, #tpu.memory_space<hbm>> -> memref<1x1x32x64xf32, #tpu.memory_space<hbm>>
    %dma_wait3A_286 = tpu.memref_squeeze %dma_wait3A_285 : memref<1x1x32x64xf32, #tpu.memory_space<hbm>> -> memref<32x64xf32, #tpu.memory_space<hbm>>
    %dma_wait3A_287 = arith.constant 0 : i32
    %dma_wait3A_288 = arith.constant 0 : i32
    %dma_wait3A_289 = tpu.memref_slice %arg4[%add3A_225, %dma_wait3A_275, %dma_wait3A_287, %dma_wait3A_288] : memref<2048x32x32x64xf32, #tpu.memory_space<hbm>> -> memref<1x1x32x64xf32, #tpu.memory_space<hbm>>
    %dma_wait3A_290 = tpu.memref_squeeze %dma_wait3A_289 : memref<1x1x32x64xf32, #tpu.memory_space<hbm>> -> memref<32x64xf32, #tpu.memory_space<hbm>>
    %dma_wait3A_291 = arith.constant 0 : i32
    %dma_wait3A_292 = arith.constant 0 : i32
    %dma_wait3A_293 = tpu.memref_slice %arg7[%dma_wait3A_274, %dma_wait3A_291, %dma_wait3A_292] : memref<2x256x64xf32, #tpu.memory_space<vmem>> -> memref<1x256x64xf32, #tpu.memory_space<vmem>>
    %dma_wait3A_294 = tpu.memref_squeeze %dma_wait3A_293 : memref<1x256x64xf32, #tpu.memory_space<vmem>> -> memref<256x64xf32, #tpu.memory_space<vmem>>
    %dma_wait3A_295 = arith.constant 64 : i32
    %dma_wait3A_296 = arith.constant 0 : i32
    %dma_wait3A_297 = tpu.memref_slice %dma_wait3A_294[%dma_wait3A_295, %dma_wait3A_296] : memref<256x64xf32, #tpu.memory_space<vmem>> -> memref<32x64xf32, #tpu.memory_space<vmem>>
    tpu.wait_dma2 semaphore(%arg12 : memref<!tpu.dma_semaphore, #tpu.memory_space<semaphore_mem>>) src(%dma_wait3A_297 : memref<32x64xf32, #tpu.memory_space<vmem>>) dst(%dma_wait3A_290 : memref<32x64xf32, #tpu.memory_space<hbm>>)
    %dma_wait3A_298 = arith.constant 1 : i32
    %dma_wait3A_299 = arith.constant 27 : i32
    %dma_wait3A_300 = arith.constant 0 : i32
    %dma_wait3A_301 = arith.constant 0 : i32
    %dma_wait3A_302 = tpu.memref_slice %arg7[%dma_wait3A_298, %dma_wait3A_300, %dma_wait3A_301] : memref<2x256x64xf32, #tpu.memory_space<vmem>> -> memref<1x256x64xf32, #tpu.memory_space<vmem>>
    %dma_wait3A_303 = tpu.memref_squeeze %dma_wait3A_302 : memref<1x256x64xf32, #tpu.memory_space<vmem>> -> memref<256x64xf32, #tpu.memory_space<vmem>>
    %dma_wait3A_304 = arith.constant 96 : i32
    %dma_wait3A_305 = arith.constant 0 : i32
    %dma_wait3A_306 = tpu.memref_slice %dma_wait3A_303[%dma_wait3A_304, %dma_wait3A_305] : memref<256x64xf32, #tpu.memory_space<vmem>> -> memref<32x64xf32, #tpu.memory_space<vmem>>
    %dma_wait3A_307 = arith.constant 0 : i32
    %dma_wait3A_308 = arith.constant 0 : i32
    %dma_wait3A_309 = tpu.memref_slice %arg4[%add3A_225, %dma_wait3A_299, %dma_wait3A_307, %dma_wait3A_308] : memref<2048x32x32x64xf32, #tpu.memory_space<hbm>> -> memref<1x1x32x64xf32, #tpu.memory_space<hbm>>
    %dma_wait3A_310 = tpu.memref_squeeze %dma_wait3A_309 : memref<1x1x32x64xf32, #tpu.memory_space<hbm>> -> memref<32x64xf32, #tpu.memory_space<hbm>>
    %dma_wait3A_311 = arith.constant 0 : i32
    %dma_wait3A_312 = arith.constant 0 : i32
    %dma_wait3A_313 = tpu.memref_slice %arg4[%add3A_225, %dma_wait3A_299, %dma_wait3A_311, %dma_wait3A_312] : memref<2048x32x32x64xf32, #tpu.memory_space<hbm>> -> memref<1x1x32x64xf32, #tpu.memory_space<hbm>>
    %dma_wait3A_314 = tpu.memref_squeeze %dma_wait3A_313 : memref<1x1x32x64xf32, #tpu.memory_space<hbm>> -> memref<32x64xf32, #tpu.memory_space<hbm>>
    %dma_wait3A_315 = arith.constant 0 : i32
    %dma_wait3A_316 = arith.constant 0 : i32
    %dma_wait3A_317 = tpu.memref_slice %arg7[%dma_wait3A_298, %dma_wait3A_315, %dma_wait3A_316] : memref<2x256x64xf32, #tpu.memory_space<vmem>> -> memref<1x256x64xf32, #tpu.memory_space<vmem>>
    %dma_wait3A_318 = tpu.memref_squeeze %dma_wait3A_317 : memref<1x256x64xf32, #tpu.memory_space<vmem>> -> memref<256x64xf32, #tpu.memory_space<vmem>>
    %dma_wait3A_319 = arith.constant 96 : i32
    %dma_wait3A_320 = arith.constant 0 : i32
    %dma_wait3A_321 = tpu.memref_slice %dma_wait3A_318[%dma_wait3A_319, %dma_wait3A_320] : memref<256x64xf32, #tpu.memory_space<vmem>> -> memref<32x64xf32, #tpu.memory_space<vmem>>
    tpu.wait_dma2 semaphore(%arg12 : memref<!tpu.dma_semaphore, #tpu.memory_space<semaphore_mem>>) src(%dma_wait3A_321 : memref<32x64xf32, #tpu.memory_space<vmem>>) dst(%dma_wait3A_314 : memref<32x64xf32, #tpu.memory_space<hbm>>)
    %dma_wait3A_322 = arith.constant 1 : i32
    %dma_wait3A_323 = arith.constant 28 : i32
    %dma_wait3A_324 = arith.constant 0 : i32
    %dma_wait3A_325 = arith.constant 0 : i32
    %dma_wait3A_326 = tpu.memref_slice %arg7[%dma_wait3A_322, %dma_wait3A_324, %dma_wait3A_325] : memref<2x256x64xf32, #tpu.memory_space<vmem>> -> memref<1x256x64xf32, #tpu.memory_space<vmem>>
    %dma_wait3A_327 = tpu.memref_squeeze %dma_wait3A_326 : memref<1x256x64xf32, #tpu.memory_space<vmem>> -> memref<256x64xf32, #tpu.memory_space<vmem>>
    %dma_wait3A_328 = arith.constant 128 : i32
    %dma_wait3A_329 = arith.constant 0 : i32
    %dma_wait3A_330 = tpu.memref_slice %dma_wait3A_327[%dma_wait3A_328, %dma_wait3A_329] : memref<256x64xf32, #tpu.memory_space<vmem>> -> memref<32x64xf32, #tpu.memory_space<vmem>>
    %dma_wait3A_331 = arith.constant 0 : i32
    %dma_wait3A_332 = arith.constant 0 : i32
    %dma_wait3A_333 = tpu.memref_slice %arg4[%add3A_225, %dma_wait3A_323, %dma_wait3A_331, %dma_wait3A_332] : memref<2048x32x32x64xf32, #tpu.memory_space<hbm>> -> memref<1x1x32x64xf32, #tpu.memory_space<hbm>>
    %dma_wait3A_334 = tpu.memref_squeeze %dma_wait3A_333 : memref<1x1x32x64xf32, #tpu.memory_space<hbm>> -> memref<32x64xf32, #tpu.memory_space<hbm>>
    %dma_wait3A_335 = arith.constant 0 : i32
    %dma_wait3A_336 = arith.constant 0 : i32
    %dma_wait3A_337 = tpu.memref_slice %arg4[%add3A_225, %dma_wait3A_323, %dma_wait3A_335, %dma_wait3A_336] : memref<2048x32x32x64xf32, #tpu.memory_space<hbm>> -> memref<1x1x32x64xf32, #tpu.memory_space<hbm>>
    %dma_wait3A_338 = tpu.memref_squeeze %dma_wait3A_337 : memref<1x1x32x64xf32, #tpu.memory_space<hbm>> -> memref<32x64xf32, #tpu.memory_space<hbm>>
    %dma_wait3A_339 = arith.constant 0 : i32
    %dma_wait3A_340 = arith.constant 0 : i32
    %dma_wait3A_341 = tpu.memref_slice %arg7[%dma_wait3A_322, %dma_wait3A_339, %dma_wait3A_340] : memref<2x256x64xf32, #tpu.memory_space<vmem>> -> memref<1x256x64xf32, #tpu.memory_space<vmem>>
    %dma_wait3A_342 = tpu.memref_squeeze %dma_wait3A_341 : memref<1x256x64xf32, #tpu.memory_space<vmem>> -> memref<256x64xf32, #tpu.memory_space<vmem>>
    %dma_wait3A_343 = arith.constant 128 : i32
    %dma_wait3A_344 = arith.constant 0 : i32
    %dma_wait3A_345 = tpu.memref_slice %dma_wait3A_342[%dma_wait3A_343, %dma_wait3A_344] : memref<256x64xf32, #tpu.memory_space<vmem>> -> memref<32x64xf32, #tpu.memory_space<vmem>>
    tpu.wait_dma2 semaphore(%arg12 : memref<!tpu.dma_semaphore, #tpu.memory_space<semaphore_mem>>) src(%dma_wait3A_345 : memref<32x64xf32, #tpu.memory_space<vmem>>) dst(%dma_wait3A_338 : memref<32x64xf32, #tpu.memory_space<hbm>>)
    %dma_wait3A_346 = arith.constant 1 : i32
    %dma_wait3A_347 = arith.constant 29 : i32
    %dma_wait3A_348 = arith.constant 0 : i32
    %dma_wait3A_349 = arith.constant 0 : i32
    %dma_wait3A_350 = tpu.memref_slice %arg7[%dma_wait3A_346, %dma_wait3A_348, %dma_wait3A_349] : memref<2x256x64xf32, #tpu.memory_space<vmem>> -> memref<1x256x64xf32, #tpu.memory_space<vmem>>
    %dma_wait3A_351 = tpu.memref_squeeze %dma_wait3A_350 : memref<1x256x64xf32, #tpu.memory_space<vmem>> -> memref<256x64xf32, #tpu.memory_space<vmem>>
    %dma_wait3A_352 = arith.constant 160 : i32
    %dma_wait3A_353 = arith.constant 0 : i32
    %dma_wait3A_354 = tpu.memref_slice %dma_wait3A_351[%dma_wait3A_352, %dma_wait3A_353] : memref<256x64xf32, #tpu.memory_space<vmem>> -> memref<32x64xf32, #tpu.memory_space<vmem>>
    %dma_wait3A_355 = arith.constant 0 : i32
    %dma_wait3A_356 = arith.constant 0 : i32
    %dma_wait3A_357 = tpu.memref_slice %arg4[%add3A_225, %dma_wait3A_347, %dma_wait3A_355, %dma_wait3A_356] : memref<2048x32x32x64xf32, #tpu.memory_space<hbm>> -> memref<1x1x32x64xf32, #tpu.memory_space<hbm>>
    %dma_wait3A_358 = tpu.memref_squeeze %dma_wait3A_357 : memref<1x1x32x64xf32, #tpu.memory_space<hbm>> -> memref<32x64xf32, #tpu.memory_space<hbm>>
    %dma_wait3A_359 = arith.constant 0 : i32
    %dma_wait3A_360 = arith.constant 0 : i32
    %dma_wait3A_361 = tpu.memref_slice %arg4[%add3A_225, %dma_wait3A_347, %dma_wait3A_359, %dma_wait3A_360] : memref<2048x32x32x64xf32, #tpu.memory_space<hbm>> -> memref<1x1x32x64xf32, #tpu.memory_space<hbm>>
    %dma_wait3A_362 = tpu.memref_squeeze %dma_wait3A_361 : memref<1x1x32x64xf32, #tpu.memory_space<hbm>> -> memref<32x64xf32, #tpu.memory_space<hbm>>
    %dma_wait3A_363 = arith.constant 0 : i32
    %dma_wait3A_364 = arith.constant 0 : i32
    %dma_wait3A_365 = tpu.memref_slice %arg7[%dma_wait3A_346, %dma_wait3A_363, %dma_wait3A_364] : memref<2x256x64xf32, #tpu.memory_space<vmem>> -> memref<1x256x64xf32, #tpu.memory_space<vmem>>
    %dma_wait3A_366 = tpu.memref_squeeze %dma_wait3A_365 : memref<1x256x64xf32, #tpu.memory_space<vmem>> -> memref<256x64xf32, #tpu.memory_space<vmem>>
    %dma_wait3A_367 = arith.constant 160 : i32
    %dma_wait3A_368 = arith.constant 0 : i32
    %dma_wait3A_369 = tpu.memref_slice %dma_wait3A_366[%dma_wait3A_367, %dma_wait3A_368] : memref<256x64xf32, #tpu.memory_space<vmem>> -> memref<32x64xf32, #tpu.memory_space<vmem>>
    tpu.wait_dma2 semaphore(%arg12 : memref<!tpu.dma_semaphore, #tpu.memory_space<semaphore_mem>>) src(%dma_wait3A_369 : memref<32x64xf32, #tpu.memory_space<vmem>>) dst(%dma_wait3A_362 : memref<32x64xf32, #tpu.memory_space<hbm>>)
    %dma_wait3A_370 = arith.constant 1 : i32
    %dma_wait3A_371 = arith.constant 30 : i32
    %dma_wait3A_372 = arith.constant 0 : i32
    %dma_wait3A_373 = arith.constant 0 : i32
    %dma_wait3A_374 = tpu.memref_slice %arg7[%dma_wait3A_370, %dma_wait3A_372, %dma_wait3A_373] : memref<2x256x64xf32, #tpu.memory_space<vmem>> -> memref<1x256x64xf32, #tpu.memory_space<vmem>>
    %dma_wait3A_375 = tpu.memref_squeeze %dma_wait3A_374 : memref<1x256x64xf32, #tpu.memory_space<vmem>> -> memref<256x64xf32, #tpu.memory_space<vmem>>
    %dma_wait3A_376 = arith.constant 192 : i32
    %dma_wait3A_377 = arith.constant 0 : i32
    %dma_wait3A_378 = tpu.memref_slice %dma_wait3A_375[%dma_wait3A_376, %dma_wait3A_377] : memref<256x64xf32, #tpu.memory_space<vmem>> -> memref<32x64xf32, #tpu.memory_space<vmem>>
    %dma_wait3A_379 = arith.constant 0 : i32
    %dma_wait3A_380 = arith.constant 0 : i32
    %dma_wait3A_381 = tpu.memref_slice %arg4[%add3A_225, %dma_wait3A_371, %dma_wait3A_379, %dma_wait3A_380] : memref<2048x32x32x64xf32, #tpu.memory_space<hbm>> -> memref<1x1x32x64xf32, #tpu.memory_space<hbm>>
    %dma_wait3A_382 = tpu.memref_squeeze %dma_wait3A_381 : memref<1x1x32x64xf32, #tpu.memory_space<hbm>> -> memref<32x64xf32, #tpu.memory_space<hbm>>
    %dma_wait3A_383 = arith.constant 0 : i32
    %dma_wait3A_384 = arith.constant 0 : i32
    %dma_wait3A_385 = tpu.memref_slice %arg4[%add3A_225, %dma_wait3A_371, %dma_wait3A_383, %dma_wait3A_384] : memref<2048x32x32x64xf32, #tpu.memory_space<hbm>> -> memref<1x1x32x64xf32, #tpu.memory_space<hbm>>
    %dma_wait3A_386 = tpu.memref_squeeze %dma_wait3A_385 : memref<1x1x32x64xf32, #tpu.memory_space<hbm>> -> memref<32x64xf32, #tpu.memory_space<hbm>>
    %dma_wait3A_387 = arith.constant 0 : i32
    %dma_wait3A_388 = arith.constant 0 : i32
    %dma_wait3A_389 = tpu.memref_slice %arg7[%dma_wait3A_370, %dma_wait3A_387, %dma_wait3A_388] : memref<2x256x64xf32, #tpu.memory_space<vmem>> -> memref<1x256x64xf32, #tpu.memory_space<vmem>>
    %dma_wait3A_390 = tpu.memref_squeeze %dma_wait3A_389 : memref<1x256x64xf32, #tpu.memory_space<vmem>> -> memref<256x64xf32, #tpu.memory_space<vmem>>
    %dma_wait3A_391 = arith.constant 192 : i32
    %dma_wait3A_392 = arith.constant 0 : i32
    %dma_wait3A_393 = tpu.memref_slice %dma_wait3A_390[%dma_wait3A_391, %dma_wait3A_392] : memref<256x64xf32, #tpu.memory_space<vmem>> -> memref<32x64xf32, #tpu.memory_space<vmem>>
    tpu.wait_dma2 semaphore(%arg12 : memref<!tpu.dma_semaphore, #tpu.memory_space<semaphore_mem>>) src(%dma_wait3A_393 : memref<32x64xf32, #tpu.memory_space<vmem>>) dst(%dma_wait3A_386 : memref<32x64xf32, #tpu.memory_space<hbm>>)
    %dma_wait3A_394 = arith.constant 1 : i32
    %dma_wait3A_395 = arith.constant 31 : i32
    %dma_wait3A_396 = arith.constant 0 : i32
    %dma_wait3A_397 = arith.constant 0 : i32
    %dma_wait3A_398 = tpu.memref_slice %arg7[%dma_wait3A_394, %dma_wait3A_396, %dma_wait3A_397] : memref<2x256x64xf32, #tpu.memory_space<vmem>> -> memref<1x256x64xf32, #tpu.memory_space<vmem>>
    %dma_wait3A_399 = tpu.memref_squeeze %dma_wait3A_398 : memref<1x256x64xf32, #tpu.memory_space<vmem>> -> memref<256x64xf32, #tpu.memory_space<vmem>>
    %dma_wait3A_400 = arith.constant 224 : i32
    %dma_wait3A_401 = arith.constant 0 : i32
    %dma_wait3A_402 = tpu.memref_slice %dma_wait3A_399[%dma_wait3A_400, %dma_wait3A_401] : memref<256x64xf32, #tpu.memory_space<vmem>> -> memref<32x64xf32, #tpu.memory_space<vmem>>
    %dma_wait3A_403 = arith.constant 0 : i32
    %dma_wait3A_404 = arith.constant 0 : i32
    %dma_wait3A_405 = tpu.memref_slice %arg4[%add3A_225, %dma_wait3A_395, %dma_wait3A_403, %dma_wait3A_404] : memref<2048x32x32x64xf32, #tpu.memory_space<hbm>> -> memref<1x1x32x64xf32, #tpu.memory_space<hbm>>
    %dma_wait3A_406 = tpu.memref_squeeze %dma_wait3A_405 : memref<1x1x32x64xf32, #tpu.memory_space<hbm>> -> memref<32x64xf32, #tpu.memory_space<hbm>>
    %dma_wait3A_407 = arith.constant 0 : i32
    %dma_wait3A_408 = arith.constant 0 : i32
    %dma_wait3A_409 = tpu.memref_slice %arg4[%add3A_225, %dma_wait3A_395, %dma_wait3A_407, %dma_wait3A_408] : memref<2048x32x32x64xf32, #tpu.memory_space<hbm>> -> memref<1x1x32x64xf32, #tpu.memory_space<hbm>>
    %dma_wait3A_410 = tpu.memref_squeeze %dma_wait3A_409 : memref<1x1x32x64xf32, #tpu.memory_space<hbm>> -> memref<32x64xf32, #tpu.memory_space<hbm>>
    %dma_wait3A_411 = arith.constant 0 : i32
    %dma_wait3A_412 = arith.constant 0 : i32
    %dma_wait3A_413 = tpu.memref_slice %arg7[%dma_wait3A_394, %dma_wait3A_411, %dma_wait3A_412] : memref<2x256x64xf32, #tpu.memory_space<vmem>> -> memref<1x256x64xf32, #tpu.memory_space<vmem>>
    %dma_wait3A_414 = tpu.memref_squeeze %dma_wait3A_413 : memref<1x256x64xf32, #tpu.memory_space<vmem>> -> memref<256x64xf32, #tpu.memory_space<vmem>>
    %dma_wait3A_415 = arith.constant 224 : i32
    %dma_wait3A_416 = arith.constant 0 : i32
    %dma_wait3A_417 = tpu.memref_slice %dma_wait3A_414[%dma_wait3A_415, %dma_wait3A_416] : memref<256x64xf32, #tpu.memory_space<vmem>> -> memref<32x64xf32, #tpu.memory_space<vmem>>
    tpu.wait_dma2 semaphore(%arg12 : memref<!tpu.dma_semaphore, #tpu.memory_space<semaphore_mem>>) src(%dma_wait3A_417 : memref<32x64xf32, #tpu.memory_space<vmem>>) dst(%dma_wait3A_410 : memref<32x64xf32, #tpu.memory_space<hbm>>)
    return
  }
}

</mosaic_0001>

<sc_bundles>
// kernel: kernel.3.cloned.1.call-start
scs
__scs_entry_jumppad:
0x0: {  	(pc) =	sbr.rel $0x88, $3  }
0x1: {  	(tag) =	ssettag $0x0;
	lr =	simm.s32 $0x1  }
0x2: {  	[smem:$0x3F9F] =	sst lr;
	_ =	strace $0xD0000000  }
0x3: {  	_ = 	snop  }
0x4: {  	_ = 	snop  }
0x5: {  	_ = 	snop  }
0x6: {  	_ = 	snop  }
0x7: {  	_ = 	snop  }
__scs_overlays_trampoline_lowered:
0x8: {  	[smem:$0x3FAE] =	sst s0  }
0x9: {  	[smem:$0x3FAF] =	sst s1  }
0xa: {  	[smem:$0x3FB0] =	sst s2  }
0xb: {  	[smem:$0x3FB1] =	sst s3  }
0xc: {  	[smem:$0x3FB2] =	sst s4  }
0xd: {  	[smem:$0x3FB3] =	sst s5  }
0xe: {  	[smem:$0x3FB4] =	sst s6  }
0xf: {  	[smem:$0x3FB5] =	sst s7  }
0x10: {  	[smem:$0x3FB6] =	sst s8  }
0x11: {  	[smem:$0x3FB7] =	sst s9;
	s0 =	simm.s32 @!p0 $0x0  }
0x12: {  	s1 =	sld [smem:$0x3F9D];
	s0 =	simm.s32 @p0 $0x1  }
0x13: {  	[smem:$0x3FB8] =	sst s0;
	s0 =	simm.s32 @!p1 $0x0  }
0x14: {  	s2 =	sld [smem:$0x3F9C];
	s0 =	simm.s32 @p1 $0x1  }
0x15: {  	[smem:$0x3FB9] =	sst s0;
	s0 =	simm.s32 @!p2 $0x0  }
0x16: {  	s3 =	sld [smem:$0x3FDB];
	s0 =	simm.s32 @p2 $0x1  }
0x17: {  	s4 =	simm.s32 $0x1BF5;
	[smem:$0x3FBB] =	sst s0  }
0x18: {  	s0 =	sld [smem:$0x3F9E];
	_ =	swait.ge [sflag:s4], $0x0  }
0x19: {  	s7 =	sld [smem:$0x3F9F]  }
0x1a: {  	s8 =	sadd.s32 $0xFFFFE003, lr  }
0x1b: {  	s9 =	sadd.s32 $0xFFFFFEF7, lr;
	s5 =	simm.s32 $0xFFFFFFFF;
	p2 =	slt.u32 s8, $0xFFFFF086  }
0x1c: {  	p1 =	slt.u32 s9, $0xF7A;
	s5 =	simm.s32 @!p2 $0x0  }
0x1d: {  	s5 =	simm.s32 @p1 $0x1;
	p0 =	seq.s32 s7, s2  }
0x1e: {  	s7 =	smul.u32 @!p0 $0xF7A, s2;
	p2 =	seq.s32 @!p0 s5, $0x0  }
0x1f: {  	s9 =	smul.u32 $0xF7A, s1;
	s8 =	simm.s32 @!p0 $0x1BF5;
	p2 =	por !p2, p0  }
0x20: {  	[sflag:s8] =	ssyncset.s32 @!p0 $0xFFFFF086;
	s6 =	sadd.s32 @!p0 s3, s7;
	s7 =	simm.s32 @!p0 $0x108  }
0x21: {  	s3 =	sadd.s32 s3, s9;
	s6 =	sadd.s32 @!p0 $0x88, s6;
	s7 =	simm.s32 @p2 $0x1082  }
0x22: {  	[simem:s7], [sflag:s8] =	dma.local @!p0 [hbm:s6], $0xF7A  }
0x23: {  	s9 =	sor.u32 $0xD0000000, s2;
	s6 =	simm.s32 $0x108;
	_ =	swait.ge @!p0 [sflag:s8], $0x0  }
0x24: {  	s3 =	sadd.s32 $0x88, s3;
	s6 =	simm.s32 @!p1 $0x1082;
	[sflag:s4] =	ssyncset.s32 $0xFFFFF086  }
0x25: {  	[simem:s6], [sflag:s4] =	dma.local [hbm:s3], $0xF7A  }
0x26: {  	[smem:$0x3F9F] =	sst s1;
	(tag) =	ssettag s2;
	_ =	strace s9  }
0x27: {  	s1 =	sld [smem:$0x3FAF]  }
0x28: {  	s2 =	sld [smem:$0x3FB0]  }
0x29: {  	s4 =	sld [smem:$0x3FB2]  }
0x2a: {  	p0 =	seq.s32 s5, $0x0;
	s5 =	sld [smem:$0x3FB3]  }
0x2b: {  	s6 =	sld [smem:$0x3FB4]  }
0x2c: {  	s7 =	sld [smem:$0x3FB5]  }
0x2d: {  	s3 =	simm.s32 $0x108;
	s8 =	sld [smem:$0x3FB6]  }
0x2e: {  	s3 =	simm.s32 @!p0 $0x1082;
	s9 =	sld [smem:$0x3FB7]  }
0x2f: {  	lr =	sadd.s32 s0, s3;
	s0 =	sld [smem:$0x3FAE]  }
0x30: {  	s3 =	sld [smem:$0x3FB1]  }
0x31: {  	[smem:$0x3FBA] =	sst s10  }
0x32: {  	s10 =	sld [smem:$0x3FB8];
	_ =	sdelay $0x3  }
0x33: {  	p0 =	seq.s32 s10, $0x1;
	s10 =	sld [smem:$0x3FBA];
	_ =	sdelay $0x3  }
0x34: {  	[smem:$0x3FBA] =	sst s10  }
0x35: {  	s10 =	sld [smem:$0x3FB9];
	_ =	sdelay $0x3  }
0x36: {  	p1 =	seq.s32 s10, $0x1;
	s10 =	sld [smem:$0x3FBA];
	_ =	sdelay $0x3  }
0x37: {  	[smem:$0x3FBA] =	sst s10  }
0x38: {  	s10 =	sld [smem:$0x3FBB]  }
0x39: {  	_ = 	snop;
	(pc) =	sbr.ind lr, $3  }
0x3a: {  	_ = 	snop  }
0x3b: {  	_ = 	snop  }
0x3c: {  	p2 =	seq.s32 s10, $0x1;
	s10 =	sld [smem:$0x3FBA]  }
0x3d: {  	_ =	shalt  }
0x3e: {  	_ =	shalt  }
0x3f: {  	_ =	shalt  }
0x40: {  	_ =	shalt  }
0x41: {  	_ =	shalt  }
0x42: {  	_ =	shalt  }
0x43: {  	_ =	shalt  }
0x44: {  	_ =	shalt  }
0x45: {  	_ =	shalt  }
0x46: {  	_ =	shalt  }
0x47: {  	_ =	shalt  }
0x48: {  	_ =	shalt  }
0x49: {  	_ =	shalt  }
0x4a: {  	_ =	shalt  }
0x4b: {  	_ =	shalt  }
0x4c: {  	_ =	shalt  }
0x4d: {  	_ =	shalt  }
0x4e: {  	_ =	shalt  }
0x4f: {  	_ =	shalt  }
0x50: {  	_ =	shalt  }
0x51: {  	_ =	shalt  }
0x52: {  	_ =	shalt  }
0x53: {  	_ =	shalt  }
0x54: {  	_ =	shalt  }
0x55: {  	_ =	shalt  }
0x56: {  	_ =	shalt  }
0x57: {  	_ =	shalt  }
0x58: {  	_ =	shalt  }
0x59: {  	_ =	shalt  }
0x5a: {  	_ =	shalt  }
0x5b: {  	_ =	shalt  }
0x5c: {  	_ =	shalt  }
0x5d: {  	_ =	shalt  }
0x5e: {  	_ =	shalt  }
0x5f: {  	_ =	shalt  }
0x60: {  	_ =	shalt  }
0x61: {  	_ =	shalt  }
0x62: {  	_ =	shalt  }
0x63: {  	_ =	shalt  }
0x64: {  	_ =	shalt  }
0x65: {  	_ =	shalt  }
0x66: {  	_ =	shalt  }
0x67: {  	_ =	shalt  }
0x68: {  	_ =	shalt  }
0x69: {  	_ =	shalt  }
0x6a: {  	_ =	shalt  }
0x6b: {  	_ =	shalt  }
0x6c: {  	_ =	shalt  }
0x6d: {  	_ =	shalt  }
0x6e: {  	_ =	shalt  }
0x6f: {  	_ =	shalt  }
0x70: {  	_ =	shalt  }
0x71: {  	_ =	shalt  }
0x72: {  	_ =	shalt  }
0x73: {  	_ =	shalt  }
0x74: {  	_ =	shalt  }
0x75: {  	_ =	shalt  }
0x76: {  	_ =	shalt  }
0x77: {  	_ =	shalt  }
0x78: {  	_ =	shalt  }
0x79: {  	_ =	shalt  }
0x7a: {  	_ =	shalt  }
0x7b: {  	_ =	shalt  }
0x7c: {  	_ =	shalt  }
0x7d: {  	_ =	shalt  }
0x7e: {  	_ =	shalt  }
0x7f: {  	_ =	shalt  }
0x80: {  	_ =	shalt  }
0x81: {  	_ =	shalt  }
0x82: {  	_ =	shalt  }
0x83: {  	_ =	shalt  }
0x84: {  	_ =	shalt  }
0x85: {  	_ =	shalt  }
0x86: {  	_ =	shalt  }
0x87: {  	_ =	shalt  }
.Lfunc_end0:
.L_simem_size_0:
called_computation_lowered:
.L_overlay_start_0:
0x88: {  	s2 =	sld [smem:$0x3FD9]  }
0x89: {  	s3 =	sld [smem:$0x3FFE];
	_ =	sdelay $0x1  }
0x8a: {  	s1 =	srdreg.scid  }
0x8b: {  	s0 =	sand.u32 $0x1, s1  }
0x8c: {  	s17 =	sshll.u32 s0, $0xA;
	s2 =	sadd.s32 s3, s2  }
0x8d: {  	s2 =	sadd.s32 s2, s17  }
0x8e: {  	[smem:$0x3FC6] =	sst s2  }
0x8f: {  	_ = 	snop  }
0x90: {  	s2 =	sld [smem:$0x3FD0];
	(tm) =	ssettm $0x1  }
0x91: {  	s18 =	sld [smem:$0x3FFB];
	_ =	sdelay $0x3  }
0x92: {  	_ =	strace s18  }
0x93: {  	s3 =	sld [smem:$0x3FFC];
	_ =	sdelay $0x3  }
0x94: {  	_ =	strace s3  }
0x95: {  	s3 =	sld [smem:$0x3FFD];
	_ =	sdelay $0x3  }
0x96: {  	_ =	strace s3  }
0x97: {  	_ =	strace $0x8FFFFFFF  }
0x98: {  	s19 =	sld [smem:$0x3FDB];
	_ =	sdelay $0x1  }
0x99: {  	s4 =	simm.s32 $_scs_section_size  }
0x9a: {  	s5 =	simm.s32 $_size__tile_overlayer_lowered;
	s6 =	simm.s32 $_tile_overlayer_lowered  }
0x9b: {  	s22 =	simm.s32 $0x1BFF;
	s21 =	sshll.u32 s6, $0x1;
	s3 =	sadd.s32 s4, s19  }
0x9c: {  	s7 =	simm.s32 $0x0;
	s20 =	sshll.u32 s5, $0x1;
	s5 =	sadd.s32 s21, s3  }
0x9d: {  	[timem:s7], [sflag:s22] =	dma.local [hbm:s5], s20  }
0x9e: {  	_ =	swait.ge [sflag:s22], s20  }
0x9f: {  	s4 =	ssub.s32 $0x0, s20;
	[sflag:s22] =	ssyncset.done $0x0  }
0xa0: {  	[sflag:s22] =	ssyncadd.s32 s4;
	_ =	sdelay $0x1  }
0xa1: {  	s23 =	simm.s32 $0x1B8B  }
0xa2: {  	_ =	swait.ge [sflag:s23], $0x1  }
0xa3: {  	[sflag:s23] =	ssyncset.done $0x0  }
0xa4: {  	s25 =	simm.s32 $0x1B8E;
	s24 =	sld [smem:$0x3FFE];
	[sflag:s23] =	ssyncadd.s32 $0xFFFFFFFF  }
0xa5: {  	s26 =	simm.s32 $execute0_lowered;
	[smem:$0x3FD2] =	sst s25  }
0xa6: {  	s5 =	sshll.u32 s26, $0x1;
	_ =	strace $0x80000046;
	[dreg:$0x1] =	wrdreg $0xFFFFFFFF  }
0xa7: {  	s28 =	simm.s32 $_size_execute0_lowered;
	s3 =	sadd.s32 s3, s5;
	[dreg:$0x0] =	wrdreg $0x0  }
0xa8: {  	s5 =	sshll.u32 s28, $0x1;
	[dreg:$0x2] =	wrdreg s3  }
0xa9: {  	[dreg:$0x3] =	wrdreg s5  }
0xaa: {  	[dreg:$0x4] =	wrdreg $0xC0  }
0xab: {  	_ =	task [dreg:s7], $0x5FFFF  }
0xac: {  	[dreg:$0x1] =	wrdreg $0xFFFFFFFF  }
0xad: {  	[dreg:$0x0] =	wrdreg $0x60  }
0xae: {  	[dreg:$0x2] =	wrdreg s24  }
0xaf: {  	[dreg:$0x3] =	wrdreg s2  }
0xb0: {  	[dreg:$0x4] =	wrdreg $0x9  }
0xb1: {  	_ =	task.clear_ibuf [dreg:s7], $0x5FFFF;
	_ =	strace $0x90000046  }
0xb2: {  	s29 =	simm.s32 $0x9;
	_ =	strace $0x80000048  }
0xb3: {  	_ =	swait.ge [sflag:s29], $0x1  }
0xb4: {  	[sflag:s29] =	ssyncadd.s32 $0xFFFFFFFF  }
0xb5: {  	_ =	strace $0x90000048  }
0xb6: {  	_ =	sfence  }
0xb7: {  	s30 =	sld [smem:$0x0];
	_ =	sdelay $0x2  }
0xb8: {  	s31 =	sshll.u32 s1, $0xD;
	s1 =	sshrl.u32 s1, $0x2  }
0xb9: {  	s3 =	sand.u32 $0x4000, s31;
	s1 =	sadd.s32 s1, s30  }
0xba: {  	s0 =	sor.u32 s3, s0;
	s1 =	sshll.u32 s1, $0x11  }
0xbb: {  	s0 =	sor.u32 s1, s0  }
0xbc: {  	s0 =	sadd.s32 $0x8F2B, s0  }
0xbd: {  	[sflag:s0] =	ssyncadd.remote.s32 $0x1  }
0xbe: {  	_ =	sfence.sel $0xFFFF  }
0xbf: {  	[dreg:$0x0] =	wrdreg $0xFFFFFFFF;
	(pc) =	sbr.abs _section_cstart, $3  }
0xc0: {  	[dreg:$0x1] =	wrdreg $0xFFFFFFFF  }
0xc1: {  	_ =	task.clear_ibuf [dreg:s7], $0x2FFFF;
	_ =	strace $0x9FFFFFFF  }
0xc2: {  	(tm) =	ssettm $0x7FFFFFFF  }
0xc3: {  	_ =	shalt  }
tec
execute0_lowered:
.L_overlay_start_1:
0x0: {  	(tag) =	ssettag $0x1  }
0x1: {  	s0 =	rddreg [dreg:$0x0];
	s4 =	simm.s32 $0x0;
	s1 =	srdreg.scid  }
0x2: {  	s2 =	stileid.u32;
	[smem:$0x7FF] =	sst s4  }
0x3: {  	s1 =	sand.u32 $0x1, s1;
	s5 =	sadd.s32 $0x600, s0;
	s0 =	sadd.s32 $0x40600, s0  }
0x4: {  	s2 =	sshll.u32 s2, $0x1;
	_ =	strace $0x80000047;
	[dreg:$0x4] =	wrdreg s0  }
0x5: {  	s3 =	ssub.s32 $0x2, s1;
	s1 =	sor.u32 s1, s2;
	[dreg:$0x3] =	wrdreg s5  }
0x6: {  	s2 =	sshll.u32 s1, $0xD;
	s26 =	sshll.u32 s1, $0x10;
	s1 =	sshll.u32 s1, $0x17  }
0x7: {  	[dreg:$0x7] =	wrdreg s1;
	s28 =	sor.u32 $0x200, s26  }
0x8: {  	s25 =	sshrl.u32 s3, $0x1;
	s29 =	sor.u32 $0x300, s26;
	[dreg:$0x8] =	wrdreg s28  }
0x9: {  	s0 =	ssub.s32 s3, s25;
	s2 =	sadd.s32 s5, s2;
	[dreg:$0x9] =	wrdreg s29  }
.Ltmp0:
0xa: {  	s0 =	smax.u32 s0, $0x1;
	[dreg:$0x5] =	wrdreg s2;
	(pc) =	sbr.rel .LBB2_1-.Ltmp0, $4  }
0xb: {  	s30 =	sadd.s32 $0x10, s2;
	[dreg:$0xa] =	wrdreg s0  }
0xc: {  	s5 =	sadd.s32 $0x20, s2;
	[dreg:$0xb] =	wrdreg s30  }
0xd: {  	[dreg:$0x6] =	wrdreg s5;
	s31 =	sadd.s32 $0x10, s5  }
0xe: {  	s2 =	simm.s32 $0x0;
	[dreg:$0xc] =	wrdreg s31  }
.LBB2_8:
0xf: {  	s0 =	simm.s32 $0x4  }
0x10: {  	_ =	swait.ge [sflag:s0], $0x1000  }
0x11: {  	[sflag:s0] =	ssyncset.done $0x0  }
0x12: {  	[sflag:s0] =	ssyncadd.s32 $0xFFFFF000  }
0x13: {  	_ =	swait.ge [sflag:s0], $0x1000  }
0x14: {  	[sflag:s0] =	ssyncset.done $0x0  }
0x15: {  	[sflag:s0] =	ssyncadd.s32 $0xFFFFF000  }
0x16: {  	_ =	swait.ge [sflag:s0], $0x1000  }
0x17: {  	[sflag:s0] =	ssyncset.done $0x0  }
0x18: {  	[sflag:s0] =	ssyncadd.s32 $0xFFFFF000  }
0x19: {  	_ =	swait.ge [sflag:s0], $0x1000  }
0x1a: {  	[sflag:s0] =	ssyncset.done $0x0  }
0x1b: {  	[sflag:s0] =	ssyncadd.s32 $0xFFFFF000  }
0x1c: {  	_ =	swait.ge [sflag:s0], $0x1000  }
0x1d: {  	[sflag:s0] =	ssyncset.done $0x0  }
0x1e: {  	[sflag:s0] =	ssyncadd.s32 $0xFFFFF000  }
0x1f: {  	_ =	swait.ge [sflag:s0], $0x1000  }
0x20: {  	[sflag:s0] =	ssyncset.done $0x0  }
0x21: {  	[sflag:s0] =	ssyncadd.s32 $0xFFFFF000  }
0x22: {  	_ =	swait.ge [sflag:s0], $0x1000  }
0x23: {  	[sflag:s0] =	ssyncset.done $0x0  }
0x24: {  	[sflag:s0] =	ssyncadd.s32 $0xFFFFF000  }
0x25: {  	_ =	swait.ge [sflag:s0], $0x1000  }
0x26: {  	[sflag:s0] =	ssyncset.done $0x0  }
0x27: {  	s1 =	simm.s32 $0x5;
	[sflag:s0] =	ssyncadd.s32 $0xFFFFF000  }
0x28: {  	_ =	swait.ge [sflag:s1], $0x1000  }
0x29: {  	[sflag:s1] =	ssyncset.done $0x0  }
0x2a: {  	[sflag:s1] =	ssyncadd.s32 $0xFFFFF000  }
0x2b: {  	_ =	swait.ge [sflag:s1], $0x1000  }
0x2c: {  	[sflag:s1] =	ssyncset.done $0x0  }
0x2d: {  	[sflag:s1] =	ssyncadd.s32 $0xFFFFF000  }
0x2e: {  	_ =	swait.ge [sflag:s1], $0x1000  }
0x2f: {  	[sflag:s1] =	ssyncset.done $0x0  }
0x30: {  	[sflag:s1] =	ssyncadd.s32 $0xFFFFF000  }
0x31: {  	_ =	swait.ge [sflag:s1], $0x1000  }
0x32: {  	[sflag:s1] =	ssyncset.done $0x0  }
0x33: {  	[sflag:s1] =	ssyncadd.s32 $0xFFFFF000  }
0x34: {  	_ =	swait.ge [sflag:s1], $0x1000  }
0x35: {  	[sflag:s1] =	ssyncset.done $0x0  }
0x36: {  	[sflag:s1] =	ssyncadd.s32 $0xFFFFF000  }
0x37: {  	_ =	swait.ge [sflag:s1], $0x1000  }
0x38: {  	[sflag:s1] =	ssyncset.done $0x0  }
0x39: {  	[sflag:s1] =	ssyncadd.s32 $0xFFFFF000  }
0x3a: {  	_ =	swait.ge [sflag:s1], $0x1000  }
0x3b: {  	[sflag:s1] =	ssyncset.done $0x0  }
0x3c: {  	[sflag:s1] =	ssyncadd.s32 $0xFFFFF000  }
0x3d: {  	_ =	swait.ge [sflag:s1], $0x1000  }
0x3e: {  	s2 =	rddreg [dreg:$0xd]  }
0x3f: {  	s31 =	rddreg [dreg:$0xa];
	s2 =	sadd.s32 $0x1, s2  }
0x40: {  	p0 =	sne.s32 s2, s31  }
.Ltmp1:
0x41: {  	_ = 	snop;
	(pc) =	sbr.rel @!p0 .LBB2_9-.Ltmp1, $3  }
0x42: {  	_ =	sdelay $0x1  }
0x43: {  	[sflag:s1] =	ssyncset.done $0x0  }
0x44: {  	[sflag:s1] =	ssyncadd.s32 $0xFFFFF000  }
.LBB2_1:
0x45: {  	[dreg:$0xd] =	wrdreg s2  }
0x46: {  	s0 =	rddreg [dreg:$0x1];
	s23 =	simm.s32 $0x1  }
0x47: {  	[tilespmem:s4], [sflag:$0x1] =	stream.linear.gather [hbm4b:s0+s4], $0x500, $0x38;
	[tilespmem:$0x10A00] =	vst v63  }
0x48: {  	_ =	swait.ge [sflag:s23], $0x500  }
0x49: {  	[sflag:s23] =	ssyncset.done $0x0  }
0x4a: {  	s1 =	simm.s32 $0x800;
	s24 =	rddreg [dreg:$0x5];
	[sflag:s23] =	ssyncadd.s32 $0xFFFFFB00  }
0x4b: {  	[tilespmem:s1], [sflag:$0x2] =	stream.linear.gather [hbm4b:s24+s4], $0x80, $0x38;
	[tilespmem:$0x10A00] =	vst v63  }
0x4c: {  	s26 =	simm.s32 $0x900;
	s25 =	rddreg [dreg:$0xb]  }
0x4d: {  	[tilespmem:s26], [sflag:$0x2] =	stream.linear.gather [hbm4b:s25+s4], $0x80, $0x38;
	[tilespmem:$0x10A00] =	vst v63  }
0x4e: {  	s29 =	simm.s32 $0x880;
	s28 =	rddreg [dreg:$0x6]  }
0x4f: {  	[tilespmem:s29], [sflag:$0x3] =	stream.linear.gather [hbm4b:s28+s4], $0x80, $0x38;
	[tilespmem:$0x10A00] =	vst v63  }
0x50: {  	s31 =	simm.s32 $0x980;
	s30 =	rddreg [dreg:$0xc];
	s1 =	simm.s32 $0x0  }
0x51: {  	[tilespmem:s31], [sflag:$0x3] =	stream.linear.gather [hbm4b:s30+s4], $0x80, $0x38;
	[tilespmem:$0x10A00] =	vst v63  }
.LBB2_2:
0x52: {  	p0 =	seq.s32 s1, $0x0  }
0x53: {  	s0 =	simm.s32 @!p0 $0x4  }
0x54: {  	_ =	swait.ge @!p0 [sflag:s0], $0x1000  }
0x55: {  	[sflag:s0] =	ssyncset.done @!p0 $0x0  }
0x56: {  	[sflag:s0] =	ssyncadd.s32 @!p0 $0xFFFFF000  }
0x57: {  	_ =	swait.ge @!p0 [sflag:s0], $0x1000  }
0x58: {  	[sflag:s0] =	ssyncset.done @!p0 $0x0  }
0x59: {  	[sflag:s0] =	ssyncadd.s32 @!p0 $0xFFFFF000  }
0x5a: {  	_ =	swait.ge @!p0 [sflag:s0], $0x1000  }
0x5b: {  	[sflag:s0] =	ssyncset.done @!p0 $0x0  }
0x5c: {  	[sflag:s0] =	ssyncadd.s32 @!p0 $0xFFFFF000  }
0x5d: {  	_ =	swait.ge @!p0 [sflag:s0], $0x1000  }
0x5e: {  	[sflag:s0] =	ssyncset.done @!p0 $0x0  }
0x5f: {  	[sflag:s0] =	ssyncadd.s32 @!p0 $0xFFFFF000  }
0x60: {  	_ =	swait.ge @!p0 [sflag:s0], $0x1000  }
0x61: {  	[sflag:s0] =	ssyncset.done @!p0 $0x0  }
0x62: {  	[sflag:s0] =	ssyncadd.s32 @!p0 $0xFFFFF000  }
0x63: {  	_ =	swait.ge @!p0 [sflag:s0], $0x1000  }
0x64: {  	[sflag:s0] =	ssyncset.done @!p0 $0x0  }
0x65: {  	[sflag:s0] =	ssyncadd.s32 @!p0 $0xFFFFF000  }
0x66: {  	_ =	swait.ge @!p0 [sflag:s0], $0x1000  }
0x67: {  	[sflag:s0] =	ssyncset.done @!p0 $0x0  }
0x68: {  	[sflag:s0] =	ssyncadd.s32 @!p0 $0xFFFFF000  }
0x69: {  	_ =	swait.ge @!p0 [sflag:s0], $0x1000  }
0x6a: {  	[sflag:s0] =	ssyncset.done @!p0 $0x0  }
0x6b: {  	s30 =	simm.s32 $0x2;
	[sflag:s0] =	ssyncadd.s32 @!p0 $0xFFFFF000  }
0x6c: {  	_ =	swait.ge [sflag:s30], $0x100  }
0x6d: {  	s31 =	sshll.u32 s1, $0x9;
	[dreg:$0xe] =	wrdreg s1;
	[sflag:s30] =	ssyncset.done $0x0  }
0x6e: {  	s0 =	simm.s32 $0x0;
	[dreg:$0xf] =	wrdreg s31;
	[sflag:s30] =	ssyncadd.s32 $0xFFFFFF00  }
.LBB2_3:
0x6f: {  	s2 =	smov.u32 s0;
	s8 =	sshll.u32 s0, $0x5  }
0x70: {  	s1 =	sshll.u32 s2, $0x4;
	s0 =	sand.u32 $0x100, s8  }
0x71: {  	s9 =	sand.u32 $0x40, s1;
	s0 =	sor.u32 $0x800, s0  }
0x72: {  	s3 =	smov.u32 s2;
	s2 =	sor.u32 s9, s0  }
0x73: {  	v0 =	vld [tilespmem:s2+$0x0];
	_ =	sdelay $0x4  }
0x74: {  	v0 =	vshll.u32 v0, $0x9  }
0x75: {  	v0 =	vshra.s32 v0, $0x2  }
0x76: {  	(v2sf) =	vpush v0, $0x0;
	_ =	sdelay $0x8  }
0x77: {  	(v2sf) =	vpush v0, $0x1;
	_ =	sdelay $0x5  }
0x78: {  	s10 =	spop (v2sf)  }
0x79: {  	v1 =	vld [tilespmem:s10+$0x0]  }
0x7a: {  	v2 =	vld [tilespmem:s10+$0x10]  }
0x7b: {  	(v2sf) =	vpush v0, $0x2;
	v3 =	vld [tilespmem:s10+$0x20]  }
0x7c: {  	s11 =	sshll.u32 s3, $0xB;
	v4 =	vld [tilespmem:s10+$0x30]  }
0x7d: {  	s14 =	sand.u32 $0x3FFFF800, s11  }
0x7e: {  	[tilespmem:s14+$0xA00] =	vst v1  }
0x7f: {  	[tilespmem:s14+$0xA10] =	vst v2  }
0x80: {  	[tilespmem:s14+$0xA20] =	vst v3  }
0x81: {  	s12 =	spop (v2sf);
	[tilespmem:s14+$0xA30] =	vst v4  }
0x82: {  	v1 =	vld [tilespmem:s12+$0x0]  }
0x83: {  	v2 =	vld [tilespmem:s12+$0x10]  }
0x84: {  	(v2sf) =	vpush v0, $0x3;
	v3 =	vld [tilespmem:s12+$0x20]  }
0x85: {  	v4 =	vld [tilespmem:s12+$0x30];
	_ =	sdelay $0x1  }
0x86: {  	[tilespmem:s14+$0xA80] =	vst v1  }
0x87: {  	[tilespmem:s14+$0xA90] =	vst v2  }
0x88: {  	[tilespmem:s14+$0xAA0] =	vst v3  }
0x89: {  	s13 =	spop (v2sf);
	[tilespmem:s14+$0xAB0] =	vst v4  }
0x8a: {  	v1 =	vld [tilespmem:s13+$0x0]  }
0x8b: {  	v2 =	vld [tilespmem:s13+$0x10]  }
0x8c: {  	(v2sf) =	vpush v0, $0x4;
	v3 =	vld [tilespmem:s13+$0x20]  }
0x8d: {  	v4 =	vld [tilespmem:s13+$0x30];
	_ =	sdelay $0x1  }
0x8e: {  	[tilespmem:s14+$0xB00] =	vst v1  }
0x8f: {  	[tilespmem:s14+$0xB10] =	vst v2  }
0x90: {  	[tilespmem:s14+$0xB20] =	vst v3  }
0x91: {  	s15 =	spop (v2sf);
	[tilespmem:s14+$0xB30] =	vst v4  }
0x92: {  	v1 =	vld [tilespmem:s15+$0x0]  }
0x93: {  	v2 =	vld [tilespmem:s15+$0x10]  }
0x94: {  	(v2sf) =	vpush v0, $0x5;
	v3 =	vld [tilespmem:s15+$0x20]  }
0x95: {  	v4 =	vld [tilespmem:s15+$0x30];
	_ =	sdelay $0x1  }
0x96: {  	[tilespmem:s14+$0xB80] =	vst v1  }
0x97: {  	[tilespmem:s14+$0xB90] =	vst v2  }
0x98: {  	[tilespmem:s14+$0xBA0] =	vst v3  }
0x99: {  	s16 =	spop (v2sf);
	[tilespmem:s14+$0xBB0] =	vst v4  }
0x9a: {  	v1 =	vld [tilespmem:s16+$0x0]  }
0x9b: {  	v2 =	vld [tilespmem:s16+$0x10]  }
0x9c: {  	(v2sf) =	vpush v0, $0x6;
	v3 =	vld [tilespmem:s16+$0x20]  }
0x9d: {  	v4 =	vld [tilespmem:s16+$0x30];
	_ =	sdelay $0x1  }
0x9e: {  	[tilespmem:s14+$0xC00] =	vst v1  }
0x9f: {  	[tilespmem:s14+$0xC10] =	vst v2  }
0xa0: {  	[tilespmem:s14+$0xC20] =	vst v3  }
0xa1: {  	s17 =	spop (v2sf);
	[tilespmem:s14+$0xC30] =	vst v4  }
0xa2: {  	v1 =	vld [tilespmem:s17+$0x0]  }
0xa3: {  	v2 =	vld [tilespmem:s17+$0x10]  }
0xa4: {  	(v2sf) =	vpush v0, $0x7;
	v3 =	vld [tilespmem:s17+$0x20]  }
0xa5: {  	v4 =	vld [tilespmem:s17+$0x30];
	_ =	sdelay $0x1  }
0xa6: {  	[tilespmem:s14+$0xC80] =	vst v1  }
0xa7: {  	[tilespmem:s14+$0xC90] =	vst v2  }
0xa8: {  	[tilespmem:s14+$0xCA0] =	vst v3  }
0xa9: {  	s18 =	spop (v2sf);
	[tilespmem:s14+$0xCB0] =	vst v4  }
0xaa: {  	v1 =	vld [tilespmem:s18+$0x0]  }
0xab: {  	v2 =	vld [tilespmem:s18+$0x10]  }
0xac: {  	(v2sf) =	vpush v0, $0x8;
	v3 =	vld [tilespmem:s18+$0x20]  }
0xad: {  	v4 =	vld [tilespmem:s18+$0x30];
	_ =	sdelay $0x1  }
0xae: {  	[tilespmem:s14+$0xD00] =	vst v1  }
0xaf: {  	[tilespmem:s14+$0xD10] =	vst v2  }
0xb0: {  	[tilespmem:s14+$0xD20] =	vst v3  }
0xb1: {  	s19 =	spop (v2sf);
	[tilespmem:s14+$0xD30] =	vst v4  }
0xb2: {  	v1 =	vld [tilespmem:s19+$0x0]  }
0xb3: {  	v2 =	vld [tilespmem:s19+$0x10]  }
0xb4: {  	(v2sf) =	vpush v0, $0x9;
	v3 =	vld [tilespmem:s19+$0x20]  }
0xb5: {  	v4 =	vld [tilespmem:s19+$0x30];
	_ =	sdelay $0x1  }
0xb6: {  	[tilespmem:s14+$0xD80] =	vst v1  }
0xb7: {  	[tilespmem:s14+$0xD90] =	vst v2  }
0xb8: {  	[tilespmem:s14+$0xDA0] =	vst v3  }
0xb9: {  	s20 =	spop (v2sf);
	[tilespmem:s14+$0xDB0] =	vst v4  }
0xba: {  	v1 =	vld [tilespmem:s20+$0x0]  }
0xbb: {  	v2 =	vld [tilespmem:s20+$0x10]  }
0xbc: {  	(v2sf) =	vpush v0, $0xA;
	v3 =	vld [tilespmem:s20+$0x20]  }
0xbd: {  	v4 =	vld [tilespmem:s20+$0x30];
	_ =	sdelay $0x1  }
0xbe: {  	[tilespmem:s14+$0xE00] =	vst v1  }
0xbf: {  	[tilespmem:s14+$0xE10] =	vst v2  }
0xc0: {  	[tilespmem:s14+$0xE20] =	vst v3  }
0xc1: {  	s21 =	spop (v2sf);
	[tilespmem:s14+$0xE30] =	vst v4  }
0xc2: {  	v1 =	vld [tilespmem:s21+$0x0]  }
0xc3: {  	v2 =	vld [tilespmem:s21+$0x10]  }
0xc4: {  	(v2sf) =	vpush v0, $0xB;
	v3 =	vld [tilespmem:s21+$0x20]  }
0xc5: {  	v4 =	vld [tilespmem:s21+$0x30];
	_ =	sdelay $0x1  }
0xc6: {  	[tilespmem:s14+$0xE80] =	vst v1  }
0xc7: {  	[tilespmem:s14+$0xE90] =	vst v2  }
0xc8: {  	[tilespmem:s14+$0xEA0] =	vst v3  }
0xc9: {  	s22 =	spop (v2sf);
	[tilespmem:s14+$0xEB0] =	vst v4  }
0xca: {  	v1 =	vld [tilespmem:s22+$0x0]  }
0xcb: {  	v2 =	vld [tilespmem:s22+$0x10]  }
0xcc: {  	(v2sf) =	vpush v0, $0xC;
	v3 =	vld [tilespmem:s22+$0x20]  }
0xcd: {  	v4 =	vld [tilespmem:s22+$0x30];
	_ =	sdelay $0x1  }
0xce: {  	[tilespmem:s14+$0xF00] =	vst v1  }
0xcf: {  	[tilespmem:s14+$0xF10] =	vst v2  }
0xd0: {  	[tilespmem:s14+$0xF20] =	vst v3  }
0xd1: {  	s23 =	spop (v2sf);
	[tilespmem:s14+$0xF30] =	vst v4  }
0xd2: {  	v1 =	vld [tilespmem:s23+$0x0]  }
0xd3: {  	v2 =	vld [tilespmem:s23+$0x10]  }
0xd4: {  	(v2sf) =	vpush v0, $0xD;
	v3 =	vld [tilespmem:s23+$0x20]  }
0xd5: {  	v4 =	vld [tilespmem:s23+$0x30];
	_ =	sdelay $0x1  }
0xd6: {  	[tilespmem:s14+$0xF80] =	vst v1  }
0xd7: {  	[tilespmem:s14+$0xF90] =	vst v2  }
0xd8: {  	[tilespmem:s14+$0xFA0] =	vst v3  }
0xd9: {  	s24 =	spop (v2sf);
	[tilespmem:s14+$0xFB0] =	vst v4  }
0xda: {  	v1 =	vld [tilespmem:s24+$0x0]  }
0xdb: {  	v2 =	vld [tilespmem:s24+$0x10]  }
0xdc: {  	(v2sf) =	vpush v0, $0xE;
	v3 =	vld [tilespmem:s24+$0x20]  }
0xdd: {  	v4 =	vld [tilespmem:s24+$0x30];
	_ =	sdelay $0x1  }
0xde: {  	s26 =	sor.u32 $0x10, s1;
	[tilespmem:s14+$0x1000] =	vst v1  }
0xdf: {  	s28 =	sand.u32 $0x50, s26;
	[tilespmem:s14+$0x1010] =	vst v2  }
0xe0: {  	[dreg:$0x11] =	wrdreg s3;
	s3 =	sor.u32 s28, s0;
	[tilespmem:s14+$0x1020] =	vst v3  }
0xe1: {  	v12 =	vld [tilespmem:s3+$0x0];
	s25 =	spop (v2sf);
	[tilespmem:s14+$0x1030] =	vst v4  }
0xe2: {  	v1 =	vld [tilespmem:s25+$0x0]  }
0xe3: {  	v2 =	vld [tilespmem:s25+$0x10]  }
0xe4: {  	v3 =	vld [tilespmem:s25+$0x20]  }
0xe5: {  	v4 =	vld [tilespmem:s25+$0x30];
	_ =	sdelay $0x1  }
0xe6: {  	[tilespmem:s14+$0x1080] =	vst v1  }
0xe7: {  	[tilespmem:s14+$0x1090] =	vst v2  }
0xe8: {  	[tilespmem:s14+$0x10A0] =	vst v3  }
0xe9: {  	s12 =	spop (v2sf);
	[tilespmem:s14+$0x10B0] =	vst v4;
	v3 =	vshll.u32 v12, $0x9  }
0xea: {  	(v2sf) =	vpush v0, $0xF;
	v2 =	vld [tilespmem:s12+$0x0];
	v13 =	vshra.s32 v3, $0x2  }
0xeb: {  	v1 =	vld [tilespmem:s12+$0x10];
	(v2sf) =	vpush v13, $0x0;
	_ =	sdelay $0x7  }
0xec: {  	(v2sf) =	vpush v13, $0x1  }
0xed: {  	(v2sf) =	vpush v13, $0x2  }
0xee: {  	(v2sf) =	vpush v13, $0x3  }
0xef: {  	(v2sf) =	vpush v13, $0x4  }
0xf0: {  	s16 =	sor.u32 $0x20, s1;
	(v2sf) =	vpush v13, $0x5  }
0xf1: {  	s29 =	sand.u32 $0x60, s16;
	(v2sf) =	vpush v13, $0x6  }
0xf2: {  	s3 =	sor.u32 s29, s0;
	s5 =	spop (v2sf);
	(v2sf) =	vpush v13, $0x7  }
0xf3: {  	v14 =	vld [tilespmem:s3+$0x0];
	(v2sf) =	vpush v13, $0x8;
	s30 =	spop (v2sf)  }
0xf4: {  	(v2sf) =	vpush v13, $0x9;
	v15 =	vld [tilespmem:s30+$0x0]  }
0xf5: {  	(v2sf) =	vpush v13, $0xA;
	v17 =	vld [tilespmem:s30+$0x10]  }
0xf6: {  	(v2sf) =	vpush v13, $0xB;
	v5 =	vld [tilespmem:s30+$0x20]  }
0xf7: {  	s2 =	sshll.u32 s26, $0x7;
	(v2sf) =	vpush v13, $0xC;
	v6 =	vld [tilespmem:s30+$0x30]  }
0xf8: {  	s2 =	sand.u32 $0x3FFFF800, s2;
	(v2sf) =	vpush v13, $0xD  }
0xf9: {  	v3 =	vshll.u32 v14, $0x9;
	(v2sf) =	vpush v13, $0xE;
	[tilespmem:s2+$0xA00] =	vst v15  }
0xfa: {  	v16 =	vshra.s32 v3, $0x2;
	(v2sf) =	vpush v13, $0xF;
	[tilespmem:s2+$0xA10] =	vst v17  }
0xfb: {  	v24 =	vld [tilespmem:s12+$0x20];
	s4 =	spop (v2sf);
	(v2sf) =	vpush v16, $0x0;
	[tilespmem:s2+$0xA20] =	vst v5  }
0xfc: {  	v25 =	vld [tilespmem:s12+$0x30];
	s11 =	spop (v2sf);
	[tilespmem:s2+$0xA30] =	vst v6  }
0xfd: {  	s7 =	spop (v2sf);
	v3 =	vld [tilespmem:s4+$0x0]  }
0xfe: {  	[tilespmem:s14+$0x1100] =	vst v2;
	s6 =	spop (v2sf);
	v5 =	vld [tilespmem:s4+$0x10]  }
0xff: {  	[tilespmem:s14+$0x1110] =	vst v1;
	s29 =	spop (v2sf);
	v6 =	vld [tilespmem:s4+$0x20]  }
0x100: {  	[tilespmem:s14+$0x1120] =	vst v24;
	s9 =	spop (v2sf);
	v7 =	vld [tilespmem:s4+$0x30]  }
0x101: {  	[tilespmem:s14+$0x1130] =	vst v25;
	s10 =	spop (v2sf)  }
0x102: {  	s15 =	spop (v2sf);
	[tilespmem:s14+$0x1280] =	vst v3  }
0x103: {  	s3 =	sor.u32 $0x30, s1;
	s1 =	spop (v2sf);
	[tilespmem:s14+$0x1290] =	vst v5  }
0x104: {  	v33 =	vld [tilespmem:s5+$0x10];
	(v2sf) =	vpush v16, $0x1;
	s20 =	spop (v2sf);
	[tilespmem:s14+$0x12A0] =	vst v6  }
0x105: {  	v34 =	vld [tilespmem:s5+$0x20];
	s30 =	spop (v2sf);
	[tilespmem:s14+$0x12B0] =	vst v7  }
0x106: {  	s26 =	spop (v2sf);
	v20 =	vld [tilespmem:s11+$0x0]  }
0x107: {  	(v2sf) =	vpush v16, $0x2;
	s24 =	spop (v2sf);
	v21 =	vld [tilespmem:s11+$0x10]  }
0x108: {  	s31 =	sand.u32 $0x70, s3;
	(v2sf) =	vpush v16, $0x3;
	v5 =	vld [tilespmem:s11+$0x20];
	s22 =	spop (v2sf)  }
0x109: {  	(v2sf) =	vpush v16, $0x4;
	s2 =	sor.u32 s31, s0;
	v6 =	vld [tilespmem:s11+$0x30];
	s4 =	spop (v2sf)  }
0x10a: {  	(v2sf) =	vpush v16, $0x5;
	v18 =	vld [tilespmem:s2+$0x0];
	s21 =	spop (v2sf)  }
0x10b: {  	(v2sf) =	vpush v16, $0x6;
	v22 =	vld [tilespmem:s21+$0x0];
	[tilespmem:s14+$0x1300] =	vst v20  }
0x10c: {  	(v2sf) =	vpush v16, $0x7;
	v8 =	vld [tilespmem:s21+$0x10];
	[tilespmem:s14+$0x1310] =	vst v21  }
0x10d: {  	(v2sf) =	vpush v16, $0x8;
	v23 =	vld [tilespmem:s21+$0x20];
	[tilespmem:s14+$0x1320] =	vst v5  }
0x10e: {  	s16 =	sshll.u32 s16, $0x7;
	(v2sf) =	vpush v16, $0x9;
	v9 =	vld [tilespmem:s21+$0x30];
	[tilespmem:s14+$0x1330] =	vst v6  }
0x10f: {  	s0 =	sand.u32 $0x3FFFF800, s16;
	(v2sf) =	vpush v16, $0xA;
	v6 =	vld [tilespmem:s7+$0x0]  }
0x110: {  	(v2sf) =	vpush v16, $0xB;
	v26 =	vld [tilespmem:s7+$0x10];
	[tilespmem:s0+$0xA00] =	vst v22  }
0x111: {  	(v2sf) =	vpush v16, $0xC;
	v27 =	vld [tilespmem:s7+$0x20];
	[tilespmem:s0+$0xA10] =	vst v8  }
0x112: {  	(v2sf) =	vpush v16, $0xD;
	v28 =	vld [tilespmem:s7+$0x30];
	[tilespmem:s0+$0xA20] =	vst v23  }
0x113: {  	v35 =	vld [tilespmem:s5+$0x30];
	v19 =	vshll.u32 v18, $0x9;
	(v2sf) =	vpush v16, $0xE;
	s18 =	spop (v2sf);
	[tilespmem:s0+$0xA30] =	vst v9  }
0x114: {  	v0 =	vshra.s32 v19, $0x2;
	(v2sf) =	vpush v16, $0xF;
	[tilespmem:s14+$0x1380] =	vst v6;
	v39 =	vld [tilespmem:s18+$0x0]  }
0x115: {  	(v2sf) =	vpush v0, $0x0;
	[tilespmem:s14+$0x1390] =	vst v26;
	v40 =	vld [tilespmem:s18+$0x10]  }
0x116: {  	s17 =	spop (v2sf);
	[tilespmem:s14+$0x13A0] =	vst v27;
	v41 =	vld [tilespmem:s18+$0x20]  }
0x117: {  	[dreg:$0x13] =	wrdreg s4;
	s4 =	spop (v2sf);
	[tilespmem:s14+$0x13B0] =	vst v28;
	v42 =	vld [tilespmem:s18+$0x30]  }
0x118: {  	s19 =	spop (v2sf);
	v3 =	vld [tilespmem:s6+$0x0]  }
0x119: {  	s8 =	spop (v2sf);
	v36 =	vld [tilespmem:s6+$0x10];
	[tilespmem:s14+$0x1A80] =	vst v39  }
0x11a: {  	s11 =	spop (v2sf);
	v37 =	vld [tilespmem:s6+$0x20];
	[tilespmem:s14+$0x1A90] =	vst v40  }
0x11b: {  	s13 =	spop (v2sf);
	v38 =	vld [tilespmem:s6+$0x30];
	[tilespmem:s14+$0x1AA0] =	vst v41  }
0x11c: {  	v5 =	vld [tilespmem:s5+$0x0];
	s2 =	spop (v2sf);
	[tilespmem:s14+$0x1AB0] =	vst v42  }
0x11d: {  	s31 =	spop (v2sf);
	[tilespmem:s14+$0x1400] =	vst v3;
	v9 =	vld [tilespmem:s17+$0x0]  }
0x11e: {  	s28 =	spop (v2sf);
	[tilespmem:s14+$0x1410] =	vst v36;
	v50 =	vld [tilespmem:s17+$0x10]  }
0x11f: {  	s25 =	spop (v2sf);
	[tilespmem:s14+$0x1420] =	vst v37;
	v51 =	vld [tilespmem:s17+$0x20]  }
0x120: {  	s23 =	spop (v2sf);
	[tilespmem:s14+$0x1430] =	vst v38;
	v52 =	vld [tilespmem:s17+$0x30]  }
0x121: {  	[tilespmem:s14+$0x11A0] =	vst v34;
	s21 =	spop (v2sf);
	v4 =	vld [tilespmem:s29+$0x0]  }
0x122: {  	[tilespmem:s14+$0x11B0] =	vst v35;
	s12 =	spop (v2sf);
	v47 =	vld [tilespmem:s29+$0x10]  }
0x123: {  	[tilespmem:s14+$0x1180] =	vst v5;
	v48 =	vld [tilespmem:s29+$0x20];
	s16 =	spop (v2sf)  }
0x124: {  	v49 =	vld [tilespmem:s29+$0x30];
	s7 =	spop (v2sf);
	[tilespmem:s14+$0x1B00] =	vst v9  }
0x125: {  	v29 =	vld [tilespmem:s7+$0x0];
	[tilespmem:s14+$0x1B10] =	vst v50  }
0x126: {  	v30 =	vld [tilespmem:s7+$0x10];
	[tilespmem:s14+$0x1B20] =	vst v51  }
0x127: {  	v31 =	vld [tilespmem:s7+$0x20];
	[tilespmem:s14+$0x1B30] =	vst v52  }
0x128: {  	v32 =	vld [tilespmem:s7+$0x30];
	[tilespmem:s14+$0x1480] =	vst v4  }
0x129: {  	[tilespmem:s14+$0x1490] =	vst v47;
	v1 =	vld [tilespmem:s4+$0x0]  }
0x12a: {  	s3 =	sshll.u32 s3, $0x7;
	(v2sf) =	vpush v0, $0x1;
	[tilespmem:s14+$0x14A0] =	vst v48;
	v59 =	vld [tilespmem:s4+$0x10]  }
0x12b: {  	s0 =	sand.u32 $0x3FFFF800, s3;
	[tilespmem:s14+$0x14B0] =	vst v49;
	v60 =	vld [tilespmem:s4+$0x20]  }
0x12c: {  	v61 =	vld [tilespmem:s4+$0x30];
	[tilespmem:s0+$0xA00] =	vst v29  }
0x12d: {  	v7 =	vld [tilespmem:s9+$0x0];
	[tilespmem:s0+$0xA10] =	vst v30  }
0x12e: {  	v56 =	vld [tilespmem:s9+$0x10];
	[tilespmem:s14+$0x1B80] =	vst v1  }
0x12f: {  	v57 =	vld [tilespmem:s9+$0x20];
	[tilespmem:s14+$0x1B90] =	vst v59  }
0x130: {  	v58 =	vld [tilespmem:s9+$0x30];
	[tilespmem:s14+$0x1BA0] =	vst v60  }
0x131: {  	[tilespmem:s14+$0x1BB0] =	vst v61  }
0x132: {  	[tilespmem:s14+$0x1500] =	vst v7;
	v6 =	vld [tilespmem:s19+$0x0]  }
0x133: {  	[tilespmem:s14+$0x1510] =	vst v56;
	v16 =	vld [tilespmem:s19+$0x10]  }
0x134: {  	[tilespmem:s14+$0x1520] =	vst v57;
	v17 =	vld [tilespmem:s19+$0x20]  }
0x135: {  	[tilespmem:s14+$0x1530] =	vst v58;
	v18 =	vld [tilespmem:s19+$0x30]  }
0x136: {  	(v2sf) =	vpush v0, $0x2;
	[tilespmem:s0+$0xA20] =	vst v31;
	v2 =	vld [tilespmem:s10+$0x0]  }
0x137: {  	[tilespmem:s0+$0xA30] =	vst v32;
	v13 =	vld [tilespmem:s10+$0x10]  }
0x138: {  	v14 =	vld [tilespmem:s10+$0x20];
	[tilespmem:s14+$0x1C00] =	vst v6  }
0x139: {  	v15 =	vld [tilespmem:s10+$0x30];
	s5 =	spop (v2sf);
	[tilespmem:s14+$0x1C10] =	vst v16  }
0x13a: {  	v43 =	vld [tilespmem:s5+$0x0];
	[tilespmem:s14+$0x1C20] =	vst v17  }
0x13b: {  	v44 =	vld [tilespmem:s5+$0x10];
	[tilespmem:s14+$0x1C30] =	vst v18  }
0x13c: {  	v45 =	vld [tilespmem:s5+$0x20];
	[tilespmem:s14+$0x1580] =	vst v2  }
0x13d: {  	v46 =	vld [tilespmem:s5+$0x30];
	[tilespmem:s14+$0x1590] =	vst v13  }
0x13e: {  	[tilespmem:s14+$0x15A0] =	vst v14;
	v3 =	vld [tilespmem:s8+$0x0]  }
0x13f: {  	[tilespmem:s14+$0x15B0] =	vst v15;
	v25 =	vld [tilespmem:s8+$0x10]  }
0x140: {  	(v2sf) =	vpush v0, $0x3;
	v26 =	vld [tilespmem:s8+$0x20];
	[tilespmem:s14+$0x2280] =	vst v43  }
0x141: {  	v27 =	vld [tilespmem:s8+$0x30];
	[tilespmem:s14+$0x2290] =	vst v44  }
0x142: {  	v5 =	vld [tilespmem:s15+$0x0];
	[tilespmem:s14+$0x22A0] =	vst v45  }
0x143: {  	v22 =	vld [tilespmem:s15+$0x10];
	[tilespmem:s14+$0x22B0] =	vst v46  }
0x144: {  	v23 =	vld [tilespmem:s15+$0x20];
	[tilespmem:s14+$0x1C80] =	vst v3  }
0x145: {  	s6 =	spop (v2sf);
	v24 =	vld [tilespmem:s15+$0x30];
	[tilespmem:s14+$0x1C90] =	vst v25  }
0x146: {  	v53 =	vld [tilespmem:s6+$0x0];
	[tilespmem:s14+$0x1CA0] =	vst v26  }
0x147: {  	v54 =	vld [tilespmem:s6+$0x10];
	[tilespmem:s14+$0x1CB0] =	vst v27  }
0x148: {  	v55 =	vld [tilespmem:s6+$0x20];
	[tilespmem:s14+$0x1600] =	vst v5  }
0x149: {  	v8 =	vld [tilespmem:s6+$0x30];
	[tilespmem:s14+$0x1610] =	vst v22  }
0x14a: {  	(v2sf) =	vpush v0, $0x4;
	[tilespmem:s14+$0x1620] =	vst v23;
	v4 =	vld [tilespmem:s11+$0x0]  }
0x14b: {  	[tilespmem:s14+$0x1630] =	vst v24;
	v34 =	vld [tilespmem:s11+$0x10]  }
0x14c: {  	v35 =	vld [tilespmem:s11+$0x20];
	[tilespmem:s14+$0x2300] =	vst v53  }
0x14d: {  	v36 =	vld [tilespmem:s11+$0x30];
	[tilespmem:s14+$0x2310] =	vst v54  }
0x14e: {  	v31 =	vld [tilespmem:s1+$0x10];
	[tilespmem:s14+$0x2320] =	vst v55  }
0x14f: {  	v32 =	vld [tilespmem:s1+$0x20];
	[tilespmem:s14+$0x2330] =	vst v8;
	s7 =	spop (v2sf)  }
0x150: {  	[tilespmem:s14+$0x1190] =	vst v33;
	v62 =	vld [tilespmem:s7+$0x0]  }
0x151: {  	[tilespmem:s14+$0x1D00] =	vst v4;
	v8 =	vld [tilespmem:s7+$0x10]  }
0x152: {  	[tilespmem:s14+$0x1D10] =	vst v34;
	v63 =	vld [tilespmem:s7+$0x20]  }
0x153: {  	[tilespmem:s14+$0x1D20] =	vst v35;
	v12 =	vld [tilespmem:s7+$0x30]  }
0x154: {  	v33 =	vld [tilespmem:s1+$0x30];
	[tilespmem:s14+$0x1D30] =	vst v36  }
0x155: {  	v7 =	vld [tilespmem:s13+$0x0];
	[tilespmem:s14+$0x2380] =	vst v62  }
0x156: {  	v43 =	vld [tilespmem:s13+$0x10];
	[tilespmem:s14+$0x2390] =	vst v8  }
0x157: {  	v44 =	vld [tilespmem:s13+$0x20];
	[tilespmem:s14+$0x23A0] =	vst v63  }
0x158: {  	v45 =	vld [tilespmem:s13+$0x30];
	[tilespmem:s14+$0x23B0] =	vst v12  }
0x159: {  	(v2sf) =	vpush v0, $0x5;
	s9 =	spop (v2sf);
	v8 =	vld [tilespmem:s1+$0x0];
	[tilespmem:s14+$0x1690] =	vst v31  }
0x15a: {  	[tilespmem:s14+$0x1D80] =	vst v7;
	v19 =	vld [tilespmem:s9+$0x0]  }
0x15b: {  	[tilespmem:s14+$0x1D90] =	vst v43;
	v20 =	vld [tilespmem:s9+$0x10]  }
0x15c: {  	[tilespmem:s14+$0x1DA0] =	vst v44;
	v21 =	vld [tilespmem:s9+$0x20]  }
0x15d: {  	[tilespmem:s14+$0x1DB0] =	vst v45;
	v9 =	vld [tilespmem:s9+$0x30]  }
0x15e: {  	[tilespmem:s14+$0x16A0] =	vst v32;
	v2 =	vld [tilespmem:s2+$0x0]  }
0x15f: {  	[tilespmem:s14+$0x16B0] =	vst v33;
	v52 =	vld [tilespmem:s2+$0x10]  }
0x160: {  	v53 =	vld [tilespmem:s2+$0x20];
	[tilespmem:s14+$0x1680] =	vst v8  }
0x161: {  	v54 =	vld [tilespmem:s2+$0x30];
	[tilespmem:s14+$0x2400] =	vst v19  }
0x162: {  	(v2sf) =	vpush v0, $0x6;
	[tilespmem:s14+$0x2410] =	vst v20  }
0x163: {  	v1 =	vld [tilespmem:s20+$0x0];
	[tilespmem:s14+$0x1E00] =	vst v2  }
0x164: {  	v40 =	vld [tilespmem:s20+$0x10];
	[tilespmem:s14+$0x1E10] =	vst v52  }
0x165: {  	v41 =	vld [tilespmem:s20+$0x20];
	[tilespmem:s14+$0x1E20] =	vst v53  }
0x166: {  	v42 =	vld [tilespmem:s20+$0x30];
	[tilespmem:s14+$0x1E30] =	vst v54  }
0x167: {  	[tilespmem:s14+$0x2420] =	vst v21;
	v5 =	vld [tilespmem:s31+$0x0]  }
0x168: {  	[tilespmem:s14+$0x2430] =	vst v9;
	v61 =	vld [tilespmem:s31+$0x10];
	s10 =	spop (v2sf)  }
0x169: {  	v28 =	vld [tilespmem:s10+$0x0]  }
0x16a: {  	v29 =	vld [tilespmem:s10+$0x10];
	[tilespmem:s14+$0x1700] =	vst v1  }
0x16b: {  	(v2sf) =	vpush v0, $0x7;
	v30 =	vld [tilespmem:s10+$0x20];
	[tilespmem:s14+$0x1710] =	vst v40  }
0x16c: {  	v9 =	vld [tilespmem:s10+$0x30];
	[tilespmem:s14+$0x1720] =	vst v41  }
0x16d: {  	v62 =	vld [tilespmem:s31+$0x20];
	[tilespmem:s14+$0x1730] =	vst v42  }
0x16e: {  	v63 =	vld [tilespmem:s31+$0x30];
	[tilespmem:s14+$0x2480] =	vst v28  }
0x16f: {  	v6 =	vld [tilespmem:s30+$0x0];
	[tilespmem:s14+$0x2490] =	vst v29  }
0x170: {  	v49 =	vld [tilespmem:s30+$0x10];
	[tilespmem:s14+$0x24A0] =	vst v30  }
0x171: {  	s15 =	spop (v2sf);
	v50 =	vld [tilespmem:s30+$0x20];
	[tilespmem:s14+$0x24B0] =	vst v9  }
0x172: {  	[tilespmem:s14+$0x1E80] =	vst v5;
	v37 =	vld [tilespmem:s15+$0x0]  }
0x173: {  	[tilespmem:s14+$0x1E90] =	vst v61;
	v38 =	vld [tilespmem:s15+$0x10]  }
0x174: {  	(v2sf) =	vpush v0, $0x8;
	[tilespmem:s14+$0x1EA0] =	vst v62;
	v39 =	vld [tilespmem:s15+$0x20]  }
0x175: {  	[tilespmem:s14+$0x1EB0] =	vst v63;
	v9 =	vld [tilespmem:s15+$0x30]  }
0x176: {  	v51 =	vld [tilespmem:s30+$0x30];
	[tilespmem:s14+$0x1780] =	vst v6  }
0x177: {  	v8 =	vld [tilespmem:s28+$0x0];
	[tilespmem:s14+$0x2500] =	vst v37  }
0x178: {  	v18 =	vld [tilespmem:s28+$0x10];
	[tilespmem:s14+$0x2510] =	vst v38  }
0x179: {  	v19 =	vld [tilespmem:s28+$0x20];
	[tilespmem:s14+$0x2520] =	vst v39  }
0x17a: {  	v20 =	vld [tilespmem:s28+$0x30];
	[tilespmem:s14+$0x2530] =	vst v9;
	s17 =	spop (v2sf)  }
0x17b: {  	[tilespmem:s14+$0x1790] =	vst v49;
	v46 =	vld [tilespmem:s17+$0x0]  }
0x17c: {  	[tilespmem:s14+$0x17A0] =	vst v50;
	v47 =	vld [tilespmem:s17+$0x10]  }
0x17d: {  	[tilespmem:s14+$0x17B0] =	vst v51;
	(v2sf) =	vpush v0, $0x9;
	v48 =	vld [tilespmem:s17+$0x20]  }
0x17e: {  	[tilespmem:s14+$0x1F00] =	vst v8;
	v9 =	vld [tilespmem:s17+$0x30]  }
0x17f: {  	[tilespmem:s14+$0x1F10] =	vst v18  }
0x180: {  	v3 =	vld [tilespmem:s26+$0x0];
	[tilespmem:s14+$0x2580] =	vst v46  }
0x181: {  	v58 =	vld [tilespmem:s26+$0x10];
	[tilespmem:s14+$0x2590] =	vst v47  }
0x182: {  	v59 =	vld [tilespmem:s26+$0x20];
	[tilespmem:s14+$0x25A0] =	vst v48  }
0x183: {  	v60 =	vld [tilespmem:s26+$0x30];
	s18 =	spop (v2sf);
	[tilespmem:s14+$0x25B0] =	vst v9  }
0x184: {  	[tilespmem:s14+$0x1F20] =	vst v19;
	v55 =	vld [tilespmem:s18+$0x0]  }
0x185: {  	[tilespmem:s14+$0x1F30] =	vst v20;
	v56 =	vld [tilespmem:s18+$0x10]  }
0x186: {  	[tilespmem:s14+$0x1800] =	vst v3;
	(v2sf) =	vpush v0, $0xA;
	v57 =	vld [tilespmem:s18+$0x20]  }
0x187: {  	[tilespmem:s14+$0x1810] =	vst v58;
	v9 =	vld [tilespmem:s18+$0x30]  }
0x188: {  	[tilespmem:s14+$0x1820] =	vst v59  }
0x189: {  	v1 =	vld [tilespmem:s25+$0x0];
	[tilespmem:s14+$0x2600] =	vst v55  }
0x18a: {  	v27 =	vld [tilespmem:s25+$0x10];
	[tilespmem:s14+$0x2610] =	vst v56  }
0x18b: {  	v28 =	vld [tilespmem:s25+$0x20];
	[tilespmem:s14+$0x2620] =	vst v57  }
0x18c: {  	v29 =	vld [tilespmem:s25+$0x30];
	[tilespmem:s14+$0x2630] =	vst v9;
	s19 =	spop (v2sf)  }
0x18d: {  	[tilespmem:s14+$0x1830] =	vst v60;
	v12 =	vld [tilespmem:s19+$0x0]  }
0x18e: {  	[tilespmem:s14+$0x1F80] =	vst v1;
	v13 =	vld [tilespmem:s19+$0x10]  }
0x18f: {  	[tilespmem:s14+$0x1F90] =	vst v27;
	(v2sf) =	vpush v0, $0xB;
	v14 =	vld [tilespmem:s19+$0x20]  }
0x190: {  	[tilespmem:s14+$0x1FA0] =	vst v28;
	v9 =	vld [tilespmem:s19+$0x30]  }
0x191: {  	v4 =	vld [tilespmem:s24+$0x0];
	[tilespmem:s14+$0x1FB0] =	vst v29  }
0x192: {  	v15 =	vld [tilespmem:s24+$0x10];
	[tilespmem:s14+$0x2680] =	vst v12  }
0x193: {  	v16 =	vld [tilespmem:s24+$0x20];
	[tilespmem:s14+$0x2690] =	vst v13  }
0x194: {  	v17 =	vld [tilespmem:s24+$0x30];
	[tilespmem:s14+$0x26A0] =	vst v14  }
0x195: {  	v6 =	vld [tilespmem:s23+$0x0];
	s20 =	spop (v2sf);
	[tilespmem:s14+$0x26B0] =	vst v9  }
0x196: {  	v21 =	vld [tilespmem:s20+$0x0]  }
0x197: {  	[tilespmem:s14+$0x1880] =	vst v4;
	v22 =	vld [tilespmem:s20+$0x10]  }
0x198: {  	[tilespmem:s14+$0x1890] =	vst v15;
	(v2sf) =	vpush v0, $0xC;
	v23 =	vld [tilespmem:s20+$0x20]  }
0x199: {  	[tilespmem:s14+$0x18A0] =	vst v16;
	v9 =	vld [tilespmem:s20+$0x30]  }
0x19a: {  	v36 =	vld [tilespmem:s23+$0x10];
	[tilespmem:s14+$0x18B0] =	vst v17  }
0x19b: {  	v37 =	vld [tilespmem:s23+$0x20];
	[tilespmem:s14+$0x2700] =	vst v21  }
0x19c: {  	v38 =	vld [tilespmem:s23+$0x30];
	[tilespmem:s14+$0x2710] =	vst v22  }
0x19d: {  	v7 =	vld [tilespmem:s22+$0x0];
	[tilespmem:s14+$0x2720] =	vst v23  }
0x19e: {  	v24 =	vld [tilespmem:s22+$0x10];
	[tilespmem:s14+$0x2730] =	vst v9;
	s24 =	spop (v2sf)  }
0x19f: {  	v30 =	vld [tilespmem:s24+$0x0]  }
0x1a0: {  	[tilespmem:s14+$0x2000] =	vst v6;
	v31 =	vld [tilespmem:s24+$0x10]  }
0x1a1: {  	[tilespmem:s14+$0x2010] =	vst v36;
	(v2sf) =	vpush v0, $0xD;
	v32 =	vld [tilespmem:s24+$0x20]  }
0x1a2: {  	[tilespmem:s14+$0x2020] =	vst v37;
	v9 =	vld [tilespmem:s24+$0x30]  }
0x1a3: {  	v25 =	vld [tilespmem:s22+$0x20];
	[tilespmem:s14+$0x2030] =	vst v38  }
0x1a4: {  	v26 =	vld [tilespmem:s22+$0x30];
	[tilespmem:s14+$0x2780] =	vst v30  }
0x1a5: {  	v43 =	vld [tilespmem:s21+$0x0];
	[tilespmem:s14+$0x2790] =	vst v31  }
0x1a6: {  	v44 =	vld [tilespmem:s21+$0x10];
	[tilespmem:s14+$0x27A0] =	vst v32  }
0x1a7: {  	v45 =	vld [tilespmem:s21+$0x20];
	s26 =	spop (v2sf);
	[tilespmem:s14+$0x27B0] =	vst v9  }
0x1a8: {  	[tilespmem:s14+$0x1900] =	vst v7;
	v39 =	vld [tilespmem:s26+$0x0]  }
0x1a9: {  	[tilespmem:s14+$0x1910] =	vst v24;
	v40 =	vld [tilespmem:s26+$0x10]  }
0x1aa: {  	[tilespmem:s14+$0x1920] =	vst v25;
	(v2sf) =	vpush v0, $0xE;
	v41 =	vld [tilespmem:s26+$0x20]  }
0x1ab: {  	[tilespmem:s14+$0x1930] =	vst v26;
	v42 =	vld [tilespmem:s26+$0x30]  }
0x1ac: {  	s25 =	rddreg [dreg:$0x13];
	v46 =	vld [tilespmem:s21+$0x30];
	[tilespmem:s14+$0x2080] =	vst v43  }
0x1ad: {  	v2 =	vld [tilespmem:s25+$0x0];
	[tilespmem:s14+$0x2800] =	vst v39  }
0x1ae: {  	v33 =	vld [tilespmem:s25+$0x10];
	[tilespmem:s14+$0x2810] =	vst v40  }
0x1af: {  	v34 =	vld [tilespmem:s25+$0x20];
	[tilespmem:s14+$0x2820] =	vst v41  }
0x1b0: {  	v35 =	vld [tilespmem:s25+$0x30];
	[tilespmem:s14+$0x2830] =	vst v42;
	s28 =	spop (v2sf)  }
0x1b1: {  	[tilespmem:s14+$0x2090] =	vst v44;
	v47 =	vld [tilespmem:s28+$0x0]  }
0x1b2: {  	[tilespmem:s14+$0x20A0] =	vst v45;
	v48 =	vld [tilespmem:s28+$0x10]  }
0x1b3: {  	[tilespmem:s14+$0x20B0] =	vst v46;
	(v2sf) =	vpush v0, $0xF;
	v49 =	vld [tilespmem:s28+$0x20]  }
0x1b4: {  	[tilespmem:s14+$0x1980] =	vst v2;
	v50 =	vld [tilespmem:s28+$0x30]  }
0x1b5: {  	[tilespmem:s14+$0x1990] =	vst v33  }
0x1b6: {  	v51 =	vld [tilespmem:s12+$0x0];
	[tilespmem:s14+$0x2880] =	vst v47  }
0x1b7: {  	v52 =	vld [tilespmem:s12+$0x10];
	[tilespmem:s14+$0x2890] =	vst v48  }
0x1b8: {  	v53 =	vld [tilespmem:s12+$0x20];
	[tilespmem:s14+$0x28A0] =	vst v49  }
0x1b9: {  	v3 =	vld [tilespmem:s12+$0x30];
	s29 =	spop (v2sf);
	[tilespmem:s14+$0x28B0] =	vst v50  }
0x1ba: {  	[tilespmem:s14+$0x19A0] =	vst v34;
	v54 =	vld [tilespmem:s29+$0x0]  }
0x1bb: {  	[tilespmem:s14+$0x2100] =	vst v51;
	v55 =	vld [tilespmem:s29+$0x10]  }
0x1bc: {  	[tilespmem:s14+$0x2110] =	vst v52;
	v56 =	vld [tilespmem:s29+$0x20]  }
0x1bd: {  	[tilespmem:s14+$0x2120] =	vst v53;
	v57 =	vld [tilespmem:s29+$0x30]  }
0x1be: {  	[tilespmem:s14+$0x2130] =	vst v3  }
0x1bf: {  	v3 =	vld [tilespmem:s16+$0x0];
	[tilespmem:s14+$0x2900] =	vst v54  }
0x1c0: {  	v58 =	vld [tilespmem:s16+$0x10];
	[tilespmem:s14+$0x2910] =	vst v55  }
0x1c1: {  	v59 =	vld [tilespmem:s16+$0x20];
	[tilespmem:s14+$0x2920] =	vst v56  }
0x1c2: {  	v60 =	vld [tilespmem:s16+$0x30];
	[tilespmem:s14+$0x2930] =	vst v57;
	s30 =	spop (v2sf)  }
0x1c3: {  	[tilespmem:s14+$0x19B0] =	vst v35;
	v4 =	vld [tilespmem:s30+$0x0]  }
0x1c4: {  	[tilespmem:s14+$0x2180] =	vst v3;
	v61 =	vld [tilespmem:s30+$0x10]  }
0x1c5: {  	s31 =	rddreg [dreg:$0x11];
	[tilespmem:s14+$0x2190] =	vst v58;
	v62 =	vld [tilespmem:s30+$0x20]  }
0x1c6: {  	p0 =	slt.u32 s31, $0xC;
	[tilespmem:s14+$0x21A0] =	vst v59;
	v63 =	vld [tilespmem:s30+$0x30]  }
.Ltmp2:
0x1c7: {  	[tilespmem:s14+$0x21B0] =	vst v60;
	(pc) =	sbr.rel @p0 .LBB2_3-.Ltmp2, $4  }
0x1c8: {  	[tilespmem:s14+$0x2980] =	vst v4  }
0x1c9: {  	[tilespmem:s14+$0x2990] =	vst v61  }
0x1ca: {  	[tilespmem:s14+$0x29A0] =	vst v62  }
0x1cb: {  	s0 =	sadd.s32 $0x4, s31;
	[tilespmem:s14+$0x29B0] =	vst v63  }
0x1cc: {  	s4 =	rddreg [dreg:$0xe]  }
0x1cd: {  	s0 =	sshll.u32 s4, $0x10  }
0x1ce: {  	s1 =	rddreg [dreg:$0x7];
	s0 =	sand.u32 $0x7F0000, s0  }
0x1cf: {  	s0 =	sor.u32 s1, s0  }
0x1d0: {  	s16 =	rddreg [dreg:$0x4];
	s1 =	sshrl.u32 s0, $0x3  }
0x1d1: {  	s2 =	simm.s32 $0x0;
	s17 =	simm.s32 $0xA00;
	s0 =	sadd.s32 s16, s1  }
0x1d2: {  	[hbm4b:s0+s2] =	stream.linear.scatter [tilespmem:s17], [sflag:$0x4], $0x1000, $0x38;
	[tilespmem:$0x10A00] =	vst v63  }
0x1d3: {  	s3 =	simm.s32 $0x1A00;
	s18 =	sadd.s32 $0x200, s0  }
0x1d4: {  	[hbm4b:s18+s2] =	stream.linear.scatter [tilespmem:s3], [sflag:$0x4], $0x1000, $0x38;
	[tilespmem:$0x10A00] =	vst v63  }
0x1d5: {  	s20 =	simm.s32 $0x2A00;
	s19 =	sadd.s32 $0x400, s0  }
0x1d6: {  	[hbm4b:s19+s2] =	stream.linear.scatter [tilespmem:s20], [sflag:$0x4], $0x1000, $0x38;
	[tilespmem:$0x10A00] =	vst v63  }
0x1d7: {  	s22 =	simm.s32 $0x3A00;
	s21 =	sadd.s32 $0x600, s0  }
0x1d8: {  	[hbm4b:s21+s2] =	stream.linear.scatter [tilespmem:s22], [sflag:$0x4], $0x1000, $0x38;
	[tilespmem:$0x10A00] =	vst v63  }
0x1d9: {  	s24 =	simm.s32 $0x4A00;
	s23 =	sadd.s32 $0x800, s0  }
0x1da: {  	[hbm4b:s23+s2] =	stream.linear.scatter [tilespmem:s24], [sflag:$0x4], $0x1000, $0x38;
	[tilespmem:$0x10A00] =	vst v63  }
0x1db: {  	s26 =	simm.s32 $0x5A00;
	s25 =	sadd.s32 $0xA00, s0  }
0x1dc: {  	[hbm4b:s25+s2] =	stream.linear.scatter [tilespmem:s26], [sflag:$0x4], $0x1000, $0x38;
	[tilespmem:$0x10A00] =	vst v63  }
0x1dd: {  	s29 =	simm.s32 $0x6A00;
	[dreg:$0x10] =	wrdreg s1;
	s28 =	sadd.s32 $0xC00, s0  }
0x1de: {  	[hbm4b:s28+s2] =	stream.linear.scatter [tilespmem:s29], [sflag:$0x4], $0x1000, $0x38;
	[tilespmem:$0x10A00] =	vst v63  }
0x1df: {  	s30 =	simm.s32 $0x7A00;
	s1 =	rddreg [dreg:$0xf];
	s0 =	sadd.s32 $0xE00, s0  }
0x1e0: {  	[hbm4b:s0+s2] =	stream.linear.scatter [tilespmem:s30], [sflag:$0x4], $0x1000, $0x38;
	[tilespmem:$0x10A00] =	vst v63  }
0x1e1: {  	p0 =	seq.s32 s4, $0x7F;
	s0 =	rddreg [dreg:$0x8]  }
0x1e2: {  	s0 =	sadd.s32 @!p0 s1, s0  }
0x1e3: {  	p1 =	seq.s32 @!p0 s4, $0x0;
	s1 =	rddreg [dreg:$0x3];
	s0 =	sshrl.u32 @!p0 s0, $0x3  }
0x1e4: {  	s2 =	simm.s32 @!p0 $0x800;
	s0 =	sadd.s32 @!p0 s1, s0;
	s1 =	simm.s32 @!p0 $0x0  }
0x1e5: {  	[tilespmem:s2], [sflag:$0x2] =	stream.linear.gather @!p0 [hbm4b:s0+s1], $0x80, $0x38;
	[tilespmem:$0x10A00] =	vst v63  }
0x1e6: {  	p1 =	por p0, !p1;
	s0 =	sadd.s32 @!p0 $0x10, s0;
	s2 =	simm.s32 @!p0 $0x900  }
0x1e7: {  	[tilespmem:s2], [sflag:$0x2] =	stream.linear.gather @!p0 [hbm4b:s0+s1], $0x80, $0x38;
	[tilespmem:$0x10A00] =	vst v63  }
0x1e8: {  	s0 =	simm.s32 @p1 $0x5  }
0x1e9: {  	_ =	swait.ge @p1 [sflag:s0], $0x1000  }
0x1ea: {  	[sflag:s0] =	ssyncset.done @p1 $0x0  }
0x1eb: {  	[sflag:s0] =	ssyncadd.s32 @p1 $0xFFFFF000  }
0x1ec: {  	_ =	swait.ge @p1 [sflag:s0], $0x1000  }
0x1ed: {  	[sflag:s0] =	ssyncset.done @p1 $0x0  }
0x1ee: {  	[sflag:s0] =	ssyncadd.s32 @p1 $0xFFFFF000  }
0x1ef: {  	_ =	swait.ge @p1 [sflag:s0], $0x1000  }
0x1f0: {  	[sflag:s0] =	ssyncset.done @p1 $0x0  }
0x1f1: {  	[sflag:s0] =	ssyncadd.s32 @p1 $0xFFFFF000  }
0x1f2: {  	_ =	swait.ge @p1 [sflag:s0], $0x1000  }
0x1f3: {  	[sflag:s0] =	ssyncset.done @p1 $0x0  }
0x1f4: {  	[sflag:s0] =	ssyncadd.s32 @p1 $0xFFFFF000  }
0x1f5: {  	_ =	swait.ge @p1 [sflag:s0], $0x1000  }
0x1f6: {  	[sflag:s0] =	ssyncset.done @p1 $0x0  }
0x1f7: {  	[sflag:s0] =	ssyncadd.s32 @p1 $0xFFFFF000  }
0x1f8: {  	_ =	swait.ge @p1 [sflag:s0], $0x1000  }
0x1f9: {  	[sflag:s0] =	ssyncset.done @p1 $0x0  }
0x1fa: {  	[sflag:s0] =	ssyncadd.s32 @p1 $0xFFFFF000  }
0x1fb: {  	_ =	swait.ge @p1 [sflag:s0], $0x1000  }
0x1fc: {  	[sflag:s0] =	ssyncset.done @p1 $0x0  }
0x1fd: {  	[sflag:s0] =	ssyncadd.s32 @p1 $0xFFFFF000  }
0x1fe: {  	_ =	swait.ge @p1 [sflag:s0], $0x1000  }
0x1ff: {  	[sflag:s0] =	ssyncset.done @p1 $0x0  }
0x200: {  	s31 =	simm.s32 $0x3;
	[sflag:s0] =	ssyncadd.s32 @p1 $0xFFFFF000  }
0x201: {  	_ =	swait.ge [sflag:s31], $0x100  }
0x202: {  	[sflag:s31] =	ssyncset.done $0x0  }
0x203: {  	s0 =	simm.s32 $0x0;
	[sflag:s31] =	ssyncadd.s32 $0xFFFFFF00  }
.LBB2_5:
0x204: {  	s1 =	sshll.u32 s0, $0x4;
	s9 =	sshll.u32 s0, $0x5  }
0x205: {  	s2 =	smov.u32 s0;
	s11 =	sor.u32 s1, s9  }
0x206: {  	s3 =	smov.u32 s2;
	s2 =	sor.u32 $0x80, s11  }
0x207: {  	v0 =	vld [tilespmem:s2+$0x800];
	_ =	sdelay $0x4  }
0x208: {  	v0 =	vshll.u32 v0, $0x9  }
0x209: {  	v0 =	vshra.s32 v0, $0x2  }
0x20a: {  	(v2sf) =	vpush v0, $0x0;
	_ =	sdelay $0x8  }
0x20b: {  	(v2sf) =	vpush v0, $0x1;
	_ =	sdelay $0x5  }
0x20c: {  	s12 =	spop (v2sf)  }
0x20d: {  	v1 =	vld [tilespmem:s12+$0x0]  }
0x20e: {  	v2 =	vld [tilespmem:s12+$0x10]  }
0x20f: {  	(v2sf) =	vpush v0, $0x2;
	v3 =	vld [tilespmem:s12+$0x20]  }
0x210: {  	s13 =	sshll.u32 s3, $0xB;
	v4 =	vld [tilespmem:s12+$0x30]  }
0x211: {  	s16 =	sand.u32 $0x3FFFF800, s13  }
0x212: {  	[tilespmem:s16+$0x8A00] =	vst v1  }
0x213: {  	[tilespmem:s16+$0x8A10] =	vst v2  }
0x214: {  	[tilespmem:s16+$0x8A20] =	vst v3  }
0x215: {  	s14 =	spop (v2sf);
	[tilespmem:s16+$0x8A30] =	vst v4  }
0x216: {  	v1 =	vld [tilespmem:s14+$0x0]  }
0x217: {  	v2 =	vld [tilespmem:s14+$0x10]  }
0x218: {  	(v2sf) =	vpush v0, $0x3;
	v3 =	vld [tilespmem:s14+$0x20]  }
0x219: {  	v4 =	vld [tilespmem:s14+$0x30];
	_ =	sdelay $0x1  }
0x21a: {  	[tilespmem:s16+$0x8A80] =	vst v1  }
0x21b: {  	[tilespmem:s16+$0x8A90] =	vst v2  }
0x21c: {  	[tilespmem:s16+$0x8AA0] =	vst v3  }
0x21d: {  	s15 =	spop (v2sf);
	[tilespmem:s16+$0x8AB0] =	vst v4  }
0x21e: {  	v1 =	vld [tilespmem:s15+$0x0]  }
0x21f: {  	v2 =	vld [tilespmem:s15+$0x10]  }
0x220: {  	(v2sf) =	vpush v0, $0x4;
	v3 =	vld [tilespmem:s15+$0x20]  }
0x221: {  	v4 =	vld [tilespmem:s15+$0x30];
	_ =	sdelay $0x1  }
0x222: {  	[tilespmem:s16+$0x8B00] =	vst v1  }
0x223: {  	[tilespmem:s16+$0x8B10] =	vst v2  }
0x224: {  	[tilespmem:s16+$0x8B20] =	vst v3  }
0x225: {  	s17 =	spop (v2sf);
	[tilespmem:s16+$0x8B30] =	vst v4  }
0x226: {  	v1 =	vld [tilespmem:s17+$0x0]  }
0x227: {  	v2 =	vld [tilespmem:s17+$0x10]  }
0x228: {  	(v2sf) =	vpush v0, $0x5;
	v3 =	vld [tilespmem:s17+$0x20]  }
0x229: {  	v4 =	vld [tilespmem:s17+$0x30];
	_ =	sdelay $0x1  }
0x22a: {  	[tilespmem:s16+$0x8B80] =	vst v1  }
0x22b: {  	[tilespmem:s16+$0x8B90] =	vst v2  }
0x22c: {  	[tilespmem:s16+$0x8BA0] =	vst v3  }
0x22d: {  	s18 =	spop (v2sf);
	[tilespmem:s16+$0x8BB0] =	vst v4  }
0x22e: {  	v1 =	vld [tilespmem:s18+$0x0]  }
0x22f: {  	v2 =	vld [tilespmem:s18+$0x10]  }
0x230: {  	(v2sf) =	vpush v0, $0x6;
	v3 =	vld [tilespmem:s18+$0x20]  }
0x231: {  	v4 =	vld [tilespmem:s18+$0x30];
	_ =	sdelay $0x1  }
0x232: {  	[tilespmem:s16+$0x8C00] =	vst v1  }
0x233: {  	[tilespmem:s16+$0x8C10] =	vst v2  }
0x234: {  	[tilespmem:s16+$0x8C20] =	vst v3  }
0x235: {  	s19 =	spop (v2sf);
	[tilespmem:s16+$0x8C30] =	vst v4  }
0x236: {  	v1 =	vld [tilespmem:s19+$0x0]  }
0x237: {  	v2 =	vld [tilespmem:s19+$0x10]  }
0x238: {  	(v2sf) =	vpush v0, $0x7;
	v3 =	vld [tilespmem:s19+$0x20]  }
0x239: {  	v4 =	vld [tilespmem:s19+$0x30];
	_ =	sdelay $0x1  }
0x23a: {  	[tilespmem:s16+$0x8C80] =	vst v1  }
0x23b: {  	[tilespmem:s16+$0x8C90] =	vst v2  }
0x23c: {  	[tilespmem:s16+$0x8CA0] =	vst v3  }
0x23d: {  	s20 =	spop (v2sf);
	[tilespmem:s16+$0x8CB0] =	vst v4  }
0x23e: {  	v1 =	vld [tilespmem:s20+$0x0]  }
0x23f: {  	v2 =	vld [tilespmem:s20+$0x10]  }
0x240: {  	(v2sf) =	vpush v0, $0x8;
	v3 =	vld [tilespmem:s20+$0x20]  }
0x241: {  	v4 =	vld [tilespmem:s20+$0x30];
	_ =	sdelay $0x1  }
0x242: {  	[tilespmem:s16+$0x8D00] =	vst v1  }
0x243: {  	[tilespmem:s16+$0x8D10] =	vst v2  }
0x244: {  	[tilespmem:s16+$0x8D20] =	vst v3  }
0x245: {  	s21 =	spop (v2sf);
	[tilespmem:s16+$0x8D30] =	vst v4  }
0x246: {  	v1 =	vld [tilespmem:s21+$0x0]  }
0x247: {  	v2 =	vld [tilespmem:s21+$0x10]  }
0x248: {  	(v2sf) =	vpush v0, $0x9;
	v3 =	vld [tilespmem:s21+$0x20]  }
0x249: {  	v4 =	vld [tilespmem:s21+$0x30];
	_ =	sdelay $0x1  }
0x24a: {  	[tilespmem:s16+$0x8D80] =	vst v1  }
0x24b: {  	[tilespmem:s16+$0x8D90] =	vst v2  }
0x24c: {  	[tilespmem:s16+$0x8DA0] =	vst v3  }
0x24d: {  	s22 =	spop (v2sf);
	[tilespmem:s16+$0x8DB0] =	vst v4  }
0x24e: {  	v1 =	vld [tilespmem:s22+$0x0]  }
0x24f: {  	v2 =	vld [tilespmem:s22+$0x10]  }
0x250: {  	(v2sf) =	vpush v0, $0xA;
	v3 =	vld [tilespmem:s22+$0x20]  }
0x251: {  	v4 =	vld [tilespmem:s22+$0x30];
	_ =	sdelay $0x1  }
0x252: {  	[tilespmem:s16+$0x8E00] =	vst v1  }
0x253: {  	[tilespmem:s16+$0x8E10] =	vst v2  }
0x254: {  	[tilespmem:s16+$0x8E20] =	vst v3  }
0x255: {  	s23 =	spop (v2sf);
	[tilespmem:s16+$0x8E30] =	vst v4  }
0x256: {  	v1 =	vld [tilespmem:s23+$0x0]  }
0x257: {  	v2 =	vld [tilespmem:s23+$0x10]  }
0x258: {  	(v2sf) =	vpush v0, $0xB;
	v3 =	vld [tilespmem:s23+$0x20]  }
0x259: {  	v4 =	vld [tilespmem:s23+$0x30];
	_ =	sdelay $0x1  }
0x25a: {  	[tilespmem:s16+$0x8E80] =	vst v1  }
0x25b: {  	[tilespmem:s16+$0x8E90] =	vst v2  }
0x25c: {  	[tilespmem:s16+$0x8EA0] =	vst v3  }
0x25d: {  	s24 =	spop (v2sf);
	[tilespmem:s16+$0x8EB0] =	vst v4  }
0x25e: {  	v1 =	vld [tilespmem:s24+$0x0]  }
0x25f: {  	v2 =	vld [tilespmem:s24+$0x10]  }
0x260: {  	(v2sf) =	vpush v0, $0xC;
	v3 =	vld [tilespmem:s24+$0x20]  }
0x261: {  	v4 =	vld [tilespmem:s24+$0x30];
	_ =	sdelay $0x1  }
0x262: {  	[tilespmem:s16+$0x8F00] =	vst v1  }
0x263: {  	[tilespmem:s16+$0x8F10] =	vst v2  }
0x264: {  	[tilespmem:s16+$0x8F20] =	vst v3  }
0x265: {  	s25 =	spop (v2sf);
	[tilespmem:s16+$0x8F30] =	vst v4  }
0x266: {  	v1 =	vld [tilespmem:s25+$0x0]  }
0x267: {  	v2 =	vld [tilespmem:s25+$0x10]  }
0x268: {  	(v2sf) =	vpush v0, $0xD;
	v3 =	vld [tilespmem:s25+$0x20]  }
0x269: {  	v4 =	vld [tilespmem:s25+$0x30];
	_ =	sdelay $0x1  }
0x26a: {  	[tilespmem:s16+$0x8F80] =	vst v1  }
0x26b: {  	[tilespmem:s16+$0x8F90] =	vst v2  }
0x26c: {  	[tilespmem:s16+$0x8FA0] =	vst v3  }
0x26d: {  	s26 =	spop (v2sf);
	[tilespmem:s16+$0x8FB0] =	vst v4  }
0x26e: {  	v1 =	vld [tilespmem:s26+$0x0]  }
0x26f: {  	v2 =	vld [tilespmem:s26+$0x10]  }
0x270: {  	(v2sf) =	vpush v0, $0xE;
	v3 =	vld [tilespmem:s26+$0x20]  }
0x271: {  	v4 =	vld [tilespmem:s26+$0x30];
	_ =	sdelay $0x1  }
0x272: {  	s29 =	sor.u32 $0x10, s1;
	[tilespmem:s16+$0x9000] =	vst v1  }
0x273: {  	s30 =	sor.u32 s29, s9;
	[tilespmem:s16+$0x9010] =	vst v2  }
0x274: {  	[dreg:$0x12] =	wrdreg s3;
	s3 =	sor.u32 $0x80, s30;
	[tilespmem:s16+$0x9020] =	vst v3  }
0x275: {  	v12 =	vld [tilespmem:s3+$0x800];
	s28 =	spop (v2sf);
	[tilespmem:s16+$0x9030] =	vst v4  }
0x276: {  	v1 =	vld [tilespmem:s28+$0x0]  }
0x277: {  	v2 =	vld [tilespmem:s28+$0x10]  }
0x278: {  	v3 =	vld [tilespmem:s28+$0x20]  }
0x279: {  	v4 =	vld [tilespmem:s28+$0x30];
	_ =	sdelay $0x1  }
0x27a: {  	[tilespmem:s16+$0x9080] =	vst v1  }
0x27b: {  	[tilespmem:s16+$0x9090] =	vst v2  }
0x27c: {  	[tilespmem:s16+$0x90A0] =	vst v3  }
0x27d: {  	s18 =	spop (v2sf);
	[tilespmem:s16+$0x90B0] =	vst v4;
	v3 =	vshll.u32 v12, $0x9  }
0x27e: {  	(v2sf) =	vpush v0, $0xF;
	v2 =	vld [tilespmem:s18+$0x0];
	v13 =	vshra.s32 v3, $0x2  }
0x27f: {  	v1 =	vld [tilespmem:s18+$0x10];
	(v2sf) =	vpush v13, $0x0;
	_ =	sdelay $0x7  }
0x280: {  	(v2sf) =	vpush v13, $0x1  }
0x281: {  	(v2sf) =	vpush v13, $0x2  }
0x282: {  	(v2sf) =	vpush v13, $0x3  }
0x283: {  	(v2sf) =	vpush v13, $0x4  }
0x284: {  	s20 =	sor.u32 $0x20, s1;
	(v2sf) =	vpush v13, $0x5  }
0x285: {  	s31 =	sor.u32 s20, s9;
	(v2sf) =	vpush v13, $0x6  }
0x286: {  	s3 =	sor.u32 $0x80, s31;
	s12 =	spop (v2sf);
	(v2sf) =	vpush v13, $0x7  }
0x287: {  	v14 =	vld [tilespmem:s3+$0x800];
	(v2sf) =	vpush v13, $0x8;
	s4 =	spop (v2sf)  }
0x288: {  	(v2sf) =	vpush v13, $0x9;
	v15 =	vld [tilespmem:s4+$0x0]  }
0x289: {  	(v2sf) =	vpush v13, $0xA;
	v17 =	vld [tilespmem:s4+$0x10]  }
0x28a: {  	(v2sf) =	vpush v13, $0xB;
	v5 =	vld [tilespmem:s4+$0x20]  }
0x28b: {  	s2 =	sshll.u32 s29, $0x7;
	(v2sf) =	vpush v13, $0xC;
	v6 =	vld [tilespmem:s4+$0x30]  }
0x28c: {  	s2 =	sand.u32 $0x3FFFF800, s2;
	(v2sf) =	vpush v13, $0xD  }
0x28d: {  	v3 =	vshll.u32 v14, $0x9;
	(v2sf) =	vpush v13, $0xE;
	[tilespmem:s2+$0x8A00] =	vst v15  }
0x28e: {  	v16 =	vshra.s32 v3, $0x2;
	(v2sf) =	vpush v13, $0xF;
	[tilespmem:s2+$0x8A10] =	vst v17  }
0x28f: {  	v24 =	vld [tilespmem:s18+$0x20];
	s5 =	spop (v2sf);
	(v2sf) =	vpush v16, $0x0;
	[tilespmem:s2+$0x8A20] =	vst v5  }
0x290: {  	v25 =	vld [tilespmem:s18+$0x30];
	s10 =	spop (v2sf);
	[tilespmem:s2+$0x8A30] =	vst v6  }
0x291: {  	s7 =	spop (v2sf);
	v3 =	vld [tilespmem:s5+$0x0]  }
0x292: {  	[tilespmem:s16+$0x9100] =	vst v2;
	s6 =	spop (v2sf);
	v5 =	vld [tilespmem:s5+$0x10]  }
0x293: {  	[tilespmem:s16+$0x9110] =	vst v1;
	s4 =	spop (v2sf);
	v6 =	vld [tilespmem:s5+$0x20]  }
0x294: {  	[tilespmem:s16+$0x9120] =	vst v24;
	s19 =	spop (v2sf);
	v7 =	vld [tilespmem:s5+$0x30]  }
0x295: {  	s3 =	sor.u32 $0x30, s1;
	[tilespmem:s16+$0x9130] =	vst v25;
	s8 =	spop (v2sf)  }
0x296: {  	s0 =	sor.u32 s3, s9;
	s11 =	spop (v2sf);
	[tilespmem:s16+$0x9280] =	vst v3  }
0x297: {  	s0 =	sor.u32 $0x80, s0;
	s13 =	spop (v2sf);
	[tilespmem:s16+$0x9290] =	vst v5  }
0x298: {  	v18 =	vld [tilespmem:s0+$0x800];
	(v2sf) =	vpush v16, $0x1;
	s2 =	spop (v2sf);
	[tilespmem:s16+$0x92A0] =	vst v6  }
0x299: {  	v33 =	vld [tilespmem:s12+$0x10];
	s31 =	spop (v2sf);
	[tilespmem:s16+$0x92B0] =	vst v7  }
0x29a: {  	s28 =	spop (v2sf);
	v20 =	vld [tilespmem:s10+$0x0]  }
0x29b: {  	(v2sf) =	vpush v16, $0x2;
	s25 =	spop (v2sf);
	v21 =	vld [tilespmem:s10+$0x10]  }
0x29c: {  	(v2sf) =	vpush v16, $0x3;
	v5 =	vld [tilespmem:s10+$0x20];
	s23 =	spop (v2sf)  }
0x29d: {  	(v2sf) =	vpush v16, $0x4;
	v6 =	vld [tilespmem:s10+$0x30];
	s5 =	spop (v2sf)  }
0x29e: {  	v34 =	vld [tilespmem:s12+$0x20];
	(v2sf) =	vpush v16, $0x5;
	s22 =	spop (v2sf)  }
0x29f: {  	(v2sf) =	vpush v16, $0x6;
	v22 =	vld [tilespmem:s22+$0x0];
	[tilespmem:s16+$0x9300] =	vst v20  }
0x2a0: {  	(v2sf) =	vpush v16, $0x7;
	v8 =	vld [tilespmem:s22+$0x10];
	[tilespmem:s16+$0x9310] =	vst v21  }
0x2a1: {  	(v2sf) =	vpush v16, $0x8;
	v23 =	vld [tilespmem:s22+$0x20];
	[tilespmem:s16+$0x9320] =	vst v5  }
0x2a2: {  	s20 =	sshll.u32 s20, $0x7;
	(v2sf) =	vpush v16, $0x9;
	v9 =	vld [tilespmem:s22+$0x30];
	[tilespmem:s16+$0x9330] =	vst v6  }
0x2a3: {  	s0 =	sand.u32 $0x3FFFF800, s20;
	(v2sf) =	vpush v16, $0xA;
	v6 =	vld [tilespmem:s7+$0x0]  }
0x2a4: {  	(v2sf) =	vpush v16, $0xB;
	v26 =	vld [tilespmem:s7+$0x10];
	[tilespmem:s0+$0x8A00] =	vst v22  }
0x2a5: {  	(v2sf) =	vpush v16, $0xC;
	v27 =	vld [tilespmem:s7+$0x20];
	[tilespmem:s0+$0x8A10] =	vst v8  }
0x2a6: {  	(v2sf) =	vpush v16, $0xD;
	v28 =	vld [tilespmem:s7+$0x30];
	[tilespmem:s0+$0x8A20] =	vst v23  }
0x2a7: {  	v35 =	vld [tilespmem:s12+$0x30];
	v19 =	vshll.u32 v18, $0x9;
	(v2sf) =	vpush v16, $0xE;
	s14 =	spop (v2sf);
	[tilespmem:s0+$0x8A30] =	vst v9  }
0x2a8: {  	v0 =	vshra.s32 v19, $0x2;
	(v2sf) =	vpush v16, $0xF;
	[tilespmem:s16+$0x9380] =	vst v6;
	v39 =	vld [tilespmem:s14+$0x0]  }
0x2a9: {  	(v2sf) =	vpush v0, $0x0;
	[tilespmem:s16+$0x9390] =	vst v26;
	v40 =	vld [tilespmem:s14+$0x10]  }
0x2aa: {  	s17 =	spop (v2sf);
	[tilespmem:s16+$0x93A0] =	vst v27;
	v41 =	vld [tilespmem:s14+$0x20]  }
0x2ab: {  	[dreg:$0x14] =	wrdreg s5;
	s5 =	spop (v2sf);
	[tilespmem:s16+$0x93B0] =	vst v28;
	v42 =	vld [tilespmem:s14+$0x30]  }
0x2ac: {  	s29 =	spop (v2sf);
	v3 =	vld [tilespmem:s6+$0x0]  }
0x2ad: {  	s9 =	spop (v2sf);
	v36 =	vld [tilespmem:s6+$0x10];
	[tilespmem:s16+$0x9A80] =	vst v39  }
0x2ae: {  	s10 =	spop (v2sf);
	v37 =	vld [tilespmem:s6+$0x20];
	[tilespmem:s16+$0x9A90] =	vst v40  }
0x2af: {  	s15 =	spop (v2sf);
	v38 =	vld [tilespmem:s6+$0x30];
	[tilespmem:s16+$0x9AA0] =	vst v41  }
0x2b0: {  	v5 =	vld [tilespmem:s12+$0x0];
	s1 =	spop (v2sf);
	[tilespmem:s16+$0x9AB0] =	vst v42  }
0x2b1: {  	s21 =	spop (v2sf);
	[tilespmem:s16+$0x9400] =	vst v3;
	v9 =	vld [tilespmem:s17+$0x0]  }
0x2b2: {  	s30 =	spop (v2sf);
	[tilespmem:s16+$0x9410] =	vst v36;
	v50 =	vld [tilespmem:s17+$0x10]  }
0x2b3: {  	s26 =	spop (v2sf);
	[tilespmem:s16+$0x9420] =	vst v37;
	v51 =	vld [tilespmem:s17+$0x20]  }
0x2b4: {  	s24 =	spop (v2sf);
	[tilespmem:s16+$0x9430] =	vst v38;
	v52 =	vld [tilespmem:s17+$0x30]  }
0x2b5: {  	[tilespmem:s16+$0x91A0] =	vst v34;
	s22 =	spop (v2sf);
	v4 =	vld [tilespmem:s4+$0x0]  }
0x2b6: {  	[tilespmem:s16+$0x91B0] =	vst v35;
	s20 =	spop (v2sf);
	v47 =	vld [tilespmem:s4+$0x10]  }
0x2b7: {  	[tilespmem:s16+$0x9180] =	vst v5;
	v48 =	vld [tilespmem:s4+$0x20];
	s18 =	spop (v2sf)  }
0x2b8: {  	v49 =	vld [tilespmem:s4+$0x30];
	s7 =	spop (v2sf);
	[tilespmem:s16+$0x9B00] =	vst v9  }
0x2b9: {  	v29 =	vld [tilespmem:s7+$0x0];
	[tilespmem:s16+$0x9B10] =	vst v50  }
0x2ba: {  	v30 =	vld [tilespmem:s7+$0x10];
	[tilespmem:s16+$0x9B20] =	vst v51  }
0x2bb: {  	v31 =	vld [tilespmem:s7+$0x20];
	[tilespmem:s16+$0x9B30] =	vst v52  }
0x2bc: {  	v32 =	vld [tilespmem:s7+$0x30];
	[tilespmem:s16+$0x9480] =	vst v4  }
0x2bd: {  	[tilespmem:s16+$0x9490] =	vst v47;
	v1 =	vld [tilespmem:s5+$0x0]  }
0x2be: {  	(v2sf) =	vpush v0, $0x1;
	s7 =	sshll.u32 s3, $0x7;
	[tilespmem:s16+$0x94A0] =	vst v48;
	v59 =	vld [tilespmem:s5+$0x10]  }
0x2bf: {  	s0 =	sand.u32 $0x3FFFF800, s7;
	[tilespmem:s16+$0x94B0] =	vst v49;
	v60 =	vld [tilespmem:s5+$0x20]  }
0x2c0: {  	v61 =	vld [tilespmem:s5+$0x30];
	[tilespmem:s0+$0x8A00] =	vst v29  }
0x2c1: {  	v7 =	vld [tilespmem:s19+$0x0];
	[tilespmem:s0+$0x8A10] =	vst v30  }
0x2c2: {  	v56 =	vld [tilespmem:s19+$0x10];
	[tilespmem:s16+$0x9B80] =	vst v1  }
0x2c3: {  	v57 =	vld [tilespmem:s19+$0x20];
	[tilespmem:s16+$0x9B90] =	vst v59  }
0x2c4: {  	v58 =	vld [tilespmem:s19+$0x30];
	[tilespmem:s16+$0x9BA0] =	vst v60  }
0x2c5: {  	[tilespmem:s16+$0x9BB0] =	vst v61  }
0x2c6: {  	[tilespmem:s16+$0x9500] =	vst v7;
	v6 =	vld [tilespmem:s29+$0x0]  }
0x2c7: {  	[tilespmem:s16+$0x9510] =	vst v56;
	v16 =	vld [tilespmem:s29+$0x10]  }
0x2c8: {  	[tilespmem:s16+$0x9520] =	vst v57;
	v17 =	vld [tilespmem:s29+$0x20]  }
0x2c9: {  	[tilespmem:s16+$0x9530] =	vst v58;
	v18 =	vld [tilespmem:s29+$0x30]  }
0x2ca: {  	(v2sf) =	vpush v0, $0x2;
	[tilespmem:s0+$0x8A20] =	vst v31;
	v2 =	vld [tilespmem:s8+$0x0]  }
0x2cb: {  	[tilespmem:s0+$0x8A30] =	vst v32;
	v13 =	vld [tilespmem:s8+$0x10]  }
0x2cc: {  	v14 =	vld [tilespmem:s8+$0x20];
	[tilespmem:s16+$0x9C00] =	vst v6  }
0x2cd: {  	v15 =	vld [tilespmem:s8+$0x30];
	s3 =	spop (v2sf);
	[tilespmem:s16+$0x9C10] =	vst v16  }
0x2ce: {  	v43 =	vld [tilespmem:s3+$0x0];
	[tilespmem:s16+$0x9C20] =	vst v17  }
0x2cf: {  	v44 =	vld [tilespmem:s3+$0x10];
	[tilespmem:s16+$0x9C30] =	vst v18  }
0x2d0: {  	v45 =	vld [tilespmem:s3+$0x20];
	[tilespmem:s16+$0x9580] =	vst v2  }
0x2d1: {  	v46 =	vld [tilespmem:s3+$0x30];
	[tilespmem:s16+$0x9590] =	vst v13  }
0x2d2: {  	[tilespmem:s16+$0x95A0] =	vst v14;
	v3 =	vld [tilespmem:s9+$0x0]  }
0x2d3: {  	[tilespmem:s16+$0x95B0] =	vst v15;
	v25 =	vld [tilespmem:s9+$0x10]  }
0x2d4: {  	(v2sf) =	vpush v0, $0x3;
	v26 =	vld [tilespmem:s9+$0x20];
	[tilespmem:s16+$0xA280] =	vst v43  }
0x2d5: {  	v27 =	vld [tilespmem:s9+$0x30];
	[tilespmem:s16+$0xA290] =	vst v44  }
0x2d6: {  	v5 =	vld [tilespmem:s11+$0x0];
	[tilespmem:s16+$0xA2A0] =	vst v45  }
0x2d7: {  	v22 =	vld [tilespmem:s11+$0x10];
	[tilespmem:s16+$0xA2B0] =	vst v46  }
0x2d8: {  	v23 =	vld [tilespmem:s11+$0x20];
	[tilespmem:s16+$0x9C80] =	vst v3  }
0x2d9: {  	s6 =	spop (v2sf);
	v24 =	vld [tilespmem:s11+$0x30];
	[tilespmem:s16+$0x9C90] =	vst v25  }
0x2da: {  	v53 =	vld [tilespmem:s6+$0x0];
	[tilespmem:s16+$0x9CA0] =	vst v26  }
0x2db: {  	v54 =	vld [tilespmem:s6+$0x10];
	[tilespmem:s16+$0x9CB0] =	vst v27  }
0x2dc: {  	v55 =	vld [tilespmem:s6+$0x20];
	[tilespmem:s16+$0x9600] =	vst v5  }
0x2dd: {  	v8 =	vld [tilespmem:s6+$0x30];
	[tilespmem:s16+$0x9610] =	vst v22  }
0x2de: {  	(v2sf) =	vpush v0, $0x4;
	[tilespmem:s16+$0x9620] =	vst v23;
	v4 =	vld [tilespmem:s10+$0x0]  }
0x2df: {  	[tilespmem:s16+$0x9630] =	vst v24;
	v34 =	vld [tilespmem:s10+$0x10]  }
0x2e0: {  	v35 =	vld [tilespmem:s10+$0x20];
	[tilespmem:s16+$0xA300] =	vst v53  }
0x2e1: {  	v36 =	vld [tilespmem:s10+$0x30];
	[tilespmem:s16+$0xA310] =	vst v54  }
0x2e2: {  	v31 =	vld [tilespmem:s13+$0x10];
	[tilespmem:s16+$0xA320] =	vst v55  }
0x2e3: {  	v32 =	vld [tilespmem:s13+$0x20];
	[tilespmem:s16+$0xA330] =	vst v8;
	s7 =	spop (v2sf)  }
0x2e4: {  	[tilespmem:s16+$0x9D00] =	vst v4;
	v62 =	vld [tilespmem:s7+$0x0]  }
0x2e5: {  	[tilespmem:s16+$0x9D10] =	vst v34;
	v8 =	vld [tilespmem:s7+$0x10]  }
0x2e6: {  	[tilespmem:s16+$0x9D20] =	vst v35;
	v63 =	vld [tilespmem:s7+$0x20]  }
0x2e7: {  	[tilespmem:s16+$0x9D30] =	vst v36;
	v12 =	vld [tilespmem:s7+$0x30]  }
0x2e8: {  	[tilespmem:s16+$0x9190] =	vst v33;
	v7 =	vld [tilespmem:s15+$0x0]  }
0x2e9: {  	v43 =	vld [tilespmem:s15+$0x10];
	[tilespmem:s16+$0xA380] =	vst v62  }
0x2ea: {  	v44 =	vld [tilespmem:s15+$0x20];
	[tilespmem:s16+$0xA390] =	vst v8  }
0x2eb: {  	v45 =	vld [tilespmem:s15+$0x30];
	[tilespmem:s16+$0xA3A0] =	vst v63  }
0x2ec: {  	v33 =	vld [tilespmem:s13+$0x30];
	[tilespmem:s16+$0xA3B0] =	vst v12  }
0x2ed: {  	s8 =	spop (v2sf);
	v8 =	vld [tilespmem:s13+$0x0];
	[tilespmem:s16+$0x9D80] =	vst v7  }
0x2ee: {  	(v2sf) =	vpush v0, $0x5;
	[tilespmem:s16+$0x9D90] =	vst v43;
	v19 =	vld [tilespmem:s8+$0x0]  }
0x2ef: {  	[tilespmem:s16+$0x9DA0] =	vst v44;
	v20 =	vld [tilespmem:s8+$0x10]  }
0x2f0: {  	[tilespmem:s16+$0x9DB0] =	vst v45;
	v21 =	vld [tilespmem:s8+$0x20]  }
0x2f1: {  	[tilespmem:s16+$0x9690] =	vst v31;
	v2 =	vld [tilespmem:s1+$0x0]  }
0x2f2: {  	[tilespmem:s16+$0x96A0] =	vst v32;
	v52 =	vld [tilespmem:s1+$0x10]  }
0x2f3: {  	[tilespmem:s16+$0x96B0] =	vst v33;
	v53 =	vld [tilespmem:s1+$0x20]  }
0x2f4: {  	v54 =	vld [tilespmem:s1+$0x30];
	[tilespmem:s16+$0x9680] =	vst v8  }
0x2f5: {  	v9 =	vld [tilespmem:s8+$0x30];
	[tilespmem:s16+$0xA400] =	vst v19  }
0x2f6: {  	v1 =	vld [tilespmem:s2+$0x0];
	[tilespmem:s16+$0x9E00] =	vst v2  }
0x2f7: {  	(v2sf) =	vpush v0, $0x6;
	v40 =	vld [tilespmem:s2+$0x10];
	[tilespmem:s16+$0x9E10] =	vst v52  }
0x2f8: {  	v41 =	vld [tilespmem:s2+$0x20];
	[tilespmem:s16+$0x9E20] =	vst v53  }
0x2f9: {  	v42 =	vld [tilespmem:s2+$0x30];
	[tilespmem:s16+$0x9E30] =	vst v54  }
0x2fa: {  	[tilespmem:s16+$0xA410] =	vst v20;
	v5 =	vld [tilespmem:s21+$0x0]  }
0x2fb: {  	[tilespmem:s16+$0xA420] =	vst v21;
	v61 =	vld [tilespmem:s21+$0x10]  }
0x2fc: {  	[tilespmem:s16+$0xA430] =	vst v9;
	v62 =	vld [tilespmem:s21+$0x20]  }
0x2fd: {  	v63 =	vld [tilespmem:s21+$0x30];
	s12 =	spop (v2sf);
	[tilespmem:s16+$0x9700] =	vst v1  }
0x2fe: {  	v28 =	vld [tilespmem:s12+$0x0];
	[tilespmem:s16+$0x9710] =	vst v40  }
0x2ff: {  	v29 =	vld [tilespmem:s12+$0x10];
	[tilespmem:s16+$0x9720] =	vst v41  }
0x300: {  	(v2sf) =	vpush v0, $0x7;
	v30 =	vld [tilespmem:s12+$0x20];
	[tilespmem:s16+$0x9730] =	vst v42  }
0x301: {  	v9 =	vld [tilespmem:s12+$0x30];
	[tilespmem:s16+$0x9E80] =	vst v5  }
0x302: {  	[tilespmem:s16+$0x9E90] =	vst v61  }
0x303: {  	v6 =	vld [tilespmem:s31+$0x0];
	[tilespmem:s16+$0xA480] =	vst v28  }
0x304: {  	v49 =	vld [tilespmem:s31+$0x10];
	[tilespmem:s16+$0xA490] =	vst v29  }
0x305: {  	v50 =	vld [tilespmem:s31+$0x20];
	[tilespmem:s16+$0xA4A0] =	vst v30  }
0x306: {  	s14 =	spop (v2sf);
	v51 =	vld [tilespmem:s31+$0x30];
	[tilespmem:s16+$0xA4B0] =	vst v9  }
0x307: {  	[tilespmem:s16+$0x9EA0] =	vst v62;
	v37 =	vld [tilespmem:s14+$0x0]  }
0x308: {  	[tilespmem:s16+$0x9EB0] =	vst v63;
	v38 =	vld [tilespmem:s14+$0x10]  }
0x309: {  	(v2sf) =	vpush v0, $0x8;
	v39 =	vld [tilespmem:s14+$0x20];
	[tilespmem:s16+$0x9780] =	vst v6  }
0x30a: {  	v9 =	vld [tilespmem:s14+$0x30];
	[tilespmem:s16+$0x9790] =	vst v49  }
0x30b: {  	[tilespmem:s16+$0x97A0] =	vst v50  }
0x30c: {  	v8 =	vld [tilespmem:s30+$0x0];
	[tilespmem:s16+$0xA500] =	vst v37  }
0x30d: {  	v18 =	vld [tilespmem:s30+$0x10];
	[tilespmem:s16+$0xA510] =	vst v38  }
0x30e: {  	v19 =	vld [tilespmem:s30+$0x20];
	[tilespmem:s16+$0xA520] =	vst v39  }
0x30f: {  	v20 =	vld [tilespmem:s30+$0x30];
	[tilespmem:s16+$0xA530] =	vst v9;
	s15 =	spop (v2sf)  }
0x310: {  	[tilespmem:s16+$0x97B0] =	vst v51;
	v46 =	vld [tilespmem:s15+$0x0]  }
0x311: {  	[tilespmem:s16+$0x9F00] =	vst v8;
	v47 =	vld [tilespmem:s15+$0x10]  }
0x312: {  	[tilespmem:s16+$0x9F10] =	vst v18;
	(v2sf) =	vpush v0, $0x9;
	v48 =	vld [tilespmem:s15+$0x20]  }
0x313: {  	[tilespmem:s16+$0x9F20] =	vst v19;
	v9 =	vld [tilespmem:s15+$0x30]  }
0x314: {  	v3 =	vld [tilespmem:s28+$0x0];
	[tilespmem:s16+$0x9F30] =	vst v20  }
0x315: {  	v58 =	vld [tilespmem:s28+$0x10];
	[tilespmem:s16+$0xA580] =	vst v46  }
0x316: {  	v59 =	vld [tilespmem:s28+$0x20];
	[tilespmem:s16+$0xA590] =	vst v47  }
0x317: {  	v60 =	vld [tilespmem:s28+$0x30];
	[tilespmem:s16+$0xA5A0] =	vst v48  }
0x318: {  	v1 =	vld [tilespmem:s26+$0x0];
	s17 =	spop (v2sf);
	[tilespmem:s16+$0xA5B0] =	vst v9  }
0x319: {  	v55 =	vld [tilespmem:s17+$0x0]  }
0x31a: {  	[tilespmem:s16+$0x9800] =	vst v3;
	v56 =	vld [tilespmem:s17+$0x10]  }
0x31b: {  	[tilespmem:s16+$0x9810] =	vst v58;
	(v2sf) =	vpush v0, $0xA;
	v57 =	vld [tilespmem:s17+$0x20]  }
0x31c: {  	[tilespmem:s16+$0x9820] =	vst v59;
	v9 =	vld [tilespmem:s17+$0x30]  }
0x31d: {  	v27 =	vld [tilespmem:s26+$0x10];
	[tilespmem:s16+$0x9830] =	vst v60  }
0x31e: {  	v28 =	vld [tilespmem:s26+$0x20];
	[tilespmem:s16+$0xA600] =	vst v55  }
0x31f: {  	v29 =	vld [tilespmem:s26+$0x30];
	[tilespmem:s16+$0xA610] =	vst v56  }
0x320: {  	v4 =	vld [tilespmem:s25+$0x0];
	[tilespmem:s16+$0xA620] =	vst v57  }
0x321: {  	v15 =	vld [tilespmem:s25+$0x10];
	[tilespmem:s16+$0xA630] =	vst v9;
	s19 =	spop (v2sf)  }
0x322: {  	v12 =	vld [tilespmem:s19+$0x0]  }
0x323: {  	[tilespmem:s16+$0x9F80] =	vst v1;
	v13 =	vld [tilespmem:s19+$0x10]  }
0x324: {  	[tilespmem:s16+$0x9F90] =	vst v27;
	(v2sf) =	vpush v0, $0xB;
	v14 =	vld [tilespmem:s19+$0x20]  }
0x325: {  	[tilespmem:s16+$0x9FA0] =	vst v28;
	v9 =	vld [tilespmem:s19+$0x30]  }
0x326: {  	v16 =	vld [tilespmem:s25+$0x20];
	[tilespmem:s16+$0x9FB0] =	vst v29  }
0x327: {  	v17 =	vld [tilespmem:s25+$0x30];
	[tilespmem:s16+$0xA680] =	vst v12  }
0x328: {  	v6 =	vld [tilespmem:s24+$0x0];
	[tilespmem:s16+$0xA690] =	vst v13  }
0x329: {  	v36 =	vld [tilespmem:s24+$0x10];
	[tilespmem:s16+$0xA6A0] =	vst v14  }
0x32a: {  	v37 =	vld [tilespmem:s24+$0x20];
	s21 =	spop (v2sf);
	[tilespmem:s16+$0xA6B0] =	vst v9  }
0x32b: {  	v21 =	vld [tilespmem:s21+$0x0]  }
0x32c: {  	[tilespmem:s16+$0x9880] =	vst v4;
	v22 =	vld [tilespmem:s21+$0x10]  }
0x32d: {  	[tilespmem:s16+$0x9890] =	vst v15;
	(v2sf) =	vpush v0, $0xC;
	v23 =	vld [tilespmem:s21+$0x20]  }
0x32e: {  	[tilespmem:s16+$0x98A0] =	vst v16;
	v9 =	vld [tilespmem:s21+$0x30]  }
0x32f: {  	v38 =	vld [tilespmem:s24+$0x30];
	[tilespmem:s16+$0x98B0] =	vst v17  }
0x330: {  	v7 =	vld [tilespmem:s23+$0x0];
	[tilespmem:s16+$0xA700] =	vst v21  }
0x331: {  	v24 =	vld [tilespmem:s23+$0x10];
	[tilespmem:s16+$0xA710] =	vst v22  }
0x332: {  	v25 =	vld [tilespmem:s23+$0x20];
	[tilespmem:s16+$0xA720] =	vst v23  }
0x333: {  	v26 =	vld [tilespmem:s23+$0x30];
	[tilespmem:s16+$0xA730] =	vst v9;
	s23 =	spop (v2sf)  }
0x334: {  	v30 =	vld [tilespmem:s23+$0x0]  }
0x335: {  	[tilespmem:s16+$0xA000] =	vst v6;
	v31 =	vld [tilespmem:s23+$0x10]  }
0x336: {  	[tilespmem:s16+$0xA010] =	vst v36;
	(v2sf) =	vpush v0, $0xD;
	v32 =	vld [tilespmem:s23+$0x20]  }
0x337: {  	[tilespmem:s16+$0xA020] =	vst v37;
	v9 =	vld [tilespmem:s23+$0x30]  }
0x338: {  	[tilespmem:s16+$0xA030] =	vst v38  }
0x339: {  	[tilespmem:s16+$0xA780] =	vst v30  }
0x33a: {  	v43 =	vld [tilespmem:s22+$0x0];
	[tilespmem:s16+$0xA790] =	vst v31  }
0x33b: {  	v44 =	vld [tilespmem:s22+$0x10];
	[tilespmem:s16+$0xA7A0] =	vst v32  }
0x33c: {  	v45 =	vld [tilespmem:s22+$0x20];
	s26 =	spop (v2sf);
	[tilespmem:s16+$0xA7B0] =	vst v9  }
0x33d: {  	[tilespmem:s16+$0x9900] =	vst v7;
	v39 =	vld [tilespmem:s26+$0x0]  }
0x33e: {  	[tilespmem:s16+$0x9910] =	vst v24;
	v40 =	vld [tilespmem:s26+$0x10]  }
0x33f: {  	[tilespmem:s16+$0x9920] =	vst v25;
	(v2sf) =	vpush v0, $0xE;
	v41 =	vld [tilespmem:s26+$0x20]  }
0x340: {  	[tilespmem:s16+$0x9930] =	vst v26;
	v42 =	vld [tilespmem:s26+$0x30]  }
0x341: {  	s25 =	rddreg [dreg:$0x14];
	v46 =	vld [tilespmem:s22+$0x30];
	[tilespmem:s16+$0xA080] =	vst v43  }
0x342: {  	v2 =	vld [tilespmem:s25+$0x0];
	[tilespmem:s16+$0xA800] =	vst v39  }
0x343: {  	v33 =	vld [tilespmem:s25+$0x10];
	[tilespmem:s16+$0xA810] =	vst v40  }
0x344: {  	v34 =	vld [tilespmem:s25+$0x20];
	[tilespmem:s16+$0xA820] =	vst v41  }
0x345: {  	v35 =	vld [tilespmem:s25+$0x30];
	[tilespmem:s16+$0xA830] =	vst v42;
	s28 =	spop (v2sf)  }
0x346: {  	[tilespmem:s16+$0xA090] =	vst v44;
	v47 =	vld [tilespmem:s28+$0x0]  }
0x347: {  	[tilespmem:s16+$0xA0A0] =	vst v45;
	v48 =	vld [tilespmem:s28+$0x10]  }
0x348: {  	[tilespmem:s16+$0xA0B0] =	vst v46;
	(v2sf) =	vpush v0, $0xF;
	v49 =	vld [tilespmem:s28+$0x20]  }
0x349: {  	[tilespmem:s16+$0x9980] =	vst v2;
	v50 =	vld [tilespmem:s28+$0x30]  }
0x34a: {  	[tilespmem:s16+$0x9990] =	vst v33  }
0x34b: {  	v51 =	vld [tilespmem:s20+$0x0];
	[tilespmem:s16+$0xA880] =	vst v47  }
0x34c: {  	v52 =	vld [tilespmem:s20+$0x10];
	[tilespmem:s16+$0xA890] =	vst v48  }
0x34d: {  	v53 =	vld [tilespmem:s20+$0x20];
	[tilespmem:s16+$0xA8A0] =	vst v49  }
0x34e: {  	v3 =	vld [tilespmem:s20+$0x30];
	s29 =	spop (v2sf);
	[tilespmem:s16+$0xA8B0] =	vst v50  }
0x34f: {  	[tilespmem:s16+$0x99A0] =	vst v34;
	v54 =	vld [tilespmem:s29+$0x0]  }
0x350: {  	[tilespmem:s16+$0xA100] =	vst v51;
	v55 =	vld [tilespmem:s29+$0x10]  }
0x351: {  	[tilespmem:s16+$0xA110] =	vst v52;
	v56 =	vld [tilespmem:s29+$0x20]  }
0x352: {  	[tilespmem:s16+$0xA120] =	vst v53;
	v57 =	vld [tilespmem:s29+$0x30]  }
0x353: {  	[tilespmem:s16+$0xA130] =	vst v3  }
0x354: {  	v3 =	vld [tilespmem:s18+$0x0];
	[tilespmem:s16+$0xA900] =	vst v54  }
0x355: {  	v58 =	vld [tilespmem:s18+$0x10];
	[tilespmem:s16+$0xA910] =	vst v55  }
0x356: {  	v59 =	vld [tilespmem:s18+$0x20];
	[tilespmem:s16+$0xA920] =	vst v56  }
0x357: {  	v60 =	vld [tilespmem:s18+$0x30];
	[tilespmem:s16+$0xA930] =	vst v57;
	s30 =	spop (v2sf)  }
0x358: {  	[tilespmem:s16+$0x99B0] =	vst v35;
	v4 =	vld [tilespmem:s30+$0x0]  }
0x359: {  	[tilespmem:s16+$0xA180] =	vst v3;
	v61 =	vld [tilespmem:s30+$0x10]  }
0x35a: {  	s31 =	rddreg [dreg:$0x12];
	[tilespmem:s16+$0xA190] =	vst v58;
	v62 =	vld [tilespmem:s30+$0x20]  }
0x35b: {  	p1 =	slt.u32 s31, $0xC;
	[tilespmem:s16+$0xA1A0] =	vst v59;
	v63 =	vld [tilespmem:s30+$0x30]  }
.Ltmp3:
0x35c: {  	[tilespmem:s16+$0xA1B0] =	vst v60;
	(pc) =	sbr.rel @p1 .LBB2_5-.Ltmp3, $4  }
0x35d: {  	[tilespmem:s16+$0xA980] =	vst v4  }
0x35e: {  	[tilespmem:s16+$0xA990] =	vst v61  }
0x35f: {  	[tilespmem:s16+$0xA9A0] =	vst v62  }
0x360: {  	s0 =	sadd.s32 $0x4, s31;
	[tilespmem:s16+$0xA9B0] =	vst v63  }
0x361: {  	s0 =	rddreg [dreg:$0x4]  }
0x362: {  	s1 =	rddreg [dreg:$0x10]  }
0x363: {  	s0 =	sadd.s32 s1, s0  }
0x364: {  	s4 =	simm.s32 $0x0;
	s2 =	simm.s32 $0x8A00;
	s1 =	sadd.s32 $0x1000, s0  }
0x365: {  	[hbm4b:s1+s4] =	stream.linear.scatter [tilespmem:s2], [sflag:$0x5], $0x1000, $0x38;
	[tilespmem:$0x10A00] =	vst v63  }
0x366: {  	s19 =	simm.s32 $0x9A00;
	s18 =	sadd.s32 $0x1200, s0  }
0x367: {  	[hbm4b:s18+s4] =	stream.linear.scatter [tilespmem:s19], [sflag:$0x5], $0x1000, $0x38;
	[tilespmem:$0x10A00] =	vst v63  }
0x368: {  	s21 =	simm.s32 $0xAA00;
	s20 =	sadd.s32 $0x1400, s0  }
0x369: {  	[hbm4b:s20+s4] =	stream.linear.scatter [tilespmem:s21], [sflag:$0x5], $0x1000, $0x38;
	[tilespmem:$0x10A00] =	vst v63  }
0x36a: {  	s23 =	simm.s32 $0xBA00;
	s22 =	sadd.s32 $0x1600, s0  }
0x36b: {  	[hbm4b:s22+s4] =	stream.linear.scatter [tilespmem:s23], [sflag:$0x5], $0x1000, $0x38;
	[tilespmem:$0x10A00] =	vst v63  }
0x36c: {  	s25 =	simm.s32 $0xCA00;
	s24 =	sadd.s32 $0x1800, s0  }
0x36d: {  	[hbm4b:s24+s4] =	stream.linear.scatter [tilespmem:s25], [sflag:$0x5], $0x1000, $0x38;
	[tilespmem:$0x10A00] =	vst v63  }
0x36e: {  	s28 =	simm.s32 $0xDA00;
	s26 =	sadd.s32 $0x1A00, s0  }
0x36f: {  	[hbm4b:s26+s4] =	stream.linear.scatter [tilespmem:s28], [sflag:$0x5], $0x1000, $0x38;
	[tilespmem:$0x10A00] =	vst v63  }
.Ltmp4:
0x370: {  	_ = 	snop;
	(pc) =	sbr.rel @p0 .LBB2_8-.Ltmp4, $4  }
0x371: {  	s30 =	simm.s32 $0xEA00;
	s29 =	sadd.s32 $0x1C00, s0  }
0x372: {  	[hbm4b:s29+s4] =	stream.linear.scatter [tilespmem:s30], [sflag:$0x5], $0x1000, $0x38;
	[tilespmem:$0x10A00] =	vst v63  }
0x373: {  	s31 =	simm.s32 $0xFA00;
	s0 =	sadd.s32 $0x1E00, s0  }
0x374: {  	[hbm4b:s0+s4] =	stream.linear.scatter [tilespmem:s31], [sflag:$0x5], $0x1000, $0x38;
	[tilespmem:$0x10A00] =	vst v63  }
0x375: {  	s0 =	rddreg [dreg:$0x9]  }
0x376: {  	s1 =	rddreg [dreg:$0xf]  }
0x377: {  	s0 =	sadd.s32 s1, s0  }
.Ltmp5:
0x378: {  	s28 =	rddreg [dreg:$0x3];
	s0 =	sshrl.u32 s0, $0x3;
	(pc) =	sbr.rel .LBB2_2-.Ltmp5, $4  }
0x379: {  	s29 =	simm.s32 $0x880;
	s31 =	rddreg [dreg:$0xe];
	s0 =	sadd.s32 s28, s0  }
0x37a: {  	[tilespmem:s29], [sflag:$0x3] =	stream.linear.gather [hbm4b:s0+s4], $0x80, $0x38;
	[tilespmem:$0x10A00] =	vst v63  }
0x37b: {  	s30 =	simm.s32 $0x980;
	s1 =	sadd.s32 $0x1, s31;
	s0 =	sadd.s32 $0x10, s0  }
0x37c: {  	[tilespmem:s30], [sflag:$0x3] =	stream.linear.gather [hbm4b:s0+s4], $0x80, $0x38;
	[tilespmem:$0x10A00] =	vst v63  }
.LBB2_9:
0x37d: {  	_ =	sfence.sel $0x180000  }
0x37e: {  	[bflag:$0x0] =	sbarrier.arrive $0xFFFF  }
0x37f: {  	_ =	strace $0x90000047  }
0x380: {  	s0 =	stileid.u32;
	[bflag:$0x2] =	sbarrier.arrive $0xFFFF  }
0x381: {  	p0 =	sne.s32 s0, $0x0;
	s0 =	rddreg [dreg:$0x2]  }
0x382: {  	s0 =	sadd.s32 @!p0 $0x100000, s0  }
0x383: {  	[sflag:s0] =	ssyncadd.tile.s32 @!p0 $0x1;
	_ =	shalt  }
.Lfunc_end2:
_tile_overlayer_lowered:
.L_overlay_start_2:
0x384: {  	(tag) =	ssettag $0x2  }
0x385: {  	s0 =	rddreg [dreg:$0x0];
	s2 =	stileid.u32  }
0x386: {  	s1 =	rddreg [dreg:$0x1];
	p0 =	sne.s32 s2, $0x0  }
0x387: {  	s3 =	rddreg [dreg:$0x2];
	[bflag:$0x3] =	sbarrier.arrive $0xFFFF;
	s2 =	simm.s32 @!p0 $0x1C06  }
0x388: {  	[timem:s3], [sflag:s2] =	dma.local @!p0 [hbm:s0], s1  }
0x389: {  	s0 =	simm.s32 @!p0 $0x6  }
0x38a: {  	_ =	swait.ge @!p0 [sflag:s0], s1  }
0x38b: {  	s1 =	ssub.s32 @!p0 $0x0, s1;
	[sflag:s0] =	ssyncset.done @!p0 $0x0  }
0x38c: {  	[sflag:s0] =	ssyncadd.s32 @!p0 s1  }
0x38d: {  	[bflag:$0x3] =	sbarrier.arrive $0xFFFF  }
0x38e: {  	_ =	shalt  }

</sc_bundles>
